<compile_context>
chip_gen: v7x
topology: tpu7x:2x2x1
jax: 0.10.2.dev20260603
libtpu: 0.0.44.dev20260713+nightly
codegen_flags: <defaults>
</compile_context>

<pallas_src>
import jax
import jax.numpy as jnp
from jax import lax
from jax.experimental import pallas as pl
from jax.experimental.pallas import tpu as pltpu
from jax.experimental.pallas import tpu_sc as plsc

C = 6
N = 100000
H = 64
B = 16384
L = 16

NC, NS = 2, 16
NW = NC * NS
BW = B // NW
K = 128
NCH = BW // K
NJ = NCH * C
NG = K // L


def _sc_body(ub, ib, pf, qf, cvec, dpad, r_out, p_out,
             uix_v, iix_v, ubv, ibv, pb0, qb0, pb1, qb1, cv_v, dv_v,
             racc, pacc, semp0, semq0, semp1, semq1):
    wid = lax.axis_index("s") * NC + lax.axis_index("c")
    base = wid * BW

    pltpu.sync_copy(ub.at[pl.ds(base, BW)], ubv)
    pltpu.sync_copy(ib.at[pl.ds(base, BW)], ibv)
    pltpu.sync_copy(cvec, cv_v)
    pltpu.sync_copy(dpad, dv_v)

    zeros = jnp.zeros((L,), jnp.float32)
    for t in range(NCH):
        for g in range(NG):
            off = t * K + g * L
            uvec = ubv[pl.ds(off, L)]
            ivec = ibv[pl.ds(off, L)]
            for comp in range(C):
                j = t * C + comp
                uix_v[j, pl.ds(g * L, L)] = uvec + comp * N
                iix_v[j, pl.ds(g * L, L)] = ivec + comp * N
            racc[pl.ds(off, L)] = zeros
            pacc[pl.ds(off, L)] = zeros

    def fire(j, pb, qb, semp, semq):
        pltpu.async_copy(pf.at[uix_v.at[j]], pb, semp)
        pltpu.async_copy(qf.at[iix_v.at[j]], qb, semq)

    def wait(pb, qb, semp, semq):
        pltpu.make_async_copy(pf.at[uix_v.at[0]], pb, semp).wait()
        pltpu.make_async_copy(qf.at[iix_v.at[0]], qb, semq).wait()

    iota = lax.iota(jnp.int32, L)
    rowvs = [g * L + iota for g in range(NG)]

    def compute(j, pb, qb):
        t = j // C
        comp = lax.rem(j, C)
        cbase = comp * H
        dval = plsc.load_gather(dv_v, [jnp.full((L,), 0, jnp.int32) + comp])

        def h_body(h, accs):
            colv = jnp.full((L,), 0, jnp.int32) + h
            cv3 = plsc.load_gather(cv_v, [colv + cbase])
            out = []
            for g in range(NG):
                pv = plsc.load_gather(pb, [rowvs[g], colv])
                qv = plsc.load_gather(qb, [rowvs[g], colv])
                out.append(accs[2 * g] + pv * qv)
                out.append(accs[2 * g + 1] + qv * cv3)
            return tuple(out)

        accs = lax.fori_loop(0, H, h_body, (zeros,) * (2 * NG))
        for g in range(NG):
            off = t * K + g * L
            racc[pl.ds(off, L)] = racc[pl.ds(off, L)] + accs[2 * g]
            sig = 1.0 / (1.0 + jnp.exp(-(accs[2 * g + 1] + dval)))
            pacc[pl.ds(off, L)] = pacc[pl.ds(off, L)] + sig

    fire(0, pb0, qb0, semp0, semq0)

    def jj_body(jj, carry):
        j0 = 2 * jj
        j1 = j0 + 1
        fire(j1, pb1, qb1, semp1, semq1)
        wait(pb0, qb0, semp0, semq0)
        compute(j0, pb0, qb0)

        @pl.when(j1 + 1 < NJ)
        def _():
            fire(j1 + 1, pb0, qb0, semp0, semq0)

        wait(pb1, qb1, semp1, semq1)
        compute(j1, pb1, qb1)
        return carry

    lax.fori_loop(0, NJ // 2, jj_body, 0)

    inv_c = jnp.float32(1.0 / C)
    for z in range(BW // L):
        racc[pl.ds(z * L, L)] = racc[pl.ds(z * L, L)] * inv_c
        pacc[pl.ds(z * L, L)] = pacc[pl.ds(z * L, L)] * inv_c
    pltpu.sync_copy(racc, r_out.at[pl.ds(base, BW)])
    pltpu.sync_copy(pacc, p_out.at[pl.ds(base, BW)])


@jax.jit
def _sc_call(ub, ib, pf, qf, cvec, dpad):
    mesh = plsc.VectorSubcoreMesh(core_axis_name="c", subcore_axis_name="s")
    f = pl.kernel(
        _sc_body,
        out_type=[
            jax.ShapeDtypeStruct((B,), jnp.float32),
            jax.ShapeDtypeStruct((B,), jnp.float32),
        ],
        mesh=mesh,
        compiler_params=pltpu.CompilerParams(
            needs_layout_passes=False, use_tc_tiling_on_sc=False
        ),
        scratch_types=[
            pltpu.VMEM((NJ, K), jnp.int32),
            pltpu.VMEM((NJ, K), jnp.int32),
            pltpu.VMEM((BW,), jnp.int32),
            pltpu.VMEM((BW,), jnp.int32),
            pltpu.VMEM((K, H), jnp.float32),
            pltpu.VMEM((K, H), jnp.float32),
            pltpu.VMEM((K, H), jnp.float32),
            pltpu.VMEM((K, H), jnp.float32),
            pltpu.VMEM((C * H,), jnp.float32),
            pltpu.VMEM((L,), jnp.float32),
            pltpu.VMEM((BW,), jnp.float32),
            pltpu.VMEM((BW,), jnp.float32),
            pltpu.SemaphoreType.DMA,
            pltpu.SemaphoreType.DMA,
            pltpu.SemaphoreType.DMA,
            pltpu.SemaphoreType.DMA,
        ],
    )
    return f(ub, ib, pf, qf, cvec, dpad)


def kernel(u_batch, i_batch, P, Q, c, d):
    pf = P.reshape(C * N, H)
    qf = Q.reshape(C * N, H)
    cvec = c.reshape(C * H)
    dpad = jnp.concatenate([d.reshape(C), jnp.zeros((L - C,), jnp.float32)])
    r, p = _sc_call(u_batch, i_batch, pf, qf, cvec, dpad)
    return (r.reshape(B, 1), p.reshape(B, 1))

# --- scband reference (transcript-rebuilt; emitter-appended) ---
"""Pipeline reference for scband-cjbpr-22995254903289 (READ-ONLY COPY).

The authoritative reference and input builder live on the scoring server;
editing this copy changes nothing except your own understanding.
"""

import jax, jax.numpy as jnp
import numpy as np

C = 6
NUM_USERS = 100000
NUM_ITEMS = 100000
HIDDEN = 64
BATCH = 16384


def setup_inputs(seed: int = 0) -> dict:
    key = jax.random.key(seed)
    k1, k2, k3, k4, k5, k6 = jax.random.split(key, 6)
    u_batch = jax.random.randint(k1, (BATCH,), 0, NUM_USERS, dtype=jnp.int32)
    i_batch = jax.random.randint(k2, (BATCH,), 0, NUM_ITEMS, dtype=jnp.int32)
    # Learned parameters, one set per ensemble component (stacked on axis 0)
    P = jax.random.normal(k3, (C, NUM_USERS, HIDDEN), dtype=jnp.float32) * 0.03
    Q = jax.random.normal(k4, (C, NUM_ITEMS, HIDDEN), dtype=jnp.float32) * 0.03
    c = jax.random.normal(k5, (C, HIDDEN, 1), dtype=jnp.float32) * 0.03
    d = jax.random.normal(k6, (C, 1, 1), dtype=jnp.float32) * 0.03
    return {"u_batch": u_batch, "i_batch": i_batch, "P": P, "Q": Q, "c": c, "d": d}


def reference(u_batch, i_batch, P, Q, c, d):
    # Per-component embedding lookups (tf.nn.embedding_lookup -> jnp.take)
    p = jnp.take(P, u_batch, axis=1)  # [C, B, H]
    q = jnp.take(Q, i_batch, axis=1)  # [C, B, H]
    # Relevance prediction: dot product of user/item embeddings per component
    r = jnp.sum(p * q, axis=-1)  # [C, B]
    # Popularity/exposure prediction head: sigmoid(q @ c + d) per component
    pop_logit = jnp.einsum('cbh,cho->cbo', q, c) + d  # [C, B, 1]
    pop = jax.nn.sigmoid(pop_logit)[..., 0]  # [C, B]
    # Ensemble average over C components (matches r_pred / self.C in call)
    r_pred = jnp.sum(r, axis=0) / C
    p_pred = jnp.sum(pop, axis=0) / C
    return (r_pred.reshape(-1, 1), p_pred.reshape(-1, 1))

if __name__ == "__main__":
    import jax
    _d = setup_inputs()
    print(jax.jit(kernel)(*tuple(_d.values())))

</pallas_src>

<mosaic_0001>
#map = affine_map<(d0, d1) -> (0)>
#map1 = affine_map<(d0, d1) -> (0, 0)>
module attributes {stable_mosaic.version = 14 : i64} {
  func.func @_sc_body(%arg0: i32, %arg1: i32, %arg2: memref<16384xi32, #tpu.memory_space<hbm>>, %arg3: memref<16384xi32, #tpu.memory_space<hbm>>, %arg4: memref<600000x64xf32, #tpu.memory_space<hbm>>, %arg5: memref<600000x64xf32, #tpu.memory_space<hbm>>, %arg6: memref<384xf32, #tpu.memory_space<hbm>>, %arg7: memref<16xf32, #tpu.memory_space<hbm>>, %arg8: memref<16384xf32, #tpu.memory_space<hbm>>, %arg9: memref<16384xf32, #tpu.memory_space<hbm>>, %arg10: memref<24x128xi32, #tpu.memory_space<vmem>>, %arg11: memref<24x128xi32, #tpu.memory_space<vmem>>, %arg12: memref<512xi32, #tpu.memory_space<vmem>>, %arg13: memref<512xi32, #tpu.memory_space<vmem>>, %arg14: memref<128x64xf32, #tpu.memory_space<vmem>>, %arg15: memref<128x64xf32, #tpu.memory_space<vmem>>, %arg16: memref<128x64xf32, #tpu.memory_space<vmem>>, %arg17: memref<128x64xf32, #tpu.memory_space<vmem>>, %arg18: memref<384xf32, #tpu.memory_space<vmem>>, %arg19: memref<16xf32, #tpu.memory_space<vmem>>, %arg20: memref<512xf32, #tpu.memory_space<vmem>>, %arg21: memref<512xf32, #tpu.memory_space<vmem>>, %arg22: memref<!tpu.dma_semaphore, #tpu.memory_space<semaphore_mem>>, %arg23: memref<!tpu.dma_semaphore, #tpu.memory_space<semaphore_mem>>, %arg24: memref<!tpu.dma_semaphore, #tpu.memory_space<semaphore_mem>>, %arg25: memref<!tpu.dma_semaphore, #tpu.memory_space<semaphore_mem>>) attributes {dimension_semantics = [#tpu.dimension_semantics<core_parallel>, #tpu.dimension_semantics<subcore_parallel>], iteration_bounds = array<i64: 2, 16>, scalar_prefetch = 0 : i64, scratch_operands = 16 : i64, tpu.core_type = #tpu.core_type<sc_vector_subcore>, window_params = [{transform_indices = #map}, {transform_indices = #map}, {transform_indices = #map1}, {transform_indices = #map1}, {transform_indices = #map}, {transform_indices = #map}, {transform_indices = #map}, {transform_indices = #map}]} {
    %mul3A = arith.constant 2 : i32
    %mul3A_0 = arith.muli %arg1, %mul3A : i32
    %add3A = arith.addi %mul3A_0, %arg0 : i32
    %mul3A_1 = arith.constant 512 : i32
    %mul3A_2 = arith.muli %add3A, %mul3A_1 : i32
    "tpu.region"() ({
      %run_scoped3A = tpu.sem_alloc : memref<!tpu.dma_semaphore, #tpu.memory_space<semaphore_mem>>
      %dma_start3A_3436 = tpu.memref_slice %arg2[%mul3A_2] : memref<16384xi32, #tpu.memory_space<hbm>> -> memref<512xi32, #tpu.memory_space<hbm>>
      %dma_start3A_3437 = tpu.memref_slice %arg2[%mul3A_2] : memref<16384xi32, #tpu.memory_space<hbm>> -> memref<512xi32, #tpu.memory_space<hbm>>
      tpu.enqueue_dma source(%dma_start3A_3437 : memref<512xi32, #tpu.memory_space<hbm>>) target(%arg12 : memref<512xi32, #tpu.memory_space<vmem>>) target_semaphore(%run_scoped3A : memref<!tpu.dma_semaphore, #tpu.memory_space<semaphore_mem>>)
      %dma_wait3A = tpu.memref_slice %arg2[%mul3A_2] : memref<16384xi32, #tpu.memory_space<hbm>> -> memref<512xi32, #tpu.memory_space<hbm>>
      %dma_wait3A_3438 = tpu.memref_slice %arg2[%mul3A_2] : memref<16384xi32, #tpu.memory_space<hbm>> -> memref<512xi32, #tpu.memory_space<hbm>>
      tpu.wait_dma2 semaphore(%run_scoped3A : memref<!tpu.dma_semaphore, #tpu.memory_space<semaphore_mem>>) src(%dma_wait3A_3438 : memref<512xi32, #tpu.memory_space<hbm>>) dst(%arg12 : memref<512xi32, #tpu.memory_space<vmem>>)
      tpu.yield
    }) : () -> ()
    "tpu.region"() ({
      %run_scoped3A = tpu.sem_alloc : memref<!tpu.dma_semaphore, #tpu.memory_space<semaphore_mem>>
      %dma_start3A_3436 = tpu.memref_slice %arg3[%mul3A_2] : memref<16384xi32, #tpu.memory_space<hbm>> -> memref<512xi32, #tpu.memory_space<hbm>>
      %dma_start3A_3437 = tpu.memref_slice %arg3[%mul3A_2] : memref<16384xi32, #tpu.memory_space<hbm>> -> memref<512xi32, #tpu.memory_space<hbm>>
      tpu.enqueue_dma source(%dma_start3A_3437 : memref<512xi32, #tpu.memory_space<hbm>>) target(%arg13 : memref<512xi32, #tpu.memory_space<vmem>>) target_semaphore(%run_scoped3A : memref<!tpu.dma_semaphore, #tpu.memory_space<semaphore_mem>>)
      %dma_wait3A = tpu.memref_slice %arg3[%mul3A_2] : memref<16384xi32, #tpu.memory_space<hbm>> -> memref<512xi32, #tpu.memory_space<hbm>>
      %dma_wait3A_3438 = tpu.memref_slice %arg3[%mul3A_2] : memref<16384xi32, #tpu.memory_space<hbm>> -> memref<512xi32, #tpu.memory_space<hbm>>
      tpu.wait_dma2 semaphore(%run_scoped3A : memref<!tpu.dma_semaphore, #tpu.memory_space<semaphore_mem>>) src(%dma_wait3A_3438 : memref<512xi32, #tpu.memory_space<hbm>>) dst(%arg13 : memref<512xi32, #tpu.memory_space<vmem>>)
      tpu.yield
    }) : () -> ()
    "tpu.region"() ({
      %run_scoped3A = tpu.sem_alloc : memref<!tpu.dma_semaphore, #tpu.memory_space<semaphore_mem>>
      tpu.enqueue_dma source(%arg6 : memref<384xf32, #tpu.memory_space<hbm>>) target(%arg18 : memref<384xf32, #tpu.memory_space<vmem>>) target_semaphore(%run_scoped3A : memref<!tpu.dma_semaphore, #tpu.memory_space<semaphore_mem>>)
      tpu.wait_dma2 semaphore(%run_scoped3A : memref<!tpu.dma_semaphore, #tpu.memory_space<semaphore_mem>>) src(%arg6 : memref<384xf32, #tpu.memory_space<hbm>>) dst(%arg18 : memref<384xf32, #tpu.memory_space<vmem>>)
      tpu.yield
    }) : () -> ()
    "tpu.region"() ({
      %run_scoped3A = tpu.sem_alloc : memref<!tpu.dma_semaphore, #tpu.memory_space<semaphore_mem>>
      tpu.enqueue_dma source(%arg7 : memref<16xf32, #tpu.memory_space<hbm>>) target(%arg19 : memref<16xf32, #tpu.memory_space<vmem>>) target_semaphore(%run_scoped3A : memref<!tpu.dma_semaphore, #tpu.memory_space<semaphore_mem>>)
      tpu.wait_dma2 semaphore(%run_scoped3A : memref<!tpu.dma_semaphore, #tpu.memory_space<semaphore_mem>>) src(%arg7 : memref<16xf32, #tpu.memory_space<hbm>>) dst(%arg19 : memref<16xf32, #tpu.memory_space<vmem>>)
      tpu.yield
    }) : () -> ()
    %broadcast_in_dim3A = arith.constant 0.000000e+00 : f32
    %broadcast_in_dim3A_3 = vector.broadcast %broadcast_in_dim3A : f32 to vector<16xf32>
    %get3A = arith.constant 0 : index
    %get3A_4 = tpu.vector_load %arg12[%get3A] {strides = array<i32>} : memref<512xi32, #tpu.memory_space<vmem>>, vector<16xi32>,
    %get3A_5 = arith.constant 0 : index
    %get3A_6 = tpu.vector_load %arg13[%get3A_5] {strides = array<i32>} : memref<512xi32, #tpu.memory_space<vmem>>, vector<16xi32>,
    %add3A_7 = arith.constant 0 : i32
    %add3A_8 = vector.broadcast %add3A_7 : i32 to vector<16xi32>
    %add3A_9 = arith.addi %get3A_4, %add3A_8 : vector<16xi32>
    %swap3A = arith.constant 0 : i32
    %swap3A_10 = arith.index_cast %swap3A : i32 to index
    %swap3A_11 = arith.constant 0 : index
    %swap3A_12 = tpu.vector_load %arg10[%swap3A_10, %swap3A_11] {strides = array<i32>} : memref<24x128xi32, #tpu.memory_space<vmem>>, vector<16xi32>,
    tpu.vector_store %arg10[%swap3A_10, %swap3A_11], %add3A_9 {strides = array<i32>} : memref<24x128xi32, #tpu.memory_space<vmem>>, vector<16xi32>,
    %add3A_13 = arith.constant 0 : i32
    %add3A_14 = vector.broadcast %add3A_13 : i32 to vector<16xi32>
    %add3A_15 = arith.addi %get3A_6, %add3A_14 : vector<16xi32>
    %swap3A_16 = arith.constant 0 : i32
    %swap3A_17 = arith.index_cast %swap3A_16 : i32 to index
    %swap3A_18 = arith.constant 0 : index
    %swap3A_19 = tpu.vector_load %arg11[%swap3A_17, %swap3A_18] {strides = array<i32>} : memref<24x128xi32, #tpu.memory_space<vmem>>, vector<16xi32>,
    tpu.vector_store %arg11[%swap3A_17, %swap3A_18], %add3A_15 {strides = array<i32>} : memref<24x128xi32, #tpu.memory_space<vmem>>, vector<16xi32>,
    %add3A_20 = arith.constant 100000 : i32
    %add3A_21 = vector.broadcast %add3A_20 : i32 to vector<16xi32>
    %add3A_22 = arith.addi %get3A_4, %add3A_21 : vector<16xi32>
    %swap3A_23 = arith.constant 1 : i32
    %swap3A_24 = arith.index_cast %swap3A_23 : i32 to index
    %swap3A_25 = arith.constant 0 : index
    %swap3A_26 = tpu.vector_load %arg10[%swap3A_24, %swap3A_25] {strides = array<i32>} : memref<24x128xi32, #tpu.memory_space<vmem>>, vector<16xi32>,
    tpu.vector_store %arg10[%swap3A_24, %swap3A_25], %add3A_22 {strides = array<i32>} : memref<24x128xi32, #tpu.memory_space<vmem>>, vector<16xi32>,
    %add3A_27 = arith.constant 100000 : i32
    %add3A_28 = vector.broadcast %add3A_27 : i32 to vector<16xi32>
    %add3A_29 = arith.addi %get3A_6, %add3A_28 : vector<16xi32>
    %swap3A_30 = arith.constant 1 : i32
    %swap3A_31 = arith.index_cast %swap3A_30 : i32 to index
    %swap3A_32 = arith.constant 0 : index
    %swap3A_33 = tpu.vector_load %arg11[%swap3A_31, %swap3A_32] {strides = array<i32>} : memref<24x128xi32, #tpu.memory_space<vmem>>, vector<16xi32>,
    tpu.vector_store %arg11[%swap3A_31, %swap3A_32], %add3A_29 {strides = array<i32>} : memref<24x128xi32, #tpu.memory_space<vmem>>, vector<16xi32>,
    %add3A_34 = arith.constant 200000 : i32
    %add3A_35 = vector.broadcast %add3A_34 : i32 to vector<16xi32>
    %add3A_36 = arith.addi %get3A_4, %add3A_35 : vector<16xi32>
    %swap3A_37 = arith.constant 2 : i32
    %swap3A_38 = arith.index_cast %swap3A_37 : i32 to index
    %swap3A_39 = arith.constant 0 : index
    %swap3A_40 = tpu.vector_load %arg10[%swap3A_38, %swap3A_39] {strides = array<i32>} : memref<24x128xi32, #tpu.memory_space<vmem>>, vector<16xi32>,
    tpu.vector_store %arg10[%swap3A_38, %swap3A_39], %add3A_36 {strides = array<i32>} : memref<24x128xi32, #tpu.memory_space<vmem>>, vector<16xi32>,
    %add3A_41 = arith.constant 200000 : i32
    %add3A_42 = vector.broadcast %add3A_41 : i32 to vector<16xi32>
    %add3A_43 = arith.addi %get3A_6, %add3A_42 : vector<16xi32>
    %swap3A_44 = arith.constant 2 : i32
    %swap3A_45 = arith.index_cast %swap3A_44 : i32 to index
    %swap3A_46 = arith.constant 0 : index
    %swap3A_47 = tpu.vector_load %arg11[%swap3A_45, %swap3A_46] {strides = array<i32>} : memref<24x128xi32, #tpu.memory_space<vmem>>, vector<16xi32>,
    tpu.vector_store %arg11[%swap3A_45, %swap3A_46], %add3A_43 {strides = array<i32>} : memref<24x128xi32, #tpu.memory_space<vmem>>, vector<16xi32>,
    %add3A_48 = arith.constant 300000 : i32
    %add3A_49 = vector.broadcast %add3A_48 : i32 to vector<16xi32>
    %add3A_50 = arith.addi %get3A_4, %add3A_49 : vector<16xi32>
    %swap3A_51 = arith.constant 3 : i32
    %swap3A_52 = arith.index_cast %swap3A_51 : i32 to index
    %swap3A_53 = arith.constant 0 : index
    %swap3A_54 = tpu.vector_load %arg10[%swap3A_52, %swap3A_53] {strides = array<i32>} : memref<24x128xi32, #tpu.memory_space<vmem>>, vector<16xi32>,
    tpu.vector_store %arg10[%swap3A_52, %swap3A_53], %add3A_50 {strides = array<i32>} : memref<24x128xi32, #tpu.memory_space<vmem>>, vector<16xi32>,
    %add3A_55 = arith.constant 300000 : i32
    %add3A_56 = vector.broadcast %add3A_55 : i32 to vector<16xi32>
    %add3A_57 = arith.addi %get3A_6, %add3A_56 : vector<16xi32>
    %swap3A_58 = arith.constant 3 : i32
    %swap3A_59 = arith.index_cast %swap3A_58 : i32 to index
    %swap3A_60 = arith.constant 0 : index
    %swap3A_61 = tpu.vector_load %arg11[%swap3A_59, %swap3A_60] {strides = array<i32>} : memref<24x128xi32, #tpu.memory_space<vmem>>, vector<16xi32>,
    tpu.vector_store %arg11[%swap3A_59, %swap3A_60], %add3A_57 {strides = array<i32>} : memref<24x128xi32, #tpu.memory_space<vmem>>, vector<16xi32>,
    %add3A_62 = arith.constant 400000 : i32
    %add3A_63 = vector.broadcast %add3A_62 : i32 to vector<16xi32>
    %add3A_64 = arith.addi %get3A_4, %add3A_63 : vector<16xi32>
    %swap3A_65 = arith.constant 4 : i32
    %swap3A_66 = arith.index_cast %swap3A_65 : i32 to index
    %swap3A_67 = arith.constant 0 : index
    %swap3A_68 = tpu.vector_load %arg10[%swap3A_66, %swap3A_67] {strides = array<i32>} : memref<24x128xi32, #tpu.memory_space<vmem>>, vector<16xi32>,
    tpu.vector_store %arg10[%swap3A_66, %swap3A_67], %add3A_64 {strides = array<i32>} : memref<24x128xi32, #tpu.memory_space<vmem>>, vector<16xi32>,
    %add3A_69 = arith.constant 400000 : i32
    %add3A_70 = vector.broadcast %add3A_69 : i32 to vector<16xi32>
    %add3A_71 = arith.addi %get3A_6, %add3A_70 : vector<16xi32>
    %swap3A_72 = arith.constant 4 : i32
    %swap3A_73 = arith.index_cast %swap3A_72 : i32 to index
    %swap3A_74 = arith.constant 0 : index
    %swap3A_75 = tpu.vector_load %arg11[%swap3A_73, %swap3A_74] {strides = array<i32>} : memref<24x128xi32, #tpu.memory_space<vmem>>, vector<16xi32>,
    tpu.vector_store %arg11[%swap3A_73, %swap3A_74], %add3A_71 {strides = array<i32>} : memref<24x128xi32, #tpu.memory_space<vmem>>, vector<16xi32>,
    %add3A_76 = arith.constant 500000 : i32
    %add3A_77 = vector.broadcast %add3A_76 : i32 to vector<16xi32>
    %add3A_78 = arith.addi %get3A_4, %add3A_77 : vector<16xi32>
    %swap3A_79 = arith.constant 5 : i32
    %swap3A_80 = arith.index_cast %swap3A_79 : i32 to index
    %swap3A_81 = arith.constant 0 : index
    %swap3A_82 = tpu.vector_load %arg10[%swap3A_80, %swap3A_81] {strides = array<i32>} : memref<24x128xi32, #tpu.memory_space<vmem>>, vector<16xi32>,
    tpu.vector_store %arg10[%swap3A_80, %swap3A_81], %add3A_78 {strides = array<i32>} : memref<24x128xi32, #tpu.memory_space<vmem>>, vector<16xi32>,
    %add3A_83 = arith.constant 500000 : i32
    %add3A_84 = vector.broadcast %add3A_83 : i32 to vector<16xi32>
    %add3A_85 = arith.addi %get3A_6, %add3A_84 : vector<16xi32>
    %swap3A_86 = arith.constant 5 : i32
    %swap3A_87 = arith.index_cast %swap3A_86 : i32 to index
    %swap3A_88 = arith.constant 0 : index
    %swap3A_89 = tpu.vector_load %arg11[%swap3A_87, %swap3A_88] {strides = array<i32>} : memref<24x128xi32, #tpu.memory_space<vmem>>, vector<16xi32>,
    tpu.vector_store %arg11[%swap3A_87, %swap3A_88], %add3A_85 {strides = array<i32>} : memref<24x128xi32, #tpu.memory_space<vmem>>, vector<16xi32>,
    %swap3A_90 = arith.constant 0 : index
    %swap3A_91 = tpu.vector_load %arg20[%swap3A_90] {strides = array<i32>} : memref<512xf32, #tpu.memory_space<vmem>>, vector<16xf32>,
    tpu.vector_store %arg20[%swap3A_90], %broadcast_in_dim3A_3 {strides = array<i32>} : memref<512xf32, #tpu.memory_space<vmem>>, vector<16xf32>,
    %swap3A_92 = arith.constant 0 : index
    %swap3A_93 = tpu.vector_load %arg21[%swap3A_92] {strides = array<i32>} : memref<512xf32, #tpu.memory_space<vmem>>, vector<16xf32>,
    tpu.vector_store %arg21[%swap3A_92], %broadcast_in_dim3A_3 {strides = array<i32>} : memref<512xf32, #tpu.memory_space<vmem>>, vector<16xf32>,
    %get3A_94 = arith.constant 16 : index
    %get3A_95 = tpu.vector_load %arg12[%get3A_94] {strides = array<i32>} : memref<512xi32, #tpu.memory_space<vmem>>, vector<16xi32>,
    %get3A_96 = arith.constant 16 : index
    %get3A_97 = tpu.vector_load %arg13[%get3A_96] {strides = array<i32>} : memref<512xi32, #tpu.memory_space<vmem>>, vector<16xi32>,
    %add3A_98 = arith.constant 0 : i32
    %add3A_99 = vector.broadcast %add3A_98 : i32 to vector<16xi32>
    %add3A_100 = arith.addi %get3A_95, %add3A_99 : vector<16xi32>
    %swap3A_101 = arith.constant 0 : i32
    %swap3A_102 = arith.index_cast %swap3A_101 : i32 to index
    %swap3A_103 = arith.constant 16 : index
    %swap3A_104 = tpu.vector_load %arg10[%swap3A_102, %swap3A_103] {strides = array<i32>} : memref<24x128xi32, #tpu.memory_space<vmem>>, vector<16xi32>,
    tpu.vector_store %arg10[%swap3A_102, %swap3A_103], %add3A_100 {strides = array<i32>} : memref<24x128xi32, #tpu.memory_space<vmem>>, vector<16xi32>,
    %add3A_105 = arith.constant 0 : i32
    %add3A_106 = vector.broadcast %add3A_105 : i32 to vector<16xi32>
    %add3A_107 = arith.addi %get3A_97, %add3A_106 : vector<16xi32>
    %swap3A_108 = arith.constant 0 : i32
    %swap3A_109 = arith.index_cast %swap3A_108 : i32 to index
    %swap3A_110 = arith.constant 16 : index
    %swap3A_111 = tpu.vector_load %arg11[%swap3A_109, %swap3A_110] {strides = array<i32>} : memref<24x128xi32, #tpu.memory_space<vmem>>, vector<16xi32>,
    tpu.vector_store %arg11[%swap3A_109, %swap3A_110], %add3A_107 {strides = array<i32>} : memref<24x128xi32, #tpu.memory_space<vmem>>, vector<16xi32>,
    %add3A_112 = arith.constant 100000 : i32
    %add3A_113 = vector.broadcast %add3A_112 : i32 to vector<16xi32>
    %add3A_114 = arith.addi %get3A_95, %add3A_113 : vector<16xi32>
    %swap3A_115 = arith.constant 1 : i32
    %swap3A_116 = arith.index_cast %swap3A_115 : i32 to index
    %swap3A_117 = arith.constant 16 : index
    %swap3A_118 = tpu.vector_load %arg10[%swap3A_116, %swap3A_117] {strides = array<i32>} : memref<24x128xi32, #tpu.memory_space<vmem>>, vector<16xi32>,
    tpu.vector_store %arg10[%swap3A_116, %swap3A_117], %add3A_114 {strides = array<i32>} : memref<24x128xi32, #tpu.memory_space<vmem>>, vector<16xi32>,
    %add3A_119 = arith.constant 100000 : i32
    %add3A_120 = vector.broadcast %add3A_119 : i32 to vector<16xi32>
    %add3A_121 = arith.addi %get3A_97, %add3A_120 : vector<16xi32>
    %swap3A_122 = arith.constant 1 : i32
    %swap3A_123 = arith.index_cast %swap3A_122 : i32 to index
    %swap3A_124 = arith.constant 16 : index
    %swap3A_125 = tpu.vector_load %arg11[%swap3A_123, %swap3A_124] {strides = array<i32>} : memref<24x128xi32, #tpu.memory_space<vmem>>, vector<16xi32>,
    tpu.vector_store %arg11[%swap3A_123, %swap3A_124], %add3A_121 {strides = array<i32>} : memref<24x128xi32, #tpu.memory_space<vmem>>, vector<16xi32>,
    %add3A_126 = arith.constant 200000 : i32
    %add3A_127 = vector.broadcast %add3A_126 : i32 to vector<16xi32>
    %add3A_128 = arith.addi %get3A_95, %add3A_127 : vector<16xi32>
    %swap3A_129 = arith.constant 2 : i32
    %swap3A_130 = arith.index_cast %swap3A_129 : i32 to index
    %swap3A_131 = arith.constant 16 : index
    %swap3A_132 = tpu.vector_load %arg10[%swap3A_130, %swap3A_131] {strides = array<i32>} : memref<24x128xi32, #tpu.memory_space<vmem>>, vector<16xi32>,
    tpu.vector_store %arg10[%swap3A_130, %swap3A_131], %add3A_128 {strides = array<i32>} : memref<24x128xi32, #tpu.memory_space<vmem>>, vector<16xi32>,
    %add3A_133 = arith.constant 200000 : i32
    %add3A_134 = vector.broadcast %add3A_133 : i32 to vector<16xi32>
    %add3A_135 = arith.addi %get3A_97, %add3A_134 : vector<16xi32>
    %swap3A_136 = arith.constant 2 : i32
    %swap3A_137 = arith.index_cast %swap3A_136 : i32 to index
    %swap3A_138 = arith.constant 16 : index
    %swap3A_139 = tpu.vector_load %arg11[%swap3A_137, %swap3A_138] {strides = array<i32>} : memref<24x128xi32, #tpu.memory_space<vmem>>, vector<16xi32>,
    tpu.vector_store %arg11[%swap3A_137, %swap3A_138], %add3A_135 {strides = array<i32>} : memref<24x128xi32, #tpu.memory_space<vmem>>, vector<16xi32>,
    %add3A_140 = arith.constant 300000 : i32
    %add3A_141 = vector.broadcast %add3A_140 : i32 to vector<16xi32>
    %add3A_142 = arith.addi %get3A_95, %add3A_141 : vector<16xi32>
    %swap3A_143 = arith.constant 3 : i32
    %swap3A_144 = arith.index_cast %swap3A_143 : i32 to index
    %swap3A_145 = arith.constant 16 : index
    %swap3A_146 = tpu.vector_load %arg10[%swap3A_144, %swap3A_145] {strides = array<i32>} : memref<24x128xi32, #tpu.memory_space<vmem>>, vector<16xi32>,
    tpu.vector_store %arg10[%swap3A_144, %swap3A_145], %add3A_142 {strides = array<i32>} : memref<24x128xi32, #tpu.memory_space<vmem>>, vector<16xi32>,
    %add3A_147 = arith.constant 300000 : i32
    %add3A_148 = vector.broadcast %add3A_147 : i32 to vector<16xi32>
    %add3A_149 = arith.addi %get3A_97, %add3A_148 : vector<16xi32>
    %swap3A_150 = arith.constant 3 : i32
    %swap3A_151 = arith.index_cast %swap3A_150 : i32 to index
    %swap3A_152 = arith.constant 16 : index
    %swap3A_153 = tpu.vector_load %arg11[%swap3A_151, %swap3A_152] {strides = array<i32>} : memref<24x128xi32, #tpu.memory_space<vmem>>, vector<16xi32>,
    tpu.vector_store %arg11[%swap3A_151, %swap3A_152], %add3A_149 {strides = array<i32>} : memref<24x128xi32, #tpu.memory_space<vmem>>, vector<16xi32>,
    %add3A_154 = arith.constant 400000 : i32
    %add3A_155 = vector.broadcast %add3A_154 : i32 to vector<16xi32>
    %add3A_156 = arith.addi %get3A_95, %add3A_155 : vector<16xi32>
    %swap3A_157 = arith.constant 4 : i32
    %swap3A_158 = arith.index_cast %swap3A_157 : i32 to index
    %swap3A_159 = arith.constant 16 : index
    %swap3A_160 = tpu.vector_load %arg10[%swap3A_158, %swap3A_159] {strides = array<i32>} : memref<24x128xi32, #tpu.memory_space<vmem>>, vector<16xi32>,
    tpu.vector_store %arg10[%swap3A_158, %swap3A_159], %add3A_156 {strides = array<i32>} : memref<24x128xi32, #tpu.memory_space<vmem>>, vector<16xi32>,
    %add3A_161 = arith.constant 400000 : i32
    %add3A_162 = vector.broadcast %add3A_161 : i32 to vector<16xi32>
    %add3A_163 = arith.addi %get3A_97, %add3A_162 : vector<16xi32>
    %swap3A_164 = arith.constant 4 : i32
    %swap3A_165 = arith.index_cast %swap3A_164 : i32 to index
    %swap3A_166 = arith.constant 16 : index
    %swap3A_167 = tpu.vector_load %arg11[%swap3A_165, %swap3A_166] {strides = array<i32>} : memref<24x128xi32, #tpu.memory_space<vmem>>, vector<16xi32>,
    tpu.vector_store %arg11[%swap3A_165, %swap3A_166], %add3A_163 {strides = array<i32>} : memref<24x128xi32, #tpu.memory_space<vmem>>, vector<16xi32>,
    %add3A_168 = arith.constant 500000 : i32
    %add3A_169 = vector.broadcast %add3A_168 : i32 to vector<16xi32>
    %add3A_170 = arith.addi %get3A_95, %add3A_169 : vector<16xi32>
    %swap3A_171 = arith.constant 5 : i32
    %swap3A_172 = arith.index_cast %swap3A_171 : i32 to index
    %swap3A_173 = arith.constant 16 : index
    %swap3A_174 = tpu.vector_load %arg10[%swap3A_172, %swap3A_173] {strides = array<i32>} : memref<24x128xi32, #tpu.memory_space<vmem>>, vector<16xi32>,
    tpu.vector_store %arg10[%swap3A_172, %swap3A_173], %add3A_170 {strides = array<i32>} : memref<24x128xi32, #tpu.memory_space<vmem>>, vector<16xi32>,
    %add3A_175 = arith.constant 500000 : i32
    %add3A_176 = vector.broadcast %add3A_175 : i32 to vector<16xi32>
    %add3A_177 = arith.addi %get3A_97, %add3A_176 : vector<16xi32>
    %swap3A_178 = arith.constant 5 : i32
    %swap3A_179 = arith.index_cast %swap3A_178 : i32 to index
    %swap3A_180 = arith.constant 16 : index
    %swap3A_181 = tpu.vector_load %arg11[%swap3A_179, %swap3A_180] {strides = array<i32>} : memref<24x128xi32, #tpu.memory_space<vmem>>, vector<16xi32>,
    tpu.vector_store %arg11[%swap3A_179, %swap3A_180], %add3A_177 {strides = array<i32>} : memref<24x128xi32, #tpu.memory_space<vmem>>, vector<16xi32>,
    %swap3A_182 = arith.constant 16 : index
    %swap3A_183 = tpu.vector_load %arg20[%swap3A_182] {strides = array<i32>} : memref<512xf32, #tpu.memory_space<vmem>>, vector<16xf32>,
    tpu.vector_store %arg20[%swap3A_182], %broadcast_in_dim3A_3 {strides = array<i32>} : memref<512xf32, #tpu.memory_space<vmem>>, vector<16xf32>,
    %swap3A_184 = arith.constant 16 : index
    %swap3A_185 = tpu.vector_load %arg21[%swap3A_184] {strides = array<i32>} : memref<512xf32, #tpu.memory_space<vmem>>, vector<16xf32>,
    tpu.vector_store %arg21[%swap3A_184], %broadcast_in_dim3A_3 {strides = array<i32>} : memref<512xf32, #tpu.memory_space<vmem>>, vector<16xf32>,
    %get3A_186 = arith.constant 32 : index
    %get3A_187 = tpu.vector_load %arg12[%get3A_186] {strides = array<i32>} : memref<512xi32, #tpu.memory_space<vmem>>, vector<16xi32>,
    %get3A_188 = arith.constant 32 : index
    %get3A_189 = tpu.vector_load %arg13[%get3A_188] {strides = array<i32>} : memref<512xi32, #tpu.memory_space<vmem>>, vector<16xi32>,
    %add3A_190 = arith.constant 0 : i32
    %add3A_191 = vector.broadcast %add3A_190 : i32 to vector<16xi32>
    %add3A_192 = arith.addi %get3A_187, %add3A_191 : vector<16xi32>
    %swap3A_193 = arith.constant 0 : i32
    %swap3A_194 = arith.index_cast %swap3A_193 : i32 to index
    %swap3A_195 = arith.constant 32 : index
    %swap3A_196 = tpu.vector_load %arg10[%swap3A_194, %swap3A_195] {strides = array<i32>} : memref<24x128xi32, #tpu.memory_space<vmem>>, vector<16xi32>,
    tpu.vector_store %arg10[%swap3A_194, %swap3A_195], %add3A_192 {strides = array<i32>} : memref<24x128xi32, #tpu.memory_space<vmem>>, vector<16xi32>,
    %add3A_197 = arith.constant 0 : i32
    %add3A_198 = vector.broadcast %add3A_197 : i32 to vector<16xi32>
    %add3A_199 = arith.addi %get3A_189, %add3A_198 : vector<16xi32>
    %swap3A_200 = arith.constant 0 : i32
    %swap3A_201 = arith.index_cast %swap3A_200 : i32 to index
    %swap3A_202 = arith.constant 32 : index
    %swap3A_203 = tpu.vector_load %arg11[%swap3A_201, %swap3A_202] {strides = array<i32>} : memref<24x128xi32, #tpu.memory_space<vmem>>, vector<16xi32>,
    tpu.vector_store %arg11[%swap3A_201, %swap3A_202], %add3A_199 {strides = array<i32>} : memref<24x128xi32, #tpu.memory_space<vmem>>, vector<16xi32>,
    %add3A_204 = arith.constant 100000 : i32
    %add3A_205 = vector.broadcast %add3A_204 : i32 to vector<16xi32>
    %add3A_206 = arith.addi %get3A_187, %add3A_205 : vector<16xi32>
    %swap3A_207 = arith.constant 1 : i32
    %swap3A_208 = arith.index_cast %swap3A_207 : i32 to index
    %swap3A_209 = arith.constant 32 : index
    %swap3A_210 = tpu.vector_load %arg10[%swap3A_208, %swap3A_209] {strides = array<i32>} : memref<24x128xi32, #tpu.memory_space<vmem>>, vector<16xi32>,
    tpu.vector_store %arg10[%swap3A_208, %swap3A_209], %add3A_206 {strides = array<i32>} : memref<24x128xi32, #tpu.memory_space<vmem>>, vector<16xi32>,
    %add3A_211 = arith.constant 100000 : i32
    %add3A_212 = vector.broadcast %add3A_211 : i32 to vector<16xi32>
    %add3A_213 = arith.addi %get3A_189, %add3A_212 : vector<16xi32>
    %swap3A_214 = arith.constant 1 : i32
    %swap3A_215 = arith.index_cast %swap3A_214 : i32 to index
    %swap3A_216 = arith.constant 32 : index
    %swap3A_217 = tpu.vector_load %arg11[%swap3A_215, %swap3A_216] {strides = array<i32>} : memref<24x128xi32, #tpu.memory_space<vmem>>, vector<16xi32>,
    tpu.vector_store %arg11[%swap3A_215, %swap3A_216], %add3A_213 {strides = array<i32>} : memref<24x128xi32, #tpu.memory_space<vmem>>, vector<16xi32>,
    %add3A_218 = arith.constant 200000 : i32
    %add3A_219 = vector.broadcast %add3A_218 : i32 to vector<16xi32>
    %add3A_220 = arith.addi %get3A_187, %add3A_219 : vector<16xi32>
    %swap3A_221 = arith.constant 2 : i32
    %swap3A_222 = arith.index_cast %swap3A_221 : i32 to index
    %swap3A_223 = arith.constant 32 : index
    %swap3A_224 = tpu.vector_load %arg10[%swap3A_222, %swap3A_223] {strides = array<i32>} : memref<24x128xi32, #tpu.memory_space<vmem>>, vector<16xi32>,
    tpu.vector_store %arg10[%swap3A_222, %swap3A_223], %add3A_220 {strides = array<i32>} : memref<24x128xi32, #tpu.memory_space<vmem>>, vector<16xi32>,
    %add3A_225 = arith.constant 200000 : i32
    %add3A_226 = vector.broadcast %add3A_225 : i32 to vector<16xi32>
    %add3A_227 = arith.addi %get3A_189, %add3A_226 : vector<16xi32>
    %swap3A_228 = arith.constant 2 : i32
    %swap3A_229 = arith.index_cast %swap3A_228 : i32 to index
    %swap3A_230 = arith.constant 32 : index
    %swap3A_231 = tpu.vector_load %arg11[%swap3A_229, %swap3A_230] {strides = array<i32>} : memref<24x128xi32, #tpu.memory_space<vmem>>, vector<16xi32>,
    tpu.vector_store %arg11[%swap3A_229, %swap3A_230], %add3A_227 {strides = array<i32>} : memref<24x128xi32, #tpu.memory_space<vmem>>, vector<16xi32>,
    %add3A_232 = arith.constant 300000 : i32
    %add3A_233 = vector.broadcast %add3A_232 : i32 to vector<16xi32>
    %add3A_234 = arith.addi %get3A_187, %add3A_233 : vector<16xi32>
    %swap3A_235 = arith.constant 3 : i32
    %swap3A_236 = arith.index_cast %swap3A_235 : i32 to index
    %swap3A_237 = arith.constant 32 : index
    %swap3A_238 = tpu.vector_load %arg10[%swap3A_236, %swap3A_237] {strides = array<i32>} : memref<24x128xi32, #tpu.memory_space<vmem>>, vector<16xi32>,
    tpu.vector_store %arg10[%swap3A_236, %swap3A_237], %add3A_234 {strides = array<i32>} : memref<24x128xi32, #tpu.memory_space<vmem>>, vector<16xi32>,
    %add3A_239 = arith.constant 300000 : i32
    %add3A_240 = vector.broadcast %add3A_239 : i32 to vector<16xi32>
    %add3A_241 = arith.addi %get3A_189, %add3A_240 : vector<16xi32>
    %swap3A_242 = arith.constant 3 : i32
    %swap3A_243 = arith.index_cast %swap3A_242 : i32 to index
    %swap3A_244 = arith.constant 32 : index
    %swap3A_245 = tpu.vector_load %arg11[%swap3A_243, %swap3A_244] {strides = array<i32>} : memref<24x128xi32, #tpu.memory_space<vmem>>, vector<16xi32>,
    tpu.vector_store %arg11[%swap3A_243, %swap3A_244], %add3A_241 {strides = array<i32>} : memref<24x128xi32, #tpu.memory_space<vmem>>, vector<16xi32>,
    %add3A_246 = arith.constant 400000 : i32
    %add3A_247 = vector.broadcast %add3A_246 : i32 to vector<16xi32>
    %add3A_248 = arith.addi %get3A_187, %add3A_247 : vector<16xi32>
    %swap3A_249 = arith.constant 4 : i32
    %swap3A_250 = arith.index_cast %swap3A_249 : i32 to index
    %swap3A_251 = arith.constant 32 : index
    %swap3A_252 = tpu.vector_load %arg10[%swap3A_250, %swap3A_251] {strides = array<i32>} : memref<24x128xi32, #tpu.memory_space<vmem>>, vector<16xi32>,
    tpu.vector_store %arg10[%swap3A_250, %swap3A_251], %add3A_248 {strides = array<i32>} : memref<24x128xi32, #tpu.memory_space<vmem>>, vector<16xi32>,
    %add3A_253 = arith.constant 400000 : i32
    %add3A_254 = vector.broadcast %add3A_253 : i32 to vector<16xi32>
    %add3A_255 = arith.addi %get3A_189, %add3A_254 : vector<16xi32>
    %swap3A_256 = arith.constant 4 : i32
    %swap3A_257 = arith.index_cast %swap3A_256 : i32 to index
    %swap3A_258 = arith.constant 32 : index
    %swap3A_259 = tpu.vector_load %arg11[%swap3A_257, %swap3A_258] {strides = array<i32>} : memref<24x128xi32, #tpu.memory_space<vmem>>, vector<16xi32>,
    tpu.vector_store %arg11[%swap3A_257, %swap3A_258], %add3A_255 {strides = array<i32>} : memref<24x128xi32, #tpu.memory_space<vmem>>, vector<16xi32>,
    %add3A_260 = arith.constant 500000 : i32
    %add3A_261 = vector.broadcast %add3A_260 : i32 to vector<16xi32>
    %add3A_262 = arith.addi %get3A_187, %add3A_261 : vector<16xi32>
    %swap3A_263 = arith.constant 5 : i32
    %swap3A_264 = arith.index_cast %swap3A_263 : i32 to index
    %swap3A_265 = arith.constant 32 : index
    %swap3A_266 = tpu.vector_load %arg10[%swap3A_264, %swap3A_265] {strides = array<i32>} : memref<24x128xi32, #tpu.memory_space<vmem>>, vector<16xi32>,
    tpu.vector_store %arg10[%swap3A_264, %swap3A_265], %add3A_262 {strides = array<i32>} : memref<24x128xi32, #tpu.memory_space<vmem>>, vector<16xi32>,
    %add3A_267 = arith.constant 500000 : i32
    %add3A_268 = vector.broadcast %add3A_267 : i32 to vector<16xi32>
    %add3A_269 = arith.addi %get3A_189, %add3A_268 : vector<16xi32>
    %swap3A_270 = arith.constant 5 : i32
    %swap3A_271 = arith.index_cast %swap3A_270 : i32 to index
    %swap3A_272 = arith.constant 32 : index
    %swap3A_273 = tpu.vector_load %arg11[%swap3A_271, %swap3A_272] {strides = array<i32>} : memref<24x128xi32, #tpu.memory_space<vmem>>, vector<16xi32>,
    tpu.vector_store %arg11[%swap3A_271, %swap3A_272], %add3A_269 {strides = array<i32>} : memref<24x128xi32, #tpu.memory_space<vmem>>, vector<16xi32>,
    %swap3A_274 = arith.constant 32 : index
    %swap3A_275 = tpu.vector_load %arg20[%swap3A_274] {strides = array<i32>} : memref<512xf32, #tpu.memory_space<vmem>>, vector<16xf32>,
    tpu.vector_store %arg20[%swap3A_274], %broadcast_in_dim3A_3 {strides = array<i32>} : memref<512xf32, #tpu.memory_space<vmem>>, vector<16xf32>,
    %swap3A_276 = arith.constant 32 : index
    %swap3A_277 = tpu.vector_load %arg21[%swap3A_276] {strides = array<i32>} : memref<512xf32, #tpu.memory_space<vmem>>, vector<16xf32>,
    tpu.vector_store %arg21[%swap3A_276], %broadcast_in_dim3A_3 {strides = array<i32>} : memref<512xf32, #tpu.memory_space<vmem>>, vector<16xf32>,
    %get3A_278 = arith.constant 48 : index
    %get3A_279 = tpu.vector_load %arg12[%get3A_278] {strides = array<i32>} : memref<512xi32, #tpu.memory_space<vmem>>, vector<16xi32>,
    %get3A_280 = arith.constant 48 : index
    %get3A_281 = tpu.vector_load %arg13[%get3A_280] {strides = array<i32>} : memref<512xi32, #tpu.memory_space<vmem>>, vector<16xi32>,
    %add3A_282 = arith.constant 0 : i32
    %add3A_283 = vector.broadcast %add3A_282 : i32 to vector<16xi32>
    %add3A_284 = arith.addi %get3A_279, %add3A_283 : vector<16xi32>
    %swap3A_285 = arith.constant 0 : i32
    %swap3A_286 = arith.index_cast %swap3A_285 : i32 to index
    %swap3A_287 = arith.constant 48 : index
    %swap3A_288 = tpu.vector_load %arg10[%swap3A_286, %swap3A_287] {strides = array<i32>} : memref<24x128xi32, #tpu.memory_space<vmem>>, vector<16xi32>,
    tpu.vector_store %arg10[%swap3A_286, %swap3A_287], %add3A_284 {strides = array<i32>} : memref<24x128xi32, #tpu.memory_space<vmem>>, vector<16xi32>,
    %add3A_289 = arith.constant 0 : i32
    %add3A_290 = vector.broadcast %add3A_289 : i32 to vector<16xi32>
    %add3A_291 = arith.addi %get3A_281, %add3A_290 : vector<16xi32>
    %swap3A_292 = arith.constant 0 : i32
    %swap3A_293 = arith.index_cast %swap3A_292 : i32 to index
    %swap3A_294 = arith.constant 48 : index
    %swap3A_295 = tpu.vector_load %arg11[%swap3A_293, %swap3A_294] {strides = array<i32>} : memref<24x128xi32, #tpu.memory_space<vmem>>, vector<16xi32>,
    tpu.vector_store %arg11[%swap3A_293, %swap3A_294], %add3A_291 {strides = array<i32>} : memref<24x128xi32, #tpu.memory_space<vmem>>, vector<16xi32>,
    %add3A_296 = arith.constant 100000 : i32
    %add3A_297 = vector.broadcast %add3A_296 : i32 to vector<16xi32>
    %add3A_298 = arith.addi %get3A_279, %add3A_297 : vector<16xi32>
    %swap3A_299 = arith.constant 1 : i32
    %swap3A_300 = arith.index_cast %swap3A_299 : i32 to index
    %swap3A_301 = arith.constant 48 : index
    %swap3A_302 = tpu.vector_load %arg10[%swap3A_300, %swap3A_301] {strides = array<i32>} : memref<24x128xi32, #tpu.memory_space<vmem>>, vector<16xi32>,
    tpu.vector_store %arg10[%swap3A_300, %swap3A_301], %add3A_298 {strides = array<i32>} : memref<24x128xi32, #tpu.memory_space<vmem>>, vector<16xi32>,
    %add3A_303 = arith.constant 100000 : i32
    %add3A_304 = vector.broadcast %add3A_303 : i32 to vector<16xi32>
    %add3A_305 = arith.addi %get3A_281, %add3A_304 : vector<16xi32>
    %swap3A_306 = arith.constant 1 : i32
    %swap3A_307 = arith.index_cast %swap3A_306 : i32 to index
    %swap3A_308 = arith.constant 48 : index
    %swap3A_309 = tpu.vector_load %arg11[%swap3A_307, %swap3A_308] {strides = array<i32>} : memref<24x128xi32, #tpu.memory_space<vmem>>, vector<16xi32>,
    tpu.vector_store %arg11[%swap3A_307, %swap3A_308], %add3A_305 {strides = array<i32>} : memref<24x128xi32, #tpu.memory_space<vmem>>, vector<16xi32>,
    %add3A_310 = arith.constant 200000 : i32
    %add3A_311 = vector.broadcast %add3A_310 : i32 to vector<16xi32>
    %add3A_312 = arith.addi %get3A_279, %add3A_311 : vector<16xi32>
    %swap3A_313 = arith.constant 2 : i32
    %swap3A_314 = arith.index_cast %swap3A_313 : i32 to index
    %swap3A_315 = arith.constant 48 : index
    %swap3A_316 = tpu.vector_load %arg10[%swap3A_314, %swap3A_315] {strides = array<i32>} : memref<24x128xi32, #tpu.memory_space<vmem>>, vector<16xi32>,
    tpu.vector_store %arg10[%swap3A_314, %swap3A_315], %add3A_312 {strides = array<i32>} : memref<24x128xi32, #tpu.memory_space<vmem>>, vector<16xi32>,
    %add3A_317 = arith.constant 200000 : i32
    %add3A_318 = vector.broadcast %add3A_317 : i32 to vector<16xi32>
    %add3A_319 = arith.addi %get3A_281, %add3A_318 : vector<16xi32>
    %swap3A_320 = arith.constant 2 : i32
    %swap3A_321 = arith.index_cast %swap3A_320 : i32 to index
    %swap3A_322 = arith.constant 48 : index
    %swap3A_323 = tpu.vector_load %arg11[%swap3A_321, %swap3A_322] {strides = array<i32>} : memref<24x128xi32, #tpu.memory_space<vmem>>, vector<16xi32>,
    tpu.vector_store %arg11[%swap3A_321, %swap3A_322], %add3A_319 {strides = array<i32>} : memref<24x128xi32, #tpu.memory_space<vmem>>, vector<16xi32>,
    %add3A_324 = arith.constant 300000 : i32
    %add3A_325 = vector.broadcast %add3A_324 : i32 to vector<16xi32>
    %add3A_326 = arith.addi %get3A_279, %add3A_325 : vector<16xi32>
    %swap3A_327 = arith.constant 3 : i32
    %swap3A_328 = arith.index_cast %swap3A_327 : i32 to index
    %swap3A_329 = arith.constant 48 : index
    %swap3A_330 = tpu.vector_load %arg10[%swap3A_328, %swap3A_329] {strides = array<i32>} : memref<24x128xi32, #tpu.memory_space<vmem>>, vector<16xi32>,
    tpu.vector_store %arg10[%swap3A_328, %swap3A_329], %add3A_326 {strides = array<i32>} : memref<24x128xi32, #tpu.memory_space<vmem>>, vector<16xi32>,
    %add3A_331 = arith.constant 300000 : i32
    %add3A_332 = vector.broadcast %add3A_331 : i32 to vector<16xi32>
    %add3A_333 = arith.addi %get3A_281, %add3A_332 : vector<16xi32>
    %swap3A_334 = arith.constant 3 : i32
    %swap3A_335 = arith.index_cast %swap3A_334 : i32 to index
    %swap3A_336 = arith.constant 48 : index
    %swap3A_337 = tpu.vector_load %arg11[%swap3A_335, %swap3A_336] {strides = array<i32>} : memref<24x128xi32, #tpu.memory_space<vmem>>, vector<16xi32>,
    tpu.vector_store %arg11[%swap3A_335, %swap3A_336], %add3A_333 {strides = array<i32>} : memref<24x128xi32, #tpu.memory_space<vmem>>, vector<16xi32>,
    %add3A_338 = arith.constant 400000 : i32
    %add3A_339 = vector.broadcast %add3A_338 : i32 to vector<16xi32>
    %add3A_340 = arith.addi %get3A_279, %add3A_339 : vector<16xi32>
    %swap3A_341 = arith.constant 4 : i32
    %swap3A_342 = arith.index_cast %swap3A_341 : i32 to index
    %swap3A_343 = arith.constant 48 : index
    %swap3A_344 = tpu.vector_load %arg10[%swap3A_342, %swap3A_343] {strides = array<i32>} : memref<24x128xi32, #tpu.memory_space<vmem>>, vector<16xi32>,
    tpu.vector_store %arg10[%swap3A_342, %swap3A_343], %add3A_340 {strides = array<i32>} : memref<24x128xi32, #tpu.memory_space<vmem>>, vector<16xi32>,
    %add3A_345 = arith.constant 400000 : i32
    %add3A_346 = vector.broadcast %add3A_345 : i32 to vector<16xi32>
    %add3A_347 = arith.addi %get3A_281, %add3A_346 : vector<16xi32>
    %swap3A_348 = arith.constant 4 : i32
    %swap3A_349 = arith.index_cast %swap3A_348 : i32 to index
    %swap3A_350 = arith.constant 48 : index
    %swap3A_351 = tpu.vector_load %arg11[%swap3A_349, %swap3A_350] {strides = array<i32>} : memref<24x128xi32, #tpu.memory_space<vmem>>, vector<16xi32>,
    tpu.vector_store %arg11[%swap3A_349, %swap3A_350], %add3A_347 {strides = array<i32>} : memref<24x128xi32, #tpu.memory_space<vmem>>, vector<16xi32>,
    %add3A_352 = arith.constant 500000 : i32
    %add3A_353 = vector.broadcast %add3A_352 : i32 to vector<16xi32>
    %add3A_354 = arith.addi %get3A_279, %add3A_353 : vector<16xi32>
    %swap3A_355 = arith.constant 5 : i32
    %swap3A_356 = arith.index_cast %swap3A_355 : i32 to index
    %swap3A_357 = arith.constant 48 : index
    %swap3A_358 = tpu.vector_load %arg10[%swap3A_356, %swap3A_357] {strides = array<i32>} : memref<24x128xi32, #tpu.memory_space<vmem>>, vector<16xi32>,
    tpu.vector_store %arg10[%swap3A_356, %swap3A_357], %add3A_354 {strides = array<i32>} : memref<24x128xi32, #tpu.memory_space<vmem>>, vector<16xi32>,
    %add3A_359 = arith.constant 500000 : i32
    %add3A_360 = vector.broadcast %add3A_359 : i32 to vector<16xi32>
    %add3A_361 = arith.addi %get3A_281, %add3A_360 : vector<16xi32>
    %swap3A_362 = arith.constant 5 : i32
    %swap3A_363 = arith.index_cast %swap3A_362 : i32 to index
    %swap3A_364 = arith.constant 48 : index
    %swap3A_365 = tpu.vector_load %arg11[%swap3A_363, %swap3A_364] {strides = array<i32>} : memref<24x128xi32, #tpu.memory_space<vmem>>, vector<16xi32>,
    tpu.vector_store %arg11[%swap3A_363, %swap3A_364], %add3A_361 {strides = array<i32>} : memref<24x128xi32, #tpu.memory_space<vmem>>, vector<16xi32>,
    %swap3A_366 = arith.constant 48 : index
    %swap3A_367 = tpu.vector_load %arg20[%swap3A_366] {strides = array<i32>} : memref<512xf32, #tpu.memory_space<vmem>>, vector<16xf32>,
    tpu.vector_store %arg20[%swap3A_366], %broadcast_in_dim3A_3 {strides = array<i32>} : memref<512xf32, #tpu.memory_space<vmem>>, vector<16xf32>,
    %swap3A_368 = arith.constant 48 : index
    %swap3A_369 = tpu.vector_load %arg21[%swap3A_368] {strides = array<i32>} : memref<512xf32, #tpu.memory_space<vmem>>, vector<16xf32>,
    tpu.vector_store %arg21[%swap3A_368], %broadcast_in_dim3A_3 {strides = array<i32>} : memref<512xf32, #tpu.memory_space<vmem>>, vector<16xf32>,
    %get3A_370 = arith.constant 64 : index
    %get3A_371 = tpu.vector_load %arg12[%get3A_370] {strides = array<i32>} : memref<512xi32, #tpu.memory_space<vmem>>, vector<16xi32>,
    %get3A_372 = arith.constant 64 : index
    %get3A_373 = tpu.vector_load %arg13[%get3A_372] {strides = array<i32>} : memref<512xi32, #tpu.memory_space<vmem>>, vector<16xi32>,
    %add3A_374 = arith.constant 0 : i32
    %add3A_375 = vector.broadcast %add3A_374 : i32 to vector<16xi32>
    %add3A_376 = arith.addi %get3A_371, %add3A_375 : vector<16xi32>
    %swap3A_377 = arith.constant 0 : i32
    %swap3A_378 = arith.index_cast %swap3A_377 : i32 to index
    %swap3A_379 = arith.constant 64 : index
    %swap3A_380 = tpu.vector_load %arg10[%swap3A_378, %swap3A_379] {strides = array<i32>} : memref<24x128xi32, #tpu.memory_space<vmem>>, vector<16xi32>,
    tpu.vector_store %arg10[%swap3A_378, %swap3A_379], %add3A_376 {strides = array<i32>} : memref<24x128xi32, #tpu.memory_space<vmem>>, vector<16xi32>,
    %add3A_381 = arith.constant 0 : i32
    %add3A_382 = vector.broadcast %add3A_381 : i32 to vector<16xi32>
    %add3A_383 = arith.addi %get3A_373, %add3A_382 : vector<16xi32>
    %swap3A_384 = arith.constant 0 : i32
    %swap3A_385 = arith.index_cast %swap3A_384 : i32 to index
    %swap3A_386 = arith.constant 64 : index
    %swap3A_387 = tpu.vector_load %arg11[%swap3A_385, %swap3A_386] {strides = array<i32>} : memref<24x128xi32, #tpu.memory_space<vmem>>, vector<16xi32>,
    tpu.vector_store %arg11[%swap3A_385, %swap3A_386], %add3A_383 {strides = array<i32>} : memref<24x128xi32, #tpu.memory_space<vmem>>, vector<16xi32>,
    %add3A_388 = arith.constant 100000 : i32
    %add3A_389 = vector.broadcast %add3A_388 : i32 to vector<16xi32>
    %add3A_390 = arith.addi %get3A_371, %add3A_389 : vector<16xi32>
    %swap3A_391 = arith.constant 1 : i32
    %swap3A_392 = arith.index_cast %swap3A_391 : i32 to index
    %swap3A_393 = arith.constant 64 : index
    %swap3A_394 = tpu.vector_load %arg10[%swap3A_392, %swap3A_393] {strides = array<i32>} : memref<24x128xi32, #tpu.memory_space<vmem>>, vector<16xi32>,
    tpu.vector_store %arg10[%swap3A_392, %swap3A_393], %add3A_390 {strides = array<i32>} : memref<24x128xi32, #tpu.memory_space<vmem>>, vector<16xi32>,
    %add3A_395 = arith.constant 100000 : i32
    %add3A_396 = vector.broadcast %add3A_395 : i32 to vector<16xi32>
    %add3A_397 = arith.addi %get3A_373, %add3A_396 : vector<16xi32>
    %swap3A_398 = arith.constant 1 : i32
    %swap3A_399 = arith.index_cast %swap3A_398 : i32 to index
    %swap3A_400 = arith.constant 64 : index
    %swap3A_401 = tpu.vector_load %arg11[%swap3A_399, %swap3A_400] {strides = array<i32>} : memref<24x128xi32, #tpu.memory_space<vmem>>, vector<16xi32>,
    tpu.vector_store %arg11[%swap3A_399, %swap3A_400], %add3A_397 {strides = array<i32>} : memref<24x128xi32, #tpu.memory_space<vmem>>, vector<16xi32>,
    %add3A_402 = arith.constant 200000 : i32
    %add3A_403 = vector.broadcast %add3A_402 : i32 to vector<16xi32>
    %add3A_404 = arith.addi %get3A_371, %add3A_403 : vector<16xi32>
    %swap3A_405 = arith.constant 2 : i32
    %swap3A_406 = arith.index_cast %swap3A_405 : i32 to index
    %swap3A_407 = arith.constant 64 : index
    %swap3A_408 = tpu.vector_load %arg10[%swap3A_406, %swap3A_407] {strides = array<i32>} : memref<24x128xi32, #tpu.memory_space<vmem>>, vector<16xi32>,
    tpu.vector_store %arg10[%swap3A_406, %swap3A_407], %add3A_404 {strides = array<i32>} : memref<24x128xi32, #tpu.memory_space<vmem>>, vector<16xi32>,
    %add3A_409 = arith.constant 200000 : i32
    %add3A_410 = vector.broadcast %add3A_409 : i32 to vector<16xi32>
    %add3A_411 = arith.addi %get3A_373, %add3A_410 : vector<16xi32>
    %swap3A_412 = arith.constant 2 : i32
    %swap3A_413 = arith.index_cast %swap3A_412 : i32 to index
    %swap3A_414 = arith.constant 64 : index
    %swap3A_415 = tpu.vector_load %arg11[%swap3A_413, %swap3A_414] {strides = array<i32>} : memref<24x128xi32, #tpu.memory_space<vmem>>, vector<16xi32>,
    tpu.vector_store %arg11[%swap3A_413, %swap3A_414], %add3A_411 {strides = array<i32>} : memref<24x128xi32, #tpu.memory_space<vmem>>, vector<16xi32>,
    %add3A_416 = arith.constant 300000 : i32
    %add3A_417 = vector.broadcast %add3A_416 : i32 to vector<16xi32>
    %add3A_418 = arith.addi %get3A_371, %add3A_417 : vector<16xi32>
    %swap3A_419 = arith.constant 3 : i32
    %swap3A_420 = arith.index_cast %swap3A_419 : i32 to index
    %swap3A_421 = arith.constant 64 : index
    %swap3A_422 = tpu.vector_load %arg10[%swap3A_420, %swap3A_421] {strides = array<i32>} : memref<24x128xi32, #tpu.memory_space<vmem>>, vector<16xi32>,
    tpu.vector_store %arg10[%swap3A_420, %swap3A_421], %add3A_418 {strides = array<i32>} : memref<24x128xi32, #tpu.memory_space<vmem>>, vector<16xi32>,
    %add3A_423 = arith.constant 300000 : i32
    %add3A_424 = vector.broadcast %add3A_423 : i32 to vector<16xi32>
    %add3A_425 = arith.addi %get3A_373, %add3A_424 : vector<16xi32>
    %swap3A_426 = arith.constant 3 : i32
    %swap3A_427 = arith.index_cast %swap3A_426 : i32 to index
    %swap3A_428 = arith.constant 64 : index
    %swap3A_429 = tpu.vector_load %arg11[%swap3A_427, %swap3A_428] {strides = array<i32>} : memref<24x128xi32, #tpu.memory_space<vmem>>, vector<16xi32>,
    tpu.vector_store %arg11[%swap3A_427, %swap3A_428], %add3A_425 {strides = array<i32>} : memref<24x128xi32, #tpu.memory_space<vmem>>, vector<16xi32>,
    %add3A_430 = arith.constant 400000 : i32
    %add3A_431 = vector.broadcast %add3A_430 : i32 to vector<16xi32>
    %add3A_432 = arith.addi %get3A_371, %add3A_431 : vector<16xi32>
    %swap3A_433 = arith.constant 4 : i32
    %swap3A_434 = arith.index_cast %swap3A_433 : i32 to index
    %swap3A_435 = arith.constant 64 : index
    %swap3A_436 = tpu.vector_load %arg10[%swap3A_434, %swap3A_435] {strides = array<i32>} : memref<24x128xi32, #tpu.memory_space<vmem>>, vector<16xi32>,
    tpu.vector_store %arg10[%swap3A_434, %swap3A_435], %add3A_432 {strides = array<i32>} : memref<24x128xi32, #tpu.memory_space<vmem>>, vector<16xi32>,
    %add3A_437 = arith.constant 400000 : i32
    %add3A_438 = vector.broadcast %add3A_437 : i32 to vector<16xi32>
    %add3A_439 = arith.addi %get3A_373, %add3A_438 : vector<16xi32>
    %swap3A_440 = arith.constant 4 : i32
    %swap3A_441 = arith.index_cast %swap3A_440 : i32 to index
    %swap3A_442 = arith.constant 64 : index
    %swap3A_443 = tpu.vector_load %arg11[%swap3A_441, %swap3A_442] {strides = array<i32>} : memref<24x128xi32, #tpu.memory_space<vmem>>, vector<16xi32>,
    tpu.vector_store %arg11[%swap3A_441, %swap3A_442], %add3A_439 {strides = array<i32>} : memref<24x128xi32, #tpu.memory_space<vmem>>, vector<16xi32>,
    %add3A_444 = arith.constant 500000 : i32
    %add3A_445 = vector.broadcast %add3A_444 : i32 to vector<16xi32>
    %add3A_446 = arith.addi %get3A_371, %add3A_445 : vector<16xi32>
    %swap3A_447 = arith.constant 5 : i32
    %swap3A_448 = arith.index_cast %swap3A_447 : i32 to index
    %swap3A_449 = arith.constant 64 : index
    %swap3A_450 = tpu.vector_load %arg10[%swap3A_448, %swap3A_449] {strides = array<i32>} : memref<24x128xi32, #tpu.memory_space<vmem>>, vector<16xi32>,
    tpu.vector_store %arg10[%swap3A_448, %swap3A_449], %add3A_446 {strides = array<i32>} : memref<24x128xi32, #tpu.memory_space<vmem>>, vector<16xi32>,
    %add3A_451 = arith.constant 500000 : i32
    %add3A_452 = vector.broadcast %add3A_451 : i32 to vector<16xi32>
    %add3A_453 = arith.addi %get3A_373, %add3A_452 : vector<16xi32>
    %swap3A_454 = arith.constant 5 : i32
    %swap3A_455 = arith.index_cast %swap3A_454 : i32 to index
    %swap3A_456 = arith.constant 64 : index
    %swap3A_457 = tpu.vector_load %arg11[%swap3A_455, %swap3A_456] {strides = array<i32>} : memref<24x128xi32, #tpu.memory_space<vmem>>, vector<16xi32>,
    tpu.vector_store %arg11[%swap3A_455, %swap3A_456], %add3A_453 {strides = array<i32>} : memref<24x128xi32, #tpu.memory_space<vmem>>, vector<16xi32>,
    %swap3A_458 = arith.constant 64 : index
    %swap3A_459 = tpu.vector_load %arg20[%swap3A_458] {strides = array<i32>} : memref<512xf32, #tpu.memory_space<vmem>>, vector<16xf32>,
    tpu.vector_store %arg20[%swap3A_458], %broadcast_in_dim3A_3 {strides = array<i32>} : memref<512xf32, #tpu.memory_space<vmem>>, vector<16xf32>,
    %swap3A_460 = arith.constant 64 : index
    %swap3A_461 = tpu.vector_load %arg21[%swap3A_460] {strides = array<i32>} : memref<512xf32, #tpu.memory_space<vmem>>, vector<16xf32>,
    tpu.vector_store %arg21[%swap3A_460], %broadcast_in_dim3A_3 {strides = array<i32>} : memref<512xf32, #tpu.memory_space<vmem>>, vector<16xf32>,
    %get3A_462 = arith.constant 80 : index
    %get3A_463 = tpu.vector_load %arg12[%get3A_462] {strides = array<i32>} : memref<512xi32, #tpu.memory_space<vmem>>, vector<16xi32>,
    %get3A_464 = arith.constant 80 : index
    %get3A_465 = tpu.vector_load %arg13[%get3A_464] {strides = array<i32>} : memref<512xi32, #tpu.memory_space<vmem>>, vector<16xi32>,
    %add3A_466 = arith.constant 0 : i32
    %add3A_467 = vector.broadcast %add3A_466 : i32 to vector<16xi32>
    %add3A_468 = arith.addi %get3A_463, %add3A_467 : vector<16xi32>
    %swap3A_469 = arith.constant 0 : i32
    %swap3A_470 = arith.index_cast %swap3A_469 : i32 to index
    %swap3A_471 = arith.constant 80 : index
    %swap3A_472 = tpu.vector_load %arg10[%swap3A_470, %swap3A_471] {strides = array<i32>} : memref<24x128xi32, #tpu.memory_space<vmem>>, vector<16xi32>,
    tpu.vector_store %arg10[%swap3A_470, %swap3A_471], %add3A_468 {strides = array<i32>} : memref<24x128xi32, #tpu.memory_space<vmem>>, vector<16xi32>,
    %add3A_473 = arith.constant 0 : i32
    %add3A_474 = vector.broadcast %add3A_473 : i32 to vector<16xi32>
    %add3A_475 = arith.addi %get3A_465, %add3A_474 : vector<16xi32>
    %swap3A_476 = arith.constant 0 : i32
    %swap3A_477 = arith.index_cast %swap3A_476 : i32 to index
    %swap3A_478 = arith.constant 80 : index
    %swap3A_479 = tpu.vector_load %arg11[%swap3A_477, %swap3A_478] {strides = array<i32>} : memref<24x128xi32, #tpu.memory_space<vmem>>, vector<16xi32>,
    tpu.vector_store %arg11[%swap3A_477, %swap3A_478], %add3A_475 {strides = array<i32>} : memref<24x128xi32, #tpu.memory_space<vmem>>, vector<16xi32>,
    %add3A_480 = arith.constant 100000 : i32
    %add3A_481 = vector.broadcast %add3A_480 : i32 to vector<16xi32>
    %add3A_482 = arith.addi %get3A_463, %add3A_481 : vector<16xi32>
    %swap3A_483 = arith.constant 1 : i32
    %swap3A_484 = arith.index_cast %swap3A_483 : i32 to index
    %swap3A_485 = arith.constant 80 : index
    %swap3A_486 = tpu.vector_load %arg10[%swap3A_484, %swap3A_485] {strides = array<i32>} : memref<24x128xi32, #tpu.memory_space<vmem>>, vector<16xi32>,
    tpu.vector_store %arg10[%swap3A_484, %swap3A_485], %add3A_482 {strides = array<i32>} : memref<24x128xi32, #tpu.memory_space<vmem>>, vector<16xi32>,
    %add3A_487 = arith.constant 100000 : i32
    %add3A_488 = vector.broadcast %add3A_487 : i32 to vector<16xi32>
    %add3A_489 = arith.addi %get3A_465, %add3A_488 : vector<16xi32>
    %swap3A_490 = arith.constant 1 : i32
    %swap3A_491 = arith.index_cast %swap3A_490 : i32 to index
    %swap3A_492 = arith.constant 80 : index
    %swap3A_493 = tpu.vector_load %arg11[%swap3A_491, %swap3A_492] {strides = array<i32>} : memref<24x128xi32, #tpu.memory_space<vmem>>, vector<16xi32>,
    tpu.vector_store %arg11[%swap3A_491, %swap3A_492], %add3A_489 {strides = array<i32>} : memref<24x128xi32, #tpu.memory_space<vmem>>, vector<16xi32>,
    %add3A_494 = arith.constant 200000 : i32
    %add3A_495 = vector.broadcast %add3A_494 : i32 to vector<16xi32>
    %add3A_496 = arith.addi %get3A_463, %add3A_495 : vector<16xi32>
    %swap3A_497 = arith.constant 2 : i32
    %swap3A_498 = arith.index_cast %swap3A_497 : i32 to index
    %swap3A_499 = arith.constant 80 : index
    %swap3A_500 = tpu.vector_load %arg10[%swap3A_498, %swap3A_499] {strides = array<i32>} : memref<24x128xi32, #tpu.memory_space<vmem>>, vector<16xi32>,
    tpu.vector_store %arg10[%swap3A_498, %swap3A_499], %add3A_496 {strides = array<i32>} : memref<24x128xi32, #tpu.memory_space<vmem>>, vector<16xi32>,
    %add3A_501 = arith.constant 200000 : i32
    %add3A_502 = vector.broadcast %add3A_501 : i32 to vector<16xi32>
    %add3A_503 = arith.addi %get3A_465, %add3A_502 : vector<16xi32>
    %swap3A_504 = arith.constant 2 : i32
    %swap3A_505 = arith.index_cast %swap3A_504 : i32 to index
    %swap3A_506 = arith.constant 80 : index
    %swap3A_507 = tpu.vector_load %arg11[%swap3A_505, %swap3A_506] {strides = array<i32>} : memref<24x128xi32, #tpu.memory_space<vmem>>, vector<16xi32>,
    tpu.vector_store %arg11[%swap3A_505, %swap3A_506], %add3A_503 {strides = array<i32>} : memref<24x128xi32, #tpu.memory_space<vmem>>, vector<16xi32>,
    %add3A_508 = arith.constant 300000 : i32
    %add3A_509 = vector.broadcast %add3A_508 : i32 to vector<16xi32>
    %add3A_510 = arith.addi %get3A_463, %add3A_509 : vector<16xi32>
    %swap3A_511 = arith.constant 3 : i32
    %swap3A_512 = arith.index_cast %swap3A_511 : i32 to index
    %swap3A_513 = arith.constant 80 : index
    %swap3A_514 = tpu.vector_load %arg10[%swap3A_512, %swap3A_513] {strides = array<i32>} : memref<24x128xi32, #tpu.memory_space<vmem>>, vector<16xi32>,
    tpu.vector_store %arg10[%swap3A_512, %swap3A_513], %add3A_510 {strides = array<i32>} : memref<24x128xi32, #tpu.memory_space<vmem>>, vector<16xi32>,
    %add3A_515 = arith.constant 300000 : i32
    %add3A_516 = vector.broadcast %add3A_515 : i32 to vector<16xi32>
    %add3A_517 = arith.addi %get3A_465, %add3A_516 : vector<16xi32>
    %swap3A_518 = arith.constant 3 : i32
    %swap3A_519 = arith.index_cast %swap3A_518 : i32 to index
    %swap3A_520 = arith.constant 80 : index
    %swap3A_521 = tpu.vector_load %arg11[%swap3A_519, %swap3A_520] {strides = array<i32>} : memref<24x128xi32, #tpu.memory_space<vmem>>, vector<16xi32>,
    tpu.vector_store %arg11[%swap3A_519, %swap3A_520], %add3A_517 {strides = array<i32>} : memref<24x128xi32, #tpu.memory_space<vmem>>, vector<16xi32>,
    %add3A_522 = arith.constant 400000 : i32
    %add3A_523 = vector.broadcast %add3A_522 : i32 to vector<16xi32>
    %add3A_524 = arith.addi %get3A_463, %add3A_523 : vector<16xi32>
    %swap3A_525 = arith.constant 4 : i32
    %swap3A_526 = arith.index_cast %swap3A_525 : i32 to index
    %swap3A_527 = arith.constant 80 : index
    %swap3A_528 = tpu.vector_load %arg10[%swap3A_526, %swap3A_527] {strides = array<i32>} : memref<24x128xi32, #tpu.memory_space<vmem>>, vector<16xi32>,
    tpu.vector_store %arg10[%swap3A_526, %swap3A_527], %add3A_524 {strides = array<i32>} : memref<24x128xi32, #tpu.memory_space<vmem>>, vector<16xi32>,
    %add3A_529 = arith.constant 400000 : i32
    %add3A_530 = vector.broadcast %add3A_529 : i32 to vector<16xi32>
    %add3A_531 = arith.addi %get3A_465, %add3A_530 : vector<16xi32>
    %swap3A_532 = arith.constant 4 : i32
    %swap3A_533 = arith.index_cast %swap3A_532 : i32 to index
    %swap3A_534 = arith.constant 80 : index
    %swap3A_535 = tpu.vector_load %arg11[%swap3A_533, %swap3A_534] {strides = array<i32>} : memref<24x128xi32, #tpu.memory_space<vmem>>, vector<16xi32>,
    tpu.vector_store %arg11[%swap3A_533, %swap3A_534], %add3A_531 {strides = array<i32>} : memref<24x128xi32, #tpu.memory_space<vmem>>, vector<16xi32>,
    %add3A_536 = arith.constant 500000 : i32
    %add3A_537 = vector.broadcast %add3A_536 : i32 to vector<16xi32>
    %add3A_538 = arith.addi %get3A_463, %add3A_537 : vector<16xi32>
    %swap3A_539 = arith.constant 5 : i32
    %swap3A_540 = arith.index_cast %swap3A_539 : i32 to index
    %swap3A_541 = arith.constant 80 : index
    %swap3A_542 = tpu.vector_load %arg10[%swap3A_540, %swap3A_541] {strides = array<i32>} : memref<24x128xi32, #tpu.memory_space<vmem>>, vector<16xi32>,
    tpu.vector_store %arg10[%swap3A_540, %swap3A_541], %add3A_538 {strides = array<i32>} : memref<24x128xi32, #tpu.memory_space<vmem>>, vector<16xi32>,
    %add3A_543 = arith.constant 500000 : i32
    %add3A_544 = vector.broadcast %add3A_543 : i32 to vector<16xi32>
    %add3A_545 = arith.addi %get3A_465, %add3A_544 : vector<16xi32>
    %swap3A_546 = arith.constant 5 : i32
    %swap3A_547 = arith.index_cast %swap3A_546 : i32 to index
    %swap3A_548 = arith.constant 80 : index
    %swap3A_549 = tpu.vector_load %arg11[%swap3A_547, %swap3A_548] {strides = array<i32>} : memref<24x128xi32, #tpu.memory_space<vmem>>, vector<16xi32>,
    tpu.vector_store %arg11[%swap3A_547, %swap3A_548], %add3A_545 {strides = array<i32>} : memref<24x128xi32, #tpu.memory_space<vmem>>, vector<16xi32>,
    %swap3A_550 = arith.constant 80 : index
    %swap3A_551 = tpu.vector_load %arg20[%swap3A_550] {strides = array<i32>} : memref<512xf32, #tpu.memory_space<vmem>>, vector<16xf32>,
    tpu.vector_store %arg20[%swap3A_550], %broadcast_in_dim3A_3 {strides = array<i32>} : memref<512xf32, #tpu.memory_space<vmem>>, vector<16xf32>,
    %swap3A_552 = arith.constant 80 : index
    %swap3A_553 = tpu.vector_load %arg21[%swap3A_552] {strides = array<i32>} : memref<512xf32, #tpu.memory_space<vmem>>, vector<16xf32>,
    tpu.vector_store %arg21[%swap3A_552], %broadcast_in_dim3A_3 {strides = array<i32>} : memref<512xf32, #tpu.memory_space<vmem>>, vector<16xf32>,
    %get3A_554 = arith.constant 96 : index
    %get3A_555 = tpu.vector_load %arg12[%get3A_554] {strides = array<i32>} : memref<512xi32, #tpu.memory_space<vmem>>, vector<16xi32>,
    %get3A_556 = arith.constant 96 : index
    %get3A_557 = tpu.vector_load %arg13[%get3A_556] {strides = array<i32>} : memref<512xi32, #tpu.memory_space<vmem>>, vector<16xi32>,
    %add3A_558 = arith.constant 0 : i32
    %add3A_559 = vector.broadcast %add3A_558 : i32 to vector<16xi32>
    %add3A_560 = arith.addi %get3A_555, %add3A_559 : vector<16xi32>
    %swap3A_561 = arith.constant 0 : i32
    %swap3A_562 = arith.index_cast %swap3A_561 : i32 to index
    %swap3A_563 = arith.constant 96 : index
    %swap3A_564 = tpu.vector_load %arg10[%swap3A_562, %swap3A_563] {strides = array<i32>} : memref<24x128xi32, #tpu.memory_space<vmem>>, vector<16xi32>,
    tpu.vector_store %arg10[%swap3A_562, %swap3A_563], %add3A_560 {strides = array<i32>} : memref<24x128xi32, #tpu.memory_space<vmem>>, vector<16xi32>,
    %add3A_565 = arith.constant 0 : i32
    %add3A_566 = vector.broadcast %add3A_565 : i32 to vector<16xi32>
    %add3A_567 = arith.addi %get3A_557, %add3A_566 : vector<16xi32>
    %swap3A_568 = arith.constant 0 : i32
    %swap3A_569 = arith.index_cast %swap3A_568 : i32 to index
    %swap3A_570 = arith.constant 96 : index
    %swap3A_571 = tpu.vector_load %arg11[%swap3A_569, %swap3A_570] {strides = array<i32>} : memref<24x128xi32, #tpu.memory_space<vmem>>, vector<16xi32>,
    tpu.vector_store %arg11[%swap3A_569, %swap3A_570], %add3A_567 {strides = array<i32>} : memref<24x128xi32, #tpu.memory_space<vmem>>, vector<16xi32>,
    %add3A_572 = arith.constant 100000 : i32
    %add3A_573 = vector.broadcast %add3A_572 : i32 to vector<16xi32>
    %add3A_574 = arith.addi %get3A_555, %add3A_573 : vector<16xi32>
    %swap3A_575 = arith.constant 1 : i32
    %swap3A_576 = arith.index_cast %swap3A_575 : i32 to index
    %swap3A_577 = arith.constant 96 : index
    %swap3A_578 = tpu.vector_load %arg10[%swap3A_576, %swap3A_577] {strides = array<i32>} : memref<24x128xi32, #tpu.memory_space<vmem>>, vector<16xi32>,
    tpu.vector_store %arg10[%swap3A_576, %swap3A_577], %add3A_574 {strides = array<i32>} : memref<24x128xi32, #tpu.memory_space<vmem>>, vector<16xi32>,
    %add3A_579 = arith.constant 100000 : i32
    %add3A_580 = vector.broadcast %add3A_579 : i32 to vector<16xi32>
    %add3A_581 = arith.addi %get3A_557, %add3A_580 : vector<16xi32>
    %swap3A_582 = arith.constant 1 : i32
    %swap3A_583 = arith.index_cast %swap3A_582 : i32 to index
    %swap3A_584 = arith.constant 96 : index
    %swap3A_585 = tpu.vector_load %arg11[%swap3A_583, %swap3A_584] {strides = array<i32>} : memref<24x128xi32, #tpu.memory_space<vmem>>, vector<16xi32>,
    tpu.vector_store %arg11[%swap3A_583, %swap3A_584], %add3A_581 {strides = array<i32>} : memref<24x128xi32, #tpu.memory_space<vmem>>, vector<16xi32>,
    %add3A_586 = arith.constant 200000 : i32
    %add3A_587 = vector.broadcast %add3A_586 : i32 to vector<16xi32>
    %add3A_588 = arith.addi %get3A_555, %add3A_587 : vector<16xi32>
    %swap3A_589 = arith.constant 2 : i32
    %swap3A_590 = arith.index_cast %swap3A_589 : i32 to index
    %swap3A_591 = arith.constant 96 : index
    %swap3A_592 = tpu.vector_load %arg10[%swap3A_590, %swap3A_591] {strides = array<i32>} : memref<24x128xi32, #tpu.memory_space<vmem>>, vector<16xi32>,
    tpu.vector_store %arg10[%swap3A_590, %swap3A_591], %add3A_588 {strides = array<i32>} : memref<24x128xi32, #tpu.memory_space<vmem>>, vector<16xi32>,
    %add3A_593 = arith.constant 200000 : i32
    %add3A_594 = vector.broadcast %add3A_593 : i32 to vector<16xi32>
    %add3A_595 = arith.addi %get3A_557, %add3A_594 : vector<16xi32>
    %swap3A_596 = arith.constant 2 : i32
    %swap3A_597 = arith.index_cast %swap3A_596 : i32 to index
    %swap3A_598 = arith.constant 96 : index
    %swap3A_599 = tpu.vector_load %arg11[%swap3A_597, %swap3A_598] {strides = array<i32>} : memref<24x128xi32, #tpu.memory_space<vmem>>, vector<16xi32>,
    tpu.vector_store %arg11[%swap3A_597, %swap3A_598], %add3A_595 {strides = array<i32>} : memref<24x128xi32, #tpu.memory_space<vmem>>, vector<16xi32>,
    %add3A_600 = arith.constant 300000 : i32
    %add3A_601 = vector.broadcast %add3A_600 : i32 to vector<16xi32>
    %add3A_602 = arith.addi %get3A_555, %add3A_601 : vector<16xi32>
    %swap3A_603 = arith.constant 3 : i32
    %swap3A_604 = arith.index_cast %swap3A_603 : i32 to index
    %swap3A_605 = arith.constant 96 : index
    %swap3A_606 = tpu.vector_load %arg10[%swap3A_604, %swap3A_605] {strides = array<i32>} : memref<24x128xi32, #tpu.memory_space<vmem>>, vector<16xi32>,
    tpu.vector_store %arg10[%swap3A_604, %swap3A_605], %add3A_602 {strides = array<i32>} : memref<24x128xi32, #tpu.memory_space<vmem>>, vector<16xi32>,
    %add3A_607 = arith.constant 300000 : i32
    %add3A_608 = vector.broadcast %add3A_607 : i32 to vector<16xi32>
    %add3A_609 = arith.addi %get3A_557, %add3A_608 : vector<16xi32>
    %swap3A_610 = arith.constant 3 : i32
    %swap3A_611 = arith.index_cast %swap3A_610 : i32 to index
    %swap3A_612 = arith.constant 96 : index
    %swap3A_613 = tpu.vector_load %arg11[%swap3A_611, %swap3A_612] {strides = array<i32>} : memref<24x128xi32, #tpu.memory_space<vmem>>, vector<16xi32>,
    tpu.vector_store %arg11[%swap3A_611, %swap3A_612], %add3A_609 {strides = array<i32>} : memref<24x128xi32, #tpu.memory_space<vmem>>, vector<16xi32>,
    %add3A_614 = arith.constant 400000 : i32
    %add3A_615 = vector.broadcast %add3A_614 : i32 to vector<16xi32>
    %add3A_616 = arith.addi %get3A_555, %add3A_615 : vector<16xi32>
    %swap3A_617 = arith.constant 4 : i32
    %swap3A_618 = arith.index_cast %swap3A_617 : i32 to index
    %swap3A_619 = arith.constant 96 : index
    %swap3A_620 = tpu.vector_load %arg10[%swap3A_618, %swap3A_619] {strides = array<i32>} : memref<24x128xi32, #tpu.memory_space<vmem>>, vector<16xi32>,
    tpu.vector_store %arg10[%swap3A_618, %swap3A_619], %add3A_616 {strides = array<i32>} : memref<24x128xi32, #tpu.memory_space<vmem>>, vector<16xi32>,
    %add3A_621 = arith.constant 400000 : i32
    %add3A_622 = vector.broadcast %add3A_621 : i32 to vector<16xi32>
    %add3A_623 = arith.addi %get3A_557, %add3A_622 : vector<16xi32>
    %swap3A_624 = arith.constant 4 : i32
    %swap3A_625 = arith.index_cast %swap3A_624 : i32 to index
    %swap3A_626 = arith.constant 96 : index
    %swap3A_627 = tpu.vector_load %arg11[%swap3A_625, %swap3A_626] {strides = array<i32>} : memref<24x128xi32, #tpu.memory_space<vmem>>, vector<16xi32>,
    tpu.vector_store %arg11[%swap3A_625, %swap3A_626], %add3A_623 {strides = array<i32>} : memref<24x128xi32, #tpu.memory_space<vmem>>, vector<16xi32>,
    %add3A_628 = arith.constant 500000 : i32
    %add3A_629 = vector.broadcast %add3A_628 : i32 to vector<16xi32>
    %add3A_630 = arith.addi %get3A_555, %add3A_629 : vector<16xi32>
    %swap3A_631 = arith.constant 5 : i32
    %swap3A_632 = arith.index_cast %swap3A_631 : i32 to index
    %swap3A_633 = arith.constant 96 : index
    %swap3A_634 = tpu.vector_load %arg10[%swap3A_632, %swap3A_633] {strides = array<i32>} : memref<24x128xi32, #tpu.memory_space<vmem>>, vector<16xi32>,
    tpu.vector_store %arg10[%swap3A_632, %swap3A_633], %add3A_630 {strides = array<i32>} : memref<24x128xi32, #tpu.memory_space<vmem>>, vector<16xi32>,
    %add3A_635 = arith.constant 500000 : i32
    %add3A_636 = vector.broadcast %add3A_635 : i32 to vector<16xi32>
    %add3A_637 = arith.addi %get3A_557, %add3A_636 : vector<16xi32>
    %swap3A_638 = arith.constant 5 : i32
    %swap3A_639 = arith.index_cast %swap3A_638 : i32 to index
    %swap3A_640 = arith.constant 96 : index
    %swap3A_641 = tpu.vector_load %arg11[%swap3A_639, %swap3A_640] {strides = array<i32>} : memref<24x128xi32, #tpu.memory_space<vmem>>, vector<16xi32>,
    tpu.vector_store %arg11[%swap3A_639, %swap3A_640], %add3A_637 {strides = array<i32>} : memref<24x128xi32, #tpu.memory_space<vmem>>, vector<16xi32>,
    %swap3A_642 = arith.constant 96 : index
    %swap3A_643 = tpu.vector_load %arg20[%swap3A_642] {strides = array<i32>} : memref<512xf32, #tpu.memory_space<vmem>>, vector<16xf32>,
    tpu.vector_store %arg20[%swap3A_642], %broadcast_in_dim3A_3 {strides = array<i32>} : memref<512xf32, #tpu.memory_space<vmem>>, vector<16xf32>,
    %swap3A_644 = arith.constant 96 : index
    %swap3A_645 = tpu.vector_load %arg21[%swap3A_644] {strides = array<i32>} : memref<512xf32, #tpu.memory_space<vmem>>, vector<16xf32>,
    tpu.vector_store %arg21[%swap3A_644], %broadcast_in_dim3A_3 {strides = array<i32>} : memref<512xf32, #tpu.memory_space<vmem>>, vector<16xf32>,
    %get3A_646 = arith.constant 112 : index
    %get3A_647 = tpu.vector_load %arg12[%get3A_646] {strides = array<i32>} : memref<512xi32, #tpu.memory_space<vmem>>, vector<16xi32>,
    %get3A_648 = arith.constant 112 : index
    %get3A_649 = tpu.vector_load %arg13[%get3A_648] {strides = array<i32>} : memref<512xi32, #tpu.memory_space<vmem>>, vector<16xi32>,
    %add3A_650 = arith.constant 0 : i32
    %add3A_651 = vector.broadcast %add3A_650 : i32 to vector<16xi32>
    %add3A_652 = arith.addi %get3A_647, %add3A_651 : vector<16xi32>
    %swap3A_653 = arith.constant 0 : i32
    %swap3A_654 = arith.index_cast %swap3A_653 : i32 to index
    %swap3A_655 = arith.constant 112 : index
    %swap3A_656 = tpu.vector_load %arg10[%swap3A_654, %swap3A_655] {strides = array<i32>} : memref<24x128xi32, #tpu.memory_space<vmem>>, vector<16xi32>,
    tpu.vector_store %arg10[%swap3A_654, %swap3A_655], %add3A_652 {strides = array<i32>} : memref<24x128xi32, #tpu.memory_space<vmem>>, vector<16xi32>,
    %add3A_657 = arith.constant 0 : i32
    %add3A_658 = vector.broadcast %add3A_657 : i32 to vector<16xi32>
    %add3A_659 = arith.addi %get3A_649, %add3A_658 : vector<16xi32>
    %swap3A_660 = arith.constant 0 : i32
    %swap3A_661 = arith.index_cast %swap3A_660 : i32 to index
    %swap3A_662 = arith.constant 112 : index
    %swap3A_663 = tpu.vector_load %arg11[%swap3A_661, %swap3A_662] {strides = array<i32>} : memref<24x128xi32, #tpu.memory_space<vmem>>, vector<16xi32>,
    tpu.vector_store %arg11[%swap3A_661, %swap3A_662], %add3A_659 {strides = array<i32>} : memref<24x128xi32, #tpu.memory_space<vmem>>, vector<16xi32>,
    %add3A_664 = arith.constant 100000 : i32
    %add3A_665 = vector.broadcast %add3A_664 : i32 to vector<16xi32>
    %add3A_666 = arith.addi %get3A_647, %add3A_665 : vector<16xi32>
    %swap3A_667 = arith.constant 1 : i32
    %swap3A_668 = arith.index_cast %swap3A_667 : i32 to index
    %swap3A_669 = arith.constant 112 : index
    %swap3A_670 = tpu.vector_load %arg10[%swap3A_668, %swap3A_669] {strides = array<i32>} : memref<24x128xi32, #tpu.memory_space<vmem>>, vector<16xi32>,
    tpu.vector_store %arg10[%swap3A_668, %swap3A_669], %add3A_666 {strides = array<i32>} : memref<24x128xi32, #tpu.memory_space<vmem>>, vector<16xi32>,
    %add3A_671 = arith.constant 100000 : i32
    %add3A_672 = vector.broadcast %add3A_671 : i32 to vector<16xi32>
    %add3A_673 = arith.addi %get3A_649, %add3A_672 : vector<16xi32>
    %swap3A_674 = arith.constant 1 : i32
    %swap3A_675 = arith.index_cast %swap3A_674 : i32 to index
    %swap3A_676 = arith.constant 112 : index
    %swap3A_677 = tpu.vector_load %arg11[%swap3A_675, %swap3A_676] {strides = array<i32>} : memref<24x128xi32, #tpu.memory_space<vmem>>, vector<16xi32>,
    tpu.vector_store %arg11[%swap3A_675, %swap3A_676], %add3A_673 {strides = array<i32>} : memref<24x128xi32, #tpu.memory_space<vmem>>, vector<16xi32>,
    %add3A_678 = arith.constant 200000 : i32
    %add3A_679 = vector.broadcast %add3A_678 : i32 to vector<16xi32>
    %add3A_680 = arith.addi %get3A_647, %add3A_679 : vector<16xi32>
    %swap3A_681 = arith.constant 2 : i32
    %swap3A_682 = arith.index_cast %swap3A_681 : i32 to index
    %swap3A_683 = arith.constant 112 : index
    %swap3A_684 = tpu.vector_load %arg10[%swap3A_682, %swap3A_683] {strides = array<i32>} : memref<24x128xi32, #tpu.memory_space<vmem>>, vector<16xi32>,
    tpu.vector_store %arg10[%swap3A_682, %swap3A_683], %add3A_680 {strides = array<i32>} : memref<24x128xi32, #tpu.memory_space<vmem>>, vector<16xi32>,
    %add3A_685 = arith.constant 200000 : i32
    %add3A_686 = vector.broadcast %add3A_685 : i32 to vector<16xi32>
    %add3A_687 = arith.addi %get3A_649, %add3A_686 : vector<16xi32>
    %swap3A_688 = arith.constant 2 : i32
    %swap3A_689 = arith.index_cast %swap3A_688 : i32 to index
    %swap3A_690 = arith.constant 112 : index
    %swap3A_691 = tpu.vector_load %arg11[%swap3A_689, %swap3A_690] {strides = array<i32>} : memref<24x128xi32, #tpu.memory_space<vmem>>, vector<16xi32>,
    tpu.vector_store %arg11[%swap3A_689, %swap3A_690], %add3A_687 {strides = array<i32>} : memref<24x128xi32, #tpu.memory_space<vmem>>, vector<16xi32>,
    %add3A_692 = arith.constant 300000 : i32
    %add3A_693 = vector.broadcast %add3A_692 : i32 to vector<16xi32>
    %add3A_694 = arith.addi %get3A_647, %add3A_693 : vector<16xi32>
    %swap3A_695 = arith.constant 3 : i32
    %swap3A_696 = arith.index_cast %swap3A_695 : i32 to index
    %swap3A_697 = arith.constant 112 : index
    %swap3A_698 = tpu.vector_load %arg10[%swap3A_696, %swap3A_697] {strides = array<i32>} : memref<24x128xi32, #tpu.memory_space<vmem>>, vector<16xi32>,
    tpu.vector_store %arg10[%swap3A_696, %swap3A_697], %add3A_694 {strides = array<i32>} : memref<24x128xi32, #tpu.memory_space<vmem>>, vector<16xi32>,
    %add3A_699 = arith.constant 300000 : i32
    %add3A_700 = vector.broadcast %add3A_699 : i32 to vector<16xi32>
    %add3A_701 = arith.addi %get3A_649, %add3A_700 : vector<16xi32>
    %swap3A_702 = arith.constant 3 : i32
    %swap3A_703 = arith.index_cast %swap3A_702 : i32 to index
    %swap3A_704 = arith.constant 112 : index
    %swap3A_705 = tpu.vector_load %arg11[%swap3A_703, %swap3A_704] {strides = array<i32>} : memref<24x128xi32, #tpu.memory_space<vmem>>, vector<16xi32>,
    tpu.vector_store %arg11[%swap3A_703, %swap3A_704], %add3A_701 {strides = array<i32>} : memref<24x128xi32, #tpu.memory_space<vmem>>, vector<16xi32>,
    %add3A_706 = arith.constant 400000 : i32
    %add3A_707 = vector.broadcast %add3A_706 : i32 to vector<16xi32>
    %add3A_708 = arith.addi %get3A_647, %add3A_707 : vector<16xi32>
    %swap3A_709 = arith.constant 4 : i32
    %swap3A_710 = arith.index_cast %swap3A_709 : i32 to index
    %swap3A_711 = arith.constant 112 : index
    %swap3A_712 = tpu.vector_load %arg10[%swap3A_710, %swap3A_711] {strides = array<i32>} : memref<24x128xi32, #tpu.memory_space<vmem>>, vector<16xi32>,
    tpu.vector_store %arg10[%swap3A_710, %swap3A_711], %add3A_708 {strides = array<i32>} : memref<24x128xi32, #tpu.memory_space<vmem>>, vector<16xi32>,
    %add3A_713 = arith.constant 400000 : i32
    %add3A_714 = vector.broadcast %add3A_713 : i32 to vector<16xi32>
    %add3A_715 = arith.addi %get3A_649, %add3A_714 : vector<16xi32>
    %swap3A_716 = arith.constant 4 : i32
    %swap3A_717 = arith.index_cast %swap3A_716 : i32 to index
    %swap3A_718 = arith.constant 112 : index
    %swap3A_719 = tpu.vector_load %arg11[%swap3A_717, %swap3A_718] {strides = array<i32>} : memref<24x128xi32, #tpu.memory_space<vmem>>, vector<16xi32>,
    tpu.vector_store %arg11[%swap3A_717, %swap3A_718], %add3A_715 {strides = array<i32>} : memref<24x128xi32, #tpu.memory_space<vmem>>, vector<16xi32>,
    %add3A_720 = arith.constant 500000 : i32
    %add3A_721 = vector.broadcast %add3A_720 : i32 to vector<16xi32>
    %add3A_722 = arith.addi %get3A_647, %add3A_721 : vector<16xi32>
    %swap3A_723 = arith.constant 5 : i32
    %swap3A_724 = arith.index_cast %swap3A_723 : i32 to index
    %swap3A_725 = arith.constant 112 : index
    %swap3A_726 = tpu.vector_load %arg10[%swap3A_724, %swap3A_725] {strides = array<i32>} : memref<24x128xi32, #tpu.memory_space<vmem>>, vector<16xi32>,
    tpu.vector_store %arg10[%swap3A_724, %swap3A_725], %add3A_722 {strides = array<i32>} : memref<24x128xi32, #tpu.memory_space<vmem>>, vector<16xi32>,
    %add3A_727 = arith.constant 500000 : i32
    %add3A_728 = vector.broadcast %add3A_727 : i32 to vector<16xi32>
    %add3A_729 = arith.addi %get3A_649, %add3A_728 : vector<16xi32>
    %swap3A_730 = arith.constant 5 : i32
    %swap3A_731 = arith.index_cast %swap3A_730 : i32 to index
    %swap3A_732 = arith.constant 112 : index
    %swap3A_733 = tpu.vector_load %arg11[%swap3A_731, %swap3A_732] {strides = array<i32>} : memref<24x128xi32, #tpu.memory_space<vmem>>, vector<16xi32>,
    tpu.vector_store %arg11[%swap3A_731, %swap3A_732], %add3A_729 {strides = array<i32>} : memref<24x128xi32, #tpu.memory_space<vmem>>, vector<16xi32>,
    %swap3A_734 = arith.constant 112 : index
    %swap3A_735 = tpu.vector_load %arg20[%swap3A_734] {strides = array<i32>} : memref<512xf32, #tpu.memory_space<vmem>>, vector<16xf32>,
    tpu.vector_store %arg20[%swap3A_734], %broadcast_in_dim3A_3 {strides = array<i32>} : memref<512xf32, #tpu.memory_space<vmem>>, vector<16xf32>,
    %swap3A_736 = arith.constant 112 : index
    %swap3A_737 = tpu.vector_load %arg21[%swap3A_736] {strides = array<i32>} : memref<512xf32, #tpu.memory_space<vmem>>, vector<16xf32>,
    tpu.vector_store %arg21[%swap3A_736], %broadcast_in_dim3A_3 {strides = array<i32>} : memref<512xf32, #tpu.memory_space<vmem>>, vector<16xf32>,
    %get3A_738 = arith.constant 128 : index
    %get3A_739 = tpu.vector_load %arg12[%get3A_738] {strides = array<i32>} : memref<512xi32, #tpu.memory_space<vmem>>, vector<16xi32>,
    %get3A_740 = arith.constant 128 : index
    %get3A_741 = tpu.vector_load %arg13[%get3A_740] {strides = array<i32>} : memref<512xi32, #tpu.memory_space<vmem>>, vector<16xi32>,
    %add3A_742 = arith.constant 0 : i32
    %add3A_743 = vector.broadcast %add3A_742 : i32 to vector<16xi32>
    %add3A_744 = arith.addi %get3A_739, %add3A_743 : vector<16xi32>
    %swap3A_745 = arith.constant 6 : i32
    %swap3A_746 = arith.index_cast %swap3A_745 : i32 to index
    %swap3A_747 = arith.constant 0 : index
    %swap3A_748 = tpu.vector_load %arg10[%swap3A_746, %swap3A_747] {strides = array<i32>} : memref<24x128xi32, #tpu.memory_space<vmem>>, vector<16xi32>,
    tpu.vector_store %arg10[%swap3A_746, %swap3A_747], %add3A_744 {strides = array<i32>} : memref<24x128xi32, #tpu.memory_space<vmem>>, vector<16xi32>,
    %add3A_749 = arith.constant 0 : i32
    %add3A_750 = vector.broadcast %add3A_749 : i32 to vector<16xi32>
    %add3A_751 = arith.addi %get3A_741, %add3A_750 : vector<16xi32>
    %swap3A_752 = arith.constant 6 : i32
    %swap3A_753 = arith.index_cast %swap3A_752 : i32 to index
    %swap3A_754 = arith.constant 0 : index
    %swap3A_755 = tpu.vector_load %arg11[%swap3A_753, %swap3A_754] {strides = array<i32>} : memref<24x128xi32, #tpu.memory_space<vmem>>, vector<16xi32>,
    tpu.vector_store %arg11[%swap3A_753, %swap3A_754], %add3A_751 {strides = array<i32>} : memref<24x128xi32, #tpu.memory_space<vmem>>, vector<16xi32>,
    %add3A_756 = arith.constant 100000 : i32
    %add3A_757 = vector.broadcast %add3A_756 : i32 to vector<16xi32>
    %add3A_758 = arith.addi %get3A_739, %add3A_757 : vector<16xi32>
    %swap3A_759 = arith.constant 7 : i32
    %swap3A_760 = arith.index_cast %swap3A_759 : i32 to index
    %swap3A_761 = arith.constant 0 : index
    %swap3A_762 = tpu.vector_load %arg10[%swap3A_760, %swap3A_761] {strides = array<i32>} : memref<24x128xi32, #tpu.memory_space<vmem>>, vector<16xi32>,
    tpu.vector_store %arg10[%swap3A_760, %swap3A_761], %add3A_758 {strides = array<i32>} : memref<24x128xi32, #tpu.memory_space<vmem>>, vector<16xi32>,
    %add3A_763 = arith.constant 100000 : i32
    %add3A_764 = vector.broadcast %add3A_763 : i32 to vector<16xi32>
    %add3A_765 = arith.addi %get3A_741, %add3A_764 : vector<16xi32>
    %swap3A_766 = arith.constant 7 : i32
    %swap3A_767 = arith.index_cast %swap3A_766 : i32 to index
    %swap3A_768 = arith.constant 0 : index
    %swap3A_769 = tpu.vector_load %arg11[%swap3A_767, %swap3A_768] {strides = array<i32>} : memref<24x128xi32, #tpu.memory_space<vmem>>, vector<16xi32>,
    tpu.vector_store %arg11[%swap3A_767, %swap3A_768], %add3A_765 {strides = array<i32>} : memref<24x128xi32, #tpu.memory_space<vmem>>, vector<16xi32>,
    %add3A_770 = arith.constant 200000 : i32
    %add3A_771 = vector.broadcast %add3A_770 : i32 to vector<16xi32>
    %add3A_772 = arith.addi %get3A_739, %add3A_771 : vector<16xi32>
    %swap3A_773 = arith.constant 8 : i32
    %swap3A_774 = arith.index_cast %swap3A_773 : i32 to index
    %swap3A_775 = arith.constant 0 : index
    %swap3A_776 = tpu.vector_load %arg10[%swap3A_774, %swap3A_775] {strides = array<i32>} : memref<24x128xi32, #tpu.memory_space<vmem>>, vector<16xi32>,
    tpu.vector_store %arg10[%swap3A_774, %swap3A_775], %add3A_772 {strides = array<i32>} : memref<24x128xi32, #tpu.memory_space<vmem>>, vector<16xi32>,
    %add3A_777 = arith.constant 200000 : i32
    %add3A_778 = vector.broadcast %add3A_777 : i32 to vector<16xi32>
    %add3A_779 = arith.addi %get3A_741, %add3A_778 : vector<16xi32>
    %swap3A_780 = arith.constant 8 : i32
    %swap3A_781 = arith.index_cast %swap3A_780 : i32 to index
    %swap3A_782 = arith.constant 0 : index
    %swap3A_783 = tpu.vector_load %arg11[%swap3A_781, %swap3A_782] {strides = array<i32>} : memref<24x128xi32, #tpu.memory_space<vmem>>, vector<16xi32>,
    tpu.vector_store %arg11[%swap3A_781, %swap3A_782], %add3A_779 {strides = array<i32>} : memref<24x128xi32, #tpu.memory_space<vmem>>, vector<16xi32>,
    %add3A_784 = arith.constant 300000 : i32
    %add3A_785 = vector.broadcast %add3A_784 : i32 to vector<16xi32>
    %add3A_786 = arith.addi %get3A_739, %add3A_785 : vector<16xi32>
    %swap3A_787 = arith.constant 9 : i32
    %swap3A_788 = arith.index_cast %swap3A_787 : i32 to index
    %swap3A_789 = arith.constant 0 : index
    %swap3A_790 = tpu.vector_load %arg10[%swap3A_788, %swap3A_789] {strides = array<i32>} : memref<24x128xi32, #tpu.memory_space<vmem>>, vector<16xi32>,
    tpu.vector_store %arg10[%swap3A_788, %swap3A_789], %add3A_786 {strides = array<i32>} : memref<24x128xi32, #tpu.memory_space<vmem>>, vector<16xi32>,
    %add3A_791 = arith.constant 300000 : i32
    %add3A_792 = vector.broadcast %add3A_791 : i32 to vector<16xi32>
    %add3A_793 = arith.addi %get3A_741, %add3A_792 : vector<16xi32>
    %swap3A_794 = arith.constant 9 : i32
    %swap3A_795 = arith.index_cast %swap3A_794 : i32 to index
    %swap3A_796 = arith.constant 0 : index
    %swap3A_797 = tpu.vector_load %arg11[%swap3A_795, %swap3A_796] {strides = array<i32>} : memref<24x128xi32, #tpu.memory_space<vmem>>, vector<16xi32>,
    tpu.vector_store %arg11[%swap3A_795, %swap3A_796], %add3A_793 {strides = array<i32>} : memref<24x128xi32, #tpu.memory_space<vmem>>, vector<16xi32>,
    %add3A_798 = arith.constant 400000 : i32
    %add3A_799 = vector.broadcast %add3A_798 : i32 to vector<16xi32>
    %add3A_800 = arith.addi %get3A_739, %add3A_799 : vector<16xi32>
    %swap3A_801 = arith.constant 10 : i32
    %swap3A_802 = arith.index_cast %swap3A_801 : i32 to index
    %swap3A_803 = arith.constant 0 : index
    %swap3A_804 = tpu.vector_load %arg10[%swap3A_802, %swap3A_803] {strides = array<i32>} : memref<24x128xi32, #tpu.memory_space<vmem>>, vector<16xi32>,
    tpu.vector_store %arg10[%swap3A_802, %swap3A_803], %add3A_800 {strides = array<i32>} : memref<24x128xi32, #tpu.memory_space<vmem>>, vector<16xi32>,
    %add3A_805 = arith.constant 400000 : i32
    %add3A_806 = vector.broadcast %add3A_805 : i32 to vector<16xi32>
    %add3A_807 = arith.addi %get3A_741, %add3A_806 : vector<16xi32>
    %swap3A_808 = arith.constant 10 : i32
    %swap3A_809 = arith.index_cast %swap3A_808 : i32 to index
    %swap3A_810 = arith.constant 0 : index
    %swap3A_811 = tpu.vector_load %arg11[%swap3A_809, %swap3A_810] {strides = array<i32>} : memref<24x128xi32, #tpu.memory_space<vmem>>, vector<16xi32>,
    tpu.vector_store %arg11[%swap3A_809, %swap3A_810], %add3A_807 {strides = array<i32>} : memref<24x128xi32, #tpu.memory_space<vmem>>, vector<16xi32>,
    %add3A_812 = arith.constant 500000 : i32
    %add3A_813 = vector.broadcast %add3A_812 : i32 to vector<16xi32>
    %add3A_814 = arith.addi %get3A_739, %add3A_813 : vector<16xi32>
    %swap3A_815 = arith.constant 11 : i32
    %swap3A_816 = arith.index_cast %swap3A_815 : i32 to index
    %swap3A_817 = arith.constant 0 : index
    %swap3A_818 = tpu.vector_load %arg10[%swap3A_816, %swap3A_817] {strides = array<i32>} : memref<24x128xi32, #tpu.memory_space<vmem>>, vector<16xi32>,
    tpu.vector_store %arg10[%swap3A_816, %swap3A_817], %add3A_814 {strides = array<i32>} : memref<24x128xi32, #tpu.memory_space<vmem>>, vector<16xi32>,
    %add3A_819 = arith.constant 500000 : i32
    %add3A_820 = vector.broadcast %add3A_819 : i32 to vector<16xi32>
    %add3A_821 = arith.addi %get3A_741, %add3A_820 : vector<16xi32>
    %swap3A_822 = arith.constant 11 : i32
    %swap3A_823 = arith.index_cast %swap3A_822 : i32 to index
    %swap3A_824 = arith.constant 0 : index
    %swap3A_825 = tpu.vector_load %arg11[%swap3A_823, %swap3A_824] {strides = array<i32>} : memref<24x128xi32, #tpu.memory_space<vmem>>, vector<16xi32>,
    tpu.vector_store %arg11[%swap3A_823, %swap3A_824], %add3A_821 {strides = array<i32>} : memref<24x128xi32, #tpu.memory_space<vmem>>, vector<16xi32>,
    %swap3A_826 = arith.constant 128 : index
    %swap3A_827 = tpu.vector_load %arg20[%swap3A_826] {strides = array<i32>} : memref<512xf32, #tpu.memory_space<vmem>>, vector<16xf32>,
    tpu.vector_store %arg20[%swap3A_826], %broadcast_in_dim3A_3 {strides = array<i32>} : memref<512xf32, #tpu.memory_space<vmem>>, vector<16xf32>,
    %swap3A_828 = arith.constant 128 : index
    %swap3A_829 = tpu.vector_load %arg21[%swap3A_828] {strides = array<i32>} : memref<512xf32, #tpu.memory_space<vmem>>, vector<16xf32>,
    tpu.vector_store %arg21[%swap3A_828], %broadcast_in_dim3A_3 {strides = array<i32>} : memref<512xf32, #tpu.memory_space<vmem>>, vector<16xf32>,
    %get3A_830 = arith.constant 144 : index
    %get3A_831 = tpu.vector_load %arg12[%get3A_830] {strides = array<i32>} : memref<512xi32, #tpu.memory_space<vmem>>, vector<16xi32>,
    %get3A_832 = arith.constant 144 : index
    %get3A_833 = tpu.vector_load %arg13[%get3A_832] {strides = array<i32>} : memref<512xi32, #tpu.memory_space<vmem>>, vector<16xi32>,
    %add3A_834 = arith.constant 0 : i32
    %add3A_835 = vector.broadcast %add3A_834 : i32 to vector<16xi32>
    %add3A_836 = arith.addi %get3A_831, %add3A_835 : vector<16xi32>
    %swap3A_837 = arith.constant 6 : i32
    %swap3A_838 = arith.index_cast %swap3A_837 : i32 to index
    %swap3A_839 = arith.constant 16 : index
    %swap3A_840 = tpu.vector_load %arg10[%swap3A_838, %swap3A_839] {strides = array<i32>} : memref<24x128xi32, #tpu.memory_space<vmem>>, vector<16xi32>,
    tpu.vector_store %arg10[%swap3A_838, %swap3A_839], %add3A_836 {strides = array<i32>} : memref<24x128xi32, #tpu.memory_space<vmem>>, vector<16xi32>,
    %add3A_841 = arith.constant 0 : i32
    %add3A_842 = vector.broadcast %add3A_841 : i32 to vector<16xi32>
    %add3A_843 = arith.addi %get3A_833, %add3A_842 : vector<16xi32>
    %swap3A_844 = arith.constant 6 : i32
    %swap3A_845 = arith.index_cast %swap3A_844 : i32 to index
    %swap3A_846 = arith.constant 16 : index
    %swap3A_847 = tpu.vector_load %arg11[%swap3A_845, %swap3A_846] {strides = array<i32>} : memref<24x128xi32, #tpu.memory_space<vmem>>, vector<16xi32>,
    tpu.vector_store %arg11[%swap3A_845, %swap3A_846], %add3A_843 {strides = array<i32>} : memref<24x128xi32, #tpu.memory_space<vmem>>, vector<16xi32>,
    %add3A_848 = arith.constant 100000 : i32
    %add3A_849 = vector.broadcast %add3A_848 : i32 to vector<16xi32>
    %add3A_850 = arith.addi %get3A_831, %add3A_849 : vector<16xi32>
    %swap3A_851 = arith.constant 7 : i32
    %swap3A_852 = arith.index_cast %swap3A_851 : i32 to index
    %swap3A_853 = arith.constant 16 : index
    %swap3A_854 = tpu.vector_load %arg10[%swap3A_852, %swap3A_853] {strides = array<i32>} : memref<24x128xi32, #tpu.memory_space<vmem>>, vector<16xi32>,
    tpu.vector_store %arg10[%swap3A_852, %swap3A_853], %add3A_850 {strides = array<i32>} : memref<24x128xi32, #tpu.memory_space<vmem>>, vector<16xi32>,
    %add3A_855 = arith.constant 100000 : i32
    %add3A_856 = vector.broadcast %add3A_855 : i32 to vector<16xi32>
    %add3A_857 = arith.addi %get3A_833, %add3A_856 : vector<16xi32>
    %swap3A_858 = arith.constant 7 : i32
    %swap3A_859 = arith.index_cast %swap3A_858 : i32 to index
    %swap3A_860 = arith.constant 16 : index
    %swap3A_861 = tpu.vector_load %arg11[%swap3A_859, %swap3A_860] {strides = array<i32>} : memref<24x128xi32, #tpu.memory_space<vmem>>, vector<16xi32>,
    tpu.vector_store %arg11[%swap3A_859, %swap3A_860], %add3A_857 {strides = array<i32>} : memref<24x128xi32, #tpu.memory_space<vmem>>, vector<16xi32>,
    %add3A_862 = arith.constant 200000 : i32
    %add3A_863 = vector.broadcast %add3A_862 : i32 to vector<16xi32>
    %add3A_864 = arith.addi %get3A_831, %add3A_863 : vector<16xi32>
    %swap3A_865 = arith.constant 8 : i32
    %swap3A_866 = arith.index_cast %swap3A_865 : i32 to index
    %swap3A_867 = arith.constant 16 : index
    %swap3A_868 = tpu.vector_load %arg10[%swap3A_866, %swap3A_867] {strides = array<i32>} : memref<24x128xi32, #tpu.memory_space<vmem>>, vector<16xi32>,
    tpu.vector_store %arg10[%swap3A_866, %swap3A_867], %add3A_864 {strides = array<i32>} : memref<24x128xi32, #tpu.memory_space<vmem>>, vector<16xi32>,
    %add3A_869 = arith.constant 200000 : i32
    %add3A_870 = vector.broadcast %add3A_869 : i32 to vector<16xi32>
    %add3A_871 = arith.addi %get3A_833, %add3A_870 : vector<16xi32>
    %swap3A_872 = arith.constant 8 : i32
    %swap3A_873 = arith.index_cast %swap3A_872 : i32 to index
    %swap3A_874 = arith.constant 16 : index
    %swap3A_875 = tpu.vector_load %arg11[%swap3A_873, %swap3A_874] {strides = array<i32>} : memref<24x128xi32, #tpu.memory_space<vmem>>, vector<16xi32>,
    tpu.vector_store %arg11[%swap3A_873, %swap3A_874], %add3A_871 {strides = array<i32>} : memref<24x128xi32, #tpu.memory_space<vmem>>, vector<16xi32>,
    %add3A_876 = arith.constant 300000 : i32
    %add3A_877 = vector.broadcast %add3A_876 : i32 to vector<16xi32>
    %add3A_878 = arith.addi %get3A_831, %add3A_877 : vector<16xi32>
    %swap3A_879 = arith.constant 9 : i32
    %swap3A_880 = arith.index_cast %swap3A_879 : i32 to index
    %swap3A_881 = arith.constant 16 : index
    %swap3A_882 = tpu.vector_load %arg10[%swap3A_880, %swap3A_881] {strides = array<i32>} : memref<24x128xi32, #tpu.memory_space<vmem>>, vector<16xi32>,
    tpu.vector_store %arg10[%swap3A_880, %swap3A_881], %add3A_878 {strides = array<i32>} : memref<24x128xi32, #tpu.memory_space<vmem>>, vector<16xi32>,
    %add3A_883 = arith.constant 300000 : i32
    %add3A_884 = vector.broadcast %add3A_883 : i32 to vector<16xi32>
    %add3A_885 = arith.addi %get3A_833, %add3A_884 : vector<16xi32>
    %swap3A_886 = arith.constant 9 : i32
    %swap3A_887 = arith.index_cast %swap3A_886 : i32 to index
    %swap3A_888 = arith.constant 16 : index
    %swap3A_889 = tpu.vector_load %arg11[%swap3A_887, %swap3A_888] {strides = array<i32>} : memref<24x128xi32, #tpu.memory_space<vmem>>, vector<16xi32>,
    tpu.vector_store %arg11[%swap3A_887, %swap3A_888], %add3A_885 {strides = array<i32>} : memref<24x128xi32, #tpu.memory_space<vmem>>, vector<16xi32>,
    %add3A_890 = arith.constant 400000 : i32
    %add3A_891 = vector.broadcast %add3A_890 : i32 to vector<16xi32>
    %add3A_892 = arith.addi %get3A_831, %add3A_891 : vector<16xi32>
    %swap3A_893 = arith.constant 10 : i32
    %swap3A_894 = arith.index_cast %swap3A_893 : i32 to index
    %swap3A_895 = arith.constant 16 : index
    %swap3A_896 = tpu.vector_load %arg10[%swap3A_894, %swap3A_895] {strides = array<i32>} : memref<24x128xi32, #tpu.memory_space<vmem>>, vector<16xi32>,
    tpu.vector_store %arg10[%swap3A_894, %swap3A_895], %add3A_892 {strides = array<i32>} : memref<24x128xi32, #tpu.memory_space<vmem>>, vector<16xi32>,
    %add3A_897 = arith.constant 400000 : i32
    %add3A_898 = vector.broadcast %add3A_897 : i32 to vector<16xi32>
    %add3A_899 = arith.addi %get3A_833, %add3A_898 : vector<16xi32>
    %swap3A_900 = arith.constant 10 : i32
    %swap3A_901 = arith.index_cast %swap3A_900 : i32 to index
    %swap3A_902 = arith.constant 16 : index
    %swap3A_903 = tpu.vector_load %arg11[%swap3A_901, %swap3A_902] {strides = array<i32>} : memref<24x128xi32, #tpu.memory_space<vmem>>, vector<16xi32>,
    tpu.vector_store %arg11[%swap3A_901, %swap3A_902], %add3A_899 {strides = array<i32>} : memref<24x128xi32, #tpu.memory_space<vmem>>, vector<16xi32>,
    %add3A_904 = arith.constant 500000 : i32
    %add3A_905 = vector.broadcast %add3A_904 : i32 to vector<16xi32>
    %add3A_906 = arith.addi %get3A_831, %add3A_905 : vector<16xi32>
    %swap3A_907 = arith.constant 11 : i32
    %swap3A_908 = arith.index_cast %swap3A_907 : i32 to index
    %swap3A_909 = arith.constant 16 : index
    %swap3A_910 = tpu.vector_load %arg10[%swap3A_908, %swap3A_909] {strides = array<i32>} : memref<24x128xi32, #tpu.memory_space<vmem>>, vector<16xi32>,
    tpu.vector_store %arg10[%swap3A_908, %swap3A_909], %add3A_906 {strides = array<i32>} : memref<24x128xi32, #tpu.memory_space<vmem>>, vector<16xi32>,
    %add3A_911 = arith.constant 500000 : i32
    %add3A_912 = vector.broadcast %add3A_911 : i32 to vector<16xi32>
    %add3A_913 = arith.addi %get3A_833, %add3A_912 : vector<16xi32>
    %swap3A_914 = arith.constant 11 : i32
    %swap3A_915 = arith.index_cast %swap3A_914 : i32 to index
    %swap3A_916 = arith.constant 16 : index
    %swap3A_917 = tpu.vector_load %arg11[%swap3A_915, %swap3A_916] {strides = array<i32>} : memref<24x128xi32, #tpu.memory_space<vmem>>, vector<16xi32>,
    tpu.vector_store %arg11[%swap3A_915, %swap3A_916], %add3A_913 {strides = array<i32>} : memref<24x128xi32, #tpu.memory_space<vmem>>, vector<16xi32>,
    %swap3A_918 = arith.constant 144 : index
    %swap3A_919 = tpu.vector_load %arg20[%swap3A_918] {strides = array<i32>} : memref<512xf32, #tpu.memory_space<vmem>>, vector<16xf32>,
    tpu.vector_store %arg20[%swap3A_918], %broadcast_in_dim3A_3 {strides = array<i32>} : memref<512xf32, #tpu.memory_space<vmem>>, vector<16xf32>,
    %swap3A_920 = arith.constant 144 : index
    %swap3A_921 = tpu.vector_load %arg21[%swap3A_920] {strides = array<i32>} : memref<512xf32, #tpu.memory_space<vmem>>, vector<16xf32>,
    tpu.vector_store %arg21[%swap3A_920], %broadcast_in_dim3A_3 {strides = array<i32>} : memref<512xf32, #tpu.memory_space<vmem>>, vector<16xf32>,
    %get3A_922 = arith.constant 160 : index
    %get3A_923 = tpu.vector_load %arg12[%get3A_922] {strides = array<i32>} : memref<512xi32, #tpu.memory_space<vmem>>, vector<16xi32>,
    %get3A_924 = arith.constant 160 : index
    %get3A_925 = tpu.vector_load %arg13[%get3A_924] {strides = array<i32>} : memref<512xi32, #tpu.memory_space<vmem>>, vector<16xi32>,
    %add3A_926 = arith.constant 0 : i32
    %add3A_927 = vector.broadcast %add3A_926 : i32 to vector<16xi32>
    %add3A_928 = arith.addi %get3A_923, %add3A_927 : vector<16xi32>
    %swap3A_929 = arith.constant 6 : i32
    %swap3A_930 = arith.index_cast %swap3A_929 : i32 to index
    %swap3A_931 = arith.constant 32 : index
    %swap3A_932 = tpu.vector_load %arg10[%swap3A_930, %swap3A_931] {strides = array<i32>} : memref<24x128xi32, #tpu.memory_space<vmem>>, vector<16xi32>,
    tpu.vector_store %arg10[%swap3A_930, %swap3A_931], %add3A_928 {strides = array<i32>} : memref<24x128xi32, #tpu.memory_space<vmem>>, vector<16xi32>,
    %add3A_933 = arith.constant 0 : i32
    %add3A_934 = vector.broadcast %add3A_933 : i32 to vector<16xi32>
    %add3A_935 = arith.addi %get3A_925, %add3A_934 : vector<16xi32>
    %swap3A_936 = arith.constant 6 : i32
    %swap3A_937 = arith.index_cast %swap3A_936 : i32 to index
    %swap3A_938 = arith.constant 32 : index
    %swap3A_939 = tpu.vector_load %arg11[%swap3A_937, %swap3A_938] {strides = array<i32>} : memref<24x128xi32, #tpu.memory_space<vmem>>, vector<16xi32>,
    tpu.vector_store %arg11[%swap3A_937, %swap3A_938], %add3A_935 {strides = array<i32>} : memref<24x128xi32, #tpu.memory_space<vmem>>, vector<16xi32>,
    %add3A_940 = arith.constant 100000 : i32
    %add3A_941 = vector.broadcast %add3A_940 : i32 to vector<16xi32>
    %add3A_942 = arith.addi %get3A_923, %add3A_941 : vector<16xi32>
    %swap3A_943 = arith.constant 7 : i32
    %swap3A_944 = arith.index_cast %swap3A_943 : i32 to index
    %swap3A_945 = arith.constant 32 : index
    %swap3A_946 = tpu.vector_load %arg10[%swap3A_944, %swap3A_945] {strides = array<i32>} : memref<24x128xi32, #tpu.memory_space<vmem>>, vector<16xi32>,
    tpu.vector_store %arg10[%swap3A_944, %swap3A_945], %add3A_942 {strides = array<i32>} : memref<24x128xi32, #tpu.memory_space<vmem>>, vector<16xi32>,
    %add3A_947 = arith.constant 100000 : i32
    %add3A_948 = vector.broadcast %add3A_947 : i32 to vector<16xi32>
    %add3A_949 = arith.addi %get3A_925, %add3A_948 : vector<16xi32>
    %swap3A_950 = arith.constant 7 : i32
    %swap3A_951 = arith.index_cast %swap3A_950 : i32 to index
    %swap3A_952 = arith.constant 32 : index
    %swap3A_953 = tpu.vector_load %arg11[%swap3A_951, %swap3A_952] {strides = array<i32>} : memref<24x128xi32, #tpu.memory_space<vmem>>, vector<16xi32>,
    tpu.vector_store %arg11[%swap3A_951, %swap3A_952], %add3A_949 {strides = array<i32>} : memref<24x128xi32, #tpu.memory_space<vmem>>, vector<16xi32>,
    %add3A_954 = arith.constant 200000 : i32
    %add3A_955 = vector.broadcast %add3A_954 : i32 to vector<16xi32>
    %add3A_956 = arith.addi %get3A_923, %add3A_955 : vector<16xi32>
    %swap3A_957 = arith.constant 8 : i32
    %swap3A_958 = arith.index_cast %swap3A_957 : i32 to index
    %swap3A_959 = arith.constant 32 : index
    %swap3A_960 = tpu.vector_load %arg10[%swap3A_958, %swap3A_959] {strides = array<i32>} : memref<24x128xi32, #tpu.memory_space<vmem>>, vector<16xi32>,
    tpu.vector_store %arg10[%swap3A_958, %swap3A_959], %add3A_956 {strides = array<i32>} : memref<24x128xi32, #tpu.memory_space<vmem>>, vector<16xi32>,
    %add3A_961 = arith.constant 200000 : i32
    %add3A_962 = vector.broadcast %add3A_961 : i32 to vector<16xi32>
    %add3A_963 = arith.addi %get3A_925, %add3A_962 : vector<16xi32>
    %swap3A_964 = arith.constant 8 : i32
    %swap3A_965 = arith.index_cast %swap3A_964 : i32 to index
    %swap3A_966 = arith.constant 32 : index
    %swap3A_967 = tpu.vector_load %arg11[%swap3A_965, %swap3A_966] {strides = array<i32>} : memref<24x128xi32, #tpu.memory_space<vmem>>, vector<16xi32>,
    tpu.vector_store %arg11[%swap3A_965, %swap3A_966], %add3A_963 {strides = array<i32>} : memref<24x128xi32, #tpu.memory_space<vmem>>, vector<16xi32>,
    %add3A_968 = arith.constant 300000 : i32
    %add3A_969 = vector.broadcast %add3A_968 : i32 to vector<16xi32>
    %add3A_970 = arith.addi %get3A_923, %add3A_969 : vector<16xi32>
    %swap3A_971 = arith.constant 9 : i32
    %swap3A_972 = arith.index_cast %swap3A_971 : i32 to index
    %swap3A_973 = arith.constant 32 : index
    %swap3A_974 = tpu.vector_load %arg10[%swap3A_972, %swap3A_973] {strides = array<i32>} : memref<24x128xi32, #tpu.memory_space<vmem>>, vector<16xi32>,
    tpu.vector_store %arg10[%swap3A_972, %swap3A_973], %add3A_970 {strides = array<i32>} : memref<24x128xi32, #tpu.memory_space<vmem>>, vector<16xi32>,
    %add3A_975 = arith.constant 300000 : i32
    %add3A_976 = vector.broadcast %add3A_975 : i32 to vector<16xi32>
    %add3A_977 = arith.addi %get3A_925, %add3A_976 : vector<16xi32>
    %swap3A_978 = arith.constant 9 : i32
    %swap3A_979 = arith.index_cast %swap3A_978 : i32 to index
    %swap3A_980 = arith.constant 32 : index
    %swap3A_981 = tpu.vector_load %arg11[%swap3A_979, %swap3A_980] {strides = array<i32>} : memref<24x128xi32, #tpu.memory_space<vmem>>, vector<16xi32>,
    tpu.vector_store %arg11[%swap3A_979, %swap3A_980], %add3A_977 {strides = array<i32>} : memref<24x128xi32, #tpu.memory_space<vmem>>, vector<16xi32>,
    %add3A_982 = arith.constant 400000 : i32
    %add3A_983 = vector.broadcast %add3A_982 : i32 to vector<16xi32>
    %add3A_984 = arith.addi %get3A_923, %add3A_983 : vector<16xi32>
    %swap3A_985 = arith.constant 10 : i32
    %swap3A_986 = arith.index_cast %swap3A_985 : i32 to index
    %swap3A_987 = arith.constant 32 : index
    %swap3A_988 = tpu.vector_load %arg10[%swap3A_986, %swap3A_987] {strides = array<i32>} : memref<24x128xi32, #tpu.memory_space<vmem>>, vector<16xi32>,
    tpu.vector_store %arg10[%swap3A_986, %swap3A_987], %add3A_984 {strides = array<i32>} : memref<24x128xi32, #tpu.memory_space<vmem>>, vector<16xi32>,
    %add3A_989 = arith.constant 400000 : i32
    %add3A_990 = vector.broadcast %add3A_989 : i32 to vector<16xi32>
    %add3A_991 = arith.addi %get3A_925, %add3A_990 : vector<16xi32>
    %swap3A_992 = arith.constant 10 : i32
    %swap3A_993 = arith.index_cast %swap3A_992 : i32 to index
    %swap3A_994 = arith.constant 32 : index
    %swap3A_995 = tpu.vector_load %arg11[%swap3A_993, %swap3A_994] {strides = array<i32>} : memref<24x128xi32, #tpu.memory_space<vmem>>, vector<16xi32>,
    tpu.vector_store %arg11[%swap3A_993, %swap3A_994], %add3A_991 {strides = array<i32>} : memref<24x128xi32, #tpu.memory_space<vmem>>, vector<16xi32>,
    %add3A_996 = arith.constant 500000 : i32
    %add3A_997 = vector.broadcast %add3A_996 : i32 to vector<16xi32>
    %add3A_998 = arith.addi %get3A_923, %add3A_997 : vector<16xi32>
    %swap3A_999 = arith.constant 11 : i32
    %swap3A_1000 = arith.index_cast %swap3A_999 : i32 to index
    %swap3A_1001 = arith.constant 32 : index
    %swap3A_1002 = tpu.vector_load %arg10[%swap3A_1000, %swap3A_1001] {strides = array<i32>} : memref<24x128xi32, #tpu.memory_space<vmem>>, vector<16xi32>,
    tpu.vector_store %arg10[%swap3A_1000, %swap3A_1001], %add3A_998 {strides = array<i32>} : memref<24x128xi32, #tpu.memory_space<vmem>>, vector<16xi32>,
    %add3A_1003 = arith.constant 500000 : i32
    %add3A_1004 = vector.broadcast %add3A_1003 : i32 to vector<16xi32>
    %add3A_1005 = arith.addi %get3A_925, %add3A_1004 : vector<16xi32>
    %swap3A_1006 = arith.constant 11 : i32
    %swap3A_1007 = arith.index_cast %swap3A_1006 : i32 to index
    %swap3A_1008 = arith.constant 32 : index
    %swap3A_1009 = tpu.vector_load %arg11[%swap3A_1007, %swap3A_1008] {strides = array<i32>} : memref<24x128xi32, #tpu.memory_space<vmem>>, vector<16xi32>,
    tpu.vector_store %arg11[%swap3A_1007, %swap3A_1008], %add3A_1005 {strides = array<i32>} : memref<24x128xi32, #tpu.memory_space<vmem>>, vector<16xi32>,
    %swap3A_1010 = arith.constant 160 : index
    %swap3A_1011 = tpu.vector_load %arg20[%swap3A_1010] {strides = array<i32>} : memref<512xf32, #tpu.memory_space<vmem>>, vector<16xf32>,
    tpu.vector_store %arg20[%swap3A_1010], %broadcast_in_dim3A_3 {strides = array<i32>} : memref<512xf32, #tpu.memory_space<vmem>>, vector<16xf32>,
    %swap3A_1012 = arith.constant 160 : index
    %swap3A_1013 = tpu.vector_load %arg21[%swap3A_1012] {strides = array<i32>} : memref<512xf32, #tpu.memory_space<vmem>>, vector<16xf32>,
    tpu.vector_store %arg21[%swap3A_1012], %broadcast_in_dim3A_3 {strides = array<i32>} : memref<512xf32, #tpu.memory_space<vmem>>, vector<16xf32>,
    %get3A_1014 = arith.constant 176 : index
    %get3A_1015 = tpu.vector_load %arg12[%get3A_1014] {strides = array<i32>} : memref<512xi32, #tpu.memory_space<vmem>>, vector<16xi32>,
    %get3A_1016 = arith.constant 176 : index
    %get3A_1017 = tpu.vector_load %arg13[%get3A_1016] {strides = array<i32>} : memref<512xi32, #tpu.memory_space<vmem>>, vector<16xi32>,
    %add3A_1018 = arith.constant 0 : i32
    %add3A_1019 = vector.broadcast %add3A_1018 : i32 to vector<16xi32>
    %add3A_1020 = arith.addi %get3A_1015, %add3A_1019 : vector<16xi32>
    %swap3A_1021 = arith.constant 6 : i32
    %swap3A_1022 = arith.index_cast %swap3A_1021 : i32 to index
    %swap3A_1023 = arith.constant 48 : index
    %swap3A_1024 = tpu.vector_load %arg10[%swap3A_1022, %swap3A_1023] {strides = array<i32>} : memref<24x128xi32, #tpu.memory_space<vmem>>, vector<16xi32>,
    tpu.vector_store %arg10[%swap3A_1022, %swap3A_1023], %add3A_1020 {strides = array<i32>} : memref<24x128xi32, #tpu.memory_space<vmem>>, vector<16xi32>,
    %add3A_1025 = arith.constant 0 : i32
    %add3A_1026 = vector.broadcast %add3A_1025 : i32 to vector<16xi32>
    %add3A_1027 = arith.addi %get3A_1017, %add3A_1026 : vector<16xi32>
    %swap3A_1028 = arith.constant 6 : i32
    %swap3A_1029 = arith.index_cast %swap3A_1028 : i32 to index
    %swap3A_1030 = arith.constant 48 : index
    %swap3A_1031 = tpu.vector_load %arg11[%swap3A_1029, %swap3A_1030] {strides = array<i32>} : memref<24x128xi32, #tpu.memory_space<vmem>>, vector<16xi32>,
    tpu.vector_store %arg11[%swap3A_1029, %swap3A_1030], %add3A_1027 {strides = array<i32>} : memref<24x128xi32, #tpu.memory_space<vmem>>, vector<16xi32>,
    %add3A_1032 = arith.constant 100000 : i32
    %add3A_1033 = vector.broadcast %add3A_1032 : i32 to vector<16xi32>
    %add3A_1034 = arith.addi %get3A_1015, %add3A_1033 : vector<16xi32>
    %swap3A_1035 = arith.constant 7 : i32
    %swap3A_1036 = arith.index_cast %swap3A_1035 : i32 to index
    %swap3A_1037 = arith.constant 48 : index
    %swap3A_1038 = tpu.vector_load %arg10[%swap3A_1036, %swap3A_1037] {strides = array<i32>} : memref<24x128xi32, #tpu.memory_space<vmem>>, vector<16xi32>,
    tpu.vector_store %arg10[%swap3A_1036, %swap3A_1037], %add3A_1034 {strides = array<i32>} : memref<24x128xi32, #tpu.memory_space<vmem>>, vector<16xi32>,
    %add3A_1039 = arith.constant 100000 : i32
    %add3A_1040 = vector.broadcast %add3A_1039 : i32 to vector<16xi32>
    %add3A_1041 = arith.addi %get3A_1017, %add3A_1040 : vector<16xi32>
    %swap3A_1042 = arith.constant 7 : i32
    %swap3A_1043 = arith.index_cast %swap3A_1042 : i32 to index
    %swap3A_1044 = arith.constant 48 : index
    %swap3A_1045 = tpu.vector_load %arg11[%swap3A_1043, %swap3A_1044] {strides = array<i32>} : memref<24x128xi32, #tpu.memory_space<vmem>>, vector<16xi32>,
    tpu.vector_store %arg11[%swap3A_1043, %swap3A_1044], %add3A_1041 {strides = array<i32>} : memref<24x128xi32, #tpu.memory_space<vmem>>, vector<16xi32>,
    %add3A_1046 = arith.constant 200000 : i32
    %add3A_1047 = vector.broadcast %add3A_1046 : i32 to vector<16xi32>
    %add3A_1048 = arith.addi %get3A_1015, %add3A_1047 : vector<16xi32>
    %swap3A_1049 = arith.constant 8 : i32
    %swap3A_1050 = arith.index_cast %swap3A_1049 : i32 to index
    %swap3A_1051 = arith.constant 48 : index
    %swap3A_1052 = tpu.vector_load %arg10[%swap3A_1050, %swap3A_1051] {strides = array<i32>} : memref<24x128xi32, #tpu.memory_space<vmem>>, vector<16xi32>,
    tpu.vector_store %arg10[%swap3A_1050, %swap3A_1051], %add3A_1048 {strides = array<i32>} : memref<24x128xi32, #tpu.memory_space<vmem>>, vector<16xi32>,
    %add3A_1053 = arith.constant 200000 : i32
    %add3A_1054 = vector.broadcast %add3A_1053 : i32 to vector<16xi32>
    %add3A_1055 = arith.addi %get3A_1017, %add3A_1054 : vector<16xi32>
    %swap3A_1056 = arith.constant 8 : i32
    %swap3A_1057 = arith.index_cast %swap3A_1056 : i32 to index
    %swap3A_1058 = arith.constant 48 : index
    %swap3A_1059 = tpu.vector_load %arg11[%swap3A_1057, %swap3A_1058] {strides = array<i32>} : memref<24x128xi32, #tpu.memory_space<vmem>>, vector<16xi32>,
    tpu.vector_store %arg11[%swap3A_1057, %swap3A_1058], %add3A_1055 {strides = array<i32>} : memref<24x128xi32, #tpu.memory_space<vmem>>, vector<16xi32>,
    %add3A_1060 = arith.constant 300000 : i32
    %add3A_1061 = vector.broadcast %add3A_1060 : i32 to vector<16xi32>
    %add3A_1062 = arith.addi %get3A_1015, %add3A_1061 : vector<16xi32>
    %swap3A_1063 = arith.constant 9 : i32
    %swap3A_1064 = arith.index_cast %swap3A_1063 : i32 to index
    %swap3A_1065 = arith.constant 48 : index
    %swap3A_1066 = tpu.vector_load %arg10[%swap3A_1064, %swap3A_1065] {strides = array<i32>} : memref<24x128xi32, #tpu.memory_space<vmem>>, vector<16xi32>,
    tpu.vector_store %arg10[%swap3A_1064, %swap3A_1065], %add3A_1062 {strides = array<i32>} : memref<24x128xi32, #tpu.memory_space<vmem>>, vector<16xi32>,
    %add3A_1067 = arith.constant 300000 : i32
    %add3A_1068 = vector.broadcast %add3A_1067 : i32 to vector<16xi32>
    %add3A_1069 = arith.addi %get3A_1017, %add3A_1068 : vector<16xi32>
    %swap3A_1070 = arith.constant 9 : i32
    %swap3A_1071 = arith.index_cast %swap3A_1070 : i32 to index
    %swap3A_1072 = arith.constant 48 : index
    %swap3A_1073 = tpu.vector_load %arg11[%swap3A_1071, %swap3A_1072] {strides = array<i32>} : memref<24x128xi32, #tpu.memory_space<vmem>>, vector<16xi32>,
    tpu.vector_store %arg11[%swap3A_1071, %swap3A_1072], %add3A_1069 {strides = array<i32>} : memref<24x128xi32, #tpu.memory_space<vmem>>, vector<16xi32>,
    %add3A_1074 = arith.constant 400000 : i32
    %add3A_1075 = vector.broadcast %add3A_1074 : i32 to vector<16xi32>
    %add3A_1076 = arith.addi %get3A_1015, %add3A_1075 : vector<16xi32>
    %swap3A_1077 = arith.constant 10 : i32
    %swap3A_1078 = arith.index_cast %swap3A_1077 : i32 to index
    %swap3A_1079 = arith.constant 48 : index
    %swap3A_1080 = tpu.vector_load %arg10[%swap3A_1078, %swap3A_1079] {strides = array<i32>} : memref<24x128xi32, #tpu.memory_space<vmem>>, vector<16xi32>,
    tpu.vector_store %arg10[%swap3A_1078, %swap3A_1079], %add3A_1076 {strides = array<i32>} : memref<24x128xi32, #tpu.memory_space<vmem>>, vector<16xi32>,
    %add3A_1081 = arith.constant 400000 : i32
    %add3A_1082 = vector.broadcast %add3A_1081 : i32 to vector<16xi32>
    %add3A_1083 = arith.addi %get3A_1017, %add3A_1082 : vector<16xi32>
    %swap3A_1084 = arith.constant 10 : i32
    %swap3A_1085 = arith.index_cast %swap3A_1084 : i32 to index
    %swap3A_1086 = arith.constant 48 : index
    %swap3A_1087 = tpu.vector_load %arg11[%swap3A_1085, %swap3A_1086] {strides = array<i32>} : memref<24x128xi32, #tpu.memory_space<vmem>>, vector<16xi32>,
    tpu.vector_store %arg11[%swap3A_1085, %swap3A_1086], %add3A_1083 {strides = array<i32>} : memref<24x128xi32, #tpu.memory_space<vmem>>, vector<16xi32>,
    %add3A_1088 = arith.constant 500000 : i32
    %add3A_1089 = vector.broadcast %add3A_1088 : i32 to vector<16xi32>
    %add3A_1090 = arith.addi %get3A_1015, %add3A_1089 : vector<16xi32>
    %swap3A_1091 = arith.constant 11 : i32
    %swap3A_1092 = arith.index_cast %swap3A_1091 : i32 to index
    %swap3A_1093 = arith.constant 48 : index
    %swap3A_1094 = tpu.vector_load %arg10[%swap3A_1092, %swap3A_1093] {strides = array<i32>} : memref<24x128xi32, #tpu.memory_space<vmem>>, vector<16xi32>,
    tpu.vector_store %arg10[%swap3A_1092, %swap3A_1093], %add3A_1090 {strides = array<i32>} : memref<24x128xi32, #tpu.memory_space<vmem>>, vector<16xi32>,
    %add3A_1095 = arith.constant 500000 : i32
    %add3A_1096 = vector.broadcast %add3A_1095 : i32 to vector<16xi32>
    %add3A_1097 = arith.addi %get3A_1017, %add3A_1096 : vector<16xi32>
    %swap3A_1098 = arith.constant 11 : i32
    %swap3A_1099 = arith.index_cast %swap3A_1098 : i32 to index
    %swap3A_1100 = arith.constant 48 : index
    %swap3A_1101 = tpu.vector_load %arg11[%swap3A_1099, %swap3A_1100] {strides = array<i32>} : memref<24x128xi32, #tpu.memory_space<vmem>>, vector<16xi32>,
    tpu.vector_store %arg11[%swap3A_1099, %swap3A_1100], %add3A_1097 {strides = array<i32>} : memref<24x128xi32, #tpu.memory_space<vmem>>, vector<16xi32>,
    %swap3A_1102 = arith.constant 176 : index
    %swap3A_1103 = tpu.vector_load %arg20[%swap3A_1102] {strides = array<i32>} : memref<512xf32, #tpu.memory_space<vmem>>, vector<16xf32>,
    tpu.vector_store %arg20[%swap3A_1102], %broadcast_in_dim3A_3 {strides = array<i32>} : memref<512xf32, #tpu.memory_space<vmem>>, vector<16xf32>,
    %swap3A_1104 = arith.constant 176 : index
    %swap3A_1105 = tpu.vector_load %arg21[%swap3A_1104] {strides = array<i32>} : memref<512xf32, #tpu.memory_space<vmem>>, vector<16xf32>,
    tpu.vector_store %arg21[%swap3A_1104], %broadcast_in_dim3A_3 {strides = array<i32>} : memref<512xf32, #tpu.memory_space<vmem>>, vector<16xf32>,
    %get3A_1106 = arith.constant 192 : index
    %get3A_1107 = tpu.vector_load %arg12[%get3A_1106] {strides = array<i32>} : memref<512xi32, #tpu.memory_space<vmem>>, vector<16xi32>,
    %get3A_1108 = arith.constant 192 : index
    %get3A_1109 = tpu.vector_load %arg13[%get3A_1108] {strides = array<i32>} : memref<512xi32, #tpu.memory_space<vmem>>, vector<16xi32>,
    %add3A_1110 = arith.constant 0 : i32
    %add3A_1111 = vector.broadcast %add3A_1110 : i32 to vector<16xi32>
    %add3A_1112 = arith.addi %get3A_1107, %add3A_1111 : vector<16xi32>
    %swap3A_1113 = arith.constant 6 : i32
    %swap3A_1114 = arith.index_cast %swap3A_1113 : i32 to index
    %swap3A_1115 = arith.constant 64 : index
    %swap3A_1116 = tpu.vector_load %arg10[%swap3A_1114, %swap3A_1115] {strides = array<i32>} : memref<24x128xi32, #tpu.memory_space<vmem>>, vector<16xi32>,
    tpu.vector_store %arg10[%swap3A_1114, %swap3A_1115], %add3A_1112 {strides = array<i32>} : memref<24x128xi32, #tpu.memory_space<vmem>>, vector<16xi32>,
    %add3A_1117 = arith.constant 0 : i32
    %add3A_1118 = vector.broadcast %add3A_1117 : i32 to vector<16xi32>
    %add3A_1119 = arith.addi %get3A_1109, %add3A_1118 : vector<16xi32>
    %swap3A_1120 = arith.constant 6 : i32
    %swap3A_1121 = arith.index_cast %swap3A_1120 : i32 to index
    %swap3A_1122 = arith.constant 64 : index
    %swap3A_1123 = tpu.vector_load %arg11[%swap3A_1121, %swap3A_1122] {strides = array<i32>} : memref<24x128xi32, #tpu.memory_space<vmem>>, vector<16xi32>,
    tpu.vector_store %arg11[%swap3A_1121, %swap3A_1122], %add3A_1119 {strides = array<i32>} : memref<24x128xi32, #tpu.memory_space<vmem>>, vector<16xi32>,
    %add3A_1124 = arith.constant 100000 : i32
    %add3A_1125 = vector.broadcast %add3A_1124 : i32 to vector<16xi32>
    %add3A_1126 = arith.addi %get3A_1107, %add3A_1125 : vector<16xi32>
    %swap3A_1127 = arith.constant 7 : i32
    %swap3A_1128 = arith.index_cast %swap3A_1127 : i32 to index
    %swap3A_1129 = arith.constant 64 : index
    %swap3A_1130 = tpu.vector_load %arg10[%swap3A_1128, %swap3A_1129] {strides = array<i32>} : memref<24x128xi32, #tpu.memory_space<vmem>>, vector<16xi32>,
    tpu.vector_store %arg10[%swap3A_1128, %swap3A_1129], %add3A_1126 {strides = array<i32>} : memref<24x128xi32, #tpu.memory_space<vmem>>, vector<16xi32>,
    %add3A_1131 = arith.constant 100000 : i32
    %add3A_1132 = vector.broadcast %add3A_1131 : i32 to vector<16xi32>
    %add3A_1133 = arith.addi %get3A_1109, %add3A_1132 : vector<16xi32>
    %swap3A_1134 = arith.constant 7 : i32
    %swap3A_1135 = arith.index_cast %swap3A_1134 : i32 to index
    %swap3A_1136 = arith.constant 64 : index
    %swap3A_1137 = tpu.vector_load %arg11[%swap3A_1135, %swap3A_1136] {strides = array<i32>} : memref<24x128xi32, #tpu.memory_space<vmem>>, vector<16xi32>,
    tpu.vector_store %arg11[%swap3A_1135, %swap3A_1136], %add3A_1133 {strides = array<i32>} : memref<24x128xi32, #tpu.memory_space<vmem>>, vector<16xi32>,
    %add3A_1138 = arith.constant 200000 : i32
    %add3A_1139 = vector.broadcast %add3A_1138 : i32 to vector<16xi32>
    %add3A_1140 = arith.addi %get3A_1107, %add3A_1139 : vector<16xi32>
    %swap3A_1141 = arith.constant 8 : i32
    %swap3A_1142 = arith.index_cast %swap3A_1141 : i32 to index
    %swap3A_1143 = arith.constant 64 : index
    %swap3A_1144 = tpu.vector_load %arg10[%swap3A_1142, %swap3A_1143] {strides = array<i32>} : memref<24x128xi32, #tpu.memory_space<vmem>>, vector<16xi32>,
    tpu.vector_store %arg10[%swap3A_1142, %swap3A_1143], %add3A_1140 {strides = array<i32>} : memref<24x128xi32, #tpu.memory_space<vmem>>, vector<16xi32>,
    %add3A_1145 = arith.constant 200000 : i32
    %add3A_1146 = vector.broadcast %add3A_1145 : i32 to vector<16xi32>
    %add3A_1147 = arith.addi %get3A_1109, %add3A_1146 : vector<16xi32>
    %swap3A_1148 = arith.constant 8 : i32
    %swap3A_1149 = arith.index_cast %swap3A_1148 : i32 to index
    %swap3A_1150 = arith.constant 64 : index
    %swap3A_1151 = tpu.vector_load %arg11[%swap3A_1149, %swap3A_1150] {strides = array<i32>} : memref<24x128xi32, #tpu.memory_space<vmem>>, vector<16xi32>,
    tpu.vector_store %arg11[%swap3A_1149, %swap3A_1150], %add3A_1147 {strides = array<i32>} : memref<24x128xi32, #tpu.memory_space<vmem>>, vector<16xi32>,
    %add3A_1152 = arith.constant 300000 : i32
    %add3A_1153 = vector.broadcast %add3A_1152 : i32 to vector<16xi32>
    %add3A_1154 = arith.addi %get3A_1107, %add3A_1153 : vector<16xi32>
    %swap3A_1155 = arith.constant 9 : i32
    %swap3A_1156 = arith.index_cast %swap3A_1155 : i32 to index
    %swap3A_1157 = arith.constant 64 : index
    %swap3A_1158 = tpu.vector_load %arg10[%swap3A_1156, %swap3A_1157] {strides = array<i32>} : memref<24x128xi32, #tpu.memory_space<vmem>>, vector<16xi32>,
    tpu.vector_store %arg10[%swap3A_1156, %swap3A_1157], %add3A_1154 {strides = array<i32>} : memref<24x128xi32, #tpu.memory_space<vmem>>, vector<16xi32>,
    %add3A_1159 = arith.constant 300000 : i32
    %add3A_1160 = vector.broadcast %add3A_1159 : i32 to vector<16xi32>
    %add3A_1161 = arith.addi %get3A_1109, %add3A_1160 : vector<16xi32>
    %swap3A_1162 = arith.constant 9 : i32
    %swap3A_1163 = arith.index_cast %swap3A_1162 : i32 to index
    %swap3A_1164 = arith.constant 64 : index
    %swap3A_1165 = tpu.vector_load %arg11[%swap3A_1163, %swap3A_1164] {strides = array<i32>} : memref<24x128xi32, #tpu.memory_space<vmem>>, vector<16xi32>,
    tpu.vector_store %arg11[%swap3A_1163, %swap3A_1164], %add3A_1161 {strides = array<i32>} : memref<24x128xi32, #tpu.memory_space<vmem>>, vector<16xi32>,
    %add3A_1166 = arith.constant 400000 : i32
    %add3A_1167 = vector.broadcast %add3A_1166 : i32 to vector<16xi32>
    %add3A_1168 = arith.addi %get3A_1107, %add3A_1167 : vector<16xi32>
    %swap3A_1169 = arith.constant 10 : i32
    %swap3A_1170 = arith.index_cast %swap3A_1169 : i32 to index
    %swap3A_1171 = arith.constant 64 : index
    %swap3A_1172 = tpu.vector_load %arg10[%swap3A_1170, %swap3A_1171] {strides = array<i32>} : memref<24x128xi32, #tpu.memory_space<vmem>>, vector<16xi32>,
    tpu.vector_store %arg10[%swap3A_1170, %swap3A_1171], %add3A_1168 {strides = array<i32>} : memref<24x128xi32, #tpu.memory_space<vmem>>, vector<16xi32>,
    %add3A_1173 = arith.constant 400000 : i32
    %add3A_1174 = vector.broadcast %add3A_1173 : i32 to vector<16xi32>
    %add3A_1175 = arith.addi %get3A_1109, %add3A_1174 : vector<16xi32>
    %swap3A_1176 = arith.constant 10 : i32
    %swap3A_1177 = arith.index_cast %swap3A_1176 : i32 to index
    %swap3A_1178 = arith.constant 64 : index
    %swap3A_1179 = tpu.vector_load %arg11[%swap3A_1177, %swap3A_1178] {strides = array<i32>} : memref<24x128xi32, #tpu.memory_space<vmem>>, vector<16xi32>,
    tpu.vector_store %arg11[%swap3A_1177, %swap3A_1178], %add3A_1175 {strides = array<i32>} : memref<24x128xi32, #tpu.memory_space<vmem>>, vector<16xi32>,
    %add3A_1180 = arith.constant 500000 : i32
    %add3A_1181 = vector.broadcast %add3A_1180 : i32 to vector<16xi32>
    %add3A_1182 = arith.addi %get3A_1107, %add3A_1181 : vector<16xi32>
    %swap3A_1183 = arith.constant 11 : i32
    %swap3A_1184 = arith.index_cast %swap3A_1183 : i32 to index
    %swap3A_1185 = arith.constant 64 : index
    %swap3A_1186 = tpu.vector_load %arg10[%swap3A_1184, %swap3A_1185] {strides = array<i32>} : memref<24x128xi32, #tpu.memory_space<vmem>>, vector<16xi32>,
    tpu.vector_store %arg10[%swap3A_1184, %swap3A_1185], %add3A_1182 {strides = array<i32>} : memref<24x128xi32, #tpu.memory_space<vmem>>, vector<16xi32>,
    %add3A_1187 = arith.constant 500000 : i32
    %add3A_1188 = vector.broadcast %add3A_1187 : i32 to vector<16xi32>
    %add3A_1189 = arith.addi %get3A_1109, %add3A_1188 : vector<16xi32>
    %swap3A_1190 = arith.constant 11 : i32
    %swap3A_1191 = arith.index_cast %swap3A_1190 : i32 to index
    %swap3A_1192 = arith.constant 64 : index
    %swap3A_1193 = tpu.vector_load %arg11[%swap3A_1191, %swap3A_1192] {strides = array<i32>} : memref<24x128xi32, #tpu.memory_space<vmem>>, vector<16xi32>,
    tpu.vector_store %arg11[%swap3A_1191, %swap3A_1192], %add3A_1189 {strides = array<i32>} : memref<24x128xi32, #tpu.memory_space<vmem>>, vector<16xi32>,
    %swap3A_1194 = arith.constant 192 : index
    %swap3A_1195 = tpu.vector_load %arg20[%swap3A_1194] {strides = array<i32>} : memref<512xf32, #tpu.memory_space<vmem>>, vector<16xf32>,
    tpu.vector_store %arg20[%swap3A_1194], %broadcast_in_dim3A_3 {strides = array<i32>} : memref<512xf32, #tpu.memory_space<vmem>>, vector<16xf32>,
    %swap3A_1196 = arith.constant 192 : index
    %swap3A_1197 = tpu.vector_load %arg21[%swap3A_1196] {strides = array<i32>} : memref<512xf32, #tpu.memory_space<vmem>>, vector<16xf32>,
    tpu.vector_store %arg21[%swap3A_1196], %broadcast_in_dim3A_3 {strides = array<i32>} : memref<512xf32, #tpu.memory_space<vmem>>, vector<16xf32>,
    %get3A_1198 = arith.constant 208 : index
    %get3A_1199 = tpu.vector_load %arg12[%get3A_1198] {strides = array<i32>} : memref<512xi32, #tpu.memory_space<vmem>>, vector<16xi32>,
    %get3A_1200 = arith.constant 208 : index
    %get3A_1201 = tpu.vector_load %arg13[%get3A_1200] {strides = array<i32>} : memref<512xi32, #tpu.memory_space<vmem>>, vector<16xi32>,
    %add3A_1202 = arith.constant 0 : i32
    %add3A_1203 = vector.broadcast %add3A_1202 : i32 to vector<16xi32>
    %add3A_1204 = arith.addi %get3A_1199, %add3A_1203 : vector<16xi32>
    %swap3A_1205 = arith.constant 6 : i32
    %swap3A_1206 = arith.index_cast %swap3A_1205 : i32 to index
    %swap3A_1207 = arith.constant 80 : index
    %swap3A_1208 = tpu.vector_load %arg10[%swap3A_1206, %swap3A_1207] {strides = array<i32>} : memref<24x128xi32, #tpu.memory_space<vmem>>, vector<16xi32>,
    tpu.vector_store %arg10[%swap3A_1206, %swap3A_1207], %add3A_1204 {strides = array<i32>} : memref<24x128xi32, #tpu.memory_space<vmem>>, vector<16xi32>,
    %add3A_1209 = arith.constant 0 : i32
    %add3A_1210 = vector.broadcast %add3A_1209 : i32 to vector<16xi32>
    %add3A_1211 = arith.addi %get3A_1201, %add3A_1210 : vector<16xi32>
    %swap3A_1212 = arith.constant 6 : i32
    %swap3A_1213 = arith.index_cast %swap3A_1212 : i32 to index
    %swap3A_1214 = arith.constant 80 : index
    %swap3A_1215 = tpu.vector_load %arg11[%swap3A_1213, %swap3A_1214] {strides = array<i32>} : memref<24x128xi32, #tpu.memory_space<vmem>>, vector<16xi32>,
    tpu.vector_store %arg11[%swap3A_1213, %swap3A_1214], %add3A_1211 {strides = array<i32>} : memref<24x128xi32, #tpu.memory_space<vmem>>, vector<16xi32>,
    %add3A_1216 = arith.constant 100000 : i32
    %add3A_1217 = vector.broadcast %add3A_1216 : i32 to vector<16xi32>
    %add3A_1218 = arith.addi %get3A_1199, %add3A_1217 : vector<16xi32>
    %swap3A_1219 = arith.constant 7 : i32
    %swap3A_1220 = arith.index_cast %swap3A_1219 : i32 to index
    %swap3A_1221 = arith.constant 80 : index
    %swap3A_1222 = tpu.vector_load %arg10[%swap3A_1220, %swap3A_1221] {strides = array<i32>} : memref<24x128xi32, #tpu.memory_space<vmem>>, vector<16xi32>,
    tpu.vector_store %arg10[%swap3A_1220, %swap3A_1221], %add3A_1218 {strides = array<i32>} : memref<24x128xi32, #tpu.memory_space<vmem>>, vector<16xi32>,
    %add3A_1223 = arith.constant 100000 : i32
    %add3A_1224 = vector.broadcast %add3A_1223 : i32 to vector<16xi32>
    %add3A_1225 = arith.addi %get3A_1201, %add3A_1224 : vector<16xi32>
    %swap3A_1226 = arith.constant 7 : i32
    %swap3A_1227 = arith.index_cast %swap3A_1226 : i32 to index
    %swap3A_1228 = arith.constant 80 : index
    %swap3A_1229 = tpu.vector_load %arg11[%swap3A_1227, %swap3A_1228] {strides = array<i32>} : memref<24x128xi32, #tpu.memory_space<vmem>>, vector<16xi32>,
    tpu.vector_store %arg11[%swap3A_1227, %swap3A_1228], %add3A_1225 {strides = array<i32>} : memref<24x128xi32, #tpu.memory_space<vmem>>, vector<16xi32>,
    %add3A_1230 = arith.constant 200000 : i32
    %add3A_1231 = vector.broadcast %add3A_1230 : i32 to vector<16xi32>
    %add3A_1232 = arith.addi %get3A_1199, %add3A_1231 : vector<16xi32>
    %swap3A_1233 = arith.constant 8 : i32
    %swap3A_1234 = arith.index_cast %swap3A_1233 : i32 to index
    %swap3A_1235 = arith.constant 80 : index
    %swap3A_1236 = tpu.vector_load %arg10[%swap3A_1234, %swap3A_1235] {strides = array<i32>} : memref<24x128xi32, #tpu.memory_space<vmem>>, vector<16xi32>,
    tpu.vector_store %arg10[%swap3A_1234, %swap3A_1235], %add3A_1232 {strides = array<i32>} : memref<24x128xi32, #tpu.memory_space<vmem>>, vector<16xi32>,
    %add3A_1237 = arith.constant 200000 : i32
    %add3A_1238 = vector.broadcast %add3A_1237 : i32 to vector<16xi32>
    %add3A_1239 = arith.addi %get3A_1201, %add3A_1238 : vector<16xi32>
    %swap3A_1240 = arith.constant 8 : i32
    %swap3A_1241 = arith.index_cast %swap3A_1240 : i32 to index
    %swap3A_1242 = arith.constant 80 : index
    %swap3A_1243 = tpu.vector_load %arg11[%swap3A_1241, %swap3A_1242] {strides = array<i32>} : memref<24x128xi32, #tpu.memory_space<vmem>>, vector<16xi32>,
    tpu.vector_store %arg11[%swap3A_1241, %swap3A_1242], %add3A_1239 {strides = array<i32>} : memref<24x128xi32, #tpu.memory_space<vmem>>, vector<16xi32>,
    %add3A_1244 = arith.constant 300000 : i32
    %add3A_1245 = vector.broadcast %add3A_1244 : i32 to vector<16xi32>
    %add3A_1246 = arith.addi %get3A_1199, %add3A_1245 : vector<16xi32>
    %swap3A_1247 = arith.constant 9 : i32
    %swap3A_1248 = arith.index_cast %swap3A_1247 : i32 to index
    %swap3A_1249 = arith.constant 80 : index
    %swap3A_1250 = tpu.vector_load %arg10[%swap3A_1248, %swap3A_1249] {strides = array<i32>} : memref<24x128xi32, #tpu.memory_space<vmem>>, vector<16xi32>,
    tpu.vector_store %arg10[%swap3A_1248, %swap3A_1249], %add3A_1246 {strides = array<i32>} : memref<24x128xi32, #tpu.memory_space<vmem>>, vector<16xi32>,
    %add3A_1251 = arith.constant 300000 : i32
    %add3A_1252 = vector.broadcast %add3A_1251 : i32 to vector<16xi32>
    %add3A_1253 = arith.addi %get3A_1201, %add3A_1252 : vector<16xi32>
    %swap3A_1254 = arith.constant 9 : i32
    %swap3A_1255 = arith.index_cast %swap3A_1254 : i32 to index
    %swap3A_1256 = arith.constant 80 : index
    %swap3A_1257 = tpu.vector_load %arg11[%swap3A_1255, %swap3A_1256] {strides = array<i32>} : memref<24x128xi32, #tpu.memory_space<vmem>>, vector<16xi32>,
    tpu.vector_store %arg11[%swap3A_1255, %swap3A_1256], %add3A_1253 {strides = array<i32>} : memref<24x128xi32, #tpu.memory_space<vmem>>, vector<16xi32>,
    %add3A_1258 = arith.constant 400000 : i32
    %add3A_1259 = vector.broadcast %add3A_1258 : i32 to vector<16xi32>
    %add3A_1260 = arith.addi %get3A_1199, %add3A_1259 : vector<16xi32>
    %swap3A_1261 = arith.constant 10 : i32
    %swap3A_1262 = arith.index_cast %swap3A_1261 : i32 to index
    %swap3A_1263 = arith.constant 80 : index
    %swap3A_1264 = tpu.vector_load %arg10[%swap3A_1262, %swap3A_1263] {strides = array<i32>} : memref<24x128xi32, #tpu.memory_space<vmem>>, vector<16xi32>,
    tpu.vector_store %arg10[%swap3A_1262, %swap3A_1263], %add3A_1260 {strides = array<i32>} : memref<24x128xi32, #tpu.memory_space<vmem>>, vector<16xi32>,
    %add3A_1265 = arith.constant 400000 : i32
    %add3A_1266 = vector.broadcast %add3A_1265 : i32 to vector<16xi32>
    %add3A_1267 = arith.addi %get3A_1201, %add3A_1266 : vector<16xi32>
    %swap3A_1268 = arith.constant 10 : i32
    %swap3A_1269 = arith.index_cast %swap3A_1268 : i32 to index
    %swap3A_1270 = arith.constant 80 : index
    %swap3A_1271 = tpu.vector_load %arg11[%swap3A_1269, %swap3A_1270] {strides = array<i32>} : memref<24x128xi32, #tpu.memory_space<vmem>>, vector<16xi32>,
    tpu.vector_store %arg11[%swap3A_1269, %swap3A_1270], %add3A_1267 {strides = array<i32>} : memref<24x128xi32, #tpu.memory_space<vmem>>, vector<16xi32>,
    %add3A_1272 = arith.constant 500000 : i32
    %add3A_1273 = vector.broadcast %add3A_1272 : i32 to vector<16xi32>
    %add3A_1274 = arith.addi %get3A_1199, %add3A_1273 : vector<16xi32>
    %swap3A_1275 = arith.constant 11 : i32
    %swap3A_1276 = arith.index_cast %swap3A_1275 : i32 to index
    %swap3A_1277 = arith.constant 80 : index
    %swap3A_1278 = tpu.vector_load %arg10[%swap3A_1276, %swap3A_1277] {strides = array<i32>} : memref<24x128xi32, #tpu.memory_space<vmem>>, vector<16xi32>,
    tpu.vector_store %arg10[%swap3A_1276, %swap3A_1277], %add3A_1274 {strides = array<i32>} : memref<24x128xi32, #tpu.memory_space<vmem>>, vector<16xi32>,
    %add3A_1279 = arith.constant 500000 : i32
    %add3A_1280 = vector.broadcast %add3A_1279 : i32 to vector<16xi32>
    %add3A_1281 = arith.addi %get3A_1201, %add3A_1280 : vector<16xi32>
    %swap3A_1282 = arith.constant 11 : i32
    %swap3A_1283 = arith.index_cast %swap3A_1282 : i32 to index
    %swap3A_1284 = arith.constant 80 : index
    %swap3A_1285 = tpu.vector_load %arg11[%swap3A_1283, %swap3A_1284] {strides = array<i32>} : memref<24x128xi32, #tpu.memory_space<vmem>>, vector<16xi32>,
    tpu.vector_store %arg11[%swap3A_1283, %swap3A_1284], %add3A_1281 {strides = array<i32>} : memref<24x128xi32, #tpu.memory_space<vmem>>, vector<16xi32>,
    %swap3A_1286 = arith.constant 208 : index
    %swap3A_1287 = tpu.vector_load %arg20[%swap3A_1286] {strides = array<i32>} : memref<512xf32, #tpu.memory_space<vmem>>, vector<16xf32>,
    tpu.vector_store %arg20[%swap3A_1286], %broadcast_in_dim3A_3 {strides = array<i32>} : memref<512xf32, #tpu.memory_space<vmem>>, vector<16xf32>,
    %swap3A_1288 = arith.constant 208 : index
    %swap3A_1289 = tpu.vector_load %arg21[%swap3A_1288] {strides = array<i32>} : memref<512xf32, #tpu.memory_space<vmem>>, vector<16xf32>,
    tpu.vector_store %arg21[%swap3A_1288], %broadcast_in_dim3A_3 {strides = array<i32>} : memref<512xf32, #tpu.memory_space<vmem>>, vector<16xf32>,
    %get3A_1290 = arith.constant 224 : index
    %get3A_1291 = tpu.vector_load %arg12[%get3A_1290] {strides = array<i32>} : memref<512xi32, #tpu.memory_space<vmem>>, vector<16xi32>,
    %get3A_1292 = arith.constant 224 : index
    %get3A_1293 = tpu.vector_load %arg13[%get3A_1292] {strides = array<i32>} : memref<512xi32, #tpu.memory_space<vmem>>, vector<16xi32>,
    %add3A_1294 = arith.constant 0 : i32
    %add3A_1295 = vector.broadcast %add3A_1294 : i32 to vector<16xi32>
    %add3A_1296 = arith.addi %get3A_1291, %add3A_1295 : vector<16xi32>
    %swap3A_1297 = arith.constant 6 : i32
    %swap3A_1298 = arith.index_cast %swap3A_1297 : i32 to index
    %swap3A_1299 = arith.constant 96 : index
    %swap3A_1300 = tpu.vector_load %arg10[%swap3A_1298, %swap3A_1299] {strides = array<i32>} : memref<24x128xi32, #tpu.memory_space<vmem>>, vector<16xi32>,
    tpu.vector_store %arg10[%swap3A_1298, %swap3A_1299], %add3A_1296 {strides = array<i32>} : memref<24x128xi32, #tpu.memory_space<vmem>>, vector<16xi32>,
    %add3A_1301 = arith.constant 0 : i32
    %add3A_1302 = vector.broadcast %add3A_1301 : i32 to vector<16xi32>
    %add3A_1303 = arith.addi %get3A_1293, %add3A_1302 : vector<16xi32>
    %swap3A_1304 = arith.constant 6 : i32
    %swap3A_1305 = arith.index_cast %swap3A_1304 : i32 to index
    %swap3A_1306 = arith.constant 96 : index
    %swap3A_1307 = tpu.vector_load %arg11[%swap3A_1305, %swap3A_1306] {strides = array<i32>} : memref<24x128xi32, #tpu.memory_space<vmem>>, vector<16xi32>,
    tpu.vector_store %arg11[%swap3A_1305, %swap3A_1306], %add3A_1303 {strides = array<i32>} : memref<24x128xi32, #tpu.memory_space<vmem>>, vector<16xi32>,
    %add3A_1308 = arith.constant 100000 : i32
    %add3A_1309 = vector.broadcast %add3A_1308 : i32 to vector<16xi32>
    %add3A_1310 = arith.addi %get3A_1291, %add3A_1309 : vector<16xi32>
    %swap3A_1311 = arith.constant 7 : i32
    %swap3A_1312 = arith.index_cast %swap3A_1311 : i32 to index
    %swap3A_1313 = arith.constant 96 : index
    %swap3A_1314 = tpu.vector_load %arg10[%swap3A_1312, %swap3A_1313] {strides = array<i32>} : memref<24x128xi32, #tpu.memory_space<vmem>>, vector<16xi32>,
    tpu.vector_store %arg10[%swap3A_1312, %swap3A_1313], %add3A_1310 {strides = array<i32>} : memref<24x128xi32, #tpu.memory_space<vmem>>, vector<16xi32>,
    %add3A_1315 = arith.constant 100000 : i32
    %add3A_1316 = vector.broadcast %add3A_1315 : i32 to vector<16xi32>
    %add3A_1317 = arith.addi %get3A_1293, %add3A_1316 : vector<16xi32>
    %swap3A_1318 = arith.constant 7 : i32
    %swap3A_1319 = arith.index_cast %swap3A_1318 : i32 to index
    %swap3A_1320 = arith.constant 96 : index
    %swap3A_1321 = tpu.vector_load %arg11[%swap3A_1319, %swap3A_1320] {strides = array<i32>} : memref<24x128xi32, #tpu.memory_space<vmem>>, vector<16xi32>,
    tpu.vector_store %arg11[%swap3A_1319, %swap3A_1320], %add3A_1317 {strides = array<i32>} : memref<24x128xi32, #tpu.memory_space<vmem>>, vector<16xi32>,
    %add3A_1322 = arith.constant 200000 : i32
    %add3A_1323 = vector.broadcast %add3A_1322 : i32 to vector<16xi32>
    %add3A_1324 = arith.addi %get3A_1291, %add3A_1323 : vector<16xi32>
    %swap3A_1325 = arith.constant 8 : i32
    %swap3A_1326 = arith.index_cast %swap3A_1325 : i32 to index
    %swap3A_1327 = arith.constant 96 : index
    %swap3A_1328 = tpu.vector_load %arg10[%swap3A_1326, %swap3A_1327] {strides = array<i32>} : memref<24x128xi32, #tpu.memory_space<vmem>>, vector<16xi32>,
    tpu.vector_store %arg10[%swap3A_1326, %swap3A_1327], %add3A_1324 {strides = array<i32>} : memref<24x128xi32, #tpu.memory_space<vmem>>, vector<16xi32>,
    %add3A_1329 = arith.constant 200000 : i32
    %add3A_1330 = vector.broadcast %add3A_1329 : i32 to vector<16xi32>
    %add3A_1331 = arith.addi %get3A_1293, %add3A_1330 : vector<16xi32>
    %swap3A_1332 = arith.constant 8 : i32
    %swap3A_1333 = arith.index_cast %swap3A_1332 : i32 to index
    %swap3A_1334 = arith.constant 96 : index
    %swap3A_1335 = tpu.vector_load %arg11[%swap3A_1333, %swap3A_1334] {strides = array<i32>} : memref<24x128xi32, #tpu.memory_space<vmem>>, vector<16xi32>,
    tpu.vector_store %arg11[%swap3A_1333, %swap3A_1334], %add3A_1331 {strides = array<i32>} : memref<24x128xi32, #tpu.memory_space<vmem>>, vector<16xi32>,
    %add3A_1336 = arith.constant 300000 : i32
    %add3A_1337 = vector.broadcast %add3A_1336 : i32 to vector<16xi32>
    %add3A_1338 = arith.addi %get3A_1291, %add3A_1337 : vector<16xi32>
    %swap3A_1339 = arith.constant 9 : i32
    %swap3A_1340 = arith.index_cast %swap3A_1339 : i32 to index
    %swap3A_1341 = arith.constant 96 : index
    %swap3A_1342 = tpu.vector_load %arg10[%swap3A_1340, %swap3A_1341] {strides = array<i32>} : memref<24x128xi32, #tpu.memory_space<vmem>>, vector<16xi32>,
    tpu.vector_store %arg10[%swap3A_1340, %swap3A_1341], %add3A_1338 {strides = array<i32>} : memref<24x128xi32, #tpu.memory_space<vmem>>, vector<16xi32>,
    %add3A_1343 = arith.constant 300000 : i32
    %add3A_1344 = vector.broadcast %add3A_1343 : i32 to vector<16xi32>
    %add3A_1345 = arith.addi %get3A_1293, %add3A_1344 : vector<16xi32>
    %swap3A_1346 = arith.constant 9 : i32
    %swap3A_1347 = arith.index_cast %swap3A_1346 : i32 to index
    %swap3A_1348 = arith.constant 96 : index
    %swap3A_1349 = tpu.vector_load %arg11[%swap3A_1347, %swap3A_1348] {strides = array<i32>} : memref<24x128xi32, #tpu.memory_space<vmem>>, vector<16xi32>,
    tpu.vector_store %arg11[%swap3A_1347, %swap3A_1348], %add3A_1345 {strides = array<i32>} : memref<24x128xi32, #tpu.memory_space<vmem>>, vector<16xi32>,
    %add3A_1350 = arith.constant 400000 : i32
    %add3A_1351 = vector.broadcast %add3A_1350 : i32 to vector<16xi32>
    %add3A_1352 = arith.addi %get3A_1291, %add3A_1351 : vector<16xi32>
    %swap3A_1353 = arith.constant 10 : i32
    %swap3A_1354 = arith.index_cast %swap3A_1353 : i32 to index
    %swap3A_1355 = arith.constant 96 : index
    %swap3A_1356 = tpu.vector_load %arg10[%swap3A_1354, %swap3A_1355] {strides = array<i32>} : memref<24x128xi32, #tpu.memory_space<vmem>>, vector<16xi32>,
    tpu.vector_store %arg10[%swap3A_1354, %swap3A_1355], %add3A_1352 {strides = array<i32>} : memref<24x128xi32, #tpu.memory_space<vmem>>, vector<16xi32>,
    %add3A_1357 = arith.constant 400000 : i32
    %add3A_1358 = vector.broadcast %add3A_1357 : i32 to vector<16xi32>
    %add3A_1359 = arith.addi %get3A_1293, %add3A_1358 : vector<16xi32>
    %swap3A_1360 = arith.constant 10 : i32
    %swap3A_1361 = arith.index_cast %swap3A_1360 : i32 to index
    %swap3A_1362 = arith.constant 96 : index
    %swap3A_1363 = tpu.vector_load %arg11[%swap3A_1361, %swap3A_1362] {strides = array<i32>} : memref<24x128xi32, #tpu.memory_space<vmem>>, vector<16xi32>,
    tpu.vector_store %arg11[%swap3A_1361, %swap3A_1362], %add3A_1359 {strides = array<i32>} : memref<24x128xi32, #tpu.memory_space<vmem>>, vector<16xi32>,
    %add3A_1364 = arith.constant 500000 : i32
    %add3A_1365 = vector.broadcast %add3A_1364 : i32 to vector<16xi32>
    %add3A_1366 = arith.addi %get3A_1291, %add3A_1365 : vector<16xi32>
    %swap3A_1367 = arith.constant 11 : i32
    %swap3A_1368 = arith.index_cast %swap3A_1367 : i32 to index
    %swap3A_1369 = arith.constant 96 : index
    %swap3A_1370 = tpu.vector_load %arg10[%swap3A_1368, %swap3A_1369] {strides = array<i32>} : memref<24x128xi32, #tpu.memory_space<vmem>>, vector<16xi32>,
    tpu.vector_store %arg10[%swap3A_1368, %swap3A_1369], %add3A_1366 {strides = array<i32>} : memref<24x128xi32, #tpu.memory_space<vmem>>, vector<16xi32>,
    %add3A_1371 = arith.constant 500000 : i32
    %add3A_1372 = vector.broadcast %add3A_1371 : i32 to vector<16xi32>
    %add3A_1373 = arith.addi %get3A_1293, %add3A_1372 : vector<16xi32>
    %swap3A_1374 = arith.constant 11 : i32
    %swap3A_1375 = arith.index_cast %swap3A_1374 : i32 to index
    %swap3A_1376 = arith.constant 96 : index
    %swap3A_1377 = tpu.vector_load %arg11[%swap3A_1375, %swap3A_1376] {strides = array<i32>} : memref<24x128xi32, #tpu.memory_space<vmem>>, vector<16xi32>,
    tpu.vector_store %arg11[%swap3A_1375, %swap3A_1376], %add3A_1373 {strides = array<i32>} : memref<24x128xi32, #tpu.memory_space<vmem>>, vector<16xi32>,
    %swap3A_1378 = arith.constant 224 : index
    %swap3A_1379 = tpu.vector_load %arg20[%swap3A_1378] {strides = array<i32>} : memref<512xf32, #tpu.memory_space<vmem>>, vector<16xf32>,
    tpu.vector_store %arg20[%swap3A_1378], %broadcast_in_dim3A_3 {strides = array<i32>} : memref<512xf32, #tpu.memory_space<vmem>>, vector<16xf32>,
    %swap3A_1380 = arith.constant 224 : index
    %swap3A_1381 = tpu.vector_load %arg21[%swap3A_1380] {strides = array<i32>} : memref<512xf32, #tpu.memory_space<vmem>>, vector<16xf32>,
    tpu.vector_store %arg21[%swap3A_1380], %broadcast_in_dim3A_3 {strides = array<i32>} : memref<512xf32, #tpu.memory_space<vmem>>, vector<16xf32>,
    %get3A_1382 = arith.constant 240 : index
    %get3A_1383 = tpu.vector_load %arg12[%get3A_1382] {strides = array<i32>} : memref<512xi32, #tpu.memory_space<vmem>>, vector<16xi32>,
    %get3A_1384 = arith.constant 240 : index
    %get3A_1385 = tpu.vector_load %arg13[%get3A_1384] {strides = array<i32>} : memref<512xi32, #tpu.memory_space<vmem>>, vector<16xi32>,
    %add3A_1386 = arith.constant 0 : i32
    %add3A_1387 = vector.broadcast %add3A_1386 : i32 to vector<16xi32>
    %add3A_1388 = arith.addi %get3A_1383, %add3A_1387 : vector<16xi32>
    %swap3A_1389 = arith.constant 6 : i32
    %swap3A_1390 = arith.index_cast %swap3A_1389 : i32 to index
    %swap3A_1391 = arith.constant 112 : index
    %swap3A_1392 = tpu.vector_load %arg10[%swap3A_1390, %swap3A_1391] {strides = array<i32>} : memref<24x128xi32, #tpu.memory_space<vmem>>, vector<16xi32>,
    tpu.vector_store %arg10[%swap3A_1390, %swap3A_1391], %add3A_1388 {strides = array<i32>} : memref<24x128xi32, #tpu.memory_space<vmem>>, vector<16xi32>,
    %add3A_1393 = arith.constant 0 : i32
    %add3A_1394 = vector.broadcast %add3A_1393 : i32 to vector<16xi32>
    %add3A_1395 = arith.addi %get3A_1385, %add3A_1394 : vector<16xi32>
    %swap3A_1396 = arith.constant 6 : i32
    %swap3A_1397 = arith.index_cast %swap3A_1396 : i32 to index
    %swap3A_1398 = arith.constant 112 : index
    %swap3A_1399 = tpu.vector_load %arg11[%swap3A_1397, %swap3A_1398] {strides = array<i32>} : memref<24x128xi32, #tpu.memory_space<vmem>>, vector<16xi32>,
    tpu.vector_store %arg11[%swap3A_1397, %swap3A_1398], %add3A_1395 {strides = array<i32>} : memref<24x128xi32, #tpu.memory_space<vmem>>, vector<16xi32>,
    %add3A_1400 = arith.constant 100000 : i32
    %add3A_1401 = vector.broadcast %add3A_1400 : i32 to vector<16xi32>
    %add3A_1402 = arith.addi %get3A_1383, %add3A_1401 : vector<16xi32>
    %swap3A_1403 = arith.constant 7 : i32
    %swap3A_1404 = arith.index_cast %swap3A_1403 : i32 to index
    %swap3A_1405 = arith.constant 112 : index
    %swap3A_1406 = tpu.vector_load %arg10[%swap3A_1404, %swap3A_1405] {strides = array<i32>} : memref<24x128xi32, #tpu.memory_space<vmem>>, vector<16xi32>,
    tpu.vector_store %arg10[%swap3A_1404, %swap3A_1405], %add3A_1402 {strides = array<i32>} : memref<24x128xi32, #tpu.memory_space<vmem>>, vector<16xi32>,
    %add3A_1407 = arith.constant 100000 : i32
    %add3A_1408 = vector.broadcast %add3A_1407 : i32 to vector<16xi32>
    %add3A_1409 = arith.addi %get3A_1385, %add3A_1408 : vector<16xi32>
    %swap3A_1410 = arith.constant 7 : i32
    %swap3A_1411 = arith.index_cast %swap3A_1410 : i32 to index
    %swap3A_1412 = arith.constant 112 : index
    %swap3A_1413 = tpu.vector_load %arg11[%swap3A_1411, %swap3A_1412] {strides = array<i32>} : memref<24x128xi32, #tpu.memory_space<vmem>>, vector<16xi32>,
    tpu.vector_store %arg11[%swap3A_1411, %swap3A_1412], %add3A_1409 {strides = array<i32>} : memref<24x128xi32, #tpu.memory_space<vmem>>, vector<16xi32>,
    %add3A_1414 = arith.constant 200000 : i32
    %add3A_1415 = vector.broadcast %add3A_1414 : i32 to vector<16xi32>
    %add3A_1416 = arith.addi %get3A_1383, %add3A_1415 : vector<16xi32>
    %swap3A_1417 = arith.constant 8 : i32
    %swap3A_1418 = arith.index_cast %swap3A_1417 : i32 to index
    %swap3A_1419 = arith.constant 112 : index
    %swap3A_1420 = tpu.vector_load %arg10[%swap3A_1418, %swap3A_1419] {strides = array<i32>} : memref<24x128xi32, #tpu.memory_space<vmem>>, vector<16xi32>,
    tpu.vector_store %arg10[%swap3A_1418, %swap3A_1419], %add3A_1416 {strides = array<i32>} : memref<24x128xi32, #tpu.memory_space<vmem>>, vector<16xi32>,
    %add3A_1421 = arith.constant 200000 : i32
    %add3A_1422 = vector.broadcast %add3A_1421 : i32 to vector<16xi32>
    %add3A_1423 = arith.addi %get3A_1385, %add3A_1422 : vector<16xi32>
    %swap3A_1424 = arith.constant 8 : i32
    %swap3A_1425 = arith.index_cast %swap3A_1424 : i32 to index
    %swap3A_1426 = arith.constant 112 : index
    %swap3A_1427 = tpu.vector_load %arg11[%swap3A_1425, %swap3A_1426] {strides = array<i32>} : memref<24x128xi32, #tpu.memory_space<vmem>>, vector<16xi32>,
    tpu.vector_store %arg11[%swap3A_1425, %swap3A_1426], %add3A_1423 {strides = array<i32>} : memref<24x128xi32, #tpu.memory_space<vmem>>, vector<16xi32>,
    %add3A_1428 = arith.constant 300000 : i32
    %add3A_1429 = vector.broadcast %add3A_1428 : i32 to vector<16xi32>
    %add3A_1430 = arith.addi %get3A_1383, %add3A_1429 : vector<16xi32>
    %swap3A_1431 = arith.constant 9 : i32
    %swap3A_1432 = arith.index_cast %swap3A_1431 : i32 to index
    %swap3A_1433 = arith.constant 112 : index
    %swap3A_1434 = tpu.vector_load %arg10[%swap3A_1432, %swap3A_1433] {strides = array<i32>} : memref<24x128xi32, #tpu.memory_space<vmem>>, vector<16xi32>,
    tpu.vector_store %arg10[%swap3A_1432, %swap3A_1433], %add3A_1430 {strides = array<i32>} : memref<24x128xi32, #tpu.memory_space<vmem>>, vector<16xi32>,
    %add3A_1435 = arith.constant 300000 : i32
    %add3A_1436 = vector.broadcast %add3A_1435 : i32 to vector<16xi32>
    %add3A_1437 = arith.addi %get3A_1385, %add3A_1436 : vector<16xi32>
    %swap3A_1438 = arith.constant 9 : i32
    %swap3A_1439 = arith.index_cast %swap3A_1438 : i32 to index
    %swap3A_1440 = arith.constant 112 : index
    %swap3A_1441 = tpu.vector_load %arg11[%swap3A_1439, %swap3A_1440] {strides = array<i32>} : memref<24x128xi32, #tpu.memory_space<vmem>>, vector<16xi32>,
    tpu.vector_store %arg11[%swap3A_1439, %swap3A_1440], %add3A_1437 {strides = array<i32>} : memref<24x128xi32, #tpu.memory_space<vmem>>, vector<16xi32>,
    %add3A_1442 = arith.constant 400000 : i32
    %add3A_1443 = vector.broadcast %add3A_1442 : i32 to vector<16xi32>
    %add3A_1444 = arith.addi %get3A_1383, %add3A_1443 : vector<16xi32>
    %swap3A_1445 = arith.constant 10 : i32
    %swap3A_1446 = arith.index_cast %swap3A_1445 : i32 to index
    %swap3A_1447 = arith.constant 112 : index
    %swap3A_1448 = tpu.vector_load %arg10[%swap3A_1446, %swap3A_1447] {strides = array<i32>} : memref<24x128xi32, #tpu.memory_space<vmem>>, vector<16xi32>,
    tpu.vector_store %arg10[%swap3A_1446, %swap3A_1447], %add3A_1444 {strides = array<i32>} : memref<24x128xi32, #tpu.memory_space<vmem>>, vector<16xi32>,
    %add3A_1449 = arith.constant 400000 : i32
    %add3A_1450 = vector.broadcast %add3A_1449 : i32 to vector<16xi32>
    %add3A_1451 = arith.addi %get3A_1385, %add3A_1450 : vector<16xi32>
    %swap3A_1452 = arith.constant 10 : i32
    %swap3A_1453 = arith.index_cast %swap3A_1452 : i32 to index
    %swap3A_1454 = arith.constant 112 : index
    %swap3A_1455 = tpu.vector_load %arg11[%swap3A_1453, %swap3A_1454] {strides = array<i32>} : memref<24x128xi32, #tpu.memory_space<vmem>>, vector<16xi32>,
    tpu.vector_store %arg11[%swap3A_1453, %swap3A_1454], %add3A_1451 {strides = array<i32>} : memref<24x128xi32, #tpu.memory_space<vmem>>, vector<16xi32>,
    %add3A_1456 = arith.constant 500000 : i32
    %add3A_1457 = vector.broadcast %add3A_1456 : i32 to vector<16xi32>
    %add3A_1458 = arith.addi %get3A_1383, %add3A_1457 : vector<16xi32>
    %swap3A_1459 = arith.constant 11 : i32
    %swap3A_1460 = arith.index_cast %swap3A_1459 : i32 to index
    %swap3A_1461 = arith.constant 112 : index
    %swap3A_1462 = tpu.vector_load %arg10[%swap3A_1460, %swap3A_1461] {strides = array<i32>} : memref<24x128xi32, #tpu.memory_space<vmem>>, vector<16xi32>,
    tpu.vector_store %arg10[%swap3A_1460, %swap3A_1461], %add3A_1458 {strides = array<i32>} : memref<24x128xi32, #tpu.memory_space<vmem>>, vector<16xi32>,
    %add3A_1463 = arith.constant 500000 : i32
    %add3A_1464 = vector.broadcast %add3A_1463 : i32 to vector<16xi32>
    %add3A_1465 = arith.addi %get3A_1385, %add3A_1464 : vector<16xi32>
    %swap3A_1466 = arith.constant 11 : i32
    %swap3A_1467 = arith.index_cast %swap3A_1466 : i32 to index
    %swap3A_1468 = arith.constant 112 : index
    %swap3A_1469 = tpu.vector_load %arg11[%swap3A_1467, %swap3A_1468] {strides = array<i32>} : memref<24x128xi32, #tpu.memory_space<vmem>>, vector<16xi32>,
    tpu.vector_store %arg11[%swap3A_1467, %swap3A_1468], %add3A_1465 {strides = array<i32>} : memref<24x128xi32, #tpu.memory_space<vmem>>, vector<16xi32>,
    %swap3A_1470 = arith.constant 240 : index
    %swap3A_1471 = tpu.vector_load %arg20[%swap3A_1470] {strides = array<i32>} : memref<512xf32, #tpu.memory_space<vmem>>, vector<16xf32>,
    tpu.vector_store %arg20[%swap3A_1470], %broadcast_in_dim3A_3 {strides = array<i32>} : memref<512xf32, #tpu.memory_space<vmem>>, vector<16xf32>,
    %swap3A_1472 = arith.constant 240 : index
    %swap3A_1473 = tpu.vector_load %arg21[%swap3A_1472] {strides = array<i32>} : memref<512xf32, #tpu.memory_space<vmem>>, vector<16xf32>,
    tpu.vector_store %arg21[%swap3A_1472], %broadcast_in_dim3A_3 {strides = array<i32>} : memref<512xf32, #tpu.memory_space<vmem>>, vector<16xf32>,
    %get3A_1474 = arith.constant 256 : index
    %get3A_1475 = tpu.vector_load %arg12[%get3A_1474] {strides = array<i32>} : memref<512xi32, #tpu.memory_space<vmem>>, vector<16xi32>,
    %get3A_1476 = arith.constant 256 : index
    %get3A_1477 = tpu.vector_load %arg13[%get3A_1476] {strides = array<i32>} : memref<512xi32, #tpu.memory_space<vmem>>, vector<16xi32>,
    %add3A_1478 = arith.constant 0 : i32
    %add3A_1479 = vector.broadcast %add3A_1478 : i32 to vector<16xi32>
    %add3A_1480 = arith.addi %get3A_1475, %add3A_1479 : vector<16xi32>
    %swap3A_1481 = arith.constant 12 : i32
    %swap3A_1482 = arith.index_cast %swap3A_1481 : i32 to index
    %swap3A_1483 = arith.constant 0 : index
    %swap3A_1484 = tpu.vector_load %arg10[%swap3A_1482, %swap3A_1483] {strides = array<i32>} : memref<24x128xi32, #tpu.memory_space<vmem>>, vector<16xi32>,
    tpu.vector_store %arg10[%swap3A_1482, %swap3A_1483], %add3A_1480 {strides = array<i32>} : memref<24x128xi32, #tpu.memory_space<vmem>>, vector<16xi32>,
    %add3A_1485 = arith.constant 0 : i32
    %add3A_1486 = vector.broadcast %add3A_1485 : i32 to vector<16xi32>
    %add3A_1487 = arith.addi %get3A_1477, %add3A_1486 : vector<16xi32>
    %swap3A_1488 = arith.constant 12 : i32
    %swap3A_1489 = arith.index_cast %swap3A_1488 : i32 to index
    %swap3A_1490 = arith.constant 0 : index
    %swap3A_1491 = tpu.vector_load %arg11[%swap3A_1489, %swap3A_1490] {strides = array<i32>} : memref<24x128xi32, #tpu.memory_space<vmem>>, vector<16xi32>,
    tpu.vector_store %arg11[%swap3A_1489, %swap3A_1490], %add3A_1487 {strides = array<i32>} : memref<24x128xi32, #tpu.memory_space<vmem>>, vector<16xi32>,
    %add3A_1492 = arith.constant 100000 : i32
    %add3A_1493 = vector.broadcast %add3A_1492 : i32 to vector<16xi32>
    %add3A_1494 = arith.addi %get3A_1475, %add3A_1493 : vector<16xi32>
    %swap3A_1495 = arith.constant 13 : i32
    %swap3A_1496 = arith.index_cast %swap3A_1495 : i32 to index
    %swap3A_1497 = arith.constant 0 : index
    %swap3A_1498 = tpu.vector_load %arg10[%swap3A_1496, %swap3A_1497] {strides = array<i32>} : memref<24x128xi32, #tpu.memory_space<vmem>>, vector<16xi32>,
    tpu.vector_store %arg10[%swap3A_1496, %swap3A_1497], %add3A_1494 {strides = array<i32>} : memref<24x128xi32, #tpu.memory_space<vmem>>, vector<16xi32>,
    %add3A_1499 = arith.constant 100000 : i32
    %add3A_1500 = vector.broadcast %add3A_1499 : i32 to vector<16xi32>
    %add3A_1501 = arith.addi %get3A_1477, %add3A_1500 : vector<16xi32>
    %swap3A_1502 = arith.constant 13 : i32
    %swap3A_1503 = arith.index_cast %swap3A_1502 : i32 to index
    %swap3A_1504 = arith.constant 0 : index
    %swap3A_1505 = tpu.vector_load %arg11[%swap3A_1503, %swap3A_1504] {strides = array<i32>} : memref<24x128xi32, #tpu.memory_space<vmem>>, vector<16xi32>,
    tpu.vector_store %arg11[%swap3A_1503, %swap3A_1504], %add3A_1501 {strides = array<i32>} : memref<24x128xi32, #tpu.memory_space<vmem>>, vector<16xi32>,
    %add3A_1506 = arith.constant 200000 : i32
    %add3A_1507 = vector.broadcast %add3A_1506 : i32 to vector<16xi32>
    %add3A_1508 = arith.addi %get3A_1475, %add3A_1507 : vector<16xi32>
    %swap3A_1509 = arith.constant 14 : i32
    %swap3A_1510 = arith.index_cast %swap3A_1509 : i32 to index
    %swap3A_1511 = arith.constant 0 : index
    %swap3A_1512 = tpu.vector_load %arg10[%swap3A_1510, %swap3A_1511] {strides = array<i32>} : memref<24x128xi32, #tpu.memory_space<vmem>>, vector<16xi32>,
    tpu.vector_store %arg10[%swap3A_1510, %swap3A_1511], %add3A_1508 {strides = array<i32>} : memref<24x128xi32, #tpu.memory_space<vmem>>, vector<16xi32>,
    %add3A_1513 = arith.constant 200000 : i32
    %add3A_1514 = vector.broadcast %add3A_1513 : i32 to vector<16xi32>
    %add3A_1515 = arith.addi %get3A_1477, %add3A_1514 : vector<16xi32>
    %swap3A_1516 = arith.constant 14 : i32
    %swap3A_1517 = arith.index_cast %swap3A_1516 : i32 to index
    %swap3A_1518 = arith.constant 0 : index
    %swap3A_1519 = tpu.vector_load %arg11[%swap3A_1517, %swap3A_1518] {strides = array<i32>} : memref<24x128xi32, #tpu.memory_space<vmem>>, vector<16xi32>,
    tpu.vector_store %arg11[%swap3A_1517, %swap3A_1518], %add3A_1515 {strides = array<i32>} : memref<24x128xi32, #tpu.memory_space<vmem>>, vector<16xi32>,
    %add3A_1520 = arith.constant 300000 : i32
    %add3A_1521 = vector.broadcast %add3A_1520 : i32 to vector<16xi32>
    %add3A_1522 = arith.addi %get3A_1475, %add3A_1521 : vector<16xi32>
    %swap3A_1523 = arith.constant 15 : i32
    %swap3A_1524 = arith.index_cast %swap3A_1523 : i32 to index
    %swap3A_1525 = arith.constant 0 : index
    %swap3A_1526 = tpu.vector_load %arg10[%swap3A_1524, %swap3A_1525] {strides = array<i32>} : memref<24x128xi32, #tpu.memory_space<vmem>>, vector<16xi32>,
    tpu.vector_store %arg10[%swap3A_1524, %swap3A_1525], %add3A_1522 {strides = array<i32>} : memref<24x128xi32, #tpu.memory_space<vmem>>, vector<16xi32>,
    %add3A_1527 = arith.constant 300000 : i32
    %add3A_1528 = vector.broadcast %add3A_1527 : i32 to vector<16xi32>
    %add3A_1529 = arith.addi %get3A_1477, %add3A_1528 : vector<16xi32>
    %swap3A_1530 = arith.constant 15 : i32
    %swap3A_1531 = arith.index_cast %swap3A_1530 : i32 to index
    %swap3A_1532 = arith.constant 0 : index
    %swap3A_1533 = tpu.vector_load %arg11[%swap3A_1531, %swap3A_1532] {strides = array<i32>} : memref<24x128xi32, #tpu.memory_space<vmem>>, vector<16xi32>,
    tpu.vector_store %arg11[%swap3A_1531, %swap3A_1532], %add3A_1529 {strides = array<i32>} : memref<24x128xi32, #tpu.memory_space<vmem>>, vector<16xi32>,
    %add3A_1534 = arith.constant 400000 : i32
    %add3A_1535 = vector.broadcast %add3A_1534 : i32 to vector<16xi32>
    %add3A_1536 = arith.addi %get3A_1475, %add3A_1535 : vector<16xi32>
    %swap3A_1537 = arith.constant 16 : i32
    %swap3A_1538 = arith.index_cast %swap3A_1537 : i32 to index
    %swap3A_1539 = arith.constant 0 : index
    %swap3A_1540 = tpu.vector_load %arg10[%swap3A_1538, %swap3A_1539] {strides = array<i32>} : memref<24x128xi32, #tpu.memory_space<vmem>>, vector<16xi32>,
    tpu.vector_store %arg10[%swap3A_1538, %swap3A_1539], %add3A_1536 {strides = array<i32>} : memref<24x128xi32, #tpu.memory_space<vmem>>, vector<16xi32>,
    %add3A_1541 = arith.constant 400000 : i32
    %add3A_1542 = vector.broadcast %add3A_1541 : i32 to vector<16xi32>
    %add3A_1543 = arith.addi %get3A_1477, %add3A_1542 : vector<16xi32>
    %swap3A_1544 = arith.constant 16 : i32
    %swap3A_1545 = arith.index_cast %swap3A_1544 : i32 to index
    %swap3A_1546 = arith.constant 0 : index
    %swap3A_1547 = tpu.vector_load %arg11[%swap3A_1545, %swap3A_1546] {strides = array<i32>} : memref<24x128xi32, #tpu.memory_space<vmem>>, vector<16xi32>,
    tpu.vector_store %arg11[%swap3A_1545, %swap3A_1546], %add3A_1543 {strides = array<i32>} : memref<24x128xi32, #tpu.memory_space<vmem>>, vector<16xi32>,
    %add3A_1548 = arith.constant 500000 : i32
    %add3A_1549 = vector.broadcast %add3A_1548 : i32 to vector<16xi32>
    %add3A_1550 = arith.addi %get3A_1475, %add3A_1549 : vector<16xi32>
    %swap3A_1551 = arith.constant 17 : i32
    %swap3A_1552 = arith.index_cast %swap3A_1551 : i32 to index
    %swap3A_1553 = arith.constant 0 : index
    %swap3A_1554 = tpu.vector_load %arg10[%swap3A_1552, %swap3A_1553] {strides = array<i32>} : memref<24x128xi32, #tpu.memory_space<vmem>>, vector<16xi32>,
    tpu.vector_store %arg10[%swap3A_1552, %swap3A_1553], %add3A_1550 {strides = array<i32>} : memref<24x128xi32, #tpu.memory_space<vmem>>, vector<16xi32>,
    %add3A_1555 = arith.constant 500000 : i32
    %add3A_1556 = vector.broadcast %add3A_1555 : i32 to vector<16xi32>
    %add3A_1557 = arith.addi %get3A_1477, %add3A_1556 : vector<16xi32>
    %swap3A_1558 = arith.constant 17 : i32
    %swap3A_1559 = arith.index_cast %swap3A_1558 : i32 to index
    %swap3A_1560 = arith.constant 0 : index
    %swap3A_1561 = tpu.vector_load %arg11[%swap3A_1559, %swap3A_1560] {strides = array<i32>} : memref<24x128xi32, #tpu.memory_space<vmem>>, vector<16xi32>,
    tpu.vector_store %arg11[%swap3A_1559, %swap3A_1560], %add3A_1557 {strides = array<i32>} : memref<24x128xi32, #tpu.memory_space<vmem>>, vector<16xi32>,
    %swap3A_1562 = arith.constant 256 : index
    %swap3A_1563 = tpu.vector_load %arg20[%swap3A_1562] {strides = array<i32>} : memref<512xf32, #tpu.memory_space<vmem>>, vector<16xf32>,
    tpu.vector_store %arg20[%swap3A_1562], %broadcast_in_dim3A_3 {strides = array<i32>} : memref<512xf32, #tpu.memory_space<vmem>>, vector<16xf32>,
    %swap3A_1564 = arith.constant 256 : index
    %swap3A_1565 = tpu.vector_load %arg21[%swap3A_1564] {strides = array<i32>} : memref<512xf32, #tpu.memory_space<vmem>>, vector<16xf32>,
    tpu.vector_store %arg21[%swap3A_1564], %broadcast_in_dim3A_3 {strides = array<i32>} : memref<512xf32, #tpu.memory_space<vmem>>, vector<16xf32>,
    %get3A_1566 = arith.constant 272 : index
    %get3A_1567 = tpu.vector_load %arg12[%get3A_1566] {strides = array<i32>} : memref<512xi32, #tpu.memory_space<vmem>>, vector<16xi32>,
    %get3A_1568 = arith.constant 272 : index
    %get3A_1569 = tpu.vector_load %arg13[%get3A_1568] {strides = array<i32>} : memref<512xi32, #tpu.memory_space<vmem>>, vector<16xi32>,
    %add3A_1570 = arith.constant 0 : i32
    %add3A_1571 = vector.broadcast %add3A_1570 : i32 to vector<16xi32>
    %add3A_1572 = arith.addi %get3A_1567, %add3A_1571 : vector<16xi32>
    %swap3A_1573 = arith.constant 12 : i32
    %swap3A_1574 = arith.index_cast %swap3A_1573 : i32 to index
    %swap3A_1575 = arith.constant 16 : index
    %swap3A_1576 = tpu.vector_load %arg10[%swap3A_1574, %swap3A_1575] {strides = array<i32>} : memref<24x128xi32, #tpu.memory_space<vmem>>, vector<16xi32>,
    tpu.vector_store %arg10[%swap3A_1574, %swap3A_1575], %add3A_1572 {strides = array<i32>} : memref<24x128xi32, #tpu.memory_space<vmem>>, vector<16xi32>,
    %add3A_1577 = arith.constant 0 : i32
    %add3A_1578 = vector.broadcast %add3A_1577 : i32 to vector<16xi32>
    %add3A_1579 = arith.addi %get3A_1569, %add3A_1578 : vector<16xi32>
    %swap3A_1580 = arith.constant 12 : i32
    %swap3A_1581 = arith.index_cast %swap3A_1580 : i32 to index
    %swap3A_1582 = arith.constant 16 : index
    %swap3A_1583 = tpu.vector_load %arg11[%swap3A_1581, %swap3A_1582] {strides = array<i32>} : memref<24x128xi32, #tpu.memory_space<vmem>>, vector<16xi32>,
    tpu.vector_store %arg11[%swap3A_1581, %swap3A_1582], %add3A_1579 {strides = array<i32>} : memref<24x128xi32, #tpu.memory_space<vmem>>, vector<16xi32>,
    %add3A_1584 = arith.constant 100000 : i32
    %add3A_1585 = vector.broadcast %add3A_1584 : i32 to vector<16xi32>
    %add3A_1586 = arith.addi %get3A_1567, %add3A_1585 : vector<16xi32>
    %swap3A_1587 = arith.constant 13 : i32
    %swap3A_1588 = arith.index_cast %swap3A_1587 : i32 to index
    %swap3A_1589 = arith.constant 16 : index
    %swap3A_1590 = tpu.vector_load %arg10[%swap3A_1588, %swap3A_1589] {strides = array<i32>} : memref<24x128xi32, #tpu.memory_space<vmem>>, vector<16xi32>,
    tpu.vector_store %arg10[%swap3A_1588, %swap3A_1589], %add3A_1586 {strides = array<i32>} : memref<24x128xi32, #tpu.memory_space<vmem>>, vector<16xi32>,
    %add3A_1591 = arith.constant 100000 : i32
    %add3A_1592 = vector.broadcast %add3A_1591 : i32 to vector<16xi32>
    %add3A_1593 = arith.addi %get3A_1569, %add3A_1592 : vector<16xi32>
    %swap3A_1594 = arith.constant 13 : i32
    %swap3A_1595 = arith.index_cast %swap3A_1594 : i32 to index
    %swap3A_1596 = arith.constant 16 : index
    %swap3A_1597 = tpu.vector_load %arg11[%swap3A_1595, %swap3A_1596] {strides = array<i32>} : memref<24x128xi32, #tpu.memory_space<vmem>>, vector<16xi32>,
    tpu.vector_store %arg11[%swap3A_1595, %swap3A_1596], %add3A_1593 {strides = array<i32>} : memref<24x128xi32, #tpu.memory_space<vmem>>, vector<16xi32>,
    %add3A_1598 = arith.constant 200000 : i32
    %add3A_1599 = vector.broadcast %add3A_1598 : i32 to vector<16xi32>
    %add3A_1600 = arith.addi %get3A_1567, %add3A_1599 : vector<16xi32>
    %swap3A_1601 = arith.constant 14 : i32
    %swap3A_1602 = arith.index_cast %swap3A_1601 : i32 to index
    %swap3A_1603 = arith.constant 16 : index
    %swap3A_1604 = tpu.vector_load %arg10[%swap3A_1602, %swap3A_1603] {strides = array<i32>} : memref<24x128xi32, #tpu.memory_space<vmem>>, vector<16xi32>,
    tpu.vector_store %arg10[%swap3A_1602, %swap3A_1603], %add3A_1600 {strides = array<i32>} : memref<24x128xi32, #tpu.memory_space<vmem>>, vector<16xi32>,
    %add3A_1605 = arith.constant 200000 : i32
    %add3A_1606 = vector.broadcast %add3A_1605 : i32 to vector<16xi32>
    %add3A_1607 = arith.addi %get3A_1569, %add3A_1606 : vector<16xi32>
    %swap3A_1608 = arith.constant 14 : i32
    %swap3A_1609 = arith.index_cast %swap3A_1608 : i32 to index
    %swap3A_1610 = arith.constant 16 : index
    %swap3A_1611 = tpu.vector_load %arg11[%swap3A_1609, %swap3A_1610] {strides = array<i32>} : memref<24x128xi32, #tpu.memory_space<vmem>>, vector<16xi32>,
    tpu.vector_store %arg11[%swap3A_1609, %swap3A_1610], %add3A_1607 {strides = array<i32>} : memref<24x128xi32, #tpu.memory_space<vmem>>, vector<16xi32>,
    %add3A_1612 = arith.constant 300000 : i32
    %add3A_1613 = vector.broadcast %add3A_1612 : i32 to vector<16xi32>
    %add3A_1614 = arith.addi %get3A_1567, %add3A_1613 : vector<16xi32>
    %swap3A_1615 = arith.constant 15 : i32
    %swap3A_1616 = arith.index_cast %swap3A_1615 : i32 to index
    %swap3A_1617 = arith.constant 16 : index
    %swap3A_1618 = tpu.vector_load %arg10[%swap3A_1616, %swap3A_1617] {strides = array<i32>} : memref<24x128xi32, #tpu.memory_space<vmem>>, vector<16xi32>,
    tpu.vector_store %arg10[%swap3A_1616, %swap3A_1617], %add3A_1614 {strides = array<i32>} : memref<24x128xi32, #tpu.memory_space<vmem>>, vector<16xi32>,
    %add3A_1619 = arith.constant 300000 : i32
    %add3A_1620 = vector.broadcast %add3A_1619 : i32 to vector<16xi32>
    %add3A_1621 = arith.addi %get3A_1569, %add3A_1620 : vector<16xi32>
    %swap3A_1622 = arith.constant 15 : i32
    %swap3A_1623 = arith.index_cast %swap3A_1622 : i32 to index
    %swap3A_1624 = arith.constant 16 : index
    %swap3A_1625 = tpu.vector_load %arg11[%swap3A_1623, %swap3A_1624] {strides = array<i32>} : memref<24x128xi32, #tpu.memory_space<vmem>>, vector<16xi32>,
    tpu.vector_store %arg11[%swap3A_1623, %swap3A_1624], %add3A_1621 {strides = array<i32>} : memref<24x128xi32, #tpu.memory_space<vmem>>, vector<16xi32>,
    %add3A_1626 = arith.constant 400000 : i32
    %add3A_1627 = vector.broadcast %add3A_1626 : i32 to vector<16xi32>
    %add3A_1628 = arith.addi %get3A_1567, %add3A_1627 : vector<16xi32>
    %swap3A_1629 = arith.constant 16 : i32
    %swap3A_1630 = arith.index_cast %swap3A_1629 : i32 to index
    %swap3A_1631 = arith.constant 16 : index
    %swap3A_1632 = tpu.vector_load %arg10[%swap3A_1630, %swap3A_1631] {strides = array<i32>} : memref<24x128xi32, #tpu.memory_space<vmem>>, vector<16xi32>,
    tpu.vector_store %arg10[%swap3A_1630, %swap3A_1631], %add3A_1628 {strides = array<i32>} : memref<24x128xi32, #tpu.memory_space<vmem>>, vector<16xi32>,
    %add3A_1633 = arith.constant 400000 : i32
    %add3A_1634 = vector.broadcast %add3A_1633 : i32 to vector<16xi32>
    %add3A_1635 = arith.addi %get3A_1569, %add3A_1634 : vector<16xi32>
    %swap3A_1636 = arith.constant 16 : i32
    %swap3A_1637 = arith.index_cast %swap3A_1636 : i32 to index
    %swap3A_1638 = arith.constant 16 : index
    %swap3A_1639 = tpu.vector_load %arg11[%swap3A_1637, %swap3A_1638] {strides = array<i32>} : memref<24x128xi32, #tpu.memory_space<vmem>>, vector<16xi32>,
    tpu.vector_store %arg11[%swap3A_1637, %swap3A_1638], %add3A_1635 {strides = array<i32>} : memref<24x128xi32, #tpu.memory_space<vmem>>, vector<16xi32>,
    %add3A_1640 = arith.constant 500000 : i32
    %add3A_1641 = vector.broadcast %add3A_1640 : i32 to vector<16xi32>
    %add3A_1642 = arith.addi %get3A_1567, %add3A_1641 : vector<16xi32>
    %swap3A_1643 = arith.constant 17 : i32
    %swap3A_1644 = arith.index_cast %swap3A_1643 : i32 to index
    %swap3A_1645 = arith.constant 16 : index
    %swap3A_1646 = tpu.vector_load %arg10[%swap3A_1644, %swap3A_1645] {strides = array<i32>} : memref<24x128xi32, #tpu.memory_space<vmem>>, vector<16xi32>,
    tpu.vector_store %arg10[%swap3A_1644, %swap3A_1645], %add3A_1642 {strides = array<i32>} : memref<24x128xi32, #tpu.memory_space<vmem>>, vector<16xi32>,
    %add3A_1647 = arith.constant 500000 : i32
    %add3A_1648 = vector.broadcast %add3A_1647 : i32 to vector<16xi32>
    %add3A_1649 = arith.addi %get3A_1569, %add3A_1648 : vector<16xi32>
    %swap3A_1650 = arith.constant 17 : i32
    %swap3A_1651 = arith.index_cast %swap3A_1650 : i32 to index
    %swap3A_1652 = arith.constant 16 : index
    %swap3A_1653 = tpu.vector_load %arg11[%swap3A_1651, %swap3A_1652] {strides = array<i32>} : memref<24x128xi32, #tpu.memory_space<vmem>>, vector<16xi32>,
    tpu.vector_store %arg11[%swap3A_1651, %swap3A_1652], %add3A_1649 {strides = array<i32>} : memref<24x128xi32, #tpu.memory_space<vmem>>, vector<16xi32>,
    %swap3A_1654 = arith.constant 272 : index
    %swap3A_1655 = tpu.vector_load %arg20[%swap3A_1654] {strides = array<i32>} : memref<512xf32, #tpu.memory_space<vmem>>, vector<16xf32>,
    tpu.vector_store %arg20[%swap3A_1654], %broadcast_in_dim3A_3 {strides = array<i32>} : memref<512xf32, #tpu.memory_space<vmem>>, vector<16xf32>,
    %swap3A_1656 = arith.constant 272 : index
    %swap3A_1657 = tpu.vector_load %arg21[%swap3A_1656] {strides = array<i32>} : memref<512xf32, #tpu.memory_space<vmem>>, vector<16xf32>,
    tpu.vector_store %arg21[%swap3A_1656], %broadcast_in_dim3A_3 {strides = array<i32>} : memref<512xf32, #tpu.memory_space<vmem>>, vector<16xf32>,
    %get3A_1658 = arith.constant 288 : index
    %get3A_1659 = tpu.vector_load %arg12[%get3A_1658] {strides = array<i32>} : memref<512xi32, #tpu.memory_space<vmem>>, vector<16xi32>,
    %get3A_1660 = arith.constant 288 : index
    %get3A_1661 = tpu.vector_load %arg13[%get3A_1660] {strides = array<i32>} : memref<512xi32, #tpu.memory_space<vmem>>, vector<16xi32>,
    %add3A_1662 = arith.constant 0 : i32
    %add3A_1663 = vector.broadcast %add3A_1662 : i32 to vector<16xi32>
    %add3A_1664 = arith.addi %get3A_1659, %add3A_1663 : vector<16xi32>
    %swap3A_1665 = arith.constant 12 : i32
    %swap3A_1666 = arith.index_cast %swap3A_1665 : i32 to index
    %swap3A_1667 = arith.constant 32 : index
    %swap3A_1668 = tpu.vector_load %arg10[%swap3A_1666, %swap3A_1667] {strides = array<i32>} : memref<24x128xi32, #tpu.memory_space<vmem>>, vector<16xi32>,
    tpu.vector_store %arg10[%swap3A_1666, %swap3A_1667], %add3A_1664 {strides = array<i32>} : memref<24x128xi32, #tpu.memory_space<vmem>>, vector<16xi32>,
    %add3A_1669 = arith.constant 0 : i32
    %add3A_1670 = vector.broadcast %add3A_1669 : i32 to vector<16xi32>
    %add3A_1671 = arith.addi %get3A_1661, %add3A_1670 : vector<16xi32>
    %swap3A_1672 = arith.constant 12 : i32
    %swap3A_1673 = arith.index_cast %swap3A_1672 : i32 to index
    %swap3A_1674 = arith.constant 32 : index
    %swap3A_1675 = tpu.vector_load %arg11[%swap3A_1673, %swap3A_1674] {strides = array<i32>} : memref<24x128xi32, #tpu.memory_space<vmem>>, vector<16xi32>,
    tpu.vector_store %arg11[%swap3A_1673, %swap3A_1674], %add3A_1671 {strides = array<i32>} : memref<24x128xi32, #tpu.memory_space<vmem>>, vector<16xi32>,
    %add3A_1676 = arith.constant 100000 : i32
    %add3A_1677 = vector.broadcast %add3A_1676 : i32 to vector<16xi32>
    %add3A_1678 = arith.addi %get3A_1659, %add3A_1677 : vector<16xi32>
    %swap3A_1679 = arith.constant 13 : i32
    %swap3A_1680 = arith.index_cast %swap3A_1679 : i32 to index
    %swap3A_1681 = arith.constant 32 : index
    %swap3A_1682 = tpu.vector_load %arg10[%swap3A_1680, %swap3A_1681] {strides = array<i32>} : memref<24x128xi32, #tpu.memory_space<vmem>>, vector<16xi32>,
    tpu.vector_store %arg10[%swap3A_1680, %swap3A_1681], %add3A_1678 {strides = array<i32>} : memref<24x128xi32, #tpu.memory_space<vmem>>, vector<16xi32>,
    %add3A_1683 = arith.constant 100000 : i32
    %add3A_1684 = vector.broadcast %add3A_1683 : i32 to vector<16xi32>
    %add3A_1685 = arith.addi %get3A_1661, %add3A_1684 : vector<16xi32>
    %swap3A_1686 = arith.constant 13 : i32
    %swap3A_1687 = arith.index_cast %swap3A_1686 : i32 to index
    %swap3A_1688 = arith.constant 32 : index
    %swap3A_1689 = tpu.vector_load %arg11[%swap3A_1687, %swap3A_1688] {strides = array<i32>} : memref<24x128xi32, #tpu.memory_space<vmem>>, vector<16xi32>,
    tpu.vector_store %arg11[%swap3A_1687, %swap3A_1688], %add3A_1685 {strides = array<i32>} : memref<24x128xi32, #tpu.memory_space<vmem>>, vector<16xi32>,
    %add3A_1690 = arith.constant 200000 : i32
    %add3A_1691 = vector.broadcast %add3A_1690 : i32 to vector<16xi32>
    %add3A_1692 = arith.addi %get3A_1659, %add3A_1691 : vector<16xi32>
    %swap3A_1693 = arith.constant 14 : i32
    %swap3A_1694 = arith.index_cast %swap3A_1693 : i32 to index
    %swap3A_1695 = arith.constant 32 : index
    %swap3A_1696 = tpu.vector_load %arg10[%swap3A_1694, %swap3A_1695] {strides = array<i32>} : memref<24x128xi32, #tpu.memory_space<vmem>>, vector<16xi32>,
    tpu.vector_store %arg10[%swap3A_1694, %swap3A_1695], %add3A_1692 {strides = array<i32>} : memref<24x128xi32, #tpu.memory_space<vmem>>, vector<16xi32>,
    %add3A_1697 = arith.constant 200000 : i32
    %add3A_1698 = vector.broadcast %add3A_1697 : i32 to vector<16xi32>
    %add3A_1699 = arith.addi %get3A_1661, %add3A_1698 : vector<16xi32>
    %swap3A_1700 = arith.constant 14 : i32
    %swap3A_1701 = arith.index_cast %swap3A_1700 : i32 to index
    %swap3A_1702 = arith.constant 32 : index
    %swap3A_1703 = tpu.vector_load %arg11[%swap3A_1701, %swap3A_1702] {strides = array<i32>} : memref<24x128xi32, #tpu.memory_space<vmem>>, vector<16xi32>,
    tpu.vector_store %arg11[%swap3A_1701, %swap3A_1702], %add3A_1699 {strides = array<i32>} : memref<24x128xi32, #tpu.memory_space<vmem>>, vector<16xi32>,
    %add3A_1704 = arith.constant 300000 : i32
    %add3A_1705 = vector.broadcast %add3A_1704 : i32 to vector<16xi32>
    %add3A_1706 = arith.addi %get3A_1659, %add3A_1705 : vector<16xi32>
    %swap3A_1707 = arith.constant 15 : i32
    %swap3A_1708 = arith.index_cast %swap3A_1707 : i32 to index
    %swap3A_1709 = arith.constant 32 : index
    %swap3A_1710 = tpu.vector_load %arg10[%swap3A_1708, %swap3A_1709] {strides = array<i32>} : memref<24x128xi32, #tpu.memory_space<vmem>>, vector<16xi32>,
    tpu.vector_store %arg10[%swap3A_1708, %swap3A_1709], %add3A_1706 {strides = array<i32>} : memref<24x128xi32, #tpu.memory_space<vmem>>, vector<16xi32>,
    %add3A_1711 = arith.constant 300000 : i32
    %add3A_1712 = vector.broadcast %add3A_1711 : i32 to vector<16xi32>
    %add3A_1713 = arith.addi %get3A_1661, %add3A_1712 : vector<16xi32>
    %swap3A_1714 = arith.constant 15 : i32
    %swap3A_1715 = arith.index_cast %swap3A_1714 : i32 to index
    %swap3A_1716 = arith.constant 32 : index
    %swap3A_1717 = tpu.vector_load %arg11[%swap3A_1715, %swap3A_1716] {strides = array<i32>} : memref<24x128xi32, #tpu.memory_space<vmem>>, vector<16xi32>,
    tpu.vector_store %arg11[%swap3A_1715, %swap3A_1716], %add3A_1713 {strides = array<i32>} : memref<24x128xi32, #tpu.memory_space<vmem>>, vector<16xi32>,
    %add3A_1718 = arith.constant 400000 : i32
    %add3A_1719 = vector.broadcast %add3A_1718 : i32 to vector<16xi32>
    %add3A_1720 = arith.addi %get3A_1659, %add3A_1719 : vector<16xi32>
    %swap3A_1721 = arith.constant 16 : i32
    %swap3A_1722 = arith.index_cast %swap3A_1721 : i32 to index
    %swap3A_1723 = arith.constant 32 : index
    %swap3A_1724 = tpu.vector_load %arg10[%swap3A_1722, %swap3A_1723] {strides = array<i32>} : memref<24x128xi32, #tpu.memory_space<vmem>>, vector<16xi32>,
    tpu.vector_store %arg10[%swap3A_1722, %swap3A_1723], %add3A_1720 {strides = array<i32>} : memref<24x128xi32, #tpu.memory_space<vmem>>, vector<16xi32>,
    %add3A_1725 = arith.constant 400000 : i32
    %add3A_1726 = vector.broadcast %add3A_1725 : i32 to vector<16xi32>
    %add3A_1727 = arith.addi %get3A_1661, %add3A_1726 : vector<16xi32>
    %swap3A_1728 = arith.constant 16 : i32
    %swap3A_1729 = arith.index_cast %swap3A_1728 : i32 to index
    %swap3A_1730 = arith.constant 32 : index
    %swap3A_1731 = tpu.vector_load %arg11[%swap3A_1729, %swap3A_1730] {strides = array<i32>} : memref<24x128xi32, #tpu.memory_space<vmem>>, vector<16xi32>,
    tpu.vector_store %arg11[%swap3A_1729, %swap3A_1730], %add3A_1727 {strides = array<i32>} : memref<24x128xi32, #tpu.memory_space<vmem>>, vector<16xi32>,
    %add3A_1732 = arith.constant 500000 : i32
    %add3A_1733 = vector.broadcast %add3A_1732 : i32 to vector<16xi32>
    %add3A_1734 = arith.addi %get3A_1659, %add3A_1733 : vector<16xi32>
    %swap3A_1735 = arith.constant 17 : i32
    %swap3A_1736 = arith.index_cast %swap3A_1735 : i32 to index
    %swap3A_1737 = arith.constant 32 : index
    %swap3A_1738 = tpu.vector_load %arg10[%swap3A_1736, %swap3A_1737] {strides = array<i32>} : memref<24x128xi32, #tpu.memory_space<vmem>>, vector<16xi32>,
    tpu.vector_store %arg10[%swap3A_1736, %swap3A_1737], %add3A_1734 {strides = array<i32>} : memref<24x128xi32, #tpu.memory_space<vmem>>, vector<16xi32>,
    %add3A_1739 = arith.constant 500000 : i32
    %add3A_1740 = vector.broadcast %add3A_1739 : i32 to vector<16xi32>
    %add3A_1741 = arith.addi %get3A_1661, %add3A_1740 : vector<16xi32>
    %swap3A_1742 = arith.constant 17 : i32
    %swap3A_1743 = arith.index_cast %swap3A_1742 : i32 to index
    %swap3A_1744 = arith.constant 32 : index
    %swap3A_1745 = tpu.vector_load %arg11[%swap3A_1743, %swap3A_1744] {strides = array<i32>} : memref<24x128xi32, #tpu.memory_space<vmem>>, vector<16xi32>,
    tpu.vector_store %arg11[%swap3A_1743, %swap3A_1744], %add3A_1741 {strides = array<i32>} : memref<24x128xi32, #tpu.memory_space<vmem>>, vector<16xi32>,
    %swap3A_1746 = arith.constant 288 : index
    %swap3A_1747 = tpu.vector_load %arg20[%swap3A_1746] {strides = array<i32>} : memref<512xf32, #tpu.memory_space<vmem>>, vector<16xf32>,
    tpu.vector_store %arg20[%swap3A_1746], %broadcast_in_dim3A_3 {strides = array<i32>} : memref<512xf32, #tpu.memory_space<vmem>>, vector<16xf32>,
    %swap3A_1748 = arith.constant 288 : index
    %swap3A_1749 = tpu.vector_load %arg21[%swap3A_1748] {strides = array<i32>} : memref<512xf32, #tpu.memory_space<vmem>>, vector<16xf32>,
    tpu.vector_store %arg21[%swap3A_1748], %broadcast_in_dim3A_3 {strides = array<i32>} : memref<512xf32, #tpu.memory_space<vmem>>, vector<16xf32>,
    %get3A_1750 = arith.constant 304 : index
    %get3A_1751 = tpu.vector_load %arg12[%get3A_1750] {strides = array<i32>} : memref<512xi32, #tpu.memory_space<vmem>>, vector<16xi32>,
    %get3A_1752 = arith.constant 304 : index
    %get3A_1753 = tpu.vector_load %arg13[%get3A_1752] {strides = array<i32>} : memref<512xi32, #tpu.memory_space<vmem>>, vector<16xi32>,
    %add3A_1754 = arith.constant 0 : i32
    %add3A_1755 = vector.broadcast %add3A_1754 : i32 to vector<16xi32>
    %add3A_1756 = arith.addi %get3A_1751, %add3A_1755 : vector<16xi32>
    %swap3A_1757 = arith.constant 12 : i32
    %swap3A_1758 = arith.index_cast %swap3A_1757 : i32 to index
    %swap3A_1759 = arith.constant 48 : index
    %swap3A_1760 = tpu.vector_load %arg10[%swap3A_1758, %swap3A_1759] {strides = array<i32>} : memref<24x128xi32, #tpu.memory_space<vmem>>, vector<16xi32>,
    tpu.vector_store %arg10[%swap3A_1758, %swap3A_1759], %add3A_1756 {strides = array<i32>} : memref<24x128xi32, #tpu.memory_space<vmem>>, vector<16xi32>,
    %add3A_1761 = arith.constant 0 : i32
    %add3A_1762 = vector.broadcast %add3A_1761 : i32 to vector<16xi32>
    %add3A_1763 = arith.addi %get3A_1753, %add3A_1762 : vector<16xi32>
    %swap3A_1764 = arith.constant 12 : i32
    %swap3A_1765 = arith.index_cast %swap3A_1764 : i32 to index
    %swap3A_1766 = arith.constant 48 : index
    %swap3A_1767 = tpu.vector_load %arg11[%swap3A_1765, %swap3A_1766] {strides = array<i32>} : memref<24x128xi32, #tpu.memory_space<vmem>>, vector<16xi32>,
    tpu.vector_store %arg11[%swap3A_1765, %swap3A_1766], %add3A_1763 {strides = array<i32>} : memref<24x128xi32, #tpu.memory_space<vmem>>, vector<16xi32>,
    %add3A_1768 = arith.constant 100000 : i32
    %add3A_1769 = vector.broadcast %add3A_1768 : i32 to vector<16xi32>
    %add3A_1770 = arith.addi %get3A_1751, %add3A_1769 : vector<16xi32>
    %swap3A_1771 = arith.constant 13 : i32
    %swap3A_1772 = arith.index_cast %swap3A_1771 : i32 to index
    %swap3A_1773 = arith.constant 48 : index
    %swap3A_1774 = tpu.vector_load %arg10[%swap3A_1772, %swap3A_1773] {strides = array<i32>} : memref<24x128xi32, #tpu.memory_space<vmem>>, vector<16xi32>,
    tpu.vector_store %arg10[%swap3A_1772, %swap3A_1773], %add3A_1770 {strides = array<i32>} : memref<24x128xi32, #tpu.memory_space<vmem>>, vector<16xi32>,
    %add3A_1775 = arith.constant 100000 : i32
    %add3A_1776 = vector.broadcast %add3A_1775 : i32 to vector<16xi32>
    %add3A_1777 = arith.addi %get3A_1753, %add3A_1776 : vector<16xi32>
    %swap3A_1778 = arith.constant 13 : i32
    %swap3A_1779 = arith.index_cast %swap3A_1778 : i32 to index
    %swap3A_1780 = arith.constant 48 : index
    %swap3A_1781 = tpu.vector_load %arg11[%swap3A_1779, %swap3A_1780] {strides = array<i32>} : memref<24x128xi32, #tpu.memory_space<vmem>>, vector<16xi32>,
    tpu.vector_store %arg11[%swap3A_1779, %swap3A_1780], %add3A_1777 {strides = array<i32>} : memref<24x128xi32, #tpu.memory_space<vmem>>, vector<16xi32>,
    %add3A_1782 = arith.constant 200000 : i32
    %add3A_1783 = vector.broadcast %add3A_1782 : i32 to vector<16xi32>
    %add3A_1784 = arith.addi %get3A_1751, %add3A_1783 : vector<16xi32>
    %swap3A_1785 = arith.constant 14 : i32
    %swap3A_1786 = arith.index_cast %swap3A_1785 : i32 to index
    %swap3A_1787 = arith.constant 48 : index
    %swap3A_1788 = tpu.vector_load %arg10[%swap3A_1786, %swap3A_1787] {strides = array<i32>} : memref<24x128xi32, #tpu.memory_space<vmem>>, vector<16xi32>,
    tpu.vector_store %arg10[%swap3A_1786, %swap3A_1787], %add3A_1784 {strides = array<i32>} : memref<24x128xi32, #tpu.memory_space<vmem>>, vector<16xi32>,
    %add3A_1789 = arith.constant 200000 : i32
    %add3A_1790 = vector.broadcast %add3A_1789 : i32 to vector<16xi32>
    %add3A_1791 = arith.addi %get3A_1753, %add3A_1790 : vector<16xi32>
    %swap3A_1792 = arith.constant 14 : i32
    %swap3A_1793 = arith.index_cast %swap3A_1792 : i32 to index
    %swap3A_1794 = arith.constant 48 : index
    %swap3A_1795 = tpu.vector_load %arg11[%swap3A_1793, %swap3A_1794] {strides = array<i32>} : memref<24x128xi32, #tpu.memory_space<vmem>>, vector<16xi32>,
    tpu.vector_store %arg11[%swap3A_1793, %swap3A_1794], %add3A_1791 {strides = array<i32>} : memref<24x128xi32, #tpu.memory_space<vmem>>, vector<16xi32>,
    %add3A_1796 = arith.constant 300000 : i32
    %add3A_1797 = vector.broadcast %add3A_1796 : i32 to vector<16xi32>
    %add3A_1798 = arith.addi %get3A_1751, %add3A_1797 : vector<16xi32>
    %swap3A_1799 = arith.constant 15 : i32
    %swap3A_1800 = arith.index_cast %swap3A_1799 : i32 to index
    %swap3A_1801 = arith.constant 48 : index
    %swap3A_1802 = tpu.vector_load %arg10[%swap3A_1800, %swap3A_1801] {strides = array<i32>} : memref<24x128xi32, #tpu.memory_space<vmem>>, vector<16xi32>,
    tpu.vector_store %arg10[%swap3A_1800, %swap3A_1801], %add3A_1798 {strides = array<i32>} : memref<24x128xi32, #tpu.memory_space<vmem>>, vector<16xi32>,
    %add3A_1803 = arith.constant 300000 : i32
    %add3A_1804 = vector.broadcast %add3A_1803 : i32 to vector<16xi32>
    %add3A_1805 = arith.addi %get3A_1753, %add3A_1804 : vector<16xi32>
    %swap3A_1806 = arith.constant 15 : i32
    %swap3A_1807 = arith.index_cast %swap3A_1806 : i32 to index
    %swap3A_1808 = arith.constant 48 : index
    %swap3A_1809 = tpu.vector_load %arg11[%swap3A_1807, %swap3A_1808] {strides = array<i32>} : memref<24x128xi32, #tpu.memory_space<vmem>>, vector<16xi32>,
    tpu.vector_store %arg11[%swap3A_1807, %swap3A_1808], %add3A_1805 {strides = array<i32>} : memref<24x128xi32, #tpu.memory_space<vmem>>, vector<16xi32>,
    %add3A_1810 = arith.constant 400000 : i32
    %add3A_1811 = vector.broadcast %add3A_1810 : i32 to vector<16xi32>
    %add3A_1812 = arith.addi %get3A_1751, %add3A_1811 : vector<16xi32>
    %swap3A_1813 = arith.constant 16 : i32
    %swap3A_1814 = arith.index_cast %swap3A_1813 : i32 to index
    %swap3A_1815 = arith.constant 48 : index
    %swap3A_1816 = tpu.vector_load %arg10[%swap3A_1814, %swap3A_1815] {strides = array<i32>} : memref<24x128xi32, #tpu.memory_space<vmem>>, vector<16xi32>,
    tpu.vector_store %arg10[%swap3A_1814, %swap3A_1815], %add3A_1812 {strides = array<i32>} : memref<24x128xi32, #tpu.memory_space<vmem>>, vector<16xi32>,
    %add3A_1817 = arith.constant 400000 : i32
    %add3A_1818 = vector.broadcast %add3A_1817 : i32 to vector<16xi32>
    %add3A_1819 = arith.addi %get3A_1753, %add3A_1818 : vector<16xi32>
    %swap3A_1820 = arith.constant 16 : i32
    %swap3A_1821 = arith.index_cast %swap3A_1820 : i32 to index
    %swap3A_1822 = arith.constant 48 : index
    %swap3A_1823 = tpu.vector_load %arg11[%swap3A_1821, %swap3A_1822] {strides = array<i32>} : memref<24x128xi32, #tpu.memory_space<vmem>>, vector<16xi32>,
    tpu.vector_store %arg11[%swap3A_1821, %swap3A_1822], %add3A_1819 {strides = array<i32>} : memref<24x128xi32, #tpu.memory_space<vmem>>, vector<16xi32>,
    %add3A_1824 = arith.constant 500000 : i32
    %add3A_1825 = vector.broadcast %add3A_1824 : i32 to vector<16xi32>
    %add3A_1826 = arith.addi %get3A_1751, %add3A_1825 : vector<16xi32>
    %swap3A_1827 = arith.constant 17 : i32
    %swap3A_1828 = arith.index_cast %swap3A_1827 : i32 to index
    %swap3A_1829 = arith.constant 48 : index
    %swap3A_1830 = tpu.vector_load %arg10[%swap3A_1828, %swap3A_1829] {strides = array<i32>} : memref<24x128xi32, #tpu.memory_space<vmem>>, vector<16xi32>,
    tpu.vector_store %arg10[%swap3A_1828, %swap3A_1829], %add3A_1826 {strides = array<i32>} : memref<24x128xi32, #tpu.memory_space<vmem>>, vector<16xi32>,
    %add3A_1831 = arith.constant 500000 : i32
    %add3A_1832 = vector.broadcast %add3A_1831 : i32 to vector<16xi32>
    %add3A_1833 = arith.addi %get3A_1753, %add3A_1832 : vector<16xi32>
    %swap3A_1834 = arith.constant 17 : i32
    %swap3A_1835 = arith.index_cast %swap3A_1834 : i32 to index
    %swap3A_1836 = arith.constant 48 : index
    %swap3A_1837 = tpu.vector_load %arg11[%swap3A_1835, %swap3A_1836] {strides = array<i32>} : memref<24x128xi32, #tpu.memory_space<vmem>>, vector<16xi32>,
    tpu.vector_store %arg11[%swap3A_1835, %swap3A_1836], %add3A_1833 {strides = array<i32>} : memref<24x128xi32, #tpu.memory_space<vmem>>, vector<16xi32>,
    %swap3A_1838 = arith.constant 304 : index
    %swap3A_1839 = tpu.vector_load %arg20[%swap3A_1838] {strides = array<i32>} : memref<512xf32, #tpu.memory_space<vmem>>, vector<16xf32>,
    tpu.vector_store %arg20[%swap3A_1838], %broadcast_in_dim3A_3 {strides = array<i32>} : memref<512xf32, #tpu.memory_space<vmem>>, vector<16xf32>,
    %swap3A_1840 = arith.constant 304 : index
    %swap3A_1841 = tpu.vector_load %arg21[%swap3A_1840] {strides = array<i32>} : memref<512xf32, #tpu.memory_space<vmem>>, vector<16xf32>,
    tpu.vector_store %arg21[%swap3A_1840], %broadcast_in_dim3A_3 {strides = array<i32>} : memref<512xf32, #tpu.memory_space<vmem>>, vector<16xf32>,
    %get3A_1842 = arith.constant 320 : index
    %get3A_1843 = tpu.vector_load %arg12[%get3A_1842] {strides = array<i32>} : memref<512xi32, #tpu.memory_space<vmem>>, vector<16xi32>,
    %get3A_1844 = arith.constant 320 : index
    %get3A_1845 = tpu.vector_load %arg13[%get3A_1844] {strides = array<i32>} : memref<512xi32, #tpu.memory_space<vmem>>, vector<16xi32>,
    %add3A_1846 = arith.constant 0 : i32
    %add3A_1847 = vector.broadcast %add3A_1846 : i32 to vector<16xi32>
    %add3A_1848 = arith.addi %get3A_1843, %add3A_1847 : vector<16xi32>
    %swap3A_1849 = arith.constant 12 : i32
    %swap3A_1850 = arith.index_cast %swap3A_1849 : i32 to index
    %swap3A_1851 = arith.constant 64 : index
    %swap3A_1852 = tpu.vector_load %arg10[%swap3A_1850, %swap3A_1851] {strides = array<i32>} : memref<24x128xi32, #tpu.memory_space<vmem>>, vector<16xi32>,
    tpu.vector_store %arg10[%swap3A_1850, %swap3A_1851], %add3A_1848 {strides = array<i32>} : memref<24x128xi32, #tpu.memory_space<vmem>>, vector<16xi32>,
    %add3A_1853 = arith.constant 0 : i32
    %add3A_1854 = vector.broadcast %add3A_1853 : i32 to vector<16xi32>
    %add3A_1855 = arith.addi %get3A_1845, %add3A_1854 : vector<16xi32>
    %swap3A_1856 = arith.constant 12 : i32
    %swap3A_1857 = arith.index_cast %swap3A_1856 : i32 to index
    %swap3A_1858 = arith.constant 64 : index
    %swap3A_1859 = tpu.vector_load %arg11[%swap3A_1857, %swap3A_1858] {strides = array<i32>} : memref<24x128xi32, #tpu.memory_space<vmem>>, vector<16xi32>,
    tpu.vector_store %arg11[%swap3A_1857, %swap3A_1858], %add3A_1855 {strides = array<i32>} : memref<24x128xi32, #tpu.memory_space<vmem>>, vector<16xi32>,
    %add3A_1860 = arith.constant 100000 : i32
    %add3A_1861 = vector.broadcast %add3A_1860 : i32 to vector<16xi32>
    %add3A_1862 = arith.addi %get3A_1843, %add3A_1861 : vector<16xi32>
    %swap3A_1863 = arith.constant 13 : i32
    %swap3A_1864 = arith.index_cast %swap3A_1863 : i32 to index
    %swap3A_1865 = arith.constant 64 : index
    %swap3A_1866 = tpu.vector_load %arg10[%swap3A_1864, %swap3A_1865] {strides = array<i32>} : memref<24x128xi32, #tpu.memory_space<vmem>>, vector<16xi32>,
    tpu.vector_store %arg10[%swap3A_1864, %swap3A_1865], %add3A_1862 {strides = array<i32>} : memref<24x128xi32, #tpu.memory_space<vmem>>, vector<16xi32>,
    %add3A_1867 = arith.constant 100000 : i32
    %add3A_1868 = vector.broadcast %add3A_1867 : i32 to vector<16xi32>
    %add3A_1869 = arith.addi %get3A_1845, %add3A_1868 : vector<16xi32>
    %swap3A_1870 = arith.constant 13 : i32
    %swap3A_1871 = arith.index_cast %swap3A_1870 : i32 to index
    %swap3A_1872 = arith.constant 64 : index
    %swap3A_1873 = tpu.vector_load %arg11[%swap3A_1871, %swap3A_1872] {strides = array<i32>} : memref<24x128xi32, #tpu.memory_space<vmem>>, vector<16xi32>,
    tpu.vector_store %arg11[%swap3A_1871, %swap3A_1872], %add3A_1869 {strides = array<i32>} : memref<24x128xi32, #tpu.memory_space<vmem>>, vector<16xi32>,
    %add3A_1874 = arith.constant 200000 : i32
    %add3A_1875 = vector.broadcast %add3A_1874 : i32 to vector<16xi32>
    %add3A_1876 = arith.addi %get3A_1843, %add3A_1875 : vector<16xi32>
    %swap3A_1877 = arith.constant 14 : i32
    %swap3A_1878 = arith.index_cast %swap3A_1877 : i32 to index
    %swap3A_1879 = arith.constant 64 : index
    %swap3A_1880 = tpu.vector_load %arg10[%swap3A_1878, %swap3A_1879] {strides = array<i32>} : memref<24x128xi32, #tpu.memory_space<vmem>>, vector<16xi32>,
    tpu.vector_store %arg10[%swap3A_1878, %swap3A_1879], %add3A_1876 {strides = array<i32>} : memref<24x128xi32, #tpu.memory_space<vmem>>, vector<16xi32>,
    %add3A_1881 = arith.constant 200000 : i32
    %add3A_1882 = vector.broadcast %add3A_1881 : i32 to vector<16xi32>
    %add3A_1883 = arith.addi %get3A_1845, %add3A_1882 : vector<16xi32>
    %swap3A_1884 = arith.constant 14 : i32
    %swap3A_1885 = arith.index_cast %swap3A_1884 : i32 to index
    %swap3A_1886 = arith.constant 64 : index
    %swap3A_1887 = tpu.vector_load %arg11[%swap3A_1885, %swap3A_1886] {strides = array<i32>} : memref<24x128xi32, #tpu.memory_space<vmem>>, vector<16xi32>,
    tpu.vector_store %arg11[%swap3A_1885, %swap3A_1886], %add3A_1883 {strides = array<i32>} : memref<24x128xi32, #tpu.memory_space<vmem>>, vector<16xi32>,
    %add3A_1888 = arith.constant 300000 : i32
    %add3A_1889 = vector.broadcast %add3A_1888 : i32 to vector<16xi32>
    %add3A_1890 = arith.addi %get3A_1843, %add3A_1889 : vector<16xi32>
    %swap3A_1891 = arith.constant 15 : i32
    %swap3A_1892 = arith.index_cast %swap3A_1891 : i32 to index
    %swap3A_1893 = arith.constant 64 : index
    %swap3A_1894 = tpu.vector_load %arg10[%swap3A_1892, %swap3A_1893] {strides = array<i32>} : memref<24x128xi32, #tpu.memory_space<vmem>>, vector<16xi32>,
    tpu.vector_store %arg10[%swap3A_1892, %swap3A_1893], %add3A_1890 {strides = array<i32>} : memref<24x128xi32, #tpu.memory_space<vmem>>, vector<16xi32>,
    %add3A_1895 = arith.constant 300000 : i32
    %add3A_1896 = vector.broadcast %add3A_1895 : i32 to vector<16xi32>
    %add3A_1897 = arith.addi %get3A_1845, %add3A_1896 : vector<16xi32>
    %swap3A_1898 = arith.constant 15 : i32
    %swap3A_1899 = arith.index_cast %swap3A_1898 : i32 to index
    %swap3A_1900 = arith.constant 64 : index
    %swap3A_1901 = tpu.vector_load %arg11[%swap3A_1899, %swap3A_1900] {strides = array<i32>} : memref<24x128xi32, #tpu.memory_space<vmem>>, vector<16xi32>,
    tpu.vector_store %arg11[%swap3A_1899, %swap3A_1900], %add3A_1897 {strides = array<i32>} : memref<24x128xi32, #tpu.memory_space<vmem>>, vector<16xi32>,
    %add3A_1902 = arith.constant 400000 : i32
    %add3A_1903 = vector.broadcast %add3A_1902 : i32 to vector<16xi32>
    %add3A_1904 = arith.addi %get3A_1843, %add3A_1903 : vector<16xi32>
    %swap3A_1905 = arith.constant 16 : i32
    %swap3A_1906 = arith.index_cast %swap3A_1905 : i32 to index
    %swap3A_1907 = arith.constant 64 : index
    %swap3A_1908 = tpu.vector_load %arg10[%swap3A_1906, %swap3A_1907] {strides = array<i32>} : memref<24x128xi32, #tpu.memory_space<vmem>>, vector<16xi32>,
    tpu.vector_store %arg10[%swap3A_1906, %swap3A_1907], %add3A_1904 {strides = array<i32>} : memref<24x128xi32, #tpu.memory_space<vmem>>, vector<16xi32>,
    %add3A_1909 = arith.constant 400000 : i32
    %add3A_1910 = vector.broadcast %add3A_1909 : i32 to vector<16xi32>
    %add3A_1911 = arith.addi %get3A_1845, %add3A_1910 : vector<16xi32>
    %swap3A_1912 = arith.constant 16 : i32
    %swap3A_1913 = arith.index_cast %swap3A_1912 : i32 to index
    %swap3A_1914 = arith.constant 64 : index
    %swap3A_1915 = tpu.vector_load %arg11[%swap3A_1913, %swap3A_1914] {strides = array<i32>} : memref<24x128xi32, #tpu.memory_space<vmem>>, vector<16xi32>,
    tpu.vector_store %arg11[%swap3A_1913, %swap3A_1914], %add3A_1911 {strides = array<i32>} : memref<24x128xi32, #tpu.memory_space<vmem>>, vector<16xi32>,
    %add3A_1916 = arith.constant 500000 : i32
    %add3A_1917 = vector.broadcast %add3A_1916 : i32 to vector<16xi32>
    %add3A_1918 = arith.addi %get3A_1843, %add3A_1917 : vector<16xi32>
    %swap3A_1919 = arith.constant 17 : i32
    %swap3A_1920 = arith.index_cast %swap3A_1919 : i32 to index
    %swap3A_1921 = arith.constant 64 : index
    %swap3A_1922 = tpu.vector_load %arg10[%swap3A_1920, %swap3A_1921] {strides = array<i32>} : memref<24x128xi32, #tpu.memory_space<vmem>>, vector<16xi32>,
    tpu.vector_store %arg10[%swap3A_1920, %swap3A_1921], %add3A_1918 {strides = array<i32>} : memref<24x128xi32, #tpu.memory_space<vmem>>, vector<16xi32>,
    %add3A_1923 = arith.constant 500000 : i32
    %add3A_1924 = vector.broadcast %add3A_1923 : i32 to vector<16xi32>
    %add3A_1925 = arith.addi %get3A_1845, %add3A_1924 : vector<16xi32>
    %swap3A_1926 = arith.constant 17 : i32
    %swap3A_1927 = arith.index_cast %swap3A_1926 : i32 to index
    %swap3A_1928 = arith.constant 64 : index
    %swap3A_1929 = tpu.vector_load %arg11[%swap3A_1927, %swap3A_1928] {strides = array<i32>} : memref<24x128xi32, #tpu.memory_space<vmem>>, vector<16xi32>,
    tpu.vector_store %arg11[%swap3A_1927, %swap3A_1928], %add3A_1925 {strides = array<i32>} : memref<24x128xi32, #tpu.memory_space<vmem>>, vector<16xi32>,
    %swap3A_1930 = arith.constant 320 : index
    %swap3A_1931 = tpu.vector_load %arg20[%swap3A_1930] {strides = array<i32>} : memref<512xf32, #tpu.memory_space<vmem>>, vector<16xf32>,
    tpu.vector_store %arg20[%swap3A_1930], %broadcast_in_dim3A_3 {strides = array<i32>} : memref<512xf32, #tpu.memory_space<vmem>>, vector<16xf32>,
    %swap3A_1932 = arith.constant 320 : index
    %swap3A_1933 = tpu.vector_load %arg21[%swap3A_1932] {strides = array<i32>} : memref<512xf32, #tpu.memory_space<vmem>>, vector<16xf32>,
    tpu.vector_store %arg21[%swap3A_1932], %broadcast_in_dim3A_3 {strides = array<i32>} : memref<512xf32, #tpu.memory_space<vmem>>, vector<16xf32>,
    %get3A_1934 = arith.constant 336 : index
    %get3A_1935 = tpu.vector_load %arg12[%get3A_1934] {strides = array<i32>} : memref<512xi32, #tpu.memory_space<vmem>>, vector<16xi32>,
    %get3A_1936 = arith.constant 336 : index
    %get3A_1937 = tpu.vector_load %arg13[%get3A_1936] {strides = array<i32>} : memref<512xi32, #tpu.memory_space<vmem>>, vector<16xi32>,
    %add3A_1938 = arith.constant 0 : i32
    %add3A_1939 = vector.broadcast %add3A_1938 : i32 to vector<16xi32>
    %add3A_1940 = arith.addi %get3A_1935, %add3A_1939 : vector<16xi32>
    %swap3A_1941 = arith.constant 12 : i32
    %swap3A_1942 = arith.index_cast %swap3A_1941 : i32 to index
    %swap3A_1943 = arith.constant 80 : index
    %swap3A_1944 = tpu.vector_load %arg10[%swap3A_1942, %swap3A_1943] {strides = array<i32>} : memref<24x128xi32, #tpu.memory_space<vmem>>, vector<16xi32>,
    tpu.vector_store %arg10[%swap3A_1942, %swap3A_1943], %add3A_1940 {strides = array<i32>} : memref<24x128xi32, #tpu.memory_space<vmem>>, vector<16xi32>,
    %add3A_1945 = arith.constant 0 : i32
    %add3A_1946 = vector.broadcast %add3A_1945 : i32 to vector<16xi32>
    %add3A_1947 = arith.addi %get3A_1937, %add3A_1946 : vector<16xi32>
    %swap3A_1948 = arith.constant 12 : i32
    %swap3A_1949 = arith.index_cast %swap3A_1948 : i32 to index
    %swap3A_1950 = arith.constant 80 : index
    %swap3A_1951 = tpu.vector_load %arg11[%swap3A_1949, %swap3A_1950] {strides = array<i32>} : memref<24x128xi32, #tpu.memory_space<vmem>>, vector<16xi32>,
    tpu.vector_store %arg11[%swap3A_1949, %swap3A_1950], %add3A_1947 {strides = array<i32>} : memref<24x128xi32, #tpu.memory_space<vmem>>, vector<16xi32>,
    %add3A_1952 = arith.constant 100000 : i32
    %add3A_1953 = vector.broadcast %add3A_1952 : i32 to vector<16xi32>
    %add3A_1954 = arith.addi %get3A_1935, %add3A_1953 : vector<16xi32>
    %swap3A_1955 = arith.constant 13 : i32
    %swap3A_1956 = arith.index_cast %swap3A_1955 : i32 to index
    %swap3A_1957 = arith.constant 80 : index
    %swap3A_1958 = tpu.vector_load %arg10[%swap3A_1956, %swap3A_1957] {strides = array<i32>} : memref<24x128xi32, #tpu.memory_space<vmem>>, vector<16xi32>,
    tpu.vector_store %arg10[%swap3A_1956, %swap3A_1957], %add3A_1954 {strides = array<i32>} : memref<24x128xi32, #tpu.memory_space<vmem>>, vector<16xi32>,
    %add3A_1959 = arith.constant 100000 : i32
    %add3A_1960 = vector.broadcast %add3A_1959 : i32 to vector<16xi32>
    %add3A_1961 = arith.addi %get3A_1937, %add3A_1960 : vector<16xi32>
    %swap3A_1962 = arith.constant 13 : i32
    %swap3A_1963 = arith.index_cast %swap3A_1962 : i32 to index
    %swap3A_1964 = arith.constant 80 : index
    %swap3A_1965 = tpu.vector_load %arg11[%swap3A_1963, %swap3A_1964] {strides = array<i32>} : memref<24x128xi32, #tpu.memory_space<vmem>>, vector<16xi32>,
    tpu.vector_store %arg11[%swap3A_1963, %swap3A_1964], %add3A_1961 {strides = array<i32>} : memref<24x128xi32, #tpu.memory_space<vmem>>, vector<16xi32>,
    %add3A_1966 = arith.constant 200000 : i32
    %add3A_1967 = vector.broadcast %add3A_1966 : i32 to vector<16xi32>
    %add3A_1968 = arith.addi %get3A_1935, %add3A_1967 : vector<16xi32>
    %swap3A_1969 = arith.constant 14 : i32
    %swap3A_1970 = arith.index_cast %swap3A_1969 : i32 to index
    %swap3A_1971 = arith.constant 80 : index
    %swap3A_1972 = tpu.vector_load %arg10[%swap3A_1970, %swap3A_1971] {strides = array<i32>} : memref<24x128xi32, #tpu.memory_space<vmem>>, vector<16xi32>,
    tpu.vector_store %arg10[%swap3A_1970, %swap3A_1971], %add3A_1968 {strides = array<i32>} : memref<24x128xi32, #tpu.memory_space<vmem>>, vector<16xi32>,
    %add3A_1973 = arith.constant 200000 : i32
    %add3A_1974 = vector.broadcast %add3A_1973 : i32 to vector<16xi32>
    %add3A_1975 = arith.addi %get3A_1937, %add3A_1974 : vector<16xi32>
    %swap3A_1976 = arith.constant 14 : i32
    %swap3A_1977 = arith.index_cast %swap3A_1976 : i32 to index
    %swap3A_1978 = arith.constant 80 : index
    %swap3A_1979 = tpu.vector_load %arg11[%swap3A_1977, %swap3A_1978] {strides = array<i32>} : memref<24x128xi32, #tpu.memory_space<vmem>>, vector<16xi32>,
    tpu.vector_store %arg11[%swap3A_1977, %swap3A_1978], %add3A_1975 {strides = array<i32>} : memref<24x128xi32, #tpu.memory_space<vmem>>, vector<16xi32>,
    %add3A_1980 = arith.constant 300000 : i32
    %add3A_1981 = vector.broadcast %add3A_1980 : i32 to vector<16xi32>
    %add3A_1982 = arith.addi %get3A_1935, %add3A_1981 : vector<16xi32>
    %swap3A_1983 = arith.constant 15 : i32
    %swap3A_1984 = arith.index_cast %swap3A_1983 : i32 to index
    %swap3A_1985 = arith.constant 80 : index
    %swap3A_1986 = tpu.vector_load %arg10[%swap3A_1984, %swap3A_1985] {strides = array<i32>} : memref<24x128xi32, #tpu.memory_space<vmem>>, vector<16xi32>,
    tpu.vector_store %arg10[%swap3A_1984, %swap3A_1985], %add3A_1982 {strides = array<i32>} : memref<24x128xi32, #tpu.memory_space<vmem>>, vector<16xi32>,
    %add3A_1987 = arith.constant 300000 : i32
    %add3A_1988 = vector.broadcast %add3A_1987 : i32 to vector<16xi32>
    %add3A_1989 = arith.addi %get3A_1937, %add3A_1988 : vector<16xi32>
    %swap3A_1990 = arith.constant 15 : i32
    %swap3A_1991 = arith.index_cast %swap3A_1990 : i32 to index
    %swap3A_1992 = arith.constant 80 : index
    %swap3A_1993 = tpu.vector_load %arg11[%swap3A_1991, %swap3A_1992] {strides = array<i32>} : memref<24x128xi32, #tpu.memory_space<vmem>>, vector<16xi32>,
    tpu.vector_store %arg11[%swap3A_1991, %swap3A_1992], %add3A_1989 {strides = array<i32>} : memref<24x128xi32, #tpu.memory_space<vmem>>, vector<16xi32>,
    %add3A_1994 = arith.constant 400000 : i32
    %add3A_1995 = vector.broadcast %add3A_1994 : i32 to vector<16xi32>
    %add3A_1996 = arith.addi %get3A_1935, %add3A_1995 : vector<16xi32>
    %swap3A_1997 = arith.constant 16 : i32
    %swap3A_1998 = arith.index_cast %swap3A_1997 : i32 to index
    %swap3A_1999 = arith.constant 80 : index
    %swap3A_2000 = tpu.vector_load %arg10[%swap3A_1998, %swap3A_1999] {strides = array<i32>} : memref<24x128xi32, #tpu.memory_space<vmem>>, vector<16xi32>,
    tpu.vector_store %arg10[%swap3A_1998, %swap3A_1999], %add3A_1996 {strides = array<i32>} : memref<24x128xi32, #tpu.memory_space<vmem>>, vector<16xi32>,
    %add3A_2001 = arith.constant 400000 : i32
    %add3A_2002 = vector.broadcast %add3A_2001 : i32 to vector<16xi32>
    %add3A_2003 = arith.addi %get3A_1937, %add3A_2002 : vector<16xi32>
    %swap3A_2004 = arith.constant 16 : i32
    %swap3A_2005 = arith.index_cast %swap3A_2004 : i32 to index
    %swap3A_2006 = arith.constant 80 : index
    %swap3A_2007 = tpu.vector_load %arg11[%swap3A_2005, %swap3A_2006] {strides = array<i32>} : memref<24x128xi32, #tpu.memory_space<vmem>>, vector<16xi32>,
    tpu.vector_store %arg11[%swap3A_2005, %swap3A_2006], %add3A_2003 {strides = array<i32>} : memref<24x128xi32, #tpu.memory_space<vmem>>, vector<16xi32>,
    %add3A_2008 = arith.constant 500000 : i32
    %add3A_2009 = vector.broadcast %add3A_2008 : i32 to vector<16xi32>
    %add3A_2010 = arith.addi %get3A_1935, %add3A_2009 : vector<16xi32>
    %swap3A_2011 = arith.constant 17 : i32
    %swap3A_2012 = arith.index_cast %swap3A_2011 : i32 to index
    %swap3A_2013 = arith.constant 80 : index
    %swap3A_2014 = tpu.vector_load %arg10[%swap3A_2012, %swap3A_2013] {strides = array<i32>} : memref<24x128xi32, #tpu.memory_space<vmem>>, vector<16xi32>,
    tpu.vector_store %arg10[%swap3A_2012, %swap3A_2013], %add3A_2010 {strides = array<i32>} : memref<24x128xi32, #tpu.memory_space<vmem>>, vector<16xi32>,
    %add3A_2015 = arith.constant 500000 : i32
    %add3A_2016 = vector.broadcast %add3A_2015 : i32 to vector<16xi32>
    %add3A_2017 = arith.addi %get3A_1937, %add3A_2016 : vector<16xi32>
    %swap3A_2018 = arith.constant 17 : i32
    %swap3A_2019 = arith.index_cast %swap3A_2018 : i32 to index
    %swap3A_2020 = arith.constant 80 : index
    %swap3A_2021 = tpu.vector_load %arg11[%swap3A_2019, %swap3A_2020] {strides = array<i32>} : memref<24x128xi32, #tpu.memory_space<vmem>>, vector<16xi32>,
    tpu.vector_store %arg11[%swap3A_2019, %swap3A_2020], %add3A_2017 {strides = array<i32>} : memref<24x128xi32, #tpu.memory_space<vmem>>, vector<16xi32>,
    %swap3A_2022 = arith.constant 336 : index
    %swap3A_2023 = tpu.vector_load %arg20[%swap3A_2022] {strides = array<i32>} : memref<512xf32, #tpu.memory_space<vmem>>, vector<16xf32>,
    tpu.vector_store %arg20[%swap3A_2022], %broadcast_in_dim3A_3 {strides = array<i32>} : memref<512xf32, #tpu.memory_space<vmem>>, vector<16xf32>,
    %swap3A_2024 = arith.constant 336 : index
    %swap3A_2025 = tpu.vector_load %arg21[%swap3A_2024] {strides = array<i32>} : memref<512xf32, #tpu.memory_space<vmem>>, vector<16xf32>,
    tpu.vector_store %arg21[%swap3A_2024], %broadcast_in_dim3A_3 {strides = array<i32>} : memref<512xf32, #tpu.memory_space<vmem>>, vector<16xf32>,
    %get3A_2026 = arith.constant 352 : index
    %get3A_2027 = tpu.vector_load %arg12[%get3A_2026] {strides = array<i32>} : memref<512xi32, #tpu.memory_space<vmem>>, vector<16xi32>,
    %get3A_2028 = arith.constant 352 : index
    %get3A_2029 = tpu.vector_load %arg13[%get3A_2028] {strides = array<i32>} : memref<512xi32, #tpu.memory_space<vmem>>, vector<16xi32>,
    %add3A_2030 = arith.constant 0 : i32
    %add3A_2031 = vector.broadcast %add3A_2030 : i32 to vector<16xi32>
    %add3A_2032 = arith.addi %get3A_2027, %add3A_2031 : vector<16xi32>
    %swap3A_2033 = arith.constant 12 : i32
    %swap3A_2034 = arith.index_cast %swap3A_2033 : i32 to index
    %swap3A_2035 = arith.constant 96 : index
    %swap3A_2036 = tpu.vector_load %arg10[%swap3A_2034, %swap3A_2035] {strides = array<i32>} : memref<24x128xi32, #tpu.memory_space<vmem>>, vector<16xi32>,
    tpu.vector_store %arg10[%swap3A_2034, %swap3A_2035], %add3A_2032 {strides = array<i32>} : memref<24x128xi32, #tpu.memory_space<vmem>>, vector<16xi32>,
    %add3A_2037 = arith.constant 0 : i32
    %add3A_2038 = vector.broadcast %add3A_2037 : i32 to vector<16xi32>
    %add3A_2039 = arith.addi %get3A_2029, %add3A_2038 : vector<16xi32>
    %swap3A_2040 = arith.constant 12 : i32
    %swap3A_2041 = arith.index_cast %swap3A_2040 : i32 to index
    %swap3A_2042 = arith.constant 96 : index
    %swap3A_2043 = tpu.vector_load %arg11[%swap3A_2041, %swap3A_2042] {strides = array<i32>} : memref<24x128xi32, #tpu.memory_space<vmem>>, vector<16xi32>,
    tpu.vector_store %arg11[%swap3A_2041, %swap3A_2042], %add3A_2039 {strides = array<i32>} : memref<24x128xi32, #tpu.memory_space<vmem>>, vector<16xi32>,
    %add3A_2044 = arith.constant 100000 : i32
    %add3A_2045 = vector.broadcast %add3A_2044 : i32 to vector<16xi32>
    %add3A_2046 = arith.addi %get3A_2027, %add3A_2045 : vector<16xi32>
    %swap3A_2047 = arith.constant 13 : i32
    %swap3A_2048 = arith.index_cast %swap3A_2047 : i32 to index
    %swap3A_2049 = arith.constant 96 : index
    %swap3A_2050 = tpu.vector_load %arg10[%swap3A_2048, %swap3A_2049] {strides = array<i32>} : memref<24x128xi32, #tpu.memory_space<vmem>>, vector<16xi32>,
    tpu.vector_store %arg10[%swap3A_2048, %swap3A_2049], %add3A_2046 {strides = array<i32>} : memref<24x128xi32, #tpu.memory_space<vmem>>, vector<16xi32>,
    %add3A_2051 = arith.constant 100000 : i32
    %add3A_2052 = vector.broadcast %add3A_2051 : i32 to vector<16xi32>
    %add3A_2053 = arith.addi %get3A_2029, %add3A_2052 : vector<16xi32>
    %swap3A_2054 = arith.constant 13 : i32
    %swap3A_2055 = arith.index_cast %swap3A_2054 : i32 to index
    %swap3A_2056 = arith.constant 96 : index
    %swap3A_2057 = tpu.vector_load %arg11[%swap3A_2055, %swap3A_2056] {strides = array<i32>} : memref<24x128xi32, #tpu.memory_space<vmem>>, vector<16xi32>,
    tpu.vector_store %arg11[%swap3A_2055, %swap3A_2056], %add3A_2053 {strides = array<i32>} : memref<24x128xi32, #tpu.memory_space<vmem>>, vector<16xi32>,
    %add3A_2058 = arith.constant 200000 : i32
    %add3A_2059 = vector.broadcast %add3A_2058 : i32 to vector<16xi32>
    %add3A_2060 = arith.addi %get3A_2027, %add3A_2059 : vector<16xi32>
    %swap3A_2061 = arith.constant 14 : i32
    %swap3A_2062 = arith.index_cast %swap3A_2061 : i32 to index
    %swap3A_2063 = arith.constant 96 : index
    %swap3A_2064 = tpu.vector_load %arg10[%swap3A_2062, %swap3A_2063] {strides = array<i32>} : memref<24x128xi32, #tpu.memory_space<vmem>>, vector<16xi32>,
    tpu.vector_store %arg10[%swap3A_2062, %swap3A_2063], %add3A_2060 {strides = array<i32>} : memref<24x128xi32, #tpu.memory_space<vmem>>, vector<16xi32>,
    %add3A_2065 = arith.constant 200000 : i32
    %add3A_2066 = vector.broadcast %add3A_2065 : i32 to vector<16xi32>
    %add3A_2067 = arith.addi %get3A_2029, %add3A_2066 : vector<16xi32>
    %swap3A_2068 = arith.constant 14 : i32
    %swap3A_2069 = arith.index_cast %swap3A_2068 : i32 to index
    %swap3A_2070 = arith.constant 96 : index
    %swap3A_2071 = tpu.vector_load %arg11[%swap3A_2069, %swap3A_2070] {strides = array<i32>} : memref<24x128xi32, #tpu.memory_space<vmem>>, vector<16xi32>,
    tpu.vector_store %arg11[%swap3A_2069, %swap3A_2070], %add3A_2067 {strides = array<i32>} : memref<24x128xi32, #tpu.memory_space<vmem>>, vector<16xi32>,
    %add3A_2072 = arith.constant 300000 : i32
    %add3A_2073 = vector.broadcast %add3A_2072 : i32 to vector<16xi32>
    %add3A_2074 = arith.addi %get3A_2027, %add3A_2073 : vector<16xi32>
    %swap3A_2075 = arith.constant 15 : i32
    %swap3A_2076 = arith.index_cast %swap3A_2075 : i32 to index
    %swap3A_2077 = arith.constant 96 : index
    %swap3A_2078 = tpu.vector_load %arg10[%swap3A_2076, %swap3A_2077] {strides = array<i32>} : memref<24x128xi32, #tpu.memory_space<vmem>>, vector<16xi32>,
    tpu.vector_store %arg10[%swap3A_2076, %swap3A_2077], %add3A_2074 {strides = array<i32>} : memref<24x128xi32, #tpu.memory_space<vmem>>, vector<16xi32>,
    %add3A_2079 = arith.constant 300000 : i32
    %add3A_2080 = vector.broadcast %add3A_2079 : i32 to vector<16xi32>
    %add3A_2081 = arith.addi %get3A_2029, %add3A_2080 : vector<16xi32>
    %swap3A_2082 = arith.constant 15 : i32
    %swap3A_2083 = arith.index_cast %swap3A_2082 : i32 to index
    %swap3A_2084 = arith.constant 96 : index
    %swap3A_2085 = tpu.vector_load %arg11[%swap3A_2083, %swap3A_2084] {strides = array<i32>} : memref<24x128xi32, #tpu.memory_space<vmem>>, vector<16xi32>,
    tpu.vector_store %arg11[%swap3A_2083, %swap3A_2084], %add3A_2081 {strides = array<i32>} : memref<24x128xi32, #tpu.memory_space<vmem>>, vector<16xi32>,
    %add3A_2086 = arith.constant 400000 : i32
    %add3A_2087 = vector.broadcast %add3A_2086 : i32 to vector<16xi32>
    %add3A_2088 = arith.addi %get3A_2027, %add3A_2087 : vector<16xi32>
    %swap3A_2089 = arith.constant 16 : i32
    %swap3A_2090 = arith.index_cast %swap3A_2089 : i32 to index
    %swap3A_2091 = arith.constant 96 : index
    %swap3A_2092 = tpu.vector_load %arg10[%swap3A_2090, %swap3A_2091] {strides = array<i32>} : memref<24x128xi32, #tpu.memory_space<vmem>>, vector<16xi32>,
    tpu.vector_store %arg10[%swap3A_2090, %swap3A_2091], %add3A_2088 {strides = array<i32>} : memref<24x128xi32, #tpu.memory_space<vmem>>, vector<16xi32>,
    %add3A_2093 = arith.constant 400000 : i32
    %add3A_2094 = vector.broadcast %add3A_2093 : i32 to vector<16xi32>
    %add3A_2095 = arith.addi %get3A_2029, %add3A_2094 : vector<16xi32>
    %swap3A_2096 = arith.constant 16 : i32
    %swap3A_2097 = arith.index_cast %swap3A_2096 : i32 to index
    %swap3A_2098 = arith.constant 96 : index
    %swap3A_2099 = tpu.vector_load %arg11[%swap3A_2097, %swap3A_2098] {strides = array<i32>} : memref<24x128xi32, #tpu.memory_space<vmem>>, vector<16xi32>,
    tpu.vector_store %arg11[%swap3A_2097, %swap3A_2098], %add3A_2095 {strides = array<i32>} : memref<24x128xi32, #tpu.memory_space<vmem>>, vector<16xi32>,
    %add3A_2100 = arith.constant 500000 : i32
    %add3A_2101 = vector.broadcast %add3A_2100 : i32 to vector<16xi32>
    %add3A_2102 = arith.addi %get3A_2027, %add3A_2101 : vector<16xi32>
    %swap3A_2103 = arith.constant 17 : i32
    %swap3A_2104 = arith.index_cast %swap3A_2103 : i32 to index
    %swap3A_2105 = arith.constant 96 : index
    %swap3A_2106 = tpu.vector_load %arg10[%swap3A_2104, %swap3A_2105] {strides = array<i32>} : memref<24x128xi32, #tpu.memory_space<vmem>>, vector<16xi32>,
    tpu.vector_store %arg10[%swap3A_2104, %swap3A_2105], %add3A_2102 {strides = array<i32>} : memref<24x128xi32, #tpu.memory_space<vmem>>, vector<16xi32>,
    %add3A_2107 = arith.constant 500000 : i32
    %add3A_2108 = vector.broadcast %add3A_2107 : i32 to vector<16xi32>
    %add3A_2109 = arith.addi %get3A_2029, %add3A_2108 : vector<16xi32>
    %swap3A_2110 = arith.constant 17 : i32
    %swap3A_2111 = arith.index_cast %swap3A_2110 : i32 to index
    %swap3A_2112 = arith.constant 96 : index
    %swap3A_2113 = tpu.vector_load %arg11[%swap3A_2111, %swap3A_2112] {strides = array<i32>} : memref<24x128xi32, #tpu.memory_space<vmem>>, vector<16xi32>,
    tpu.vector_store %arg11[%swap3A_2111, %swap3A_2112], %add3A_2109 {strides = array<i32>} : memref<24x128xi32, #tpu.memory_space<vmem>>, vector<16xi32>,
    %swap3A_2114 = arith.constant 352 : index
    %swap3A_2115 = tpu.vector_load %arg20[%swap3A_2114] {strides = array<i32>} : memref<512xf32, #tpu.memory_space<vmem>>, vector<16xf32>,
    tpu.vector_store %arg20[%swap3A_2114], %broadcast_in_dim3A_3 {strides = array<i32>} : memref<512xf32, #tpu.memory_space<vmem>>, vector<16xf32>,
    %swap3A_2116 = arith.constant 352 : index
    %swap3A_2117 = tpu.vector_load %arg21[%swap3A_2116] {strides = array<i32>} : memref<512xf32, #tpu.memory_space<vmem>>, vector<16xf32>,
    tpu.vector_store %arg21[%swap3A_2116], %broadcast_in_dim3A_3 {strides = array<i32>} : memref<512xf32, #tpu.memory_space<vmem>>, vector<16xf32>,
    %get3A_2118 = arith.constant 368 : index
    %get3A_2119 = tpu.vector_load %arg12[%get3A_2118] {strides = array<i32>} : memref<512xi32, #tpu.memory_space<vmem>>, vector<16xi32>,
    %get3A_2120 = arith.constant 368 : index
    %get3A_2121 = tpu.vector_load %arg13[%get3A_2120] {strides = array<i32>} : memref<512xi32, #tpu.memory_space<vmem>>, vector<16xi32>,
    %add3A_2122 = arith.constant 0 : i32
    %add3A_2123 = vector.broadcast %add3A_2122 : i32 to vector<16xi32>
    %add3A_2124 = arith.addi %get3A_2119, %add3A_2123 : vector<16xi32>
    %swap3A_2125 = arith.constant 12 : i32
    %swap3A_2126 = arith.index_cast %swap3A_2125 : i32 to index
    %swap3A_2127 = arith.constant 112 : index
    %swap3A_2128 = tpu.vector_load %arg10[%swap3A_2126, %swap3A_2127] {strides = array<i32>} : memref<24x128xi32, #tpu.memory_space<vmem>>, vector<16xi32>,
    tpu.vector_store %arg10[%swap3A_2126, %swap3A_2127], %add3A_2124 {strides = array<i32>} : memref<24x128xi32, #tpu.memory_space<vmem>>, vector<16xi32>,
    %add3A_2129 = arith.constant 0 : i32
    %add3A_2130 = vector.broadcast %add3A_2129 : i32 to vector<16xi32>
    %add3A_2131 = arith.addi %get3A_2121, %add3A_2130 : vector<16xi32>
    %swap3A_2132 = arith.constant 12 : i32
    %swap3A_2133 = arith.index_cast %swap3A_2132 : i32 to index
    %swap3A_2134 = arith.constant 112 : index
    %swap3A_2135 = tpu.vector_load %arg11[%swap3A_2133, %swap3A_2134] {strides = array<i32>} : memref<24x128xi32, #tpu.memory_space<vmem>>, vector<16xi32>,
    tpu.vector_store %arg11[%swap3A_2133, %swap3A_2134], %add3A_2131 {strides = array<i32>} : memref<24x128xi32, #tpu.memory_space<vmem>>, vector<16xi32>,
    %add3A_2136 = arith.constant 100000 : i32
    %add3A_2137 = vector.broadcast %add3A_2136 : i32 to vector<16xi32>
    %add3A_2138 = arith.addi %get3A_2119, %add3A_2137 : vector<16xi32>
    %swap3A_2139 = arith.constant 13 : i32
    %swap3A_2140 = arith.index_cast %swap3A_2139 : i32 to index
    %swap3A_2141 = arith.constant 112 : index
    %swap3A_2142 = tpu.vector_load %arg10[%swap3A_2140, %swap3A_2141] {strides = array<i32>} : memref<24x128xi32, #tpu.memory_space<vmem>>, vector<16xi32>,
    tpu.vector_store %arg10[%swap3A_2140, %swap3A_2141], %add3A_2138 {strides = array<i32>} : memref<24x128xi32, #tpu.memory_space<vmem>>, vector<16xi32>,
    %add3A_2143 = arith.constant 100000 : i32
    %add3A_2144 = vector.broadcast %add3A_2143 : i32 to vector<16xi32>
    %add3A_2145 = arith.addi %get3A_2121, %add3A_2144 : vector<16xi32>
    %swap3A_2146 = arith.constant 13 : i32
    %swap3A_2147 = arith.index_cast %swap3A_2146 : i32 to index
    %swap3A_2148 = arith.constant 112 : index
    %swap3A_2149 = tpu.vector_load %arg11[%swap3A_2147, %swap3A_2148] {strides = array<i32>} : memref<24x128xi32, #tpu.memory_space<vmem>>, vector<16xi32>,
    tpu.vector_store %arg11[%swap3A_2147, %swap3A_2148], %add3A_2145 {strides = array<i32>} : memref<24x128xi32, #tpu.memory_space<vmem>>, vector<16xi32>,
    %add3A_2150 = arith.constant 200000 : i32
    %add3A_2151 = vector.broadcast %add3A_2150 : i32 to vector<16xi32>
    %add3A_2152 = arith.addi %get3A_2119, %add3A_2151 : vector<16xi32>
    %swap3A_2153 = arith.constant 14 : i32
    %swap3A_2154 = arith.index_cast %swap3A_2153 : i32 to index
    %swap3A_2155 = arith.constant 112 : index
    %swap3A_2156 = tpu.vector_load %arg10[%swap3A_2154, %swap3A_2155] {strides = array<i32>} : memref<24x128xi32, #tpu.memory_space<vmem>>, vector<16xi32>,
    tpu.vector_store %arg10[%swap3A_2154, %swap3A_2155], %add3A_2152 {strides = array<i32>} : memref<24x128xi32, #tpu.memory_space<vmem>>, vector<16xi32>,
    %add3A_2157 = arith.constant 200000 : i32
    %add3A_2158 = vector.broadcast %add3A_2157 : i32 to vector<16xi32>
    %add3A_2159 = arith.addi %get3A_2121, %add3A_2158 : vector<16xi32>
    %swap3A_2160 = arith.constant 14 : i32
    %swap3A_2161 = arith.index_cast %swap3A_2160 : i32 to index
    %swap3A_2162 = arith.constant 112 : index
    %swap3A_2163 = tpu.vector_load %arg11[%swap3A_2161, %swap3A_2162] {strides = array<i32>} : memref<24x128xi32, #tpu.memory_space<vmem>>, vector<16xi32>,
    tpu.vector_store %arg11[%swap3A_2161, %swap3A_2162], %add3A_2159 {strides = array<i32>} : memref<24x128xi32, #tpu.memory_space<vmem>>, vector<16xi32>,
    %add3A_2164 = arith.constant 300000 : i32
    %add3A_2165 = vector.broadcast %add3A_2164 : i32 to vector<16xi32>
    %add3A_2166 = arith.addi %get3A_2119, %add3A_2165 : vector<16xi32>
    %swap3A_2167 = arith.constant 15 : i32
    %swap3A_2168 = arith.index_cast %swap3A_2167 : i32 to index
    %swap3A_2169 = arith.constant 112 : index
    %swap3A_2170 = tpu.vector_load %arg10[%swap3A_2168, %swap3A_2169] {strides = array<i32>} : memref<24x128xi32, #tpu.memory_space<vmem>>, vector<16xi32>,
    tpu.vector_store %arg10[%swap3A_2168, %swap3A_2169], %add3A_2166 {strides = array<i32>} : memref<24x128xi32, #tpu.memory_space<vmem>>, vector<16xi32>,
    %add3A_2171 = arith.constant 300000 : i32
    %add3A_2172 = vector.broadcast %add3A_2171 : i32 to vector<16xi32>
    %add3A_2173 = arith.addi %get3A_2121, %add3A_2172 : vector<16xi32>
    %swap3A_2174 = arith.constant 15 : i32
    %swap3A_2175 = arith.index_cast %swap3A_2174 : i32 to index
    %swap3A_2176 = arith.constant 112 : index
    %swap3A_2177 = tpu.vector_load %arg11[%swap3A_2175, %swap3A_2176] {strides = array<i32>} : memref<24x128xi32, #tpu.memory_space<vmem>>, vector<16xi32>,
    tpu.vector_store %arg11[%swap3A_2175, %swap3A_2176], %add3A_2173 {strides = array<i32>} : memref<24x128xi32, #tpu.memory_space<vmem>>, vector<16xi32>,
    %add3A_2178 = arith.constant 400000 : i32
    %add3A_2179 = vector.broadcast %add3A_2178 : i32 to vector<16xi32>
    %add3A_2180 = arith.addi %get3A_2119, %add3A_2179 : vector<16xi32>
    %swap3A_2181 = arith.constant 16 : i32
    %swap3A_2182 = arith.index_cast %swap3A_2181 : i32 to index
    %swap3A_2183 = arith.constant 112 : index
    %swap3A_2184 = tpu.vector_load %arg10[%swap3A_2182, %swap3A_2183] {strides = array<i32>} : memref<24x128xi32, #tpu.memory_space<vmem>>, vector<16xi32>,
    tpu.vector_store %arg10[%swap3A_2182, %swap3A_2183], %add3A_2180 {strides = array<i32>} : memref<24x128xi32, #tpu.memory_space<vmem>>, vector<16xi32>,
    %add3A_2185 = arith.constant 400000 : i32
    %add3A_2186 = vector.broadcast %add3A_2185 : i32 to vector<16xi32>
    %add3A_2187 = arith.addi %get3A_2121, %add3A_2186 : vector<16xi32>
    %swap3A_2188 = arith.constant 16 : i32
    %swap3A_2189 = arith.index_cast %swap3A_2188 : i32 to index
    %swap3A_2190 = arith.constant 112 : index
    %swap3A_2191 = tpu.vector_load %arg11[%swap3A_2189, %swap3A_2190] {strides = array<i32>} : memref<24x128xi32, #tpu.memory_space<vmem>>, vector<16xi32>,
    tpu.vector_store %arg11[%swap3A_2189, %swap3A_2190], %add3A_2187 {strides = array<i32>} : memref<24x128xi32, #tpu.memory_space<vmem>>, vector<16xi32>,
    %add3A_2192 = arith.constant 500000 : i32
    %add3A_2193 = vector.broadcast %add3A_2192 : i32 to vector<16xi32>
    %add3A_2194 = arith.addi %get3A_2119, %add3A_2193 : vector<16xi32>
    %swap3A_2195 = arith.constant 17 : i32
    %swap3A_2196 = arith.index_cast %swap3A_2195 : i32 to index
    %swap3A_2197 = arith.constant 112 : index
    %swap3A_2198 = tpu.vector_load %arg10[%swap3A_2196, %swap3A_2197] {strides = array<i32>} : memref<24x128xi32, #tpu.memory_space<vmem>>, vector<16xi32>,
    tpu.vector_store %arg10[%swap3A_2196, %swap3A_2197], %add3A_2194 {strides = array<i32>} : memref<24x128xi32, #tpu.memory_space<vmem>>, vector<16xi32>,
    %add3A_2199 = arith.constant 500000 : i32
    %add3A_2200 = vector.broadcast %add3A_2199 : i32 to vector<16xi32>
    %add3A_2201 = arith.addi %get3A_2121, %add3A_2200 : vector<16xi32>
    %swap3A_2202 = arith.constant 17 : i32
    %swap3A_2203 = arith.index_cast %swap3A_2202 : i32 to index
    %swap3A_2204 = arith.constant 112 : index
    %swap3A_2205 = tpu.vector_load %arg11[%swap3A_2203, %swap3A_2204] {strides = array<i32>} : memref<24x128xi32, #tpu.memory_space<vmem>>, vector<16xi32>,
    tpu.vector_store %arg11[%swap3A_2203, %swap3A_2204], %add3A_2201 {strides = array<i32>} : memref<24x128xi32, #tpu.memory_space<vmem>>, vector<16xi32>,
    %swap3A_2206 = arith.constant 368 : index
    %swap3A_2207 = tpu.vector_load %arg20[%swap3A_2206] {strides = array<i32>} : memref<512xf32, #tpu.memory_space<vmem>>, vector<16xf32>,
    tpu.vector_store %arg20[%swap3A_2206], %broadcast_in_dim3A_3 {strides = array<i32>} : memref<512xf32, #tpu.memory_space<vmem>>, vector<16xf32>,
    %swap3A_2208 = arith.constant 368 : index
    %swap3A_2209 = tpu.vector_load %arg21[%swap3A_2208] {strides = array<i32>} : memref<512xf32, #tpu.memory_space<vmem>>, vector<16xf32>,
    tpu.vector_store %arg21[%swap3A_2208], %broadcast_in_dim3A_3 {strides = array<i32>} : memref<512xf32, #tpu.memory_space<vmem>>, vector<16xf32>,
    %get3A_2210 = arith.constant 384 : index
    %get3A_2211 = tpu.vector_load %arg12[%get3A_2210] {strides = array<i32>} : memref<512xi32, #tpu.memory_space<vmem>>, vector<16xi32>,
    %get3A_2212 = arith.constant 384 : index
    %get3A_2213 = tpu.vector_load %arg13[%get3A_2212] {strides = array<i32>} : memref<512xi32, #tpu.memory_space<vmem>>, vector<16xi32>,
    %add3A_2214 = arith.constant 0 : i32
    %add3A_2215 = vector.broadcast %add3A_2214 : i32 to vector<16xi32>
    %add3A_2216 = arith.addi %get3A_2211, %add3A_2215 : vector<16xi32>
    %swap3A_2217 = arith.constant 18 : i32
    %swap3A_2218 = arith.index_cast %swap3A_2217 : i32 to index
    %swap3A_2219 = arith.constant 0 : index
    %swap3A_2220 = tpu.vector_load %arg10[%swap3A_2218, %swap3A_2219] {strides = array<i32>} : memref<24x128xi32, #tpu.memory_space<vmem>>, vector<16xi32>,
    tpu.vector_store %arg10[%swap3A_2218, %swap3A_2219], %add3A_2216 {strides = array<i32>} : memref<24x128xi32, #tpu.memory_space<vmem>>, vector<16xi32>,
    %add3A_2221 = arith.constant 0 : i32
    %add3A_2222 = vector.broadcast %add3A_2221 : i32 to vector<16xi32>
    %add3A_2223 = arith.addi %get3A_2213, %add3A_2222 : vector<16xi32>
    %swap3A_2224 = arith.constant 18 : i32
    %swap3A_2225 = arith.index_cast %swap3A_2224 : i32 to index
    %swap3A_2226 = arith.constant 0 : index
    %swap3A_2227 = tpu.vector_load %arg11[%swap3A_2225, %swap3A_2226] {strides = array<i32>} : memref<24x128xi32, #tpu.memory_space<vmem>>, vector<16xi32>,
    tpu.vector_store %arg11[%swap3A_2225, %swap3A_2226], %add3A_2223 {strides = array<i32>} : memref<24x128xi32, #tpu.memory_space<vmem>>, vector<16xi32>,
    %add3A_2228 = arith.constant 100000 : i32
    %add3A_2229 = vector.broadcast %add3A_2228 : i32 to vector<16xi32>
    %add3A_2230 = arith.addi %get3A_2211, %add3A_2229 : vector<16xi32>
    %swap3A_2231 = arith.constant 19 : i32
    %swap3A_2232 = arith.index_cast %swap3A_2231 : i32 to index
    %swap3A_2233 = arith.constant 0 : index
    %swap3A_2234 = tpu.vector_load %arg10[%swap3A_2232, %swap3A_2233] {strides = array<i32>} : memref<24x128xi32, #tpu.memory_space<vmem>>, vector<16xi32>,
    tpu.vector_store %arg10[%swap3A_2232, %swap3A_2233], %add3A_2230 {strides = array<i32>} : memref<24x128xi32, #tpu.memory_space<vmem>>, vector<16xi32>,
    %add3A_2235 = arith.constant 100000 : i32
    %add3A_2236 = vector.broadcast %add3A_2235 : i32 to vector<16xi32>
    %add3A_2237 = arith.addi %get3A_2213, %add3A_2236 : vector<16xi32>
    %swap3A_2238 = arith.constant 19 : i32
    %swap3A_2239 = arith.index_cast %swap3A_2238 : i32 to index
    %swap3A_2240 = arith.constant 0 : index
    %swap3A_2241 = tpu.vector_load %arg11[%swap3A_2239, %swap3A_2240] {strides = array<i32>} : memref<24x128xi32, #tpu.memory_space<vmem>>, vector<16xi32>,
    tpu.vector_store %arg11[%swap3A_2239, %swap3A_2240], %add3A_2237 {strides = array<i32>} : memref<24x128xi32, #tpu.memory_space<vmem>>, vector<16xi32>,
    %add3A_2242 = arith.constant 200000 : i32
    %add3A_2243 = vector.broadcast %add3A_2242 : i32 to vector<16xi32>
    %add3A_2244 = arith.addi %get3A_2211, %add3A_2243 : vector<16xi32>
    %swap3A_2245 = arith.constant 20 : i32
    %swap3A_2246 = arith.index_cast %swap3A_2245 : i32 to index
    %swap3A_2247 = arith.constant 0 : index
    %swap3A_2248 = tpu.vector_load %arg10[%swap3A_2246, %swap3A_2247] {strides = array<i32>} : memref<24x128xi32, #tpu.memory_space<vmem>>, vector<16xi32>,
    tpu.vector_store %arg10[%swap3A_2246, %swap3A_2247], %add3A_2244 {strides = array<i32>} : memref<24x128xi32, #tpu.memory_space<vmem>>, vector<16xi32>,
    %add3A_2249 = arith.constant 200000 : i32
    %add3A_2250 = vector.broadcast %add3A_2249 : i32 to vector<16xi32>
    %add3A_2251 = arith.addi %get3A_2213, %add3A_2250 : vector<16xi32>
    %swap3A_2252 = arith.constant 20 : i32
    %swap3A_2253 = arith.index_cast %swap3A_2252 : i32 to index
    %swap3A_2254 = arith.constant 0 : index
    %swap3A_2255 = tpu.vector_load %arg11[%swap3A_2253, %swap3A_2254] {strides = array<i32>} : memref<24x128xi32, #tpu.memory_space<vmem>>, vector<16xi32>,
    tpu.vector_store %arg11[%swap3A_2253, %swap3A_2254], %add3A_2251 {strides = array<i32>} : memref<24x128xi32, #tpu.memory_space<vmem>>, vector<16xi32>,
    %add3A_2256 = arith.constant 300000 : i32
    %add3A_2257 = vector.broadcast %add3A_2256 : i32 to vector<16xi32>
    %add3A_2258 = arith.addi %get3A_2211, %add3A_2257 : vector<16xi32>
    %swap3A_2259 = arith.constant 21 : i32
    %swap3A_2260 = arith.index_cast %swap3A_2259 : i32 to index
    %swap3A_2261 = arith.constant 0 : index
    %swap3A_2262 = tpu.vector_load %arg10[%swap3A_2260, %swap3A_2261] {strides = array<i32>} : memref<24x128xi32, #tpu.memory_space<vmem>>, vector<16xi32>,
    tpu.vector_store %arg10[%swap3A_2260, %swap3A_2261], %add3A_2258 {strides = array<i32>} : memref<24x128xi32, #tpu.memory_space<vmem>>, vector<16xi32>,
    %add3A_2263 = arith.constant 300000 : i32
    %add3A_2264 = vector.broadcast %add3A_2263 : i32 to vector<16xi32>
    %add3A_2265 = arith.addi %get3A_2213, %add3A_2264 : vector<16xi32>
    %swap3A_2266 = arith.constant 21 : i32
    %swap3A_2267 = arith.index_cast %swap3A_2266 : i32 to index
    %swap3A_2268 = arith.constant 0 : index
    %swap3A_2269 = tpu.vector_load %arg11[%swap3A_2267, %swap3A_2268] {strides = array<i32>} : memref<24x128xi32, #tpu.memory_space<vmem>>, vector<16xi32>,
    tpu.vector_store %arg11[%swap3A_2267, %swap3A_2268], %add3A_2265 {strides = array<i32>} : memref<24x128xi32, #tpu.memory_space<vmem>>, vector<16xi32>,
    %add3A_2270 = arith.constant 400000 : i32
    %add3A_2271 = vector.broadcast %add3A_2270 : i32 to vector<16xi32>
    %add3A_2272 = arith.addi %get3A_2211, %add3A_2271 : vector<16xi32>
    %swap3A_2273 = arith.constant 22 : i32
    %swap3A_2274 = arith.index_cast %swap3A_2273 : i32 to index
    %swap3A_2275 = arith.constant 0 : index
    %swap3A_2276 = tpu.vector_load %arg10[%swap3A_2274, %swap3A_2275] {strides = array<i32>} : memref<24x128xi32, #tpu.memory_space<vmem>>, vector<16xi32>,
    tpu.vector_store %arg10[%swap3A_2274, %swap3A_2275], %add3A_2272 {strides = array<i32>} : memref<24x128xi32, #tpu.memory_space<vmem>>, vector<16xi32>,
    %add3A_2277 = arith.constant 400000 : i32
    %add3A_2278 = vector.broadcast %add3A_2277 : i32 to vector<16xi32>
    %add3A_2279 = arith.addi %get3A_2213, %add3A_2278 : vector<16xi32>
    %swap3A_2280 = arith.constant 22 : i32
    %swap3A_2281 = arith.index_cast %swap3A_2280 : i32 to index
    %swap3A_2282 = arith.constant 0 : index
    %swap3A_2283 = tpu.vector_load %arg11[%swap3A_2281, %swap3A_2282] {strides = array<i32>} : memref<24x128xi32, #tpu.memory_space<vmem>>, vector<16xi32>,
    tpu.vector_store %arg11[%swap3A_2281, %swap3A_2282], %add3A_2279 {strides = array<i32>} : memref<24x128xi32, #tpu.memory_space<vmem>>, vector<16xi32>,
    %add3A_2284 = arith.constant 500000 : i32
    %add3A_2285 = vector.broadcast %add3A_2284 : i32 to vector<16xi32>
    %add3A_2286 = arith.addi %get3A_2211, %add3A_2285 : vector<16xi32>
    %swap3A_2287 = arith.constant 23 : i32
    %swap3A_2288 = arith.index_cast %swap3A_2287 : i32 to index
    %swap3A_2289 = arith.constant 0 : index
    %swap3A_2290 = tpu.vector_load %arg10[%swap3A_2288, %swap3A_2289] {strides = array<i32>} : memref<24x128xi32, #tpu.memory_space<vmem>>, vector<16xi32>,
    tpu.vector_store %arg10[%swap3A_2288, %swap3A_2289], %add3A_2286 {strides = array<i32>} : memref<24x128xi32, #tpu.memory_space<vmem>>, vector<16xi32>,
    %add3A_2291 = arith.constant 500000 : i32
    %add3A_2292 = vector.broadcast %add3A_2291 : i32 to vector<16xi32>
    %add3A_2293 = arith.addi %get3A_2213, %add3A_2292 : vector<16xi32>
    %swap3A_2294 = arith.constant 23 : i32
    %swap3A_2295 = arith.index_cast %swap3A_2294 : i32 to index
    %swap3A_2296 = arith.constant 0 : index
    %swap3A_2297 = tpu.vector_load %arg11[%swap3A_2295, %swap3A_2296] {strides = array<i32>} : memref<24x128xi32, #tpu.memory_space<vmem>>, vector<16xi32>,
    tpu.vector_store %arg11[%swap3A_2295, %swap3A_2296], %add3A_2293 {strides = array<i32>} : memref<24x128xi32, #tpu.memory_space<vmem>>, vector<16xi32>,
    %swap3A_2298 = arith.constant 384 : index
    %swap3A_2299 = tpu.vector_load %arg20[%swap3A_2298] {strides = array<i32>} : memref<512xf32, #tpu.memory_space<vmem>>, vector<16xf32>,
    tpu.vector_store %arg20[%swap3A_2298], %broadcast_in_dim3A_3 {strides = array<i32>} : memref<512xf32, #tpu.memory_space<vmem>>, vector<16xf32>,
    %swap3A_2300 = arith.constant 384 : index
    %swap3A_2301 = tpu.vector_load %arg21[%swap3A_2300] {strides = array<i32>} : memref<512xf32, #tpu.memory_space<vmem>>, vector<16xf32>,
    tpu.vector_store %arg21[%swap3A_2300], %broadcast_in_dim3A_3 {strides = array<i32>} : memref<512xf32, #tpu.memory_space<vmem>>, vector<16xf32>,
    %get3A_2302 = arith.constant 400 : index
    %get3A_2303 = tpu.vector_load %arg12[%get3A_2302] {strides = array<i32>} : memref<512xi32, #tpu.memory_space<vmem>>, vector<16xi32>,
    %get3A_2304 = arith.constant 400 : index
    %get3A_2305 = tpu.vector_load %arg13[%get3A_2304] {strides = array<i32>} : memref<512xi32, #tpu.memory_space<vmem>>, vector<16xi32>,
    %add3A_2306 = arith.constant 0 : i32
    %add3A_2307 = vector.broadcast %add3A_2306 : i32 to vector<16xi32>
    %add3A_2308 = arith.addi %get3A_2303, %add3A_2307 : vector<16xi32>
    %swap3A_2309 = arith.constant 18 : i32
    %swap3A_2310 = arith.index_cast %swap3A_2309 : i32 to index
    %swap3A_2311 = arith.constant 16 : index
    %swap3A_2312 = tpu.vector_load %arg10[%swap3A_2310, %swap3A_2311] {strides = array<i32>} : memref<24x128xi32, #tpu.memory_space<vmem>>, vector<16xi32>,
    tpu.vector_store %arg10[%swap3A_2310, %swap3A_2311], %add3A_2308 {strides = array<i32>} : memref<24x128xi32, #tpu.memory_space<vmem>>, vector<16xi32>,
    %add3A_2313 = arith.constant 0 : i32
    %add3A_2314 = vector.broadcast %add3A_2313 : i32 to vector<16xi32>
    %add3A_2315 = arith.addi %get3A_2305, %add3A_2314 : vector<16xi32>
    %swap3A_2316 = arith.constant 18 : i32
    %swap3A_2317 = arith.index_cast %swap3A_2316 : i32 to index
    %swap3A_2318 = arith.constant 16 : index
    %swap3A_2319 = tpu.vector_load %arg11[%swap3A_2317, %swap3A_2318] {strides = array<i32>} : memref<24x128xi32, #tpu.memory_space<vmem>>, vector<16xi32>,
    tpu.vector_store %arg11[%swap3A_2317, %swap3A_2318], %add3A_2315 {strides = array<i32>} : memref<24x128xi32, #tpu.memory_space<vmem>>, vector<16xi32>,
    %add3A_2320 = arith.constant 100000 : i32
    %add3A_2321 = vector.broadcast %add3A_2320 : i32 to vector<16xi32>
    %add3A_2322 = arith.addi %get3A_2303, %add3A_2321 : vector<16xi32>
    %swap3A_2323 = arith.constant 19 : i32
    %swap3A_2324 = arith.index_cast %swap3A_2323 : i32 to index
    %swap3A_2325 = arith.constant 16 : index
    %swap3A_2326 = tpu.vector_load %arg10[%swap3A_2324, %swap3A_2325] {strides = array<i32>} : memref<24x128xi32, #tpu.memory_space<vmem>>, vector<16xi32>,
    tpu.vector_store %arg10[%swap3A_2324, %swap3A_2325], %add3A_2322 {strides = array<i32>} : memref<24x128xi32, #tpu.memory_space<vmem>>, vector<16xi32>,
    %add3A_2327 = arith.constant 100000 : i32
    %add3A_2328 = vector.broadcast %add3A_2327 : i32 to vector<16xi32>
    %add3A_2329 = arith.addi %get3A_2305, %add3A_2328 : vector<16xi32>
    %swap3A_2330 = arith.constant 19 : i32
    %swap3A_2331 = arith.index_cast %swap3A_2330 : i32 to index
    %swap3A_2332 = arith.constant 16 : index
    %swap3A_2333 = tpu.vector_load %arg11[%swap3A_2331, %swap3A_2332] {strides = array<i32>} : memref<24x128xi32, #tpu.memory_space<vmem>>, vector<16xi32>,
    tpu.vector_store %arg11[%swap3A_2331, %swap3A_2332], %add3A_2329 {strides = array<i32>} : memref<24x128xi32, #tpu.memory_space<vmem>>, vector<16xi32>,
    %add3A_2334 = arith.constant 200000 : i32
    %add3A_2335 = vector.broadcast %add3A_2334 : i32 to vector<16xi32>
    %add3A_2336 = arith.addi %get3A_2303, %add3A_2335 : vector<16xi32>
    %swap3A_2337 = arith.constant 20 : i32
    %swap3A_2338 = arith.index_cast %swap3A_2337 : i32 to index
    %swap3A_2339 = arith.constant 16 : index
    %swap3A_2340 = tpu.vector_load %arg10[%swap3A_2338, %swap3A_2339] {strides = array<i32>} : memref<24x128xi32, #tpu.memory_space<vmem>>, vector<16xi32>,
    tpu.vector_store %arg10[%swap3A_2338, %swap3A_2339], %add3A_2336 {strides = array<i32>} : memref<24x128xi32, #tpu.memory_space<vmem>>, vector<16xi32>,
    %add3A_2341 = arith.constant 200000 : i32
    %add3A_2342 = vector.broadcast %add3A_2341 : i32 to vector<16xi32>
    %add3A_2343 = arith.addi %get3A_2305, %add3A_2342 : vector<16xi32>
    %swap3A_2344 = arith.constant 20 : i32
    %swap3A_2345 = arith.index_cast %swap3A_2344 : i32 to index
    %swap3A_2346 = arith.constant 16 : index
    %swap3A_2347 = tpu.vector_load %arg11[%swap3A_2345, %swap3A_2346] {strides = array<i32>} : memref<24x128xi32, #tpu.memory_space<vmem>>, vector<16xi32>,
    tpu.vector_store %arg11[%swap3A_2345, %swap3A_2346], %add3A_2343 {strides = array<i32>} : memref<24x128xi32, #tpu.memory_space<vmem>>, vector<16xi32>,
    %add3A_2348 = arith.constant 300000 : i32
    %add3A_2349 = vector.broadcast %add3A_2348 : i32 to vector<16xi32>
    %add3A_2350 = arith.addi %get3A_2303, %add3A_2349 : vector<16xi32>
    %swap3A_2351 = arith.constant 21 : i32
    %swap3A_2352 = arith.index_cast %swap3A_2351 : i32 to index
    %swap3A_2353 = arith.constant 16 : index
    %swap3A_2354 = tpu.vector_load %arg10[%swap3A_2352, %swap3A_2353] {strides = array<i32>} : memref<24x128xi32, #tpu.memory_space<vmem>>, vector<16xi32>,
    tpu.vector_store %arg10[%swap3A_2352, %swap3A_2353], %add3A_2350 {strides = array<i32>} : memref<24x128xi32, #tpu.memory_space<vmem>>, vector<16xi32>,
    %add3A_2355 = arith.constant 300000 : i32
    %add3A_2356 = vector.broadcast %add3A_2355 : i32 to vector<16xi32>
    %add3A_2357 = arith.addi %get3A_2305, %add3A_2356 : vector<16xi32>
    %swap3A_2358 = arith.constant 21 : i32
    %swap3A_2359 = arith.index_cast %swap3A_2358 : i32 to index
    %swap3A_2360 = arith.constant 16 : index
    %swap3A_2361 = tpu.vector_load %arg11[%swap3A_2359, %swap3A_2360] {strides = array<i32>} : memref<24x128xi32, #tpu.memory_space<vmem>>, vector<16xi32>,
    tpu.vector_store %arg11[%swap3A_2359, %swap3A_2360], %add3A_2357 {strides = array<i32>} : memref<24x128xi32, #tpu.memory_space<vmem>>, vector<16xi32>,
    %add3A_2362 = arith.constant 400000 : i32
    %add3A_2363 = vector.broadcast %add3A_2362 : i32 to vector<16xi32>
    %add3A_2364 = arith.addi %get3A_2303, %add3A_2363 : vector<16xi32>
    %swap3A_2365 = arith.constant 22 : i32
    %swap3A_2366 = arith.index_cast %swap3A_2365 : i32 to index
    %swap3A_2367 = arith.constant 16 : index
    %swap3A_2368 = tpu.vector_load %arg10[%swap3A_2366, %swap3A_2367] {strides = array<i32>} : memref<24x128xi32, #tpu.memory_space<vmem>>, vector<16xi32>,
    tpu.vector_store %arg10[%swap3A_2366, %swap3A_2367], %add3A_2364 {strides = array<i32>} : memref<24x128xi32, #tpu.memory_space<vmem>>, vector<16xi32>,
    %add3A_2369 = arith.constant 400000 : i32
    %add3A_2370 = vector.broadcast %add3A_2369 : i32 to vector<16xi32>
    %add3A_2371 = arith.addi %get3A_2305, %add3A_2370 : vector<16xi32>
    %swap3A_2372 = arith.constant 22 : i32
    %swap3A_2373 = arith.index_cast %swap3A_2372 : i32 to index
    %swap3A_2374 = arith.constant 16 : index
    %swap3A_2375 = tpu.vector_load %arg11[%swap3A_2373, %swap3A_2374] {strides = array<i32>} : memref<24x128xi32, #tpu.memory_space<vmem>>, vector<16xi32>,
    tpu.vector_store %arg11[%swap3A_2373, %swap3A_2374], %add3A_2371 {strides = array<i32>} : memref<24x128xi32, #tpu.memory_space<vmem>>, vector<16xi32>,
    %add3A_2376 = arith.constant 500000 : i32
    %add3A_2377 = vector.broadcast %add3A_2376 : i32 to vector<16xi32>
    %add3A_2378 = arith.addi %get3A_2303, %add3A_2377 : vector<16xi32>
    %swap3A_2379 = arith.constant 23 : i32
    %swap3A_2380 = arith.index_cast %swap3A_2379 : i32 to index
    %swap3A_2381 = arith.constant 16 : index
    %swap3A_2382 = tpu.vector_load %arg10[%swap3A_2380, %swap3A_2381] {strides = array<i32>} : memref<24x128xi32, #tpu.memory_space<vmem>>, vector<16xi32>,
    tpu.vector_store %arg10[%swap3A_2380, %swap3A_2381], %add3A_2378 {strides = array<i32>} : memref<24x128xi32, #tpu.memory_space<vmem>>, vector<16xi32>,
    %add3A_2383 = arith.constant 500000 : i32
    %add3A_2384 = vector.broadcast %add3A_2383 : i32 to vector<16xi32>
    %add3A_2385 = arith.addi %get3A_2305, %add3A_2384 : vector<16xi32>
    %swap3A_2386 = arith.constant 23 : i32
    %swap3A_2387 = arith.index_cast %swap3A_2386 : i32 to index
    %swap3A_2388 = arith.constant 16 : index
    %swap3A_2389 = tpu.vector_load %arg11[%swap3A_2387, %swap3A_2388] {strides = array<i32>} : memref<24x128xi32, #tpu.memory_space<vmem>>, vector<16xi32>,
    tpu.vector_store %arg11[%swap3A_2387, %swap3A_2388], %add3A_2385 {strides = array<i32>} : memref<24x128xi32, #tpu.memory_space<vmem>>, vector<16xi32>,
    %swap3A_2390 = arith.constant 400 : index
    %swap3A_2391 = tpu.vector_load %arg20[%swap3A_2390] {strides = array<i32>} : memref<512xf32, #tpu.memory_space<vmem>>, vector<16xf32>,
    tpu.vector_store %arg20[%swap3A_2390], %broadcast_in_dim3A_3 {strides = array<i32>} : memref<512xf32, #tpu.memory_space<vmem>>, vector<16xf32>,
    %swap3A_2392 = arith.constant 400 : index
    %swap3A_2393 = tpu.vector_load %arg21[%swap3A_2392] {strides = array<i32>} : memref<512xf32, #tpu.memory_space<vmem>>, vector<16xf32>,
    tpu.vector_store %arg21[%swap3A_2392], %broadcast_in_dim3A_3 {strides = array<i32>} : memref<512xf32, #tpu.memory_space<vmem>>, vector<16xf32>,
    %get3A_2394 = arith.constant 416 : index
    %get3A_2395 = tpu.vector_load %arg12[%get3A_2394] {strides = array<i32>} : memref<512xi32, #tpu.memory_space<vmem>>, vector<16xi32>,
    %get3A_2396 = arith.constant 416 : index
    %get3A_2397 = tpu.vector_load %arg13[%get3A_2396] {strides = array<i32>} : memref<512xi32, #tpu.memory_space<vmem>>, vector<16xi32>,
    %add3A_2398 = arith.constant 0 : i32
    %add3A_2399 = vector.broadcast %add3A_2398 : i32 to vector<16xi32>
    %add3A_2400 = arith.addi %get3A_2395, %add3A_2399 : vector<16xi32>
    %swap3A_2401 = arith.constant 18 : i32
    %swap3A_2402 = arith.index_cast %swap3A_2401 : i32 to index
    %swap3A_2403 = arith.constant 32 : index
    %swap3A_2404 = tpu.vector_load %arg10[%swap3A_2402, %swap3A_2403] {strides = array<i32>} : memref<24x128xi32, #tpu.memory_space<vmem>>, vector<16xi32>,
    tpu.vector_store %arg10[%swap3A_2402, %swap3A_2403], %add3A_2400 {strides = array<i32>} : memref<24x128xi32, #tpu.memory_space<vmem>>, vector<16xi32>,
    %add3A_2405 = arith.constant 0 : i32
    %add3A_2406 = vector.broadcast %add3A_2405 : i32 to vector<16xi32>
    %add3A_2407 = arith.addi %get3A_2397, %add3A_2406 : vector<16xi32>
    %swap3A_2408 = arith.constant 18 : i32
    %swap3A_2409 = arith.index_cast %swap3A_2408 : i32 to index
    %swap3A_2410 = arith.constant 32 : index
    %swap3A_2411 = tpu.vector_load %arg11[%swap3A_2409, %swap3A_2410] {strides = array<i32>} : memref<24x128xi32, #tpu.memory_space<vmem>>, vector<16xi32>,
    tpu.vector_store %arg11[%swap3A_2409, %swap3A_2410], %add3A_2407 {strides = array<i32>} : memref<24x128xi32, #tpu.memory_space<vmem>>, vector<16xi32>,
    %add3A_2412 = arith.constant 100000 : i32
    %add3A_2413 = vector.broadcast %add3A_2412 : i32 to vector<16xi32>
    %add3A_2414 = arith.addi %get3A_2395, %add3A_2413 : vector<16xi32>
    %swap3A_2415 = arith.constant 19 : i32
    %swap3A_2416 = arith.index_cast %swap3A_2415 : i32 to index
    %swap3A_2417 = arith.constant 32 : index
    %swap3A_2418 = tpu.vector_load %arg10[%swap3A_2416, %swap3A_2417] {strides = array<i32>} : memref<24x128xi32, #tpu.memory_space<vmem>>, vector<16xi32>,
    tpu.vector_store %arg10[%swap3A_2416, %swap3A_2417], %add3A_2414 {strides = array<i32>} : memref<24x128xi32, #tpu.memory_space<vmem>>, vector<16xi32>,
    %add3A_2419 = arith.constant 100000 : i32
    %add3A_2420 = vector.broadcast %add3A_2419 : i32 to vector<16xi32>
    %add3A_2421 = arith.addi %get3A_2397, %add3A_2420 : vector<16xi32>
    %swap3A_2422 = arith.constant 19 : i32
    %swap3A_2423 = arith.index_cast %swap3A_2422 : i32 to index
    %swap3A_2424 = arith.constant 32 : index
    %swap3A_2425 = tpu.vector_load %arg11[%swap3A_2423, %swap3A_2424] {strides = array<i32>} : memref<24x128xi32, #tpu.memory_space<vmem>>, vector<16xi32>,
    tpu.vector_store %arg11[%swap3A_2423, %swap3A_2424], %add3A_2421 {strides = array<i32>} : memref<24x128xi32, #tpu.memory_space<vmem>>, vector<16xi32>,
    %add3A_2426 = arith.constant 200000 : i32
    %add3A_2427 = vector.broadcast %add3A_2426 : i32 to vector<16xi32>
    %add3A_2428 = arith.addi %get3A_2395, %add3A_2427 : vector<16xi32>
    %swap3A_2429 = arith.constant 20 : i32
    %swap3A_2430 = arith.index_cast %swap3A_2429 : i32 to index
    %swap3A_2431 = arith.constant 32 : index
    %swap3A_2432 = tpu.vector_load %arg10[%swap3A_2430, %swap3A_2431] {strides = array<i32>} : memref<24x128xi32, #tpu.memory_space<vmem>>, vector<16xi32>,
    tpu.vector_store %arg10[%swap3A_2430, %swap3A_2431], %add3A_2428 {strides = array<i32>} : memref<24x128xi32, #tpu.memory_space<vmem>>, vector<16xi32>,
    %add3A_2433 = arith.constant 200000 : i32
    %add3A_2434 = vector.broadcast %add3A_2433 : i32 to vector<16xi32>
    %add3A_2435 = arith.addi %get3A_2397, %add3A_2434 : vector<16xi32>
    %swap3A_2436 = arith.constant 20 : i32
    %swap3A_2437 = arith.index_cast %swap3A_2436 : i32 to index
    %swap3A_2438 = arith.constant 32 : index
    %swap3A_2439 = tpu.vector_load %arg11[%swap3A_2437, %swap3A_2438] {strides = array<i32>} : memref<24x128xi32, #tpu.memory_space<vmem>>, vector<16xi32>,
    tpu.vector_store %arg11[%swap3A_2437, %swap3A_2438], %add3A_2435 {strides = array<i32>} : memref<24x128xi32, #tpu.memory_space<vmem>>, vector<16xi32>,
    %add3A_2440 = arith.constant 300000 : i32
    %add3A_2441 = vector.broadcast %add3A_2440 : i32 to vector<16xi32>
    %add3A_2442 = arith.addi %get3A_2395, %add3A_2441 : vector<16xi32>
    %swap3A_2443 = arith.constant 21 : i32
    %swap3A_2444 = arith.index_cast %swap3A_2443 : i32 to index
    %swap3A_2445 = arith.constant 32 : index
    %swap3A_2446 = tpu.vector_load %arg10[%swap3A_2444, %swap3A_2445] {strides = array<i32>} : memref<24x128xi32, #tpu.memory_space<vmem>>, vector<16xi32>,
    tpu.vector_store %arg10[%swap3A_2444, %swap3A_2445], %add3A_2442 {strides = array<i32>} : memref<24x128xi32, #tpu.memory_space<vmem>>, vector<16xi32>,
    %add3A_2447 = arith.constant 300000 : i32
    %add3A_2448 = vector.broadcast %add3A_2447 : i32 to vector<16xi32>
    %add3A_2449 = arith.addi %get3A_2397, %add3A_2448 : vector<16xi32>
    %swap3A_2450 = arith.constant 21 : i32
    %swap3A_2451 = arith.index_cast %swap3A_2450 : i32 to index
    %swap3A_2452 = arith.constant 32 : index
    %swap3A_2453 = tpu.vector_load %arg11[%swap3A_2451, %swap3A_2452] {strides = array<i32>} : memref<24x128xi32, #tpu.memory_space<vmem>>, vector<16xi32>,
    tpu.vector_store %arg11[%swap3A_2451, %swap3A_2452], %add3A_2449 {strides = array<i32>} : memref<24x128xi32, #tpu.memory_space<vmem>>, vector<16xi32>,
    %add3A_2454 = arith.constant 400000 : i32
    %add3A_2455 = vector.broadcast %add3A_2454 : i32 to vector<16xi32>
    %add3A_2456 = arith.addi %get3A_2395, %add3A_2455 : vector<16xi32>
    %swap3A_2457 = arith.constant 22 : i32
    %swap3A_2458 = arith.index_cast %swap3A_2457 : i32 to index
    %swap3A_2459 = arith.constant 32 : index
    %swap3A_2460 = tpu.vector_load %arg10[%swap3A_2458, %swap3A_2459] {strides = array<i32>} : memref<24x128xi32, #tpu.memory_space<vmem>>, vector<16xi32>,
    tpu.vector_store %arg10[%swap3A_2458, %swap3A_2459], %add3A_2456 {strides = array<i32>} : memref<24x128xi32, #tpu.memory_space<vmem>>, vector<16xi32>,
    %add3A_2461 = arith.constant 400000 : i32
    %add3A_2462 = vector.broadcast %add3A_2461 : i32 to vector<16xi32>
    %add3A_2463 = arith.addi %get3A_2397, %add3A_2462 : vector<16xi32>
    %swap3A_2464 = arith.constant 22 : i32
    %swap3A_2465 = arith.index_cast %swap3A_2464 : i32 to index
    %swap3A_2466 = arith.constant 32 : index
    %swap3A_2467 = tpu.vector_load %arg11[%swap3A_2465, %swap3A_2466] {strides = array<i32>} : memref<24x128xi32, #tpu.memory_space<vmem>>, vector<16xi32>,
    tpu.vector_store %arg11[%swap3A_2465, %swap3A_2466], %add3A_2463 {strides = array<i32>} : memref<24x128xi32, #tpu.memory_space<vmem>>, vector<16xi32>,
    %add3A_2468 = arith.constant 500000 : i32
    %add3A_2469 = vector.broadcast %add3A_2468 : i32 to vector<16xi32>
    %add3A_2470 = arith.addi %get3A_2395, %add3A_2469 : vector<16xi32>
    %swap3A_2471 = arith.constant 23 : i32
    %swap3A_2472 = arith.index_cast %swap3A_2471 : i32 to index
    %swap3A_2473 = arith.constant 32 : index
    %swap3A_2474 = tpu.vector_load %arg10[%swap3A_2472, %swap3A_2473] {strides = array<i32>} : memref<24x128xi32, #tpu.memory_space<vmem>>, vector<16xi32>,
    tpu.vector_store %arg10[%swap3A_2472, %swap3A_2473], %add3A_2470 {strides = array<i32>} : memref<24x128xi32, #tpu.memory_space<vmem>>, vector<16xi32>,
    %add3A_2475 = arith.constant 500000 : i32
    %add3A_2476 = vector.broadcast %add3A_2475 : i32 to vector<16xi32>
    %add3A_2477 = arith.addi %get3A_2397, %add3A_2476 : vector<16xi32>
    %swap3A_2478 = arith.constant 23 : i32
    %swap3A_2479 = arith.index_cast %swap3A_2478 : i32 to index
    %swap3A_2480 = arith.constant 32 : index
    %swap3A_2481 = tpu.vector_load %arg11[%swap3A_2479, %swap3A_2480] {strides = array<i32>} : memref<24x128xi32, #tpu.memory_space<vmem>>, vector<16xi32>,
    tpu.vector_store %arg11[%swap3A_2479, %swap3A_2480], %add3A_2477 {strides = array<i32>} : memref<24x128xi32, #tpu.memory_space<vmem>>, vector<16xi32>,
    %swap3A_2482 = arith.constant 416 : index
    %swap3A_2483 = tpu.vector_load %arg20[%swap3A_2482] {strides = array<i32>} : memref<512xf32, #tpu.memory_space<vmem>>, vector<16xf32>,
    tpu.vector_store %arg20[%swap3A_2482], %broadcast_in_dim3A_3 {strides = array<i32>} : memref<512xf32, #tpu.memory_space<vmem>>, vector<16xf32>,
    %swap3A_2484 = arith.constant 416 : index
    %swap3A_2485 = tpu.vector_load %arg21[%swap3A_2484] {strides = array<i32>} : memref<512xf32, #tpu.memory_space<vmem>>, vector<16xf32>,
    tpu.vector_store %arg21[%swap3A_2484], %broadcast_in_dim3A_3 {strides = array<i32>} : memref<512xf32, #tpu.memory_space<vmem>>, vector<16xf32>,
    %get3A_2486 = arith.constant 432 : index
    %get3A_2487 = tpu.vector_load %arg12[%get3A_2486] {strides = array<i32>} : memref<512xi32, #tpu.memory_space<vmem>>, vector<16xi32>,
    %get3A_2488 = arith.constant 432 : index
    %get3A_2489 = tpu.vector_load %arg13[%get3A_2488] {strides = array<i32>} : memref<512xi32, #tpu.memory_space<vmem>>, vector<16xi32>,
    %add3A_2490 = arith.constant 0 : i32
    %add3A_2491 = vector.broadcast %add3A_2490 : i32 to vector<16xi32>
    %add3A_2492 = arith.addi %get3A_2487, %add3A_2491 : vector<16xi32>
    %swap3A_2493 = arith.constant 18 : i32
    %swap3A_2494 = arith.index_cast %swap3A_2493 : i32 to index
    %swap3A_2495 = arith.constant 48 : index
    %swap3A_2496 = tpu.vector_load %arg10[%swap3A_2494, %swap3A_2495] {strides = array<i32>} : memref<24x128xi32, #tpu.memory_space<vmem>>, vector<16xi32>,
    tpu.vector_store %arg10[%swap3A_2494, %swap3A_2495], %add3A_2492 {strides = array<i32>} : memref<24x128xi32, #tpu.memory_space<vmem>>, vector<16xi32>,
    %add3A_2497 = arith.constant 0 : i32
    %add3A_2498 = vector.broadcast %add3A_2497 : i32 to vector<16xi32>
    %add3A_2499 = arith.addi %get3A_2489, %add3A_2498 : vector<16xi32>
    %swap3A_2500 = arith.constant 18 : i32
    %swap3A_2501 = arith.index_cast %swap3A_2500 : i32 to index
    %swap3A_2502 = arith.constant 48 : index
    %swap3A_2503 = tpu.vector_load %arg11[%swap3A_2501, %swap3A_2502] {strides = array<i32>} : memref<24x128xi32, #tpu.memory_space<vmem>>, vector<16xi32>,
    tpu.vector_store %arg11[%swap3A_2501, %swap3A_2502], %add3A_2499 {strides = array<i32>} : memref<24x128xi32, #tpu.memory_space<vmem>>, vector<16xi32>,
    %add3A_2504 = arith.constant 100000 : i32
    %add3A_2505 = vector.broadcast %add3A_2504 : i32 to vector<16xi32>
    %add3A_2506 = arith.addi %get3A_2487, %add3A_2505 : vector<16xi32>
    %swap3A_2507 = arith.constant 19 : i32
    %swap3A_2508 = arith.index_cast %swap3A_2507 : i32 to index
    %swap3A_2509 = arith.constant 48 : index
    %swap3A_2510 = tpu.vector_load %arg10[%swap3A_2508, %swap3A_2509] {strides = array<i32>} : memref<24x128xi32, #tpu.memory_space<vmem>>, vector<16xi32>,
    tpu.vector_store %arg10[%swap3A_2508, %swap3A_2509], %add3A_2506 {strides = array<i32>} : memref<24x128xi32, #tpu.memory_space<vmem>>, vector<16xi32>,
    %add3A_2511 = arith.constant 100000 : i32
    %add3A_2512 = vector.broadcast %add3A_2511 : i32 to vector<16xi32>
    %add3A_2513 = arith.addi %get3A_2489, %add3A_2512 : vector<16xi32>
    %swap3A_2514 = arith.constant 19 : i32
    %swap3A_2515 = arith.index_cast %swap3A_2514 : i32 to index
    %swap3A_2516 = arith.constant 48 : index
    %swap3A_2517 = tpu.vector_load %arg11[%swap3A_2515, %swap3A_2516] {strides = array<i32>} : memref<24x128xi32, #tpu.memory_space<vmem>>, vector<16xi32>,
    tpu.vector_store %arg11[%swap3A_2515, %swap3A_2516], %add3A_2513 {strides = array<i32>} : memref<24x128xi32, #tpu.memory_space<vmem>>, vector<16xi32>,
    %add3A_2518 = arith.constant 200000 : i32
    %add3A_2519 = vector.broadcast %add3A_2518 : i32 to vector<16xi32>
    %add3A_2520 = arith.addi %get3A_2487, %add3A_2519 : vector<16xi32>
    %swap3A_2521 = arith.constant 20 : i32
    %swap3A_2522 = arith.index_cast %swap3A_2521 : i32 to index
    %swap3A_2523 = arith.constant 48 : index
    %swap3A_2524 = tpu.vector_load %arg10[%swap3A_2522, %swap3A_2523] {strides = array<i32>} : memref<24x128xi32, #tpu.memory_space<vmem>>, vector<16xi32>,
    tpu.vector_store %arg10[%swap3A_2522, %swap3A_2523], %add3A_2520 {strides = array<i32>} : memref<24x128xi32, #tpu.memory_space<vmem>>, vector<16xi32>,
    %add3A_2525 = arith.constant 200000 : i32
    %add3A_2526 = vector.broadcast %add3A_2525 : i32 to vector<16xi32>
    %add3A_2527 = arith.addi %get3A_2489, %add3A_2526 : vector<16xi32>
    %swap3A_2528 = arith.constant 20 : i32
    %swap3A_2529 = arith.index_cast %swap3A_2528 : i32 to index
    %swap3A_2530 = arith.constant 48 : index
    %swap3A_2531 = tpu.vector_load %arg11[%swap3A_2529, %swap3A_2530] {strides = array<i32>} : memref<24x128xi32, #tpu.memory_space<vmem>>, vector<16xi32>,
    tpu.vector_store %arg11[%swap3A_2529, %swap3A_2530], %add3A_2527 {strides = array<i32>} : memref<24x128xi32, #tpu.memory_space<vmem>>, vector<16xi32>,
    %add3A_2532 = arith.constant 300000 : i32
    %add3A_2533 = vector.broadcast %add3A_2532 : i32 to vector<16xi32>
    %add3A_2534 = arith.addi %get3A_2487, %add3A_2533 : vector<16xi32>
    %swap3A_2535 = arith.constant 21 : i32
    %swap3A_2536 = arith.index_cast %swap3A_2535 : i32 to index
    %swap3A_2537 = arith.constant 48 : index
    %swap3A_2538 = tpu.vector_load %arg10[%swap3A_2536, %swap3A_2537] {strides = array<i32>} : memref<24x128xi32, #tpu.memory_space<vmem>>, vector<16xi32>,
    tpu.vector_store %arg10[%swap3A_2536, %swap3A_2537], %add3A_2534 {strides = array<i32>} : memref<24x128xi32, #tpu.memory_space<vmem>>, vector<16xi32>,
    %add3A_2539 = arith.constant 300000 : i32
    %add3A_2540 = vector.broadcast %add3A_2539 : i32 to vector<16xi32>
    %add3A_2541 = arith.addi %get3A_2489, %add3A_2540 : vector<16xi32>
    %swap3A_2542 = arith.constant 21 : i32
    %swap3A_2543 = arith.index_cast %swap3A_2542 : i32 to index
    %swap3A_2544 = arith.constant 48 : index
    %swap3A_2545 = tpu.vector_load %arg11[%swap3A_2543, %swap3A_2544] {strides = array<i32>} : memref<24x128xi32, #tpu.memory_space<vmem>>, vector<16xi32>,
    tpu.vector_store %arg11[%swap3A_2543, %swap3A_2544], %add3A_2541 {strides = array<i32>} : memref<24x128xi32, #tpu.memory_space<vmem>>, vector<16xi32>,
    %add3A_2546 = arith.constant 400000 : i32
    %add3A_2547 = vector.broadcast %add3A_2546 : i32 to vector<16xi32>
    %add3A_2548 = arith.addi %get3A_2487, %add3A_2547 : vector<16xi32>
    %swap3A_2549 = arith.constant 22 : i32
    %swap3A_2550 = arith.index_cast %swap3A_2549 : i32 to index
    %swap3A_2551 = arith.constant 48 : index
    %swap3A_2552 = tpu.vector_load %arg10[%swap3A_2550, %swap3A_2551] {strides = array<i32>} : memref<24x128xi32, #tpu.memory_space<vmem>>, vector<16xi32>,
    tpu.vector_store %arg10[%swap3A_2550, %swap3A_2551], %add3A_2548 {strides = array<i32>} : memref<24x128xi32, #tpu.memory_space<vmem>>, vector<16xi32>,
    %add3A_2553 = arith.constant 400000 : i32
    %add3A_2554 = vector.broadcast %add3A_2553 : i32 to vector<16xi32>
    %add3A_2555 = arith.addi %get3A_2489, %add3A_2554 : vector<16xi32>
    %swap3A_2556 = arith.constant 22 : i32
    %swap3A_2557 = arith.index_cast %swap3A_2556 : i32 to index
    %swap3A_2558 = arith.constant 48 : index
    %swap3A_2559 = tpu.vector_load %arg11[%swap3A_2557, %swap3A_2558] {strides = array<i32>} : memref<24x128xi32, #tpu.memory_space<vmem>>, vector<16xi32>,
    tpu.vector_store %arg11[%swap3A_2557, %swap3A_2558], %add3A_2555 {strides = array<i32>} : memref<24x128xi32, #tpu.memory_space<vmem>>, vector<16xi32>,
    %add3A_2560 = arith.constant 500000 : i32
    %add3A_2561 = vector.broadcast %add3A_2560 : i32 to vector<16xi32>
    %add3A_2562 = arith.addi %get3A_2487, %add3A_2561 : vector<16xi32>
    %swap3A_2563 = arith.constant 23 : i32
    %swap3A_2564 = arith.index_cast %swap3A_2563 : i32 to index
    %swap3A_2565 = arith.constant 48 : index
    %swap3A_2566 = tpu.vector_load %arg10[%swap3A_2564, %swap3A_2565] {strides = array<i32>} : memref<24x128xi32, #tpu.memory_space<vmem>>, vector<16xi32>,
    tpu.vector_store %arg10[%swap3A_2564, %swap3A_2565], %add3A_2562 {strides = array<i32>} : memref<24x128xi32, #tpu.memory_space<vmem>>, vector<16xi32>,
    %add3A_2567 = arith.constant 500000 : i32
    %add3A_2568 = vector.broadcast %add3A_2567 : i32 to vector<16xi32>
    %add3A_2569 = arith.addi %get3A_2489, %add3A_2568 : vector<16xi32>
    %swap3A_2570 = arith.constant 23 : i32
    %swap3A_2571 = arith.index_cast %swap3A_2570 : i32 to index
    %swap3A_2572 = arith.constant 48 : index
    %swap3A_2573 = tpu.vector_load %arg11[%swap3A_2571, %swap3A_2572] {strides = array<i32>} : memref<24x128xi32, #tpu.memory_space<vmem>>, vector<16xi32>,
    tpu.vector_store %arg11[%swap3A_2571, %swap3A_2572], %add3A_2569 {strides = array<i32>} : memref<24x128xi32, #tpu.memory_space<vmem>>, vector<16xi32>,
    %swap3A_2574 = arith.constant 432 : index
    %swap3A_2575 = tpu.vector_load %arg20[%swap3A_2574] {strides = array<i32>} : memref<512xf32, #tpu.memory_space<vmem>>, vector<16xf32>,
    tpu.vector_store %arg20[%swap3A_2574], %broadcast_in_dim3A_3 {strides = array<i32>} : memref<512xf32, #tpu.memory_space<vmem>>, vector<16xf32>,
    %swap3A_2576 = arith.constant 432 : index
    %swap3A_2577 = tpu.vector_load %arg21[%swap3A_2576] {strides = array<i32>} : memref<512xf32, #tpu.memory_space<vmem>>, vector<16xf32>,
    tpu.vector_store %arg21[%swap3A_2576], %broadcast_in_dim3A_3 {strides = array<i32>} : memref<512xf32, #tpu.memory_space<vmem>>, vector<16xf32>,
    %get3A_2578 = arith.constant 448 : index
    %get3A_2579 = tpu.vector_load %arg12[%get3A_2578] {strides = array<i32>} : memref<512xi32, #tpu.memory_space<vmem>>, vector<16xi32>,
    %get3A_2580 = arith.constant 448 : index
    %get3A_2581 = tpu.vector_load %arg13[%get3A_2580] {strides = array<i32>} : memref<512xi32, #tpu.memory_space<vmem>>, vector<16xi32>,
    %add3A_2582 = arith.constant 0 : i32
    %add3A_2583 = vector.broadcast %add3A_2582 : i32 to vector<16xi32>
    %add3A_2584 = arith.addi %get3A_2579, %add3A_2583 : vector<16xi32>
    %swap3A_2585 = arith.constant 18 : i32
    %swap3A_2586 = arith.index_cast %swap3A_2585 : i32 to index
    %swap3A_2587 = arith.constant 64 : index
    %swap3A_2588 = tpu.vector_load %arg10[%swap3A_2586, %swap3A_2587] {strides = array<i32>} : memref<24x128xi32, #tpu.memory_space<vmem>>, vector<16xi32>,
    tpu.vector_store %arg10[%swap3A_2586, %swap3A_2587], %add3A_2584 {strides = array<i32>} : memref<24x128xi32, #tpu.memory_space<vmem>>, vector<16xi32>,
    %add3A_2589 = arith.constant 0 : i32
    %add3A_2590 = vector.broadcast %add3A_2589 : i32 to vector<16xi32>
    %add3A_2591 = arith.addi %get3A_2581, %add3A_2590 : vector<16xi32>
    %swap3A_2592 = arith.constant 18 : i32
    %swap3A_2593 = arith.index_cast %swap3A_2592 : i32 to index
    %swap3A_2594 = arith.constant 64 : index
    %swap3A_2595 = tpu.vector_load %arg11[%swap3A_2593, %swap3A_2594] {strides = array<i32>} : memref<24x128xi32, #tpu.memory_space<vmem>>, vector<16xi32>,
    tpu.vector_store %arg11[%swap3A_2593, %swap3A_2594], %add3A_2591 {strides = array<i32>} : memref<24x128xi32, #tpu.memory_space<vmem>>, vector<16xi32>,
    %add3A_2596 = arith.constant 100000 : i32
    %add3A_2597 = vector.broadcast %add3A_2596 : i32 to vector<16xi32>
    %add3A_2598 = arith.addi %get3A_2579, %add3A_2597 : vector<16xi32>
    %swap3A_2599 = arith.constant 19 : i32
    %swap3A_2600 = arith.index_cast %swap3A_2599 : i32 to index
    %swap3A_2601 = arith.constant 64 : index
    %swap3A_2602 = tpu.vector_load %arg10[%swap3A_2600, %swap3A_2601] {strides = array<i32>} : memref<24x128xi32, #tpu.memory_space<vmem>>, vector<16xi32>,
    tpu.vector_store %arg10[%swap3A_2600, %swap3A_2601], %add3A_2598 {strides = array<i32>} : memref<24x128xi32, #tpu.memory_space<vmem>>, vector<16xi32>,
    %add3A_2603 = arith.constant 100000 : i32
    %add3A_2604 = vector.broadcast %add3A_2603 : i32 to vector<16xi32>
    %add3A_2605 = arith.addi %get3A_2581, %add3A_2604 : vector<16xi32>
    %swap3A_2606 = arith.constant 19 : i32
    %swap3A_2607 = arith.index_cast %swap3A_2606 : i32 to index
    %swap3A_2608 = arith.constant 64 : index
    %swap3A_2609 = tpu.vector_load %arg11[%swap3A_2607, %swap3A_2608] {strides = array<i32>} : memref<24x128xi32, #tpu.memory_space<vmem>>, vector<16xi32>,
    tpu.vector_store %arg11[%swap3A_2607, %swap3A_2608], %add3A_2605 {strides = array<i32>} : memref<24x128xi32, #tpu.memory_space<vmem>>, vector<16xi32>,
    %add3A_2610 = arith.constant 200000 : i32
    %add3A_2611 = vector.broadcast %add3A_2610 : i32 to vector<16xi32>
    %add3A_2612 = arith.addi %get3A_2579, %add3A_2611 : vector<16xi32>
    %swap3A_2613 = arith.constant 20 : i32
    %swap3A_2614 = arith.index_cast %swap3A_2613 : i32 to index
    %swap3A_2615 = arith.constant 64 : index
    %swap3A_2616 = tpu.vector_load %arg10[%swap3A_2614, %swap3A_2615] {strides = array<i32>} : memref<24x128xi32, #tpu.memory_space<vmem>>, vector<16xi32>,
    tpu.vector_store %arg10[%swap3A_2614, %swap3A_2615], %add3A_2612 {strides = array<i32>} : memref<24x128xi32, #tpu.memory_space<vmem>>, vector<16xi32>,
    %add3A_2617 = arith.constant 200000 : i32
    %add3A_2618 = vector.broadcast %add3A_2617 : i32 to vector<16xi32>
    %add3A_2619 = arith.addi %get3A_2581, %add3A_2618 : vector<16xi32>
    %swap3A_2620 = arith.constant 20 : i32
    %swap3A_2621 = arith.index_cast %swap3A_2620 : i32 to index
    %swap3A_2622 = arith.constant 64 : index
    %swap3A_2623 = tpu.vector_load %arg11[%swap3A_2621, %swap3A_2622] {strides = array<i32>} : memref<24x128xi32, #tpu.memory_space<vmem>>, vector<16xi32>,
    tpu.vector_store %arg11[%swap3A_2621, %swap3A_2622], %add3A_2619 {strides = array<i32>} : memref<24x128xi32, #tpu.memory_space<vmem>>, vector<16xi32>,
    %add3A_2624 = arith.constant 300000 : i32
    %add3A_2625 = vector.broadcast %add3A_2624 : i32 to vector<16xi32>
    %add3A_2626 = arith.addi %get3A_2579, %add3A_2625 : vector<16xi32>
    %swap3A_2627 = arith.constant 21 : i32
    %swap3A_2628 = arith.index_cast %swap3A_2627 : i32 to index
    %swap3A_2629 = arith.constant 64 : index
    %swap3A_2630 = tpu.vector_load %arg10[%swap3A_2628, %swap3A_2629] {strides = array<i32>} : memref<24x128xi32, #tpu.memory_space<vmem>>, vector<16xi32>,
    tpu.vector_store %arg10[%swap3A_2628, %swap3A_2629], %add3A_2626 {strides = array<i32>} : memref<24x128xi32, #tpu.memory_space<vmem>>, vector<16xi32>,
    %add3A_2631 = arith.constant 300000 : i32
    %add3A_2632 = vector.broadcast %add3A_2631 : i32 to vector<16xi32>
    %add3A_2633 = arith.addi %get3A_2581, %add3A_2632 : vector<16xi32>
    %swap3A_2634 = arith.constant 21 : i32
    %swap3A_2635 = arith.index_cast %swap3A_2634 : i32 to index
    %swap3A_2636 = arith.constant 64 : index
    %swap3A_2637 = tpu.vector_load %arg11[%swap3A_2635, %swap3A_2636] {strides = array<i32>} : memref<24x128xi32, #tpu.memory_space<vmem>>, vector<16xi32>,
    tpu.vector_store %arg11[%swap3A_2635, %swap3A_2636], %add3A_2633 {strides = array<i32>} : memref<24x128xi32, #tpu.memory_space<vmem>>, vector<16xi32>,
    %add3A_2638 = arith.constant 400000 : i32
    %add3A_2639 = vector.broadcast %add3A_2638 : i32 to vector<16xi32>
    %add3A_2640 = arith.addi %get3A_2579, %add3A_2639 : vector<16xi32>
    %swap3A_2641 = arith.constant 22 : i32
    %swap3A_2642 = arith.index_cast %swap3A_2641 : i32 to index
    %swap3A_2643 = arith.constant 64 : index
    %swap3A_2644 = tpu.vector_load %arg10[%swap3A_2642, %swap3A_2643] {strides = array<i32>} : memref<24x128xi32, #tpu.memory_space<vmem>>, vector<16xi32>,
    tpu.vector_store %arg10[%swap3A_2642, %swap3A_2643], %add3A_2640 {strides = array<i32>} : memref<24x128xi32, #tpu.memory_space<vmem>>, vector<16xi32>,
    %add3A_2645 = arith.constant 400000 : i32
    %add3A_2646 = vector.broadcast %add3A_2645 : i32 to vector<16xi32>
    %add3A_2647 = arith.addi %get3A_2581, %add3A_2646 : vector<16xi32>
    %swap3A_2648 = arith.constant 22 : i32
    %swap3A_2649 = arith.index_cast %swap3A_2648 : i32 to index
    %swap3A_2650 = arith.constant 64 : index
    %swap3A_2651 = tpu.vector_load %arg11[%swap3A_2649, %swap3A_2650] {strides = array<i32>} : memref<24x128xi32, #tpu.memory_space<vmem>>, vector<16xi32>,
    tpu.vector_store %arg11[%swap3A_2649, %swap3A_2650], %add3A_2647 {strides = array<i32>} : memref<24x128xi32, #tpu.memory_space<vmem>>, vector<16xi32>,
    %add3A_2652 = arith.constant 500000 : i32
    %add3A_2653 = vector.broadcast %add3A_2652 : i32 to vector<16xi32>
    %add3A_2654 = arith.addi %get3A_2579, %add3A_2653 : vector<16xi32>
    %swap3A_2655 = arith.constant 23 : i32
    %swap3A_2656 = arith.index_cast %swap3A_2655 : i32 to index
    %swap3A_2657 = arith.constant 64 : index
    %swap3A_2658 = tpu.vector_load %arg10[%swap3A_2656, %swap3A_2657] {strides = array<i32>} : memref<24x128xi32, #tpu.memory_space<vmem>>, vector<16xi32>,
    tpu.vector_store %arg10[%swap3A_2656, %swap3A_2657], %add3A_2654 {strides = array<i32>} : memref<24x128xi32, #tpu.memory_space<vmem>>, vector<16xi32>,
    %add3A_2659 = arith.constant 500000 : i32
    %add3A_2660 = vector.broadcast %add3A_2659 : i32 to vector<16xi32>
    %add3A_2661 = arith.addi %get3A_2581, %add3A_2660 : vector<16xi32>
    %swap3A_2662 = arith.constant 23 : i32
    %swap3A_2663 = arith.index_cast %swap3A_2662 : i32 to index
    %swap3A_2664 = arith.constant 64 : index
    %swap3A_2665 = tpu.vector_load %arg11[%swap3A_2663, %swap3A_2664] {strides = array<i32>} : memref<24x128xi32, #tpu.memory_space<vmem>>, vector<16xi32>,
    tpu.vector_store %arg11[%swap3A_2663, %swap3A_2664], %add3A_2661 {strides = array<i32>} : memref<24x128xi32, #tpu.memory_space<vmem>>, vector<16xi32>,
    %swap3A_2666 = arith.constant 448 : index
    %swap3A_2667 = tpu.vector_load %arg20[%swap3A_2666] {strides = array<i32>} : memref<512xf32, #tpu.memory_space<vmem>>, vector<16xf32>,
    tpu.vector_store %arg20[%swap3A_2666], %broadcast_in_dim3A_3 {strides = array<i32>} : memref<512xf32, #tpu.memory_space<vmem>>, vector<16xf32>,
    %swap3A_2668 = arith.constant 448 : index
    %swap3A_2669 = tpu.vector_load %arg21[%swap3A_2668] {strides = array<i32>} : memref<512xf32, #tpu.memory_space<vmem>>, vector<16xf32>,
    tpu.vector_store %arg21[%swap3A_2668], %broadcast_in_dim3A_3 {strides = array<i32>} : memref<512xf32, #tpu.memory_space<vmem>>, vector<16xf32>,
    %get3A_2670 = arith.constant 464 : index
    %get3A_2671 = tpu.vector_load %arg12[%get3A_2670] {strides = array<i32>} : memref<512xi32, #tpu.memory_space<vmem>>, vector<16xi32>,
    %get3A_2672 = arith.constant 464 : index
    %get3A_2673 = tpu.vector_load %arg13[%get3A_2672] {strides = array<i32>} : memref<512xi32, #tpu.memory_space<vmem>>, vector<16xi32>,
    %add3A_2674 = arith.constant 0 : i32
    %add3A_2675 = vector.broadcast %add3A_2674 : i32 to vector<16xi32>
    %add3A_2676 = arith.addi %get3A_2671, %add3A_2675 : vector<16xi32>
    %swap3A_2677 = arith.constant 18 : i32
    %swap3A_2678 = arith.index_cast %swap3A_2677 : i32 to index
    %swap3A_2679 = arith.constant 80 : index
    %swap3A_2680 = tpu.vector_load %arg10[%swap3A_2678, %swap3A_2679] {strides = array<i32>} : memref<24x128xi32, #tpu.memory_space<vmem>>, vector<16xi32>,
    tpu.vector_store %arg10[%swap3A_2678, %swap3A_2679], %add3A_2676 {strides = array<i32>} : memref<24x128xi32, #tpu.memory_space<vmem>>, vector<16xi32>,
    %add3A_2681 = arith.constant 0 : i32
    %add3A_2682 = vector.broadcast %add3A_2681 : i32 to vector<16xi32>
    %add3A_2683 = arith.addi %get3A_2673, %add3A_2682 : vector<16xi32>
    %swap3A_2684 = arith.constant 18 : i32
    %swap3A_2685 = arith.index_cast %swap3A_2684 : i32 to index
    %swap3A_2686 = arith.constant 80 : index
    %swap3A_2687 = tpu.vector_load %arg11[%swap3A_2685, %swap3A_2686] {strides = array<i32>} : memref<24x128xi32, #tpu.memory_space<vmem>>, vector<16xi32>,
    tpu.vector_store %arg11[%swap3A_2685, %swap3A_2686], %add3A_2683 {strides = array<i32>} : memref<24x128xi32, #tpu.memory_space<vmem>>, vector<16xi32>,
    %add3A_2688 = arith.constant 100000 : i32
    %add3A_2689 = vector.broadcast %add3A_2688 : i32 to vector<16xi32>
    %add3A_2690 = arith.addi %get3A_2671, %add3A_2689 : vector<16xi32>
    %swap3A_2691 = arith.constant 19 : i32
    %swap3A_2692 = arith.index_cast %swap3A_2691 : i32 to index
    %swap3A_2693 = arith.constant 80 : index
    %swap3A_2694 = tpu.vector_load %arg10[%swap3A_2692, %swap3A_2693] {strides = array<i32>} : memref<24x128xi32, #tpu.memory_space<vmem>>, vector<16xi32>,
    tpu.vector_store %arg10[%swap3A_2692, %swap3A_2693], %add3A_2690 {strides = array<i32>} : memref<24x128xi32, #tpu.memory_space<vmem>>, vector<16xi32>,
    %add3A_2695 = arith.constant 100000 : i32
    %add3A_2696 = vector.broadcast %add3A_2695 : i32 to vector<16xi32>
    %add3A_2697 = arith.addi %get3A_2673, %add3A_2696 : vector<16xi32>
    %swap3A_2698 = arith.constant 19 : i32
    %swap3A_2699 = arith.index_cast %swap3A_2698 : i32 to index
    %swap3A_2700 = arith.constant 80 : index
    %swap3A_2701 = tpu.vector_load %arg11[%swap3A_2699, %swap3A_2700] {strides = array<i32>} : memref<24x128xi32, #tpu.memory_space<vmem>>, vector<16xi32>,
    tpu.vector_store %arg11[%swap3A_2699, %swap3A_2700], %add3A_2697 {strides = array<i32>} : memref<24x128xi32, #tpu.memory_space<vmem>>, vector<16xi32>,
    %add3A_2702 = arith.constant 200000 : i32
    %add3A_2703 = vector.broadcast %add3A_2702 : i32 to vector<16xi32>
    %add3A_2704 = arith.addi %get3A_2671, %add3A_2703 : vector<16xi32>
    %swap3A_2705 = arith.constant 20 : i32
    %swap3A_2706 = arith.index_cast %swap3A_2705 : i32 to index
    %swap3A_2707 = arith.constant 80 : index
    %swap3A_2708 = tpu.vector_load %arg10[%swap3A_2706, %swap3A_2707] {strides = array<i32>} : memref<24x128xi32, #tpu.memory_space<vmem>>, vector<16xi32>,
    tpu.vector_store %arg10[%swap3A_2706, %swap3A_2707], %add3A_2704 {strides = array<i32>} : memref<24x128xi32, #tpu.memory_space<vmem>>, vector<16xi32>,
    %add3A_2709 = arith.constant 200000 : i32
    %add3A_2710 = vector.broadcast %add3A_2709 : i32 to vector<16xi32>
    %add3A_2711 = arith.addi %get3A_2673, %add3A_2710 : vector<16xi32>
    %swap3A_2712 = arith.constant 20 : i32
    %swap3A_2713 = arith.index_cast %swap3A_2712 : i32 to index
    %swap3A_2714 = arith.constant 80 : index
    %swap3A_2715 = tpu.vector_load %arg11[%swap3A_2713, %swap3A_2714] {strides = array<i32>} : memref<24x128xi32, #tpu.memory_space<vmem>>, vector<16xi32>,
    tpu.vector_store %arg11[%swap3A_2713, %swap3A_2714], %add3A_2711 {strides = array<i32>} : memref<24x128xi32, #tpu.memory_space<vmem>>, vector<16xi32>,
    %add3A_2716 = arith.constant 300000 : i32
    %add3A_2717 = vector.broadcast %add3A_2716 : i32 to vector<16xi32>
    %add3A_2718 = arith.addi %get3A_2671, %add3A_2717 : vector<16xi32>
    %swap3A_2719 = arith.constant 21 : i32
    %swap3A_2720 = arith.index_cast %swap3A_2719 : i32 to index
    %swap3A_2721 = arith.constant 80 : index
    %swap3A_2722 = tpu.vector_load %arg10[%swap3A_2720, %swap3A_2721] {strides = array<i32>} : memref<24x128xi32, #tpu.memory_space<vmem>>, vector<16xi32>,
    tpu.vector_store %arg10[%swap3A_2720, %swap3A_2721], %add3A_2718 {strides = array<i32>} : memref<24x128xi32, #tpu.memory_space<vmem>>, vector<16xi32>,
    %add3A_2723 = arith.constant 300000 : i32
    %add3A_2724 = vector.broadcast %add3A_2723 : i32 to vector<16xi32>
    %add3A_2725 = arith.addi %get3A_2673, %add3A_2724 : vector<16xi32>
    %swap3A_2726 = arith.constant 21 : i32
    %swap3A_2727 = arith.index_cast %swap3A_2726 : i32 to index
    %swap3A_2728 = arith.constant 80 : index
    %swap3A_2729 = tpu.vector_load %arg11[%swap3A_2727, %swap3A_2728] {strides = array<i32>} : memref<24x128xi32, #tpu.memory_space<vmem>>, vector<16xi32>,
    tpu.vector_store %arg11[%swap3A_2727, %swap3A_2728], %add3A_2725 {strides = array<i32>} : memref<24x128xi32, #tpu.memory_space<vmem>>, vector<16xi32>,
    %add3A_2730 = arith.constant 400000 : i32
    %add3A_2731 = vector.broadcast %add3A_2730 : i32 to vector<16xi32>
    %add3A_2732 = arith.addi %get3A_2671, %add3A_2731 : vector<16xi32>
    %swap3A_2733 = arith.constant 22 : i32
    %swap3A_2734 = arith.index_cast %swap3A_2733 : i32 to index
    %swap3A_2735 = arith.constant 80 : index
    %swap3A_2736 = tpu.vector_load %arg10[%swap3A_2734, %swap3A_2735] {strides = array<i32>} : memref<24x128xi32, #tpu.memory_space<vmem>>, vector<16xi32>,
    tpu.vector_store %arg10[%swap3A_2734, %swap3A_2735], %add3A_2732 {strides = array<i32>} : memref<24x128xi32, #tpu.memory_space<vmem>>, vector<16xi32>,
    %add3A_2737 = arith.constant 400000 : i32
    %add3A_2738 = vector.broadcast %add3A_2737 : i32 to vector<16xi32>
    %add3A_2739 = arith.addi %get3A_2673, %add3A_2738 : vector<16xi32>
    %swap3A_2740 = arith.constant 22 : i32
    %swap3A_2741 = arith.index_cast %swap3A_2740 : i32 to index
    %swap3A_2742 = arith.constant 80 : index
    %swap3A_2743 = tpu.vector_load %arg11[%swap3A_2741, %swap3A_2742] {strides = array<i32>} : memref<24x128xi32, #tpu.memory_space<vmem>>, vector<16xi32>,
    tpu.vector_store %arg11[%swap3A_2741, %swap3A_2742], %add3A_2739 {strides = array<i32>} : memref<24x128xi32, #tpu.memory_space<vmem>>, vector<16xi32>,
    %add3A_2744 = arith.constant 500000 : i32
    %add3A_2745 = vector.broadcast %add3A_2744 : i32 to vector<16xi32>
    %add3A_2746 = arith.addi %get3A_2671, %add3A_2745 : vector<16xi32>
    %swap3A_2747 = arith.constant 23 : i32
    %swap3A_2748 = arith.index_cast %swap3A_2747 : i32 to index
    %swap3A_2749 = arith.constant 80 : index
    %swap3A_2750 = tpu.vector_load %arg10[%swap3A_2748, %swap3A_2749] {strides = array<i32>} : memref<24x128xi32, #tpu.memory_space<vmem>>, vector<16xi32>,
    tpu.vector_store %arg10[%swap3A_2748, %swap3A_2749], %add3A_2746 {strides = array<i32>} : memref<24x128xi32, #tpu.memory_space<vmem>>, vector<16xi32>,
    %add3A_2751 = arith.constant 500000 : i32
    %add3A_2752 = vector.broadcast %add3A_2751 : i32 to vector<16xi32>
    %add3A_2753 = arith.addi %get3A_2673, %add3A_2752 : vector<16xi32>
    %swap3A_2754 = arith.constant 23 : i32
    %swap3A_2755 = arith.index_cast %swap3A_2754 : i32 to index
    %swap3A_2756 = arith.constant 80 : index
    %swap3A_2757 = tpu.vector_load %arg11[%swap3A_2755, %swap3A_2756] {strides = array<i32>} : memref<24x128xi32, #tpu.memory_space<vmem>>, vector<16xi32>,
    tpu.vector_store %arg11[%swap3A_2755, %swap3A_2756], %add3A_2753 {strides = array<i32>} : memref<24x128xi32, #tpu.memory_space<vmem>>, vector<16xi32>,
    %swap3A_2758 = arith.constant 464 : index
    %swap3A_2759 = tpu.vector_load %arg20[%swap3A_2758] {strides = array<i32>} : memref<512xf32, #tpu.memory_space<vmem>>, vector<16xf32>,
    tpu.vector_store %arg20[%swap3A_2758], %broadcast_in_dim3A_3 {strides = array<i32>} : memref<512xf32, #tpu.memory_space<vmem>>, vector<16xf32>,
    %swap3A_2760 = arith.constant 464 : index
    %swap3A_2761 = tpu.vector_load %arg21[%swap3A_2760] {strides = array<i32>} : memref<512xf32, #tpu.memory_space<vmem>>, vector<16xf32>,
    tpu.vector_store %arg21[%swap3A_2760], %broadcast_in_dim3A_3 {strides = array<i32>} : memref<512xf32, #tpu.memory_space<vmem>>, vector<16xf32>,
    %get3A_2762 = arith.constant 480 : index
    %get3A_2763 = tpu.vector_load %arg12[%get3A_2762] {strides = array<i32>} : memref<512xi32, #tpu.memory_space<vmem>>, vector<16xi32>,
    %get3A_2764 = arith.constant 480 : index
    %get3A_2765 = tpu.vector_load %arg13[%get3A_2764] {strides = array<i32>} : memref<512xi32, #tpu.memory_space<vmem>>, vector<16xi32>,
    %add3A_2766 = arith.constant 0 : i32
    %add3A_2767 = vector.broadcast %add3A_2766 : i32 to vector<16xi32>
    %add3A_2768 = arith.addi %get3A_2763, %add3A_2767 : vector<16xi32>
    %swap3A_2769 = arith.constant 18 : i32
    %swap3A_2770 = arith.index_cast %swap3A_2769 : i32 to index
    %swap3A_2771 = arith.constant 96 : index
    %swap3A_2772 = tpu.vector_load %arg10[%swap3A_2770, %swap3A_2771] {strides = array<i32>} : memref<24x128xi32, #tpu.memory_space<vmem>>, vector<16xi32>,
    tpu.vector_store %arg10[%swap3A_2770, %swap3A_2771], %add3A_2768 {strides = array<i32>} : memref<24x128xi32, #tpu.memory_space<vmem>>, vector<16xi32>,
    %add3A_2773 = arith.constant 0 : i32
    %add3A_2774 = vector.broadcast %add3A_2773 : i32 to vector<16xi32>
    %add3A_2775 = arith.addi %get3A_2765, %add3A_2774 : vector<16xi32>
    %swap3A_2776 = arith.constant 18 : i32
    %swap3A_2777 = arith.index_cast %swap3A_2776 : i32 to index
    %swap3A_2778 = arith.constant 96 : index
    %swap3A_2779 = tpu.vector_load %arg11[%swap3A_2777, %swap3A_2778] {strides = array<i32>} : memref<24x128xi32, #tpu.memory_space<vmem>>, vector<16xi32>,
    tpu.vector_store %arg11[%swap3A_2777, %swap3A_2778], %add3A_2775 {strides = array<i32>} : memref<24x128xi32, #tpu.memory_space<vmem>>, vector<16xi32>,
    %add3A_2780 = arith.constant 100000 : i32
    %add3A_2781 = vector.broadcast %add3A_2780 : i32 to vector<16xi32>
    %add3A_2782 = arith.addi %get3A_2763, %add3A_2781 : vector<16xi32>
    %swap3A_2783 = arith.constant 19 : i32
    %swap3A_2784 = arith.index_cast %swap3A_2783 : i32 to index
    %swap3A_2785 = arith.constant 96 : index
    %swap3A_2786 = tpu.vector_load %arg10[%swap3A_2784, %swap3A_2785] {strides = array<i32>} : memref<24x128xi32, #tpu.memory_space<vmem>>, vector<16xi32>,
    tpu.vector_store %arg10[%swap3A_2784, %swap3A_2785], %add3A_2782 {strides = array<i32>} : memref<24x128xi32, #tpu.memory_space<vmem>>, vector<16xi32>,
    %add3A_2787 = arith.constant 100000 : i32
    %add3A_2788 = vector.broadcast %add3A_2787 : i32 to vector<16xi32>
    %add3A_2789 = arith.addi %get3A_2765, %add3A_2788 : vector<16xi32>
    %swap3A_2790 = arith.constant 19 : i32
    %swap3A_2791 = arith.index_cast %swap3A_2790 : i32 to index
    %swap3A_2792 = arith.constant 96 : index
    %swap3A_2793 = tpu.vector_load %arg11[%swap3A_2791, %swap3A_2792] {strides = array<i32>} : memref<24x128xi32, #tpu.memory_space<vmem>>, vector<16xi32>,
    tpu.vector_store %arg11[%swap3A_2791, %swap3A_2792], %add3A_2789 {strides = array<i32>} : memref<24x128xi32, #tpu.memory_space<vmem>>, vector<16xi32>,
    %add3A_2794 = arith.constant 200000 : i32
    %add3A_2795 = vector.broadcast %add3A_2794 : i32 to vector<16xi32>
    %add3A_2796 = arith.addi %get3A_2763, %add3A_2795 : vector<16xi32>
    %swap3A_2797 = arith.constant 20 : i32
    %swap3A_2798 = arith.index_cast %swap3A_2797 : i32 to index
    %swap3A_2799 = arith.constant 96 : index
    %swap3A_2800 = tpu.vector_load %arg10[%swap3A_2798, %swap3A_2799] {strides = array<i32>} : memref<24x128xi32, #tpu.memory_space<vmem>>, vector<16xi32>,
    tpu.vector_store %arg10[%swap3A_2798, %swap3A_2799], %add3A_2796 {strides = array<i32>} : memref<24x128xi32, #tpu.memory_space<vmem>>, vector<16xi32>,
    %add3A_2801 = arith.constant 200000 : i32
    %add3A_2802 = vector.broadcast %add3A_2801 : i32 to vector<16xi32>
    %add3A_2803 = arith.addi %get3A_2765, %add3A_2802 : vector<16xi32>
    %swap3A_2804 = arith.constant 20 : i32
    %swap3A_2805 = arith.index_cast %swap3A_2804 : i32 to index
    %swap3A_2806 = arith.constant 96 : index
    %swap3A_2807 = tpu.vector_load %arg11[%swap3A_2805, %swap3A_2806] {strides = array<i32>} : memref<24x128xi32, #tpu.memory_space<vmem>>, vector<16xi32>,
    tpu.vector_store %arg11[%swap3A_2805, %swap3A_2806], %add3A_2803 {strides = array<i32>} : memref<24x128xi32, #tpu.memory_space<vmem>>, vector<16xi32>,
    %add3A_2808 = arith.constant 300000 : i32
    %add3A_2809 = vector.broadcast %add3A_2808 : i32 to vector<16xi32>
    %add3A_2810 = arith.addi %get3A_2763, %add3A_2809 : vector<16xi32>
    %swap3A_2811 = arith.constant 21 : i32
    %swap3A_2812 = arith.index_cast %swap3A_2811 : i32 to index
    %swap3A_2813 = arith.constant 96 : index
    %swap3A_2814 = tpu.vector_load %arg10[%swap3A_2812, %swap3A_2813] {strides = array<i32>} : memref<24x128xi32, #tpu.memory_space<vmem>>, vector<16xi32>,
    tpu.vector_store %arg10[%swap3A_2812, %swap3A_2813], %add3A_2810 {strides = array<i32>} : memref<24x128xi32, #tpu.memory_space<vmem>>, vector<16xi32>,
    %add3A_2815 = arith.constant 300000 : i32
    %add3A_2816 = vector.broadcast %add3A_2815 : i32 to vector<16xi32>
    %add3A_2817 = arith.addi %get3A_2765, %add3A_2816 : vector<16xi32>
    %swap3A_2818 = arith.constant 21 : i32
    %swap3A_2819 = arith.index_cast %swap3A_2818 : i32 to index
    %swap3A_2820 = arith.constant 96 : index
    %swap3A_2821 = tpu.vector_load %arg11[%swap3A_2819, %swap3A_2820] {strides = array<i32>} : memref<24x128xi32, #tpu.memory_space<vmem>>, vector<16xi32>,
    tpu.vector_store %arg11[%swap3A_2819, %swap3A_2820], %add3A_2817 {strides = array<i32>} : memref<24x128xi32, #tpu.memory_space<vmem>>, vector<16xi32>,
    %add3A_2822 = arith.constant 400000 : i32
    %add3A_2823 = vector.broadcast %add3A_2822 : i32 to vector<16xi32>
    %add3A_2824 = arith.addi %get3A_2763, %add3A_2823 : vector<16xi32>
    %swap3A_2825 = arith.constant 22 : i32
    %swap3A_2826 = arith.index_cast %swap3A_2825 : i32 to index
    %swap3A_2827 = arith.constant 96 : index
    %swap3A_2828 = tpu.vector_load %arg10[%swap3A_2826, %swap3A_2827] {strides = array<i32>} : memref<24x128xi32, #tpu.memory_space<vmem>>, vector<16xi32>,
    tpu.vector_store %arg10[%swap3A_2826, %swap3A_2827], %add3A_2824 {strides = array<i32>} : memref<24x128xi32, #tpu.memory_space<vmem>>, vector<16xi32>,
    %add3A_2829 = arith.constant 400000 : i32
    %add3A_2830 = vector.broadcast %add3A_2829 : i32 to vector<16xi32>
    %add3A_2831 = arith.addi %get3A_2765, %add3A_2830 : vector<16xi32>
    %swap3A_2832 = arith.constant 22 : i32
    %swap3A_2833 = arith.index_cast %swap3A_2832 : i32 to index
    %swap3A_2834 = arith.constant 96 : index
    %swap3A_2835 = tpu.vector_load %arg11[%swap3A_2833, %swap3A_2834] {strides = array<i32>} : memref<24x128xi32, #tpu.memory_space<vmem>>, vector<16xi32>,
    tpu.vector_store %arg11[%swap3A_2833, %swap3A_2834], %add3A_2831 {strides = array<i32>} : memref<24x128xi32, #tpu.memory_space<vmem>>, vector<16xi32>,
    %add3A_2836 = arith.constant 500000 : i32
    %add3A_2837 = vector.broadcast %add3A_2836 : i32 to vector<16xi32>
    %add3A_2838 = arith.addi %get3A_2763, %add3A_2837 : vector<16xi32>
    %swap3A_2839 = arith.constant 23 : i32
    %swap3A_2840 = arith.index_cast %swap3A_2839 : i32 to index
    %swap3A_2841 = arith.constant 96 : index
    %swap3A_2842 = tpu.vector_load %arg10[%swap3A_2840, %swap3A_2841] {strides = array<i32>} : memref<24x128xi32, #tpu.memory_space<vmem>>, vector<16xi32>,
    tpu.vector_store %arg10[%swap3A_2840, %swap3A_2841], %add3A_2838 {strides = array<i32>} : memref<24x128xi32, #tpu.memory_space<vmem>>, vector<16xi32>,
    %add3A_2843 = arith.constant 500000 : i32
    %add3A_2844 = vector.broadcast %add3A_2843 : i32 to vector<16xi32>
    %add3A_2845 = arith.addi %get3A_2765, %add3A_2844 : vector<16xi32>
    %swap3A_2846 = arith.constant 23 : i32
    %swap3A_2847 = arith.index_cast %swap3A_2846 : i32 to index
    %swap3A_2848 = arith.constant 96 : index
    %swap3A_2849 = tpu.vector_load %arg11[%swap3A_2847, %swap3A_2848] {strides = array<i32>} : memref<24x128xi32, #tpu.memory_space<vmem>>, vector<16xi32>,
    tpu.vector_store %arg11[%swap3A_2847, %swap3A_2848], %add3A_2845 {strides = array<i32>} : memref<24x128xi32, #tpu.memory_space<vmem>>, vector<16xi32>,
    %swap3A_2850 = arith.constant 480 : index
    %swap3A_2851 = tpu.vector_load %arg20[%swap3A_2850] {strides = array<i32>} : memref<512xf32, #tpu.memory_space<vmem>>, vector<16xf32>,
    tpu.vector_store %arg20[%swap3A_2850], %broadcast_in_dim3A_3 {strides = array<i32>} : memref<512xf32, #tpu.memory_space<vmem>>, vector<16xf32>,
    %swap3A_2852 = arith.constant 480 : index
    %swap3A_2853 = tpu.vector_load %arg21[%swap3A_2852] {strides = array<i32>} : memref<512xf32, #tpu.memory_space<vmem>>, vector<16xf32>,
    tpu.vector_store %arg21[%swap3A_2852], %broadcast_in_dim3A_3 {strides = array<i32>} : memref<512xf32, #tpu.memory_space<vmem>>, vector<16xf32>,
    %get3A_2854 = arith.constant 496 : index
    %get3A_2855 = tpu.vector_load %arg12[%get3A_2854] {strides = array<i32>} : memref<512xi32, #tpu.memory_space<vmem>>, vector<16xi32>,
    %get3A_2856 = arith.constant 496 : index
    %get3A_2857 = tpu.vector_load %arg13[%get3A_2856] {strides = array<i32>} : memref<512xi32, #tpu.memory_space<vmem>>, vector<16xi32>,
    %add3A_2858 = arith.constant 0 : i32
    %add3A_2859 = vector.broadcast %add3A_2858 : i32 to vector<16xi32>
    %add3A_2860 = arith.addi %get3A_2855, %add3A_2859 : vector<16xi32>
    %swap3A_2861 = arith.constant 18 : i32
    %swap3A_2862 = arith.index_cast %swap3A_2861 : i32 to index
    %swap3A_2863 = arith.constant 112 : index
    %swap3A_2864 = tpu.vector_load %arg10[%swap3A_2862, %swap3A_2863] {strides = array<i32>} : memref<24x128xi32, #tpu.memory_space<vmem>>, vector<16xi32>,
    tpu.vector_store %arg10[%swap3A_2862, %swap3A_2863], %add3A_2860 {strides = array<i32>} : memref<24x128xi32, #tpu.memory_space<vmem>>, vector<16xi32>,
    %add3A_2865 = arith.constant 0 : i32
    %add3A_2866 = vector.broadcast %add3A_2865 : i32 to vector<16xi32>
    %add3A_2867 = arith.addi %get3A_2857, %add3A_2866 : vector<16xi32>
    %swap3A_2868 = arith.constant 18 : i32
    %swap3A_2869 = arith.index_cast %swap3A_2868 : i32 to index
    %swap3A_2870 = arith.constant 112 : index
    %swap3A_2871 = tpu.vector_load %arg11[%swap3A_2869, %swap3A_2870] {strides = array<i32>} : memref<24x128xi32, #tpu.memory_space<vmem>>, vector<16xi32>,
    tpu.vector_store %arg11[%swap3A_2869, %swap3A_2870], %add3A_2867 {strides = array<i32>} : memref<24x128xi32, #tpu.memory_space<vmem>>, vector<16xi32>,
    %add3A_2872 = arith.constant 100000 : i32
    %add3A_2873 = vector.broadcast %add3A_2872 : i32 to vector<16xi32>
    %add3A_2874 = arith.addi %get3A_2855, %add3A_2873 : vector<16xi32>
    %swap3A_2875 = arith.constant 19 : i32
    %swap3A_2876 = arith.index_cast %swap3A_2875 : i32 to index
    %swap3A_2877 = arith.constant 112 : index
    %swap3A_2878 = tpu.vector_load %arg10[%swap3A_2876, %swap3A_2877] {strides = array<i32>} : memref<24x128xi32, #tpu.memory_space<vmem>>, vector<16xi32>,
    tpu.vector_store %arg10[%swap3A_2876, %swap3A_2877], %add3A_2874 {strides = array<i32>} : memref<24x128xi32, #tpu.memory_space<vmem>>, vector<16xi32>,
    %add3A_2879 = arith.constant 100000 : i32
    %add3A_2880 = vector.broadcast %add3A_2879 : i32 to vector<16xi32>
    %add3A_2881 = arith.addi %get3A_2857, %add3A_2880 : vector<16xi32>
    %swap3A_2882 = arith.constant 19 : i32
    %swap3A_2883 = arith.index_cast %swap3A_2882 : i32 to index
    %swap3A_2884 = arith.constant 112 : index
    %swap3A_2885 = tpu.vector_load %arg11[%swap3A_2883, %swap3A_2884] {strides = array<i32>} : memref<24x128xi32, #tpu.memory_space<vmem>>, vector<16xi32>,
    tpu.vector_store %arg11[%swap3A_2883, %swap3A_2884], %add3A_2881 {strides = array<i32>} : memref<24x128xi32, #tpu.memory_space<vmem>>, vector<16xi32>,
    %add3A_2886 = arith.constant 200000 : i32
    %add3A_2887 = vector.broadcast %add3A_2886 : i32 to vector<16xi32>
    %add3A_2888 = arith.addi %get3A_2855, %add3A_2887 : vector<16xi32>
    %swap3A_2889 = arith.constant 20 : i32
    %swap3A_2890 = arith.index_cast %swap3A_2889 : i32 to index
    %swap3A_2891 = arith.constant 112 : index
    %swap3A_2892 = tpu.vector_load %arg10[%swap3A_2890, %swap3A_2891] {strides = array<i32>} : memref<24x128xi32, #tpu.memory_space<vmem>>, vector<16xi32>,
    tpu.vector_store %arg10[%swap3A_2890, %swap3A_2891], %add3A_2888 {strides = array<i32>} : memref<24x128xi32, #tpu.memory_space<vmem>>, vector<16xi32>,
    %add3A_2893 = arith.constant 200000 : i32
    %add3A_2894 = vector.broadcast %add3A_2893 : i32 to vector<16xi32>
    %add3A_2895 = arith.addi %get3A_2857, %add3A_2894 : vector<16xi32>
    %swap3A_2896 = arith.constant 20 : i32
    %swap3A_2897 = arith.index_cast %swap3A_2896 : i32 to index
    %swap3A_2898 = arith.constant 112 : index
    %swap3A_2899 = tpu.vector_load %arg11[%swap3A_2897, %swap3A_2898] {strides = array<i32>} : memref<24x128xi32, #tpu.memory_space<vmem>>, vector<16xi32>,
    tpu.vector_store %arg11[%swap3A_2897, %swap3A_2898], %add3A_2895 {strides = array<i32>} : memref<24x128xi32, #tpu.memory_space<vmem>>, vector<16xi32>,
    %add3A_2900 = arith.constant 300000 : i32
    %add3A_2901 = vector.broadcast %add3A_2900 : i32 to vector<16xi32>
    %add3A_2902 = arith.addi %get3A_2855, %add3A_2901 : vector<16xi32>
    %swap3A_2903 = arith.constant 21 : i32
    %swap3A_2904 = arith.index_cast %swap3A_2903 : i32 to index
    %swap3A_2905 = arith.constant 112 : index
    %swap3A_2906 = tpu.vector_load %arg10[%swap3A_2904, %swap3A_2905] {strides = array<i32>} : memref<24x128xi32, #tpu.memory_space<vmem>>, vector<16xi32>,
    tpu.vector_store %arg10[%swap3A_2904, %swap3A_2905], %add3A_2902 {strides = array<i32>} : memref<24x128xi32, #tpu.memory_space<vmem>>, vector<16xi32>,
    %add3A_2907 = arith.constant 300000 : i32
    %add3A_2908 = vector.broadcast %add3A_2907 : i32 to vector<16xi32>
    %add3A_2909 = arith.addi %get3A_2857, %add3A_2908 : vector<16xi32>
    %swap3A_2910 = arith.constant 21 : i32
    %swap3A_2911 = arith.index_cast %swap3A_2910 : i32 to index
    %swap3A_2912 = arith.constant 112 : index
    %swap3A_2913 = tpu.vector_load %arg11[%swap3A_2911, %swap3A_2912] {strides = array<i32>} : memref<24x128xi32, #tpu.memory_space<vmem>>, vector<16xi32>,
    tpu.vector_store %arg11[%swap3A_2911, %swap3A_2912], %add3A_2909 {strides = array<i32>} : memref<24x128xi32, #tpu.memory_space<vmem>>, vector<16xi32>,
    %add3A_2914 = arith.constant 400000 : i32
    %add3A_2915 = vector.broadcast %add3A_2914 : i32 to vector<16xi32>
    %add3A_2916 = arith.addi %get3A_2855, %add3A_2915 : vector<16xi32>
    %swap3A_2917 = arith.constant 22 : i32
    %swap3A_2918 = arith.index_cast %swap3A_2917 : i32 to index
    %swap3A_2919 = arith.constant 112 : index
    %swap3A_2920 = tpu.vector_load %arg10[%swap3A_2918, %swap3A_2919] {strides = array<i32>} : memref<24x128xi32, #tpu.memory_space<vmem>>, vector<16xi32>,
    tpu.vector_store %arg10[%swap3A_2918, %swap3A_2919], %add3A_2916 {strides = array<i32>} : memref<24x128xi32, #tpu.memory_space<vmem>>, vector<16xi32>,
    %add3A_2921 = arith.constant 400000 : i32
    %add3A_2922 = vector.broadcast %add3A_2921 : i32 to vector<16xi32>
    %add3A_2923 = arith.addi %get3A_2857, %add3A_2922 : vector<16xi32>
    %swap3A_2924 = arith.constant 22 : i32
    %swap3A_2925 = arith.index_cast %swap3A_2924 : i32 to index
    %swap3A_2926 = arith.constant 112 : index
    %swap3A_2927 = tpu.vector_load %arg11[%swap3A_2925, %swap3A_2926] {strides = array<i32>} : memref<24x128xi32, #tpu.memory_space<vmem>>, vector<16xi32>,
    tpu.vector_store %arg11[%swap3A_2925, %swap3A_2926], %add3A_2923 {strides = array<i32>} : memref<24x128xi32, #tpu.memory_space<vmem>>, vector<16xi32>,
    %add3A_2928 = arith.constant 500000 : i32
    %add3A_2929 = vector.broadcast %add3A_2928 : i32 to vector<16xi32>
    %add3A_2930 = arith.addi %get3A_2855, %add3A_2929 : vector<16xi32>
    %swap3A_2931 = arith.constant 23 : i32
    %swap3A_2932 = arith.index_cast %swap3A_2931 : i32 to index
    %swap3A_2933 = arith.constant 112 : index
    %swap3A_2934 = tpu.vector_load %arg10[%swap3A_2932, %swap3A_2933] {strides = array<i32>} : memref<24x128xi32, #tpu.memory_space<vmem>>, vector<16xi32>,
    tpu.vector_store %arg10[%swap3A_2932, %swap3A_2933], %add3A_2930 {strides = array<i32>} : memref<24x128xi32, #tpu.memory_space<vmem>>, vector<16xi32>,
    %add3A_2935 = arith.constant 500000 : i32
    %add3A_2936 = vector.broadcast %add3A_2935 : i32 to vector<16xi32>
    %add3A_2937 = arith.addi %get3A_2857, %add3A_2936 : vector<16xi32>
    %swap3A_2938 = arith.constant 23 : i32
    %swap3A_2939 = arith.index_cast %swap3A_2938 : i32 to index
    %swap3A_2940 = arith.constant 112 : index
    %swap3A_2941 = tpu.vector_load %arg11[%swap3A_2939, %swap3A_2940] {strides = array<i32>} : memref<24x128xi32, #tpu.memory_space<vmem>>, vector<16xi32>,
    tpu.vector_store %arg11[%swap3A_2939, %swap3A_2940], %add3A_2937 {strides = array<i32>} : memref<24x128xi32, #tpu.memory_space<vmem>>, vector<16xi32>,
    %swap3A_2942 = arith.constant 496 : index
    %swap3A_2943 = tpu.vector_load %arg20[%swap3A_2942] {strides = array<i32>} : memref<512xf32, #tpu.memory_space<vmem>>, vector<16xf32>,
    tpu.vector_store %arg20[%swap3A_2942], %broadcast_in_dim3A_3 {strides = array<i32>} : memref<512xf32, #tpu.memory_space<vmem>>, vector<16xf32>,
    %swap3A_2944 = arith.constant 496 : index
    %swap3A_2945 = tpu.vector_load %arg21[%swap3A_2944] {strides = array<i32>} : memref<512xf32, #tpu.memory_space<vmem>>, vector<16xf32>,
    tpu.vector_store %arg21[%swap3A_2944], %broadcast_in_dim3A_3 {strides = array<i32>} : memref<512xf32, #tpu.memory_space<vmem>>, vector<16xf32>,
    %iota3A = tpu.iota {dimensions = array<i32: 0>} : vector<16xi32>
    %add3A_2946 = arith.constant 0 : i32
    %add3A_2947 = vector.broadcast %add3A_2946 : i32 to vector<16xi32>
    %add3A_2948 = arith.addi %add3A_2947, %iota3A : vector<16xi32>
    %add3A_2949 = arith.constant 16 : i32
    %add3A_2950 = vector.broadcast %add3A_2949 : i32 to vector<16xi32>
    %add3A_2951 = arith.addi %add3A_2950, %iota3A : vector<16xi32>
    %add3A_2952 = arith.constant 32 : i32
    %add3A_2953 = vector.broadcast %add3A_2952 : i32 to vector<16xi32>
    %add3A_2954 = arith.addi %add3A_2953, %iota3A : vector<16xi32>
    %add3A_2955 = arith.constant 48 : i32
    %add3A_2956 = vector.broadcast %add3A_2955 : i32 to vector<16xi32>
    %add3A_2957 = arith.addi %add3A_2956, %iota3A : vector<16xi32>
    %add3A_2958 = arith.constant 64 : i32
    %add3A_2959 = vector.broadcast %add3A_2958 : i32 to vector<16xi32>
    %add3A_2960 = arith.addi %add3A_2959, %iota3A : vector<16xi32>
    %add3A_2961 = arith.constant 80 : i32
    %add3A_2962 = vector.broadcast %add3A_2961 : i32 to vector<16xi32>
    %add3A_2963 = arith.addi %add3A_2962, %iota3A : vector<16xi32>
    %add3A_2964 = arith.constant 96 : i32
    %add3A_2965 = vector.broadcast %add3A_2964 : i32 to vector<16xi32>
    %add3A_2966 = arith.addi %add3A_2965, %iota3A : vector<16xi32>
    %add3A_2967 = arith.constant 112 : i32
    %add3A_2968 = vector.broadcast %add3A_2967 : i32 to vector<16xi32>
    %add3A_2969 = arith.addi %add3A_2968, %iota3A : vector<16xi32>
    %dma_start3A = arith.constant 0 : i32
    %dma_start3A_2970 = arith.constant 0 : i32
    %dma_start3A_2971 = tpu.memref_slice %arg10[%dma_start3A, %dma_start3A_2970] : memref<24x128xi32, #tpu.memory_space<vmem>> -> memref<1x128xi32, #tpu.memory_space<vmem>>
    %dma_start3A_2972 = tpu.memref_squeeze %dma_start3A_2971 : memref<1x128xi32, #tpu.memory_space<vmem>> -> memref<128xi32, #tpu.memory_space<vmem>>
    %dma_start3A_2973 = arith.constant 0 : i32
    %dma_start3A_2974 = arith.constant 0 : i32
    %dma_start3A_2975 = tpu.memref_slice %arg4[%dma_start3A_2973, %dma_start3A_2974] : memref<600000x64xf32, #tpu.memory_space<hbm>> -> memref<600000x64xf32, #tpu.memory_space<hbm>>
    tpu.enqueue_indirect_dma source(%dma_start3A_2975 : memref<600000x64xf32, #tpu.memory_space<hbm>>) target(%arg14 : memref<128x64xf32, #tpu.memory_space<vmem>>) offsets(%dma_start3A_2972 : memref<128xi32, #tpu.memory_space<vmem>>) semaphore(%arg22 : memref<!tpu.dma_semaphore, #tpu.memory_space<semaphore_mem>>)
    %dma_start3A_2976 = arith.constant 0 : i32
    %dma_start3A_2977 = arith.constant 0 : i32
    %dma_start3A_2978 = tpu.memref_slice %arg11[%dma_start3A_2976, %dma_start3A_2977] : memref<24x128xi32, #tpu.memory_space<vmem>> -> memref<1x128xi32, #tpu.memory_space<vmem>>
    %dma_start3A_2979 = tpu.memref_squeeze %dma_start3A_2978 : memref<1x128xi32, #tpu.memory_space<vmem>> -> memref<128xi32, #tpu.memory_space<vmem>>
    %dma_start3A_2980 = arith.constant 0 : i32
    %dma_start3A_2981 = arith.constant 0 : i32
    %dma_start3A_2982 = tpu.memref_slice %arg5[%dma_start3A_2980, %dma_start3A_2981] : memref<600000x64xf32, #tpu.memory_space<hbm>> -> memref<600000x64xf32, #tpu.memory_space<hbm>>
    tpu.enqueue_indirect_dma source(%dma_start3A_2982 : memref<600000x64xf32, #tpu.memory_space<hbm>>) target(%arg15 : memref<128x64xf32, #tpu.memory_space<vmem>>) offsets(%dma_start3A_2979 : memref<128xi32, #tpu.memory_space<vmem>>) semaphore(%arg23 : memref<!tpu.dma_semaphore, #tpu.memory_space<semaphore_mem>>)
    %scan3A = arith.constant 0 : i32
    %scan3A_2983 = arith.constant 0 : i32
    %scan3A_2984 = arith.constant 12 : i32
    %scan3A_2985 = arith.addi %scan3A_2983, %scan3A_2984 : i32
    %scan3A_2986 = arith.constant 1 : i32
    scf.for %scan3A_3436 = %scan3A_2983 to %scan3A_2985 step %scan3A_2986  : i32 {
      %mul3A_3437 = arith.constant 2 : i32
      %mul3A_3438 = arith.muli %mul3A_3437, %scan3A_3436 : i32
      %add3A_3439 = arith.constant 1 : i32
      %add3A_3440 = arith.addi %mul3A_3438, %add3A_3439 : i32
      %dma_start3A_3441 = arith.constant 0 : i32
      %dma_start3A_3442 = tpu.memref_slice %arg10[%add3A_3440, %dma_start3A_3441] : memref<24x128xi32, #tpu.memory_space<vmem>> -> memref<1x128xi32, #tpu.memory_space<vmem>>
      %dma_start3A_3443 = tpu.memref_squeeze %dma_start3A_3442 : memref<1x128xi32, #tpu.memory_space<vmem>> -> memref<128xi32, #tpu.memory_space<vmem>>
      %dma_start3A_3444 = arith.constant 0 : i32
      %dma_start3A_3445 = arith.constant 0 : i32
      %dma_start3A_3446 = tpu.memref_slice %arg4[%dma_start3A_3444, %dma_start3A_3445] : memref<600000x64xf32, #tpu.memory_space<hbm>> -> memref<600000x64xf32, #tpu.memory_space<hbm>>
      tpu.enqueue_indirect_dma source(%dma_start3A_3446 : memref<600000x64xf32, #tpu.memory_space<hbm>>) target(%arg16 : memref<128x64xf32, #tpu.memory_space<vmem>>) offsets(%dma_start3A_3443 : memref<128xi32, #tpu.memory_space<vmem>>) semaphore(%arg24 : memref<!tpu.dma_semaphore, #tpu.memory_space<semaphore_mem>>)
      %dma_start3A_3447 = arith.constant 0 : i32
      %dma_start3A_3448 = tpu.memref_slice %arg11[%add3A_3440, %dma_start3A_3447] : memref<24x128xi32, #tpu.memory_space<vmem>> -> memref<1x128xi32, #tpu.memory_space<vmem>>
      %dma_start3A_3449 = tpu.memref_squeeze %dma_start3A_3448 : memref<1x128xi32, #tpu.memory_space<vmem>> -> memref<128xi32, #tpu.memory_space<vmem>>
      %dma_start3A_3450 = arith.constant 0 : i32
      %dma_start3A_3451 = arith.constant 0 : i32
      %dma_start3A_3452 = tpu.memref_slice %arg5[%dma_start3A_3450, %dma_start3A_3451] : memref<600000x64xf32, #tpu.memory_space<hbm>> -> memref<600000x64xf32, #tpu.memory_space<hbm>>
      tpu.enqueue_indirect_dma source(%dma_start3A_3452 : memref<600000x64xf32, #tpu.memory_space<hbm>>) target(%arg17 : memref<128x64xf32, #tpu.memory_space<vmem>>) offsets(%dma_start3A_3449 : memref<128xi32, #tpu.memory_space<vmem>>) semaphore(%arg25 : memref<!tpu.dma_semaphore, #tpu.memory_space<semaphore_mem>>)
      %dma_wait3A = arith.constant 0 : i32
      %dma_wait3A_3453 = arith.constant 0 : i32
      %dma_wait3A_3454 = tpu.memref_slice %arg10[%dma_wait3A, %dma_wait3A_3453] : memref<24x128xi32, #tpu.memory_space<vmem>> -> memref<1x128xi32, #tpu.memory_space<vmem>>
      %dma_wait3A_3455 = tpu.memref_squeeze %dma_wait3A_3454 : memref<1x128xi32, #tpu.memory_space<vmem>> -> memref<128xi32, #tpu.memory_space<vmem>>
      %dma_wait3A_3456 = arith.constant 0 : i32
      %dma_wait3A_3457 = arith.constant 0 : i32
      %dma_wait3A_3458 = tpu.memref_slice %arg4[%dma_wait3A_3456, %dma_wait3A_3457] : memref<600000x64xf32, #tpu.memory_space<hbm>> -> memref<600000x64xf32, #tpu.memory_space<hbm>>
      tpu.wait_indirect_dma semaphore(%arg22 : memref<!tpu.dma_semaphore, #tpu.memory_space<semaphore_mem>>) src(%dma_wait3A_3458 : memref<600000x64xf32, #tpu.memory_space<hbm>>) dst(%arg14 : memref<128x64xf32, #tpu.memory_space<vmem>>)
      %dma_wait3A_3459 = arith.constant 0 : i32
      %dma_wait3A_3460 = arith.constant 0 : i32
      %dma_wait3A_3461 = tpu.memref_slice %arg11[%dma_wait3A_3459, %dma_wait3A_3460] : memref<24x128xi32, #tpu.memory_space<vmem>> -> memref<1x128xi32, #tpu.memory_space<vmem>>
      %dma_wait3A_3462 = tpu.memref_squeeze %dma_wait3A_3461 : memref<1x128xi32, #tpu.memory_space<vmem>> -> memref<128xi32, #tpu.memory_space<vmem>>
      %dma_wait3A_3463 = arith.constant 0 : i32
      %dma_wait3A_3464 = arith.constant 0 : i32
      %dma_wait3A_3465 = tpu.memref_slice %arg5[%dma_wait3A_3463, %dma_wait3A_3464] : memref<600000x64xf32, #tpu.memory_space<hbm>> -> memref<600000x64xf32, #tpu.memory_space<hbm>>
      tpu.wait_indirect_dma semaphore(%arg23 : memref<!tpu.dma_semaphore, #tpu.memory_space<semaphore_mem>>) src(%dma_wait3A_3465 : memref<600000x64xf32, #tpu.memory_space<hbm>>) dst(%arg15 : memref<128x64xf32, #tpu.memory_space<vmem>>)
      %jit3A = arith.constant 6 : i32
      %div3A = arith.divsi %mul3A_3438, %jit3A : i32
      %sign3A = arith.constant 0 : i32
      %sign3A_3466 = arith.cmpi sgt, %mul3A_3438, %sign3A : i32
      %sign3A_3467 = arith.extui %sign3A_3466 : i1 to i32
      %sign3A_3468 = arith.constant 0 : i32
      %sign3A_3469 = arith.cmpi slt, %mul3A_3438, %sign3A_3468 : i32
      %sign3A_3470 = arith.extui %sign3A_3469 : i1 to i32
      %sign3A_3471 = arith.subi %sign3A_3467, %sign3A_3470 : i32
      %sign3A_3472 = arith.constant 0 : i32
      %sign3A_3473 = arith.cmpi sgt, %jit3A, %sign3A_3472 : i32
      %sign3A_3474 = arith.extui %sign3A_3473 : i1 to i32
      %sign3A_3475 = arith.constant 0 : i32
      %sign3A_3476 = arith.cmpi slt, %jit3A, %sign3A_3475 : i32
      %sign3A_3477 = arith.extui %sign3A_3476 : i1 to i32
      %sign3A_3478 = arith.subi %sign3A_3474, %sign3A_3477 : i32
      %ne3A = arith.cmpi ne, %sign3A_3471, %sign3A_3478 : i32
      %rem3A = arith.remsi %mul3A_3438, %jit3A : i32
      %ne3A_3479 = arith.constant 0 : i32
      %ne3A_3480 = arith.cmpi ne, %rem3A, %ne3A_3479 : i32
      %and3A = arith.andi %ne3A, %ne3A_3480 : i1
      %sub3A = arith.constant 1 : i32
      %sub3A_3481 = arith.subi %div3A, %sub3A : i32
      %select_n3A = arith.select %and3A, %sub3A_3481, %div3A : i32
      %rem3A_3482 = arith.constant 6 : i32
      %rem3A_3483 = arith.remsi %mul3A_3438, %rem3A_3482 : i32
      %mul3A_3484 = arith.constant 64 : i32
      %mul3A_3485 = arith.muli %rem3A_3483, %mul3A_3484 : i32
      %broadcast_in_dim3A_3486 = arith.constant 0 : i32
      %broadcast_in_dim3A_3487 = vector.broadcast %broadcast_in_dim3A_3486 : i32 to vector<16xi32>
      %add3A_3488 = vector.broadcast %rem3A_3483 : i32 to vector<16xi32>
      %add3A_3489 = arith.addi %broadcast_in_dim3A_3487, %add3A_3488 : vector<16xi32>
      %gather3A = tpu.vector_load_idx %arg19[%add3A_3489] : memref<16xf32, #tpu.memory_space<vmem>>[vector<16xi32>], vector<16xf32>,
      %scan3A_3490 = arith.constant 0 : i32
      %scan3A_3491 = arith.constant 64 : i32
      %scan3A_3492 = arith.addi %scan3A_3490, %scan3A_3491 : i32
      %scan3A_3493 = arith.constant 1 : i32
      %scan3A_3494:16 = scf.for %scan3A_3951 = %scan3A_3490 to %scan3A_3492 step %scan3A_3493 iter_args(%scan3A_3952 = %broadcast_in_dim3A_3, %scan3A_3953 = %broadcast_in_dim3A_3, %scan3A_3954 = %broadcast_in_dim3A_3, %scan3A_3955 = %broadcast_in_dim3A_3, %scan3A_3956 = %broadcast_in_dim3A_3, %scan3A_3957 = %broadcast_in_dim3A_3, %scan3A_3958 = %broadcast_in_dim3A_3, %scan3A_3959 = %broadcast_in_dim3A_3, %scan3A_3960 = %broadcast_in_dim3A_3, %scan3A_3961 = %broadcast_in_dim3A_3, %scan3A_3962 = %broadcast_in_dim3A_3, %scan3A_3963 = %broadcast_in_dim3A_3, %scan3A_3964 = %broadcast_in_dim3A_3, %scan3A_3965 = %broadcast_in_dim3A_3, %scan3A_3966 = %broadcast_in_dim3A_3, %scan3A_3967 = %broadcast_in_dim3A_3) -> (vector<16xf32>, vector<16xf32>, vector<16xf32>, vector<16xf32>, vector<16xf32>, vector<16xf32>, vector<16xf32>, vector<16xf32>, vector<16xf32>, vector<16xf32>, vector<16xf32>, vector<16xf32>, vector<16xf32>, vector<16xf32>, vector<16xf32>, vector<16xf32>)  : i32 {
        %broadcast_in_dim3A_3968 = arith.constant 0 : i32
        %broadcast_in_dim3A_3969 = vector.broadcast %broadcast_in_dim3A_3968 : i32 to vector<16xi32>
        %add3A_3970 = vector.broadcast %scan3A_3951 : i32 to vector<16xi32>
        %add3A_3971 = arith.addi %broadcast_in_dim3A_3969, %add3A_3970 : vector<16xi32>
        %add3A_3972 = vector.broadcast %mul3A_3485 : i32 to vector<16xi32>
        %add3A_3973 = arith.addi %add3A_3971, %add3A_3972 : vector<16xi32>
        %gather3A_3974 = tpu.vector_load_idx %arg18[%add3A_3973] : memref<384xf32, #tpu.memory_space<vmem>>[vector<16xi32>], vector<16xf32>,
        %gather3A_3975 = tpu.vector_load_idx %arg14[%add3A_2948, %add3A_3971] : memref<128x64xf32, #tpu.memory_space<vmem>>[vector<16xi32>, vector<16xi32>], vector<16xf32>,
        %gather3A_3976 = tpu.vector_load_idx %arg15[%add3A_2948, %add3A_3971] : memref<128x64xf32, #tpu.memory_space<vmem>>[vector<16xi32>, vector<16xi32>], vector<16xf32>,
        %mul3A_3977 = arith.mulf %gather3A_3975, %gather3A_3976 : vector<16xf32>
        %add3A_3978 = arith.addf %scan3A_3952, %mul3A_3977 : vector<16xf32>
        %mul3A_3979 = arith.mulf %gather3A_3976, %gather3A_3974 : vector<16xf32>
        %add3A_3980 = arith.addf %scan3A_3953, %mul3A_3979 : vector<16xf32>
        %gather3A_3981 = tpu.vector_load_idx %arg14[%add3A_2951, %add3A_3971] : memref<128x64xf32, #tpu.memory_space<vmem>>[vector<16xi32>, vector<16xi32>], vector<16xf32>,
        %gather3A_3982 = tpu.vector_load_idx %arg15[%add3A_2951, %add3A_3971] : memref<128x64xf32, #tpu.memory_space<vmem>>[vector<16xi32>, vector<16xi32>], vector<16xf32>,
        %mul3A_3983 = arith.mulf %gather3A_3981, %gather3A_3982 : vector<16xf32>
        %add3A_3984 = arith.addf %scan3A_3954, %mul3A_3983 : vector<16xf32>
        %mul3A_3985 = arith.mulf %gather3A_3982, %gather3A_3974 : vector<16xf32>
        %add3A_3986 = arith.addf %scan3A_3955, %mul3A_3985 : vector<16xf32>
        %gather3A_3987 = tpu.vector_load_idx %arg14[%add3A_2954, %add3A_3971] : memref<128x64xf32, #tpu.memory_space<vmem>>[vector<16xi32>, vector<16xi32>], vector<16xf32>,
        %gather3A_3988 = tpu.vector_load_idx %arg15[%add3A_2954, %add3A_3971] : memref<128x64xf32, #tpu.memory_space<vmem>>[vector<16xi32>, vector<16xi32>], vector<16xf32>,
        %mul3A_3989 = arith.mulf %gather3A_3987, %gather3A_3988 : vector<16xf32>
        %add3A_3990 = arith.addf %scan3A_3956, %mul3A_3989 : vector<16xf32>
        %mul3A_3991 = arith.mulf %gather3A_3988, %gather3A_3974 : vector<16xf32>
        %add3A_3992 = arith.addf %scan3A_3957, %mul3A_3991 : vector<16xf32>
        %gather3A_3993 = tpu.vector_load_idx %arg14[%add3A_2957, %add3A_3971] : memref<128x64xf32, #tpu.memory_space<vmem>>[vector<16xi32>, vector<16xi32>], vector<16xf32>,
        %gather3A_3994 = tpu.vector_load_idx %arg15[%add3A_2957, %add3A_3971] : memref<128x64xf32, #tpu.memory_space<vmem>>[vector<16xi32>, vector<16xi32>], vector<16xf32>,
        %mul3A_3995 = arith.mulf %gather3A_3993, %gather3A_3994 : vector<16xf32>
        %add3A_3996 = arith.addf %scan3A_3958, %mul3A_3995 : vector<16xf32>
        %mul3A_3997 = arith.mulf %gather3A_3994, %gather3A_3974 : vector<16xf32>
        %add3A_3998 = arith.addf %scan3A_3959, %mul3A_3997 : vector<16xf32>
        %gather3A_3999 = tpu.vector_load_idx %arg14[%add3A_2960, %add3A_3971] : memref<128x64xf32, #tpu.memory_space<vmem>>[vector<16xi32>, vector<16xi32>], vector<16xf32>,
        %gather3A_4000 = tpu.vector_load_idx %arg15[%add3A_2960, %add3A_3971] : memref<128x64xf32, #tpu.memory_space<vmem>>[vector<16xi32>, vector<16xi32>], vector<16xf32>,
        %mul3A_4001 = arith.mulf %gather3A_3999, %gather3A_4000 : vector<16xf32>
        %add3A_4002 = arith.addf %scan3A_3960, %mul3A_4001 : vector<16xf32>
        %mul3A_4003 = arith.mulf %gather3A_4000, %gather3A_3974 : vector<16xf32>
        %add3A_4004 = arith.addf %scan3A_3961, %mul3A_4003 : vector<16xf32>
        %gather3A_4005 = tpu.vector_load_idx %arg14[%add3A_2963, %add3A_3971] : memref<128x64xf32, #tpu.memory_space<vmem>>[vector<16xi32>, vector<16xi32>], vector<16xf32>,
        %gather3A_4006 = tpu.vector_load_idx %arg15[%add3A_2963, %add3A_3971] : memref<128x64xf32, #tpu.memory_space<vmem>>[vector<16xi32>, vector<16xi32>], vector<16xf32>,
        %mul3A_4007 = arith.mulf %gather3A_4005, %gather3A_4006 : vector<16xf32>
        %add3A_4008 = arith.addf %scan3A_3962, %mul3A_4007 : vector<16xf32>
        %mul3A_4009 = arith.mulf %gather3A_4006, %gather3A_3974 : vector<16xf32>
        %add3A_4010 = arith.addf %scan3A_3963, %mul3A_4009 : vector<16xf32>
        %gather3A_4011 = tpu.vector_load_idx %arg14[%add3A_2966, %add3A_3971] : memref<128x64xf32, #tpu.memory_space<vmem>>[vector<16xi32>, vector<16xi32>], vector<16xf32>,
        %gather3A_4012 = tpu.vector_load_idx %arg15[%add3A_2966, %add3A_3971] : memref<128x64xf32, #tpu.memory_space<vmem>>[vector<16xi32>, vector<16xi32>], vector<16xf32>,
        %mul3A_4013 = arith.mulf %gather3A_4011, %gather3A_4012 : vector<16xf32>
        %add3A_4014 = arith.addf %scan3A_3964, %mul3A_4013 : vector<16xf32>
        %mul3A_4015 = arith.mulf %gather3A_4012, %gather3A_3974 : vector<16xf32>
        %add3A_4016 = arith.addf %scan3A_3965, %mul3A_4015 : vector<16xf32>
        %gather3A_4017 = tpu.vector_load_idx %arg14[%add3A_2969, %add3A_3971] : memref<128x64xf32, #tpu.memory_space<vmem>>[vector<16xi32>, vector<16xi32>], vector<16xf32>,
        %gather3A_4018 = tpu.vector_load_idx %arg15[%add3A_2969, %add3A_3971] : memref<128x64xf32, #tpu.memory_space<vmem>>[vector<16xi32>, vector<16xi32>], vector<16xf32>,
        %mul3A_4019 = arith.mulf %gather3A_4017, %gather3A_4018 : vector<16xf32>
        %add3A_4020 = arith.addf %scan3A_3966, %mul3A_4019 : vector<16xf32>
        %mul3A_4021 = arith.mulf %gather3A_4018, %gather3A_3974 : vector<16xf32>
        %add3A_4022 = arith.addf %scan3A_3967, %mul3A_4021 : vector<16xf32>
        scf.yield %add3A_3978, %add3A_3980, %add3A_3984, %add3A_3986, %add3A_3990, %add3A_3992, %add3A_3996, %add3A_3998, %add3A_4002, %add3A_4004, %add3A_4008, %add3A_4010, %add3A_4014, %add3A_4016, %add3A_4020, %add3A_4022 : vector<16xf32>, vector<16xf32>, vector<16xf32>, vector<16xf32>, vector<16xf32>, vector<16xf32>, vector<16xf32>, vector<16xf32>, vector<16xf32>, vector<16xf32>, vector<16xf32>, vector<16xf32>, vector<16xf32>, vector<16xf32>, vector<16xf32>, vector<16xf32>
      }
      %scan3A_3495 = arith.constant 64 : i32
      %mul3A_3496 = arith.constant 128 : i32
      %mul3A_3497 = arith.muli %select_n3A, %mul3A_3496 : i32
      %add3A_3498 = arith.constant 0 : i32
      %add3A_3499 = arith.addi %mul3A_3497, %add3A_3498 : i32
      %get3A_3500 = arith.index_cast %add3A_3499 : i32 to index
      %get3A_3501 = tpu.vector_load %arg20[%get3A_3500] {strides = array<i32>} : memref<512xf32, #tpu.memory_space<vmem>>, vector<16xf32>,
      %add3A_3502 = arith.addf %get3A_3501, %scan3A_3494#0 : vector<16xf32>
      %swap3A_3503 = arith.index_cast %add3A_3499 : i32 to index
      %swap3A_3504 = tpu.vector_load %arg20[%swap3A_3503] {strides = array<i32>} : memref<512xf32, #tpu.memory_space<vmem>>, vector<16xf32>,
      tpu.vector_store %arg20[%swap3A_3503], %add3A_3502 {strides = array<i32>} : memref<512xf32, #tpu.memory_space<vmem>>, vector<16xf32>,
      %add3A_3505 = arith.addf %scan3A_3494#1, %gather3A : vector<16xf32>
      %neg3A = arith.constant 0.000000e+00 : f32
      %neg3A_3506 = vector.broadcast %neg3A : f32 to vector<16xf32>
      %neg3A_3507 = arith.subf %neg3A_3506, %add3A_3505 : vector<16xf32>
      %exp3A = math.exp %neg3A_3507 : vector<16xf32>
      %add3A_3508 = arith.constant 1.000000e+00 : f32
      %add3A_3509 = vector.broadcast %add3A_3508 : f32 to vector<16xf32>
      %add3A_3510 = arith.addf %add3A_3509, %exp3A : vector<16xf32>
      %div3A_3511 = arith.constant 1.000000e+00 : f32
      %div3A_3512 = vector.broadcast %div3A_3511 : f32 to vector<16xf32>
      %div3A_3513 = arith.divf %div3A_3512, %add3A_3510 : vector<16xf32>
      %get3A_3514 = arith.index_cast %add3A_3499 : i32 to index
      %get3A_3515 = tpu.vector_load %arg21[%get3A_3514] {strides = array<i32>} : memref<512xf32, #tpu.memory_space<vmem>>, vector<16xf32>,
      %add3A_3516 = arith.addf %get3A_3515, %div3A_3513 : vector<16xf32>
      %swap3A_3517 = arith.index_cast %add3A_3499 : i32 to index
      %swap3A_3518 = tpu.vector_load %arg21[%swap3A_3517] {strides = array<i32>} : memref<512xf32, #tpu.memory_space<vmem>>, vector<16xf32>,
      tpu.vector_store %arg21[%swap3A_3517], %add3A_3516 {strides = array<i32>} : memref<512xf32, #tpu.memory_space<vmem>>, vector<16xf32>,
      %mul3A_3519 = arith.constant 128 : i32
      %mul3A_3520 = arith.muli %select_n3A, %mul3A_3519 : i32
      %add3A_3521 = arith.constant 16 : i32
      %add3A_3522 = arith.addi %mul3A_3520, %add3A_3521 : i32
      %get3A_3523 = arith.index_cast %add3A_3522 : i32 to index
      %get3A_3524 = tpu.vector_load %arg20[%get3A_3523] {strides = array<i32>} : memref<512xf32, #tpu.memory_space<vmem>>, vector<16xf32>,
      %add3A_3525 = arith.addf %get3A_3524, %scan3A_3494#2 : vector<16xf32>
      %swap3A_3526 = arith.index_cast %add3A_3522 : i32 to index
      %swap3A_3527 = tpu.vector_load %arg20[%swap3A_3526] {strides = array<i32>} : memref<512xf32, #tpu.memory_space<vmem>>, vector<16xf32>,
      tpu.vector_store %arg20[%swap3A_3526], %add3A_3525 {strides = array<i32>} : memref<512xf32, #tpu.memory_space<vmem>>, vector<16xf32>,
      %add3A_3528 = arith.addf %scan3A_3494#3, %gather3A : vector<16xf32>
      %neg3A_3529 = arith.constant 0.000000e+00 : f32
      %neg3A_3530 = vector.broadcast %neg3A_3529 : f32 to vector<16xf32>
      %neg3A_3531 = arith.subf %neg3A_3530, %add3A_3528 : vector<16xf32>
      %exp3A_3532 = math.exp %neg3A_3531 : vector<16xf32>
      %add3A_3533 = arith.constant 1.000000e+00 : f32
      %add3A_3534 = vector.broadcast %add3A_3533 : f32 to vector<16xf32>
      %add3A_3535 = arith.addf %add3A_3534, %exp3A_3532 : vector<16xf32>
      %div3A_3536 = arith.constant 1.000000e+00 : f32
      %div3A_3537 = vector.broadcast %div3A_3536 : f32 to vector<16xf32>
      %div3A_3538 = arith.divf %div3A_3537, %add3A_3535 : vector<16xf32>
      %get3A_3539 = arith.index_cast %add3A_3522 : i32 to index
      %get3A_3540 = tpu.vector_load %arg21[%get3A_3539] {strides = array<i32>} : memref<512xf32, #tpu.memory_space<vmem>>, vector<16xf32>,
      %add3A_3541 = arith.addf %get3A_3540, %div3A_3538 : vector<16xf32>
      %swap3A_3542 = arith.index_cast %add3A_3522 : i32 to index
      %swap3A_3543 = tpu.vector_load %arg21[%swap3A_3542] {strides = array<i32>} : memref<512xf32, #tpu.memory_space<vmem>>, vector<16xf32>,
      tpu.vector_store %arg21[%swap3A_3542], %add3A_3541 {strides = array<i32>} : memref<512xf32, #tpu.memory_space<vmem>>, vector<16xf32>,
      %mul3A_3544 = arith.constant 128 : i32
      %mul3A_3545 = arith.muli %select_n3A, %mul3A_3544 : i32
      %add3A_3546 = arith.constant 32 : i32
      %add3A_3547 = arith.addi %mul3A_3545, %add3A_3546 : i32
      %get3A_3548 = arith.index_cast %add3A_3547 : i32 to index
      %get3A_3549 = tpu.vector_load %arg20[%get3A_3548] {strides = array<i32>} : memref<512xf32, #tpu.memory_space<vmem>>, vector<16xf32>,
      %add3A_3550 = arith.addf %get3A_3549, %scan3A_3494#4 : vector<16xf32>
      %swap3A_3551 = arith.index_cast %add3A_3547 : i32 to index
      %swap3A_3552 = tpu.vector_load %arg20[%swap3A_3551] {strides = array<i32>} : memref<512xf32, #tpu.memory_space<vmem>>, vector<16xf32>,
      tpu.vector_store %arg20[%swap3A_3551], %add3A_3550 {strides = array<i32>} : memref<512xf32, #tpu.memory_space<vmem>>, vector<16xf32>,
      %add3A_3553 = arith.addf %scan3A_3494#5, %gather3A : vector<16xf32>
      %neg3A_3554 = arith.constant 0.000000e+00 : f32
      %neg3A_3555 = vector.broadcast %neg3A_3554 : f32 to vector<16xf32>
      %neg3A_3556 = arith.subf %neg3A_3555, %add3A_3553 : vector<16xf32>
      %exp3A_3557 = math.exp %neg3A_3556 : vector<16xf32>
      %add3A_3558 = arith.constant 1.000000e+00 : f32
      %add3A_3559 = vector.broadcast %add3A_3558 : f32 to vector<16xf32>
      %add3A_3560 = arith.addf %add3A_3559, %exp3A_3557 : vector<16xf32>
      %div3A_3561 = arith.constant 1.000000e+00 : f32
      %div3A_3562 = vector.broadcast %div3A_3561 : f32 to vector<16xf32>
      %div3A_3563 = arith.divf %div3A_3562, %add3A_3560 : vector<16xf32>
      %get3A_3564 = arith.index_cast %add3A_3547 : i32 to index
      %get3A_3565 = tpu.vector_load %arg21[%get3A_3564] {strides = array<i32>} : memref<512xf32, #tpu.memory_space<vmem>>, vector<16xf32>,
      %add3A_3566 = arith.addf %get3A_3565, %div3A_3563 : vector<16xf32>
      %swap3A_3567 = arith.index_cast %add3A_3547 : i32 to index
      %swap3A_3568 = tpu.vector_load %arg21[%swap3A_3567] {strides = array<i32>} : memref<512xf32, #tpu.memory_space<vmem>>, vector<16xf32>,
      tpu.vector_store %arg21[%swap3A_3567], %add3A_3566 {strides = array<i32>} : memref<512xf32, #tpu.memory_space<vmem>>, vector<16xf32>,
      %mul3A_3569 = arith.constant 128 : i32
      %mul3A_3570 = arith.muli %select_n3A, %mul3A_3569 : i32
      %add3A_3571 = arith.constant 48 : i32
      %add3A_3572 = arith.addi %mul3A_3570, %add3A_3571 : i32
      %get3A_3573 = arith.index_cast %add3A_3572 : i32 to index
      %get3A_3574 = tpu.vector_load %arg20[%get3A_3573] {strides = array<i32>} : memref<512xf32, #tpu.memory_space<vmem>>, vector<16xf32>,
      %add3A_3575 = arith.addf %get3A_3574, %scan3A_3494#6 : vector<16xf32>
      %swap3A_3576 = arith.index_cast %add3A_3572 : i32 to index
      %swap3A_3577 = tpu.vector_load %arg20[%swap3A_3576] {strides = array<i32>} : memref<512xf32, #tpu.memory_space<vmem>>, vector<16xf32>,
      tpu.vector_store %arg20[%swap3A_3576], %add3A_3575 {strides = array<i32>} : memref<512xf32, #tpu.memory_space<vmem>>, vector<16xf32>,
      %add3A_3578 = arith.addf %scan3A_3494#7, %gather3A : vector<16xf32>
      %neg3A_3579 = arith.constant 0.000000e+00 : f32
      %neg3A_3580 = vector.broadcast %neg3A_3579 : f32 to vector<16xf32>
      %neg3A_3581 = arith.subf %neg3A_3580, %add3A_3578 : vector<16xf32>
      %exp3A_3582 = math.exp %neg3A_3581 : vector<16xf32>
      %add3A_3583 = arith.constant 1.000000e+00 : f32
      %add3A_3584 = vector.broadcast %add3A_3583 : f32 to vector<16xf32>
      %add3A_3585 = arith.addf %add3A_3584, %exp3A_3582 : vector<16xf32>
      %div3A_3586 = arith.constant 1.000000e+00 : f32
      %div3A_3587 = vector.broadcast %div3A_3586 : f32 to vector<16xf32>
      %div3A_3588 = arith.divf %div3A_3587, %add3A_3585 : vector<16xf32>
      %get3A_3589 = arith.index_cast %add3A_3572 : i32 to index
      %get3A_3590 = tpu.vector_load %arg21[%get3A_3589] {strides = array<i32>} : memref<512xf32, #tpu.memory_space<vmem>>, vector<16xf32>,
      %add3A_3591 = arith.addf %get3A_3590, %div3A_3588 : vector<16xf32>
      %swap3A_3592 = arith.index_cast %add3A_3572 : i32 to index
      %swap3A_3593 = tpu.vector_load %arg21[%swap3A_3592] {strides = array<i32>} : memref<512xf32, #tpu.memory_space<vmem>>, vector<16xf32>,
      tpu.vector_store %arg21[%swap3A_3592], %add3A_3591 {strides = array<i32>} : memref<512xf32, #tpu.memory_space<vmem>>, vector<16xf32>,
      %mul3A_3594 = arith.constant 128 : i32
      %mul3A_3595 = arith.muli %select_n3A, %mul3A_3594 : i32
      %add3A_3596 = arith.constant 64 : i32
      %add3A_3597 = arith.addi %mul3A_3595, %add3A_3596 : i32
      %get3A_3598 = arith.index_cast %add3A_3597 : i32 to index
      %get3A_3599 = tpu.vector_load %arg20[%get3A_3598] {strides = array<i32>} : memref<512xf32, #tpu.memory_space<vmem>>, vector<16xf32>,
      %add3A_3600 = arith.addf %get3A_3599, %scan3A_3494#8 : vector<16xf32>
      %swap3A_3601 = arith.index_cast %add3A_3597 : i32 to index
      %swap3A_3602 = tpu.vector_load %arg20[%swap3A_3601] {strides = array<i32>} : memref<512xf32, #tpu.memory_space<vmem>>, vector<16xf32>,
      tpu.vector_store %arg20[%swap3A_3601], %add3A_3600 {strides = array<i32>} : memref<512xf32, #tpu.memory_space<vmem>>, vector<16xf32>,
      %add3A_3603 = arith.addf %scan3A_3494#9, %gather3A : vector<16xf32>
      %neg3A_3604 = arith.constant 0.000000e+00 : f32
      %neg3A_3605 = vector.broadcast %neg3A_3604 : f32 to vector<16xf32>
      %neg3A_3606 = arith.subf %neg3A_3605, %add3A_3603 : vector<16xf32>
      %exp3A_3607 = math.exp %neg3A_3606 : vector<16xf32>
      %add3A_3608 = arith.constant 1.000000e+00 : f32
      %add3A_3609 = vector.broadcast %add3A_3608 : f32 to vector<16xf32>
      %add3A_3610 = arith.addf %add3A_3609, %exp3A_3607 : vector<16xf32>
      %div3A_3611 = arith.constant 1.000000e+00 : f32
      %div3A_3612 = vector.broadcast %div3A_3611 : f32 to vector<16xf32>
      %div3A_3613 = arith.divf %div3A_3612, %add3A_3610 : vector<16xf32>
      %get3A_3614 = arith.index_cast %add3A_3597 : i32 to index
      %get3A_3615 = tpu.vector_load %arg21[%get3A_3614] {strides = array<i32>} : memref<512xf32, #tpu.memory_space<vmem>>, vector<16xf32>,
      %add3A_3616 = arith.addf %get3A_3615, %div3A_3613 : vector<16xf32>
      %swap3A_3617 = arith.index_cast %add3A_3597 : i32 to index
      %swap3A_3618 = tpu.vector_load %arg21[%swap3A_3617] {strides = array<i32>} : memref<512xf32, #tpu.memory_space<vmem>>, vector<16xf32>,
      tpu.vector_store %arg21[%swap3A_3617], %add3A_3616 {strides = array<i32>} : memref<512xf32, #tpu.memory_space<vmem>>, vector<16xf32>,
      %mul3A_3619 = arith.constant 128 : i32
      %mul3A_3620 = arith.muli %select_n3A, %mul3A_3619 : i32
      %add3A_3621 = arith.constant 80 : i32
      %add3A_3622 = arith.addi %mul3A_3620, %add3A_3621 : i32
      %get3A_3623 = arith.index_cast %add3A_3622 : i32 to index
      %get3A_3624 = tpu.vector_load %arg20[%get3A_3623] {strides = array<i32>} : memref<512xf32, #tpu.memory_space<vmem>>, vector<16xf32>,
      %add3A_3625 = arith.addf %get3A_3624, %scan3A_3494#10 : vector<16xf32>
      %swap3A_3626 = arith.index_cast %add3A_3622 : i32 to index
      %swap3A_3627 = tpu.vector_load %arg20[%swap3A_3626] {strides = array<i32>} : memref<512xf32, #tpu.memory_space<vmem>>, vector<16xf32>,
      tpu.vector_store %arg20[%swap3A_3626], %add3A_3625 {strides = array<i32>} : memref<512xf32, #tpu.memory_space<vmem>>, vector<16xf32>,
      %add3A_3628 = arith.addf %scan3A_3494#11, %gather3A : vector<16xf32>
      %neg3A_3629 = arith.constant 0.000000e+00 : f32
      %neg3A_3630 = vector.broadcast %neg3A_3629 : f32 to vector<16xf32>
      %neg3A_3631 = arith.subf %neg3A_3630, %add3A_3628 : vector<16xf32>
      %exp3A_3632 = math.exp %neg3A_3631 : vector<16xf32>
      %add3A_3633 = arith.constant 1.000000e+00 : f32
      %add3A_3634 = vector.broadcast %add3A_3633 : f32 to vector<16xf32>
      %add3A_3635 = arith.addf %add3A_3634, %exp3A_3632 : vector<16xf32>
      %div3A_3636 = arith.constant 1.000000e+00 : f32
      %div3A_3637 = vector.broadcast %div3A_3636 : f32 to vector<16xf32>
      %div3A_3638 = arith.divf %div3A_3637, %add3A_3635 : vector<16xf32>
      %get3A_3639 = arith.index_cast %add3A_3622 : i32 to index
      %get3A_3640 = tpu.vector_load %arg21[%get3A_3639] {strides = array<i32>} : memref<512xf32, #tpu.memory_space<vmem>>, vector<16xf32>,
      %add3A_3641 = arith.addf %get3A_3640, %div3A_3638 : vector<16xf32>
      %swap3A_3642 = arith.index_cast %add3A_3622 : i32 to index
      %swap3A_3643 = tpu.vector_load %arg21[%swap3A_3642] {strides = array<i32>} : memref<512xf32, #tpu.memory_space<vmem>>, vector<16xf32>,
      tpu.vector_store %arg21[%swap3A_3642], %add3A_3641 {strides = array<i32>} : memref<512xf32, #tpu.memory_space<vmem>>, vector<16xf32>,
      %mul3A_3644 = arith.constant 128 : i32
      %mul3A_3645 = arith.muli %select_n3A, %mul3A_3644 : i32
      %add3A_3646 = arith.constant 96 : i32
      %add3A_3647 = arith.addi %mul3A_3645, %add3A_3646 : i32
      %get3A_3648 = arith.index_cast %add3A_3647 : i32 to index
      %get3A_3649 = tpu.vector_load %arg20[%get3A_3648] {strides = array<i32>} : memref<512xf32, #tpu.memory_space<vmem>>, vector<16xf32>,
      %add3A_3650 = arith.addf %get3A_3649, %scan3A_3494#12 : vector<16xf32>
      %swap3A_3651 = arith.index_cast %add3A_3647 : i32 to index
      %swap3A_3652 = tpu.vector_load %arg20[%swap3A_3651] {strides = array<i32>} : memref<512xf32, #tpu.memory_space<vmem>>, vector<16xf32>,
      tpu.vector_store %arg20[%swap3A_3651], %add3A_3650 {strides = array<i32>} : memref<512xf32, #tpu.memory_space<vmem>>, vector<16xf32>,
      %add3A_3653 = arith.addf %scan3A_3494#13, %gather3A : vector<16xf32>
      %neg3A_3654 = arith.constant 0.000000e+00 : f32
      %neg3A_3655 = vector.broadcast %neg3A_3654 : f32 to vector<16xf32>
      %neg3A_3656 = arith.subf %neg3A_3655, %add3A_3653 : vector<16xf32>
      %exp3A_3657 = math.exp %neg3A_3656 : vector<16xf32>
      %add3A_3658 = arith.constant 1.000000e+00 : f32
      %add3A_3659 = vector.broadcast %add3A_3658 : f32 to vector<16xf32>
      %add3A_3660 = arith.addf %add3A_3659, %exp3A_3657 : vector<16xf32>
      %div3A_3661 = arith.constant 1.000000e+00 : f32
      %div3A_3662 = vector.broadcast %div3A_3661 : f32 to vector<16xf32>
      %div3A_3663 = arith.divf %div3A_3662, %add3A_3660 : vector<16xf32>
      %get3A_3664 = arith.index_cast %add3A_3647 : i32 to index
      %get3A_3665 = tpu.vector_load %arg21[%get3A_3664] {strides = array<i32>} : memref<512xf32, #tpu.memory_space<vmem>>, vector<16xf32>,
      %add3A_3666 = arith.addf %get3A_3665, %div3A_3663 : vector<16xf32>
      %swap3A_3667 = arith.index_cast %add3A_3647 : i32 to index
      %swap3A_3668 = tpu.vector_load %arg21[%swap3A_3667] {strides = array<i32>} : memref<512xf32, #tpu.memory_space<vmem>>, vector<16xf32>,
      tpu.vector_store %arg21[%swap3A_3667], %add3A_3666 {strides = array<i32>} : memref<512xf32, #tpu.memory_space<vmem>>, vector<16xf32>,
      %mul3A_3669 = arith.constant 128 : i32
      %mul3A_3670 = arith.muli %select_n3A, %mul3A_3669 : i32
      %add3A_3671 = arith.constant 112 : i32
      %add3A_3672 = arith.addi %mul3A_3670, %add3A_3671 : i32
      %get3A_3673 = arith.index_cast %add3A_3672 : i32 to index
      %get3A_3674 = tpu.vector_load %arg20[%get3A_3673] {strides = array<i32>} : memref<512xf32, #tpu.memory_space<vmem>>, vector<16xf32>,
      %add3A_3675 = arith.addf %get3A_3674, %scan3A_3494#14 : vector<16xf32>
      %swap3A_3676 = arith.index_cast %add3A_3672 : i32 to index
      %swap3A_3677 = tpu.vector_load %arg20[%swap3A_3676] {strides = array<i32>} : memref<512xf32, #tpu.memory_space<vmem>>, vector<16xf32>,
      tpu.vector_store %arg20[%swap3A_3676], %add3A_3675 {strides = array<i32>} : memref<512xf32, #tpu.memory_space<vmem>>, vector<16xf32>,
      %add3A_3678 = arith.addf %scan3A_3494#15, %gather3A : vector<16xf32>
      %neg3A_3679 = arith.constant 0.000000e+00 : f32
      %neg3A_3680 = vector.broadcast %neg3A_3679 : f32 to vector<16xf32>
      %neg3A_3681 = arith.subf %neg3A_3680, %add3A_3678 : vector<16xf32>
      %exp3A_3682 = math.exp %neg3A_3681 : vector<16xf32>
      %add3A_3683 = arith.constant 1.000000e+00 : f32
      %add3A_3684 = vector.broadcast %add3A_3683 : f32 to vector<16xf32>
      %add3A_3685 = arith.addf %add3A_3684, %exp3A_3682 : vector<16xf32>
      %div3A_3686 = arith.constant 1.000000e+00 : f32
      %div3A_3687 = vector.broadcast %div3A_3686 : f32 to vector<16xf32>
      %div3A_3688 = arith.divf %div3A_3687, %add3A_3685 : vector<16xf32>
      %get3A_3689 = arith.index_cast %add3A_3672 : i32 to index
      %get3A_3690 = tpu.vector_load %arg21[%get3A_3689] {strides = array<i32>} : memref<512xf32, #tpu.memory_space<vmem>>, vector<16xf32>,
      %add3A_3691 = arith.addf %get3A_3690, %div3A_3688 : vector<16xf32>
      %swap3A_3692 = arith.index_cast %add3A_3672 : i32 to index
      %swap3A_3693 = tpu.vector_load %arg21[%swap3A_3692] {strides = array<i32>} : memref<512xf32, #tpu.memory_space<vmem>>, vector<16xf32>,
      tpu.vector_store %arg21[%swap3A_3692], %add3A_3691 {strides = array<i32>} : memref<512xf32, #tpu.memory_space<vmem>>, vector<16xf32>,
      %add3A_3694 = arith.constant 1 : i32
      %add3A_3695 = arith.addi %add3A_3440, %add3A_3694 : i32
      %lt3A = arith.constant 24 : i32
      %lt3A_3696 = arith.cmpi slt, %add3A_3695, %lt3A : i32
      %convert_element_type3A = arith.extui %lt3A_3696 : i1 to i32
      %cond3A = arith.constant 0 : i32
      %cond3A_3697 = arith.cmpi ne, %convert_element_type3A, %cond3A : i32
      scf.if %cond3A_3697 {
        %add3A_3951 = arith.constant 1 : i32
        %add3A_3952 = arith.addi %add3A_3440, %add3A_3951 : i32
        %dma_start3A_3953 = arith.constant 0 : i32
        %dma_start3A_3954 = tpu.memref_slice %arg10[%add3A_3952, %dma_start3A_3953] : memref<24x128xi32, #tpu.memory_space<vmem>> -> memref<1x128xi32, #tpu.memory_space<vmem>>
        %dma_start3A_3955 = tpu.memref_squeeze %dma_start3A_3954 : memref<1x128xi32, #tpu.memory_space<vmem>> -> memref<128xi32, #tpu.memory_space<vmem>>
        %dma_start3A_3956 = arith.constant 0 : i32
        %dma_start3A_3957 = arith.constant 0 : i32
        %dma_start3A_3958 = tpu.memref_slice %arg4[%dma_start3A_3956, %dma_start3A_3957] : memref<600000x64xf32, #tpu.memory_space<hbm>> -> memref<600000x64xf32, #tpu.memory_space<hbm>>
        tpu.enqueue_indirect_dma source(%dma_start3A_3958 : memref<600000x64xf32, #tpu.memory_space<hbm>>) target(%arg14 : memref<128x64xf32, #tpu.memory_space<vmem>>) offsets(%dma_start3A_3955 : memref<128xi32, #tpu.memory_space<vmem>>) semaphore(%arg22 : memref<!tpu.dma_semaphore, #tpu.memory_space<semaphore_mem>>)
        %dma_start3A_3959 = arith.constant 0 : i32
        %dma_start3A_3960 = tpu.memref_slice %arg11[%add3A_3952, %dma_start3A_3959] : memref<24x128xi32, #tpu.memory_space<vmem>> -> memref<1x128xi32, #tpu.memory_space<vmem>>
        %dma_start3A_3961 = tpu.memref_squeeze %dma_start3A_3960 : memref<1x128xi32, #tpu.memory_space<vmem>> -> memref<128xi32, #tpu.memory_space<vmem>>
        %dma_start3A_3962 = arith.constant 0 : i32
        %dma_start3A_3963 = arith.constant 0 : i32
        %dma_start3A_3964 = tpu.memref_slice %arg5[%dma_start3A_3962, %dma_start3A_3963] : memref<600000x64xf32, #tpu.memory_space<hbm>> -> memref<600000x64xf32, #tpu.memory_space<hbm>>
        tpu.enqueue_indirect_dma source(%dma_start3A_3964 : memref<600000x64xf32, #tpu.memory_space<hbm>>) target(%arg15 : memref<128x64xf32, #tpu.memory_space<vmem>>) offsets(%dma_start3A_3961 : memref<128xi32, #tpu.memory_space<vmem>>) semaphore(%arg23 : memref<!tpu.dma_semaphore, #tpu.memory_space<semaphore_mem>>)
      } else {
      }
      %dma_wait3A_3698 = arith.constant 0 : i32
      %dma_wait3A_3699 = arith.constant 0 : i32
      %dma_wait3A_3700 = tpu.memref_slice %arg10[%dma_wait3A_3698, %dma_wait3A_3699] : memref<24x128xi32, #tpu.memory_space<vmem>> -> memref<1x128xi32, #tpu.memory_space<vmem>>
      %dma_wait3A_3701 = tpu.memref_squeeze %dma_wait3A_3700 : memref<1x128xi32, #tpu.memory_space<vmem>> -> memref<128xi32, #tpu.memory_space<vmem>>
      %dma_wait3A_3702 = arith.constant 0 : i32
      %dma_wait3A_3703 = arith.constant 0 : i32
      %dma_wait3A_3704 = tpu.memref_slice %arg4[%dma_wait3A_3702, %dma_wait3A_3703] : memref<600000x64xf32, #tpu.memory_space<hbm>> -> memref<600000x64xf32, #tpu.memory_space<hbm>>
      tpu.wait_indirect_dma semaphore(%arg24 : memref<!tpu.dma_semaphore, #tpu.memory_space<semaphore_mem>>) src(%dma_wait3A_3704 : memref<600000x64xf32, #tpu.memory_space<hbm>>) dst(%arg16 : memref<128x64xf32, #tpu.memory_space<vmem>>)
      %dma_wait3A_3705 = arith.constant 0 : i32
      %dma_wait3A_3706 = arith.constant 0 : i32
      %dma_wait3A_3707 = tpu.memref_slice %arg11[%dma_wait3A_3705, %dma_wait3A_3706] : memref<24x128xi32, #tpu.memory_space<vmem>> -> memref<1x128xi32, #tpu.memory_space<vmem>>
      %dma_wait3A_3708 = tpu.memref_squeeze %dma_wait3A_3707 : memref<1x128xi32, #tpu.memory_space<vmem>> -> memref<128xi32, #tpu.memory_space<vmem>>
      %dma_wait3A_3709 = arith.constant 0 : i32
      %dma_wait3A_3710 = arith.constant 0 : i32
      %dma_wait3A_3711 = tpu.memref_slice %arg5[%dma_wait3A_3709, %dma_wait3A_3710] : memref<600000x64xf32, #tpu.memory_space<hbm>> -> memref<600000x64xf32, #tpu.memory_space<hbm>>
      tpu.wait_indirect_dma semaphore(%arg25 : memref<!tpu.dma_semaphore, #tpu.memory_space<semaphore_mem>>) src(%dma_wait3A_3711 : memref<600000x64xf32, #tpu.memory_space<hbm>>) dst(%arg17 : memref<128x64xf32, #tpu.memory_space<vmem>>)
      %jit3A_3712 = arith.constant 6 : i32
      %div3A_3713 = arith.divsi %add3A_3440, %jit3A_3712 : i32
      %sign3A_3714 = arith.constant 0 : i32
      %sign3A_3715 = arith.cmpi sgt, %add3A_3440, %sign3A_3714 : i32
      %sign3A_3716 = arith.extui %sign3A_3715 : i1 to i32
      %sign3A_3717 = arith.constant 0 : i32
      %sign3A_3718 = arith.cmpi slt, %add3A_3440, %sign3A_3717 : i32
      %sign3A_3719 = arith.extui %sign3A_3718 : i1 to i32
      %sign3A_3720 = arith.subi %sign3A_3716, %sign3A_3719 : i32
      %sign3A_3721 = arith.constant 0 : i32
      %sign3A_3722 = arith.cmpi sgt, %jit3A_3712, %sign3A_3721 : i32
      %sign3A_3723 = arith.extui %sign3A_3722 : i1 to i32
      %sign3A_3724 = arith.constant 0 : i32
      %sign3A_3725 = arith.cmpi slt, %jit3A_3712, %sign3A_3724 : i32
      %sign3A_3726 = arith.extui %sign3A_3725 : i1 to i32
      %sign3A_3727 = arith.subi %sign3A_3723, %sign3A_3726 : i32
      %ne3A_3728 = arith.cmpi ne, %sign3A_3720, %sign3A_3727 : i32
      %rem3A_3729 = arith.remsi %add3A_3440, %jit3A_3712 : i32
      %ne3A_3730 = arith.constant 0 : i32
      %ne3A_3731 = arith.cmpi ne, %rem3A_3729, %ne3A_3730 : i32
      %and3A_3732 = arith.andi %ne3A_3728, %ne3A_3731 : i1
      %sub3A_3733 = arith.constant 1 : i32
      %sub3A_3734 = arith.subi %div3A_3713, %sub3A_3733 : i32
      %select_n3A_3735 = arith.select %and3A_3732, %sub3A_3734, %div3A_3713 : i32
      %rem3A_3736 = arith.constant 6 : i32
      %rem3A_3737 = arith.remsi %add3A_3440, %rem3A_3736 : i32
      %mul3A_3738 = arith.constant 64 : i32
      %mul3A_3739 = arith.muli %rem3A_3737, %mul3A_3738 : i32
      %broadcast_in_dim3A_3740 = arith.constant 0 : i32
      %broadcast_in_dim3A_3741 = vector.broadcast %broadcast_in_dim3A_3740 : i32 to vector<16xi32>
      %add3A_3742 = vector.broadcast %rem3A_3737 : i32 to vector<16xi32>
      %add3A_3743 = arith.addi %broadcast_in_dim3A_3741, %add3A_3742 : vector<16xi32>
      %gather3A_3744 = tpu.vector_load_idx %arg19[%add3A_3743] : memref<16xf32, #tpu.memory_space<vmem>>[vector<16xi32>], vector<16xf32>,
      %scan3A_3745 = arith.constant 0 : i32
      %scan3A_3746 = arith.constant 64 : i32
      %scan3A_3747 = arith.addi %scan3A_3745, %scan3A_3746 : i32
      %scan3A_3748 = arith.constant 1 : i32
      %scan3A_3749:16 = scf.for %scan3A_3951 = %scan3A_3745 to %scan3A_3747 step %scan3A_3748 iter_args(%scan3A_3952 = %broadcast_in_dim3A_3, %scan3A_3953 = %broadcast_in_dim3A_3, %scan3A_3954 = %broadcast_in_dim3A_3, %scan3A_3955 = %broadcast_in_dim3A_3, %scan3A_3956 = %broadcast_in_dim3A_3, %scan3A_3957 = %broadcast_in_dim3A_3, %scan3A_3958 = %broadcast_in_dim3A_3, %scan3A_3959 = %broadcast_in_dim3A_3, %scan3A_3960 = %broadcast_in_dim3A_3, %scan3A_3961 = %broadcast_in_dim3A_3, %scan3A_3962 = %broadcast_in_dim3A_3, %scan3A_3963 = %broadcast_in_dim3A_3, %scan3A_3964 = %broadcast_in_dim3A_3, %scan3A_3965 = %broadcast_in_dim3A_3, %scan3A_3966 = %broadcast_in_dim3A_3, %scan3A_3967 = %broadcast_in_dim3A_3) -> (vector<16xf32>, vector<16xf32>, vector<16xf32>, vector<16xf32>, vector<16xf32>, vector<16xf32>, vector<16xf32>, vector<16xf32>, vector<16xf32>, vector<16xf32>, vector<16xf32>, vector<16xf32>, vector<16xf32>, vector<16xf32>, vector<16xf32>, vector<16xf32>)  : i32 {
        %broadcast_in_dim3A_3968 = arith.constant 0 : i32
        %broadcast_in_dim3A_3969 = vector.broadcast %broadcast_in_dim3A_3968 : i32 to vector<16xi32>
        %add3A_3970 = vector.broadcast %scan3A_3951 : i32 to vector<16xi32>
        %add3A_3971 = arith.addi %broadcast_in_dim3A_3969, %add3A_3970 : vector<16xi32>
        %add3A_3972 = vector.broadcast %mul3A_3739 : i32 to vector<16xi32>
        %add3A_3973 = arith.addi %add3A_3971, %add3A_3972 : vector<16xi32>
        %gather3A_3974 = tpu.vector_load_idx %arg18[%add3A_3973] : memref<384xf32, #tpu.memory_space<vmem>>[vector<16xi32>], vector<16xf32>,
        %gather3A_3975 = tpu.vector_load_idx %arg16[%add3A_2948, %add3A_3971] : memref<128x64xf32, #tpu.memory_space<vmem>>[vector<16xi32>, vector<16xi32>], vector<16xf32>,
        %gather3A_3976 = tpu.vector_load_idx %arg17[%add3A_2948, %add3A_3971] : memref<128x64xf32, #tpu.memory_space<vmem>>[vector<16xi32>, vector<16xi32>], vector<16xf32>,
        %mul3A_3977 = arith.mulf %gather3A_3975, %gather3A_3976 : vector<16xf32>
        %add3A_3978 = arith.addf %scan3A_3952, %mul3A_3977 : vector<16xf32>
        %mul3A_3979 = arith.mulf %gather3A_3976, %gather3A_3974 : vector<16xf32>
        %add3A_3980 = arith.addf %scan3A_3953, %mul3A_3979 : vector<16xf32>
        %gather3A_3981 = tpu.vector_load_idx %arg16[%add3A_2951, %add3A_3971] : memref<128x64xf32, #tpu.memory_space<vmem>>[vector<16xi32>, vector<16xi32>], vector<16xf32>,
        %gather3A_3982 = tpu.vector_load_idx %arg17[%add3A_2951, %add3A_3971] : memref<128x64xf32, #tpu.memory_space<vmem>>[vector<16xi32>, vector<16xi32>], vector<16xf32>,
        %mul3A_3983 = arith.mulf %gather3A_3981, %gather3A_3982 : vector<16xf32>
        %add3A_3984 = arith.addf %scan3A_3954, %mul3A_3983 : vector<16xf32>
        %mul3A_3985 = arith.mulf %gather3A_3982, %gather3A_3974 : vector<16xf32>
        %add3A_3986 = arith.addf %scan3A_3955, %mul3A_3985 : vector<16xf32>
        %gather3A_3987 = tpu.vector_load_idx %arg16[%add3A_2954, %add3A_3971] : memref<128x64xf32, #tpu.memory_space<vmem>>[vector<16xi32>, vector<16xi32>], vector<16xf32>,
        %gather3A_3988 = tpu.vector_load_idx %arg17[%add3A_2954, %add3A_3971] : memref<128x64xf32, #tpu.memory_space<vmem>>[vector<16xi32>, vector<16xi32>], vector<16xf32>,
        %mul3A_3989 = arith.mulf %gather3A_3987, %gather3A_3988 : vector<16xf32>
        %add3A_3990 = arith.addf %scan3A_3956, %mul3A_3989 : vector<16xf32>
        %mul3A_3991 = arith.mulf %gather3A_3988, %gather3A_3974 : vector<16xf32>
        %add3A_3992 = arith.addf %scan3A_3957, %mul3A_3991 : vector<16xf32>
        %gather3A_3993 = tpu.vector_load_idx %arg16[%add3A_2957, %add3A_3971] : memref<128x64xf32, #tpu.memory_space<vmem>>[vector<16xi32>, vector<16xi32>], vector<16xf32>,
        %gather3A_3994 = tpu.vector_load_idx %arg17[%add3A_2957, %add3A_3971] : memref<128x64xf32, #tpu.memory_space<vmem>>[vector<16xi32>, vector<16xi32>], vector<16xf32>,
        %mul3A_3995 = arith.mulf %gather3A_3993, %gather3A_3994 : vector<16xf32>
        %add3A_3996 = arith.addf %scan3A_3958, %mul3A_3995 : vector<16xf32>
        %mul3A_3997 = arith.mulf %gather3A_3994, %gather3A_3974 : vector<16xf32>
        %add3A_3998 = arith.addf %scan3A_3959, %mul3A_3997 : vector<16xf32>
        %gather3A_3999 = tpu.vector_load_idx %arg16[%add3A_2960, %add3A_3971] : memref<128x64xf32, #tpu.memory_space<vmem>>[vector<16xi32>, vector<16xi32>], vector<16xf32>,
        %gather3A_4000 = tpu.vector_load_idx %arg17[%add3A_2960, %add3A_3971] : memref<128x64xf32, #tpu.memory_space<vmem>>[vector<16xi32>, vector<16xi32>], vector<16xf32>,
        %mul3A_4001 = arith.mulf %gather3A_3999, %gather3A_4000 : vector<16xf32>
        %add3A_4002 = arith.addf %scan3A_3960, %mul3A_4001 : vector<16xf32>
        %mul3A_4003 = arith.mulf %gather3A_4000, %gather3A_3974 : vector<16xf32>
        %add3A_4004 = arith.addf %scan3A_3961, %mul3A_4003 : vector<16xf32>
        %gather3A_4005 = tpu.vector_load_idx %arg16[%add3A_2963, %add3A_3971] : memref<128x64xf32, #tpu.memory_space<vmem>>[vector<16xi32>, vector<16xi32>], vector<16xf32>,
        %gather3A_4006 = tpu.vector_load_idx %arg17[%add3A_2963, %add3A_3971] : memref<128x64xf32, #tpu.memory_space<vmem>>[vector<16xi32>, vector<16xi32>], vector<16xf32>,
        %mul3A_4007 = arith.mulf %gather3A_4005, %gather3A_4006 : vector<16xf32>
        %add3A_4008 = arith.addf %scan3A_3962, %mul3A_4007 : vector<16xf32>
        %mul3A_4009 = arith.mulf %gather3A_4006, %gather3A_3974 : vector<16xf32>
        %add3A_4010 = arith.addf %scan3A_3963, %mul3A_4009 : vector<16xf32>
        %gather3A_4011 = tpu.vector_load_idx %arg16[%add3A_2966, %add3A_3971] : memref<128x64xf32, #tpu.memory_space<vmem>>[vector<16xi32>, vector<16xi32>], vector<16xf32>,
        %gather3A_4012 = tpu.vector_load_idx %arg17[%add3A_2966, %add3A_3971] : memref<128x64xf32, #tpu.memory_space<vmem>>[vector<16xi32>, vector<16xi32>], vector<16xf32>,
        %mul3A_4013 = arith.mulf %gather3A_4011, %gather3A_4012 : vector<16xf32>
        %add3A_4014 = arith.addf %scan3A_3964, %mul3A_4013 : vector<16xf32>
        %mul3A_4015 = arith.mulf %gather3A_4012, %gather3A_3974 : vector<16xf32>
        %add3A_4016 = arith.addf %scan3A_3965, %mul3A_4015 : vector<16xf32>
        %gather3A_4017 = tpu.vector_load_idx %arg16[%add3A_2969, %add3A_3971] : memref<128x64xf32, #tpu.memory_space<vmem>>[vector<16xi32>, vector<16xi32>], vector<16xf32>,
        %gather3A_4018 = tpu.vector_load_idx %arg17[%add3A_2969, %add3A_3971] : memref<128x64xf32, #tpu.memory_space<vmem>>[vector<16xi32>, vector<16xi32>], vector<16xf32>,
        %mul3A_4019 = arith.mulf %gather3A_4017, %gather3A_4018 : vector<16xf32>
        %add3A_4020 = arith.addf %scan3A_3966, %mul3A_4019 : vector<16xf32>
        %mul3A_4021 = arith.mulf %gather3A_4018, %gather3A_3974 : vector<16xf32>
        %add3A_4022 = arith.addf %scan3A_3967, %mul3A_4021 : vector<16xf32>
        scf.yield %add3A_3978, %add3A_3980, %add3A_3984, %add3A_3986, %add3A_3990, %add3A_3992, %add3A_3996, %add3A_3998, %add3A_4002, %add3A_4004, %add3A_4008, %add3A_4010, %add3A_4014, %add3A_4016, %add3A_4020, %add3A_4022 : vector<16xf32>, vector<16xf32>, vector<16xf32>, vector<16xf32>, vector<16xf32>, vector<16xf32>, vector<16xf32>, vector<16xf32>, vector<16xf32>, vector<16xf32>, vector<16xf32>, vector<16xf32>, vector<16xf32>, vector<16xf32>, vector<16xf32>, vector<16xf32>
      }
      %scan3A_3750 = arith.constant 64 : i32
      %mul3A_3751 = arith.constant 128 : i32
      %mul3A_3752 = arith.muli %select_n3A_3735, %mul3A_3751 : i32
      %add3A_3753 = arith.constant 0 : i32
      %add3A_3754 = arith.addi %mul3A_3752, %add3A_3753 : i32
      %get3A_3755 = arith.index_cast %add3A_3754 : i32 to index
      %get3A_3756 = tpu.vector_load %arg20[%get3A_3755] {strides = array<i32>} : memref<512xf32, #tpu.memory_space<vmem>>, vector<16xf32>,
      %add3A_3757 = arith.addf %get3A_3756, %scan3A_3749#0 : vector<16xf32>
      %swap3A_3758 = arith.index_cast %add3A_3754 : i32 to index
      %swap3A_3759 = tpu.vector_load %arg20[%swap3A_3758] {strides = array<i32>} : memref<512xf32, #tpu.memory_space<vmem>>, vector<16xf32>,
      tpu.vector_store %arg20[%swap3A_3758], %add3A_3757 {strides = array<i32>} : memref<512xf32, #tpu.memory_space<vmem>>, vector<16xf32>,
      %add3A_3760 = arith.addf %scan3A_3749#1, %gather3A_3744 : vector<16xf32>
      %neg3A_3761 = arith.constant 0.000000e+00 : f32
      %neg3A_3762 = vector.broadcast %neg3A_3761 : f32 to vector<16xf32>
      %neg3A_3763 = arith.subf %neg3A_3762, %add3A_3760 : vector<16xf32>
      %exp3A_3764 = math.exp %neg3A_3763 : vector<16xf32>
      %add3A_3765 = arith.constant 1.000000e+00 : f32
      %add3A_3766 = vector.broadcast %add3A_3765 : f32 to vector<16xf32>
      %add3A_3767 = arith.addf %add3A_3766, %exp3A_3764 : vector<16xf32>
      %div3A_3768 = arith.constant 1.000000e+00 : f32
      %div3A_3769 = vector.broadcast %div3A_3768 : f32 to vector<16xf32>
      %div3A_3770 = arith.divf %div3A_3769, %add3A_3767 : vector<16xf32>
      %get3A_3771 = arith.index_cast %add3A_3754 : i32 to index
      %get3A_3772 = tpu.vector_load %arg21[%get3A_3771] {strides = array<i32>} : memref<512xf32, #tpu.memory_space<vmem>>, vector<16xf32>,
      %add3A_3773 = arith.addf %get3A_3772, %div3A_3770 : vector<16xf32>
      %swap3A_3774 = arith.index_cast %add3A_3754 : i32 to index
      %swap3A_3775 = tpu.vector_load %arg21[%swap3A_3774] {strides = array<i32>} : memref<512xf32, #tpu.memory_space<vmem>>, vector<16xf32>,
      tpu.vector_store %arg21[%swap3A_3774], %add3A_3773 {strides = array<i32>} : memref<512xf32, #tpu.memory_space<vmem>>, vector<16xf32>,
      %mul3A_3776 = arith.constant 128 : i32
      %mul3A_3777 = arith.muli %select_n3A_3735, %mul3A_3776 : i32
      %add3A_3778 = arith.constant 16 : i32
      %add3A_3779 = arith.addi %mul3A_3777, %add3A_3778 : i32
      %get3A_3780 = arith.index_cast %add3A_3779 : i32 to index
      %get3A_3781 = tpu.vector_load %arg20[%get3A_3780] {strides = array<i32>} : memref<512xf32, #tpu.memory_space<vmem>>, vector<16xf32>,
      %add3A_3782 = arith.addf %get3A_3781, %scan3A_3749#2 : vector<16xf32>
      %swap3A_3783 = arith.index_cast %add3A_3779 : i32 to index
      %swap3A_3784 = tpu.vector_load %arg20[%swap3A_3783] {strides = array<i32>} : memref<512xf32, #tpu.memory_space<vmem>>, vector<16xf32>,
      tpu.vector_store %arg20[%swap3A_3783], %add3A_3782 {strides = array<i32>} : memref<512xf32, #tpu.memory_space<vmem>>, vector<16xf32>,
      %add3A_3785 = arith.addf %scan3A_3749#3, %gather3A_3744 : vector<16xf32>
      %neg3A_3786 = arith.constant 0.000000e+00 : f32
      %neg3A_3787 = vector.broadcast %neg3A_3786 : f32 to vector<16xf32>
      %neg3A_3788 = arith.subf %neg3A_3787, %add3A_3785 : vector<16xf32>
      %exp3A_3789 = math.exp %neg3A_3788 : vector<16xf32>
      %add3A_3790 = arith.constant 1.000000e+00 : f32
      %add3A_3791 = vector.broadcast %add3A_3790 : f32 to vector<16xf32>
      %add3A_3792 = arith.addf %add3A_3791, %exp3A_3789 : vector<16xf32>
      %div3A_3793 = arith.constant 1.000000e+00 : f32
      %div3A_3794 = vector.broadcast %div3A_3793 : f32 to vector<16xf32>
      %div3A_3795 = arith.divf %div3A_3794, %add3A_3792 : vector<16xf32>
      %get3A_3796 = arith.index_cast %add3A_3779 : i32 to index
      %get3A_3797 = tpu.vector_load %arg21[%get3A_3796] {strides = array<i32>} : memref<512xf32, #tpu.memory_space<vmem>>, vector<16xf32>,
      %add3A_3798 = arith.addf %get3A_3797, %div3A_3795 : vector<16xf32>
      %swap3A_3799 = arith.index_cast %add3A_3779 : i32 to index
      %swap3A_3800 = tpu.vector_load %arg21[%swap3A_3799] {strides = array<i32>} : memref<512xf32, #tpu.memory_space<vmem>>, vector<16xf32>,
      tpu.vector_store %arg21[%swap3A_3799], %add3A_3798 {strides = array<i32>} : memref<512xf32, #tpu.memory_space<vmem>>, vector<16xf32>,
      %mul3A_3801 = arith.constant 128 : i32
      %mul3A_3802 = arith.muli %select_n3A_3735, %mul3A_3801 : i32
      %add3A_3803 = arith.constant 32 : i32
      %add3A_3804 = arith.addi %mul3A_3802, %add3A_3803 : i32
      %get3A_3805 = arith.index_cast %add3A_3804 : i32 to index
      %get3A_3806 = tpu.vector_load %arg20[%get3A_3805] {strides = array<i32>} : memref<512xf32, #tpu.memory_space<vmem>>, vector<16xf32>,
      %add3A_3807 = arith.addf %get3A_3806, %scan3A_3749#4 : vector<16xf32>
      %swap3A_3808 = arith.index_cast %add3A_3804 : i32 to index
      %swap3A_3809 = tpu.vector_load %arg20[%swap3A_3808] {strides = array<i32>} : memref<512xf32, #tpu.memory_space<vmem>>, vector<16xf32>,
      tpu.vector_store %arg20[%swap3A_3808], %add3A_3807 {strides = array<i32>} : memref<512xf32, #tpu.memory_space<vmem>>, vector<16xf32>,
      %add3A_3810 = arith.addf %scan3A_3749#5, %gather3A_3744 : vector<16xf32>
      %neg3A_3811 = arith.constant 0.000000e+00 : f32
      %neg3A_3812 = vector.broadcast %neg3A_3811 : f32 to vector<16xf32>
      %neg3A_3813 = arith.subf %neg3A_3812, %add3A_3810 : vector<16xf32>
      %exp3A_3814 = math.exp %neg3A_3813 : vector<16xf32>
      %add3A_3815 = arith.constant 1.000000e+00 : f32
      %add3A_3816 = vector.broadcast %add3A_3815 : f32 to vector<16xf32>
      %add3A_3817 = arith.addf %add3A_3816, %exp3A_3814 : vector<16xf32>
      %div3A_3818 = arith.constant 1.000000e+00 : f32
      %div3A_3819 = vector.broadcast %div3A_3818 : f32 to vector<16xf32>
      %div3A_3820 = arith.divf %div3A_3819, %add3A_3817 : vector<16xf32>
      %get3A_3821 = arith.index_cast %add3A_3804 : i32 to index
      %get3A_3822 = tpu.vector_load %arg21[%get3A_3821] {strides = array<i32>} : memref<512xf32, #tpu.memory_space<vmem>>, vector<16xf32>,
      %add3A_3823 = arith.addf %get3A_3822, %div3A_3820 : vector<16xf32>
      %swap3A_3824 = arith.index_cast %add3A_3804 : i32 to index
      %swap3A_3825 = tpu.vector_load %arg21[%swap3A_3824] {strides = array<i32>} : memref<512xf32, #tpu.memory_space<vmem>>, vector<16xf32>,
      tpu.vector_store %arg21[%swap3A_3824], %add3A_3823 {strides = array<i32>} : memref<512xf32, #tpu.memory_space<vmem>>, vector<16xf32>,
      %mul3A_3826 = arith.constant 128 : i32
      %mul3A_3827 = arith.muli %select_n3A_3735, %mul3A_3826 : i32
      %add3A_3828 = arith.constant 48 : i32
      %add3A_3829 = arith.addi %mul3A_3827, %add3A_3828 : i32
      %get3A_3830 = arith.index_cast %add3A_3829 : i32 to index
      %get3A_3831 = tpu.vector_load %arg20[%get3A_3830] {strides = array<i32>} : memref<512xf32, #tpu.memory_space<vmem>>, vector<16xf32>,
      %add3A_3832 = arith.addf %get3A_3831, %scan3A_3749#6 : vector<16xf32>
      %swap3A_3833 = arith.index_cast %add3A_3829 : i32 to index
      %swap3A_3834 = tpu.vector_load %arg20[%swap3A_3833] {strides = array<i32>} : memref<512xf32, #tpu.memory_space<vmem>>, vector<16xf32>,
      tpu.vector_store %arg20[%swap3A_3833], %add3A_3832 {strides = array<i32>} : memref<512xf32, #tpu.memory_space<vmem>>, vector<16xf32>,
      %add3A_3835 = arith.addf %scan3A_3749#7, %gather3A_3744 : vector<16xf32>
      %neg3A_3836 = arith.constant 0.000000e+00 : f32
      %neg3A_3837 = vector.broadcast %neg3A_3836 : f32 to vector<16xf32>
      %neg3A_3838 = arith.subf %neg3A_3837, %add3A_3835 : vector<16xf32>
      %exp3A_3839 = math.exp %neg3A_3838 : vector<16xf32>
      %add3A_3840 = arith.constant 1.000000e+00 : f32
      %add3A_3841 = vector.broadcast %add3A_3840 : f32 to vector<16xf32>
      %add3A_3842 = arith.addf %add3A_3841, %exp3A_3839 : vector<16xf32>
      %div3A_3843 = arith.constant 1.000000e+00 : f32
      %div3A_3844 = vector.broadcast %div3A_3843 : f32 to vector<16xf32>
      %div3A_3845 = arith.divf %div3A_3844, %add3A_3842 : vector<16xf32>
      %get3A_3846 = arith.index_cast %add3A_3829 : i32 to index
      %get3A_3847 = tpu.vector_load %arg21[%get3A_3846] {strides = array<i32>} : memref<512xf32, #tpu.memory_space<vmem>>, vector<16xf32>,
      %add3A_3848 = arith.addf %get3A_3847, %div3A_3845 : vector<16xf32>
      %swap3A_3849 = arith.index_cast %add3A_3829 : i32 to index
      %swap3A_3850 = tpu.vector_load %arg21[%swap3A_3849] {strides = array<i32>} : memref<512xf32, #tpu.memory_space<vmem>>, vector<16xf32>,
      tpu.vector_store %arg21[%swap3A_3849], %add3A_3848 {strides = array<i32>} : memref<512xf32, #tpu.memory_space<vmem>>, vector<16xf32>,
      %mul3A_3851 = arith.constant 128 : i32
      %mul3A_3852 = arith.muli %select_n3A_3735, %mul3A_3851 : i32
      %add3A_3853 = arith.constant 64 : i32
      %add3A_3854 = arith.addi %mul3A_3852, %add3A_3853 : i32
      %get3A_3855 = arith.index_cast %add3A_3854 : i32 to index
      %get3A_3856 = tpu.vector_load %arg20[%get3A_3855] {strides = array<i32>} : memref<512xf32, #tpu.memory_space<vmem>>, vector<16xf32>,
      %add3A_3857 = arith.addf %get3A_3856, %scan3A_3749#8 : vector<16xf32>
      %swap3A_3858 = arith.index_cast %add3A_3854 : i32 to index
      %swap3A_3859 = tpu.vector_load %arg20[%swap3A_3858] {strides = array<i32>} : memref<512xf32, #tpu.memory_space<vmem>>, vector<16xf32>,
      tpu.vector_store %arg20[%swap3A_3858], %add3A_3857 {strides = array<i32>} : memref<512xf32, #tpu.memory_space<vmem>>, vector<16xf32>,
      %add3A_3860 = arith.addf %scan3A_3749#9, %gather3A_3744 : vector<16xf32>
      %neg3A_3861 = arith.constant 0.000000e+00 : f32
      %neg3A_3862 = vector.broadcast %neg3A_3861 : f32 to vector<16xf32>
      %neg3A_3863 = arith.subf %neg3A_3862, %add3A_3860 : vector<16xf32>
      %exp3A_3864 = math.exp %neg3A_3863 : vector<16xf32>
      %add3A_3865 = arith.constant 1.000000e+00 : f32
      %add3A_3866 = vector.broadcast %add3A_3865 : f32 to vector<16xf32>
      %add3A_3867 = arith.addf %add3A_3866, %exp3A_3864 : vector<16xf32>
      %div3A_3868 = arith.constant 1.000000e+00 : f32
      %div3A_3869 = vector.broadcast %div3A_3868 : f32 to vector<16xf32>
      %div3A_3870 = arith.divf %div3A_3869, %add3A_3867 : vector<16xf32>
      %get3A_3871 = arith.index_cast %add3A_3854 : i32 to index
      %get3A_3872 = tpu.vector_load %arg21[%get3A_3871] {strides = array<i32>} : memref<512xf32, #tpu.memory_space<vmem>>, vector<16xf32>,
      %add3A_3873 = arith.addf %get3A_3872, %div3A_3870 : vector<16xf32>
      %swap3A_3874 = arith.index_cast %add3A_3854 : i32 to index
      %swap3A_3875 = tpu.vector_load %arg21[%swap3A_3874] {strides = array<i32>} : memref<512xf32, #tpu.memory_space<vmem>>, vector<16xf32>,
      tpu.vector_store %arg21[%swap3A_3874], %add3A_3873 {strides = array<i32>} : memref<512xf32, #tpu.memory_space<vmem>>, vector<16xf32>,
      %mul3A_3876 = arith.constant 128 : i32
      %mul3A_3877 = arith.muli %select_n3A_3735, %mul3A_3876 : i32
      %add3A_3878 = arith.constant 80 : i32
      %add3A_3879 = arith.addi %mul3A_3877, %add3A_3878 : i32
      %get3A_3880 = arith.index_cast %add3A_3879 : i32 to index
      %get3A_3881 = tpu.vector_load %arg20[%get3A_3880] {strides = array<i32>} : memref<512xf32, #tpu.memory_space<vmem>>, vector<16xf32>,
      %add3A_3882 = arith.addf %get3A_3881, %scan3A_3749#10 : vector<16xf32>
      %swap3A_3883 = arith.index_cast %add3A_3879 : i32 to index
      %swap3A_3884 = tpu.vector_load %arg20[%swap3A_3883] {strides = array<i32>} : memref<512xf32, #tpu.memory_space<vmem>>, vector<16xf32>,
      tpu.vector_store %arg20[%swap3A_3883], %add3A_3882 {strides = array<i32>} : memref<512xf32, #tpu.memory_space<vmem>>, vector<16xf32>,
      %add3A_3885 = arith.addf %scan3A_3749#11, %gather3A_3744 : vector<16xf32>
      %neg3A_3886 = arith.constant 0.000000e+00 : f32
      %neg3A_3887 = vector.broadcast %neg3A_3886 : f32 to vector<16xf32>
      %neg3A_3888 = arith.subf %neg3A_3887, %add3A_3885 : vector<16xf32>
      %exp3A_3889 = math.exp %neg3A_3888 : vector<16xf32>
      %add3A_3890 = arith.constant 1.000000e+00 : f32
      %add3A_3891 = vector.broadcast %add3A_3890 : f32 to vector<16xf32>
      %add3A_3892 = arith.addf %add3A_3891, %exp3A_3889 : vector<16xf32>
      %div3A_3893 = arith.constant 1.000000e+00 : f32
      %div3A_3894 = vector.broadcast %div3A_3893 : f32 to vector<16xf32>
      %div3A_3895 = arith.divf %div3A_3894, %add3A_3892 : vector<16xf32>
      %get3A_3896 = arith.index_cast %add3A_3879 : i32 to index
      %get3A_3897 = tpu.vector_load %arg21[%get3A_3896] {strides = array<i32>} : memref<512xf32, #tpu.memory_space<vmem>>, vector<16xf32>,
      %add3A_3898 = arith.addf %get3A_3897, %div3A_3895 : vector<16xf32>
      %swap3A_3899 = arith.index_cast %add3A_3879 : i32 to index
      %swap3A_3900 = tpu.vector_load %arg21[%swap3A_3899] {strides = array<i32>} : memref<512xf32, #tpu.memory_space<vmem>>, vector<16xf32>,
      tpu.vector_store %arg21[%swap3A_3899], %add3A_3898 {strides = array<i32>} : memref<512xf32, #tpu.memory_space<vmem>>, vector<16xf32>,
      %mul3A_3901 = arith.constant 128 : i32
      %mul3A_3902 = arith.muli %select_n3A_3735, %mul3A_3901 : i32
      %add3A_3903 = arith.constant 96 : i32
      %add3A_3904 = arith.addi %mul3A_3902, %add3A_3903 : i32
      %get3A_3905 = arith.index_cast %add3A_3904 : i32 to index
      %get3A_3906 = tpu.vector_load %arg20[%get3A_3905] {strides = array<i32>} : memref<512xf32, #tpu.memory_space<vmem>>, vector<16xf32>,
      %add3A_3907 = arith.addf %get3A_3906, %scan3A_3749#12 : vector<16xf32>
      %swap3A_3908 = arith.index_cast %add3A_3904 : i32 to index
      %swap3A_3909 = tpu.vector_load %arg20[%swap3A_3908] {strides = array<i32>} : memref<512xf32, #tpu.memory_space<vmem>>, vector<16xf32>,
      tpu.vector_store %arg20[%swap3A_3908], %add3A_3907 {strides = array<i32>} : memref<512xf32, #tpu.memory_space<vmem>>, vector<16xf32>,
      %add3A_3910 = arith.addf %scan3A_3749#13, %gather3A_3744 : vector<16xf32>
      %neg3A_3911 = arith.constant 0.000000e+00 : f32
      %neg3A_3912 = vector.broadcast %neg3A_3911 : f32 to vector<16xf32>
      %neg3A_3913 = arith.subf %neg3A_3912, %add3A_3910 : vector<16xf32>
      %exp3A_3914 = math.exp %neg3A_3913 : vector<16xf32>
      %add3A_3915 = arith.constant 1.000000e+00 : f32
      %add3A_3916 = vector.broadcast %add3A_3915 : f32 to vector<16xf32>
      %add3A_3917 = arith.addf %add3A_3916, %exp3A_3914 : vector<16xf32>
      %div3A_3918 = arith.constant 1.000000e+00 : f32
      %div3A_3919 = vector.broadcast %div3A_3918 : f32 to vector<16xf32>
      %div3A_3920 = arith.divf %div3A_3919, %add3A_3917 : vector<16xf32>
      %get3A_3921 = arith.index_cast %add3A_3904 : i32 to index
      %get3A_3922 = tpu.vector_load %arg21[%get3A_3921] {strides = array<i32>} : memref<512xf32, #tpu.memory_space<vmem>>, vector<16xf32>,
      %add3A_3923 = arith.addf %get3A_3922, %div3A_3920 : vector<16xf32>
      %swap3A_3924 = arith.index_cast %add3A_3904 : i32 to index
      %swap3A_3925 = tpu.vector_load %arg21[%swap3A_3924] {strides = array<i32>} : memref<512xf32, #tpu.memory_space<vmem>>, vector<16xf32>,
      tpu.vector_store %arg21[%swap3A_3924], %add3A_3923 {strides = array<i32>} : memref<512xf32, #tpu.memory_space<vmem>>, vector<16xf32>,
      %mul3A_3926 = arith.constant 128 : i32
      %mul3A_3927 = arith.muli %select_n3A_3735, %mul3A_3926 : i32
      %add3A_3928 = arith.constant 112 : i32
      %add3A_3929 = arith.addi %mul3A_3927, %add3A_3928 : i32
      %get3A_3930 = arith.index_cast %add3A_3929 : i32 to index
      %get3A_3931 = tpu.vector_load %arg20[%get3A_3930] {strides = array<i32>} : memref<512xf32, #tpu.memory_space<vmem>>, vector<16xf32>,
      %add3A_3932 = arith.addf %get3A_3931, %scan3A_3749#14 : vector<16xf32>
      %swap3A_3933 = arith.index_cast %add3A_3929 : i32 to index
      %swap3A_3934 = tpu.vector_load %arg20[%swap3A_3933] {strides = array<i32>} : memref<512xf32, #tpu.memory_space<vmem>>, vector<16xf32>,
      tpu.vector_store %arg20[%swap3A_3933], %add3A_3932 {strides = array<i32>} : memref<512xf32, #tpu.memory_space<vmem>>, vector<16xf32>,
      %add3A_3935 = arith.addf %scan3A_3749#15, %gather3A_3744 : vector<16xf32>
      %neg3A_3936 = arith.constant 0.000000e+00 : f32
      %neg3A_3937 = vector.broadcast %neg3A_3936 : f32 to vector<16xf32>
      %neg3A_3938 = arith.subf %neg3A_3937, %add3A_3935 : vector<16xf32>
      %exp3A_3939 = math.exp %neg3A_3938 : vector<16xf32>
      %add3A_3940 = arith.constant 1.000000e+00 : f32
      %add3A_3941 = vector.broadcast %add3A_3940 : f32 to vector<16xf32>
      %add3A_3942 = arith.addf %add3A_3941, %exp3A_3939 : vector<16xf32>
      %div3A_3943 = arith.constant 1.000000e+00 : f32
      %div3A_3944 = vector.broadcast %div3A_3943 : f32 to vector<16xf32>
      %div3A_3945 = arith.divf %div3A_3944, %add3A_3942 : vector<16xf32>
      %get3A_3946 = arith.index_cast %add3A_3929 : i32 to index
      %get3A_3947 = tpu.vector_load %arg21[%get3A_3946] {strides = array<i32>} : memref<512xf32, #tpu.memory_space<vmem>>, vector<16xf32>,
      %add3A_3948 = arith.addf %get3A_3947, %div3A_3945 : vector<16xf32>
      %swap3A_3949 = arith.index_cast %add3A_3929 : i32 to index
      %swap3A_3950 = tpu.vector_load %arg21[%swap3A_3949] {strides = array<i32>} : memref<512xf32, #tpu.memory_space<vmem>>, vector<16xf32>,
      tpu.vector_store %arg21[%swap3A_3949], %add3A_3948 {strides = array<i32>} : memref<512xf32, #tpu.memory_space<vmem>>, vector<16xf32>,
    }
    %scan3A_2987 = arith.constant 12 : i32
    %get3A_2988 = arith.constant 0 : index
    %get3A_2989 = tpu.vector_load %arg20[%get3A_2988] {strides = array<i32>} : memref<512xf32, #tpu.memory_space<vmem>>, vector<16xf32>,
    %mul3A_2990 = arith.constant 0.166666672 : f32
    %mul3A_2991 = vector.broadcast %mul3A_2990 : f32 to vector<16xf32>
    %mul3A_2992 = arith.mulf %get3A_2989, %mul3A_2991 : vector<16xf32>
    %swap3A_2993 = arith.constant 0 : index
    %swap3A_2994 = tpu.vector_load %arg20[%swap3A_2993] {strides = array<i32>} : memref<512xf32, #tpu.memory_space<vmem>>, vector<16xf32>,
    tpu.vector_store %arg20[%swap3A_2993], %mul3A_2992 {strides = array<i32>} : memref<512xf32, #tpu.memory_space<vmem>>, vector<16xf32>,
    %get3A_2995 = arith.constant 0 : index
    %get3A_2996 = tpu.vector_load %arg21[%get3A_2995] {strides = array<i32>} : memref<512xf32, #tpu.memory_space<vmem>>, vector<16xf32>,
    %mul3A_2997 = arith.constant 0.166666672 : f32
    %mul3A_2998 = vector.broadcast %mul3A_2997 : f32 to vector<16xf32>
    %mul3A_2999 = arith.mulf %get3A_2996, %mul3A_2998 : vector<16xf32>
    %swap3A_3000 = arith.constant 0 : index
    %swap3A_3001 = tpu.vector_load %arg21[%swap3A_3000] {strides = array<i32>} : memref<512xf32, #tpu.memory_space<vmem>>, vector<16xf32>,
    tpu.vector_store %arg21[%swap3A_3000], %mul3A_2999 {strides = array<i32>} : memref<512xf32, #tpu.memory_space<vmem>>, vector<16xf32>,
    %get3A_3002 = arith.constant 16 : index
    %get3A_3003 = tpu.vector_load %arg20[%get3A_3002] {strides = array<i32>} : memref<512xf32, #tpu.memory_space<vmem>>, vector<16xf32>,
    %mul3A_3004 = arith.constant 0.166666672 : f32
    %mul3A_3005 = vector.broadcast %mul3A_3004 : f32 to vector<16xf32>
    %mul3A_3006 = arith.mulf %get3A_3003, %mul3A_3005 : vector<16xf32>
    %swap3A_3007 = arith.constant 16 : index
    %swap3A_3008 = tpu.vector_load %arg20[%swap3A_3007] {strides = array<i32>} : memref<512xf32, #tpu.memory_space<vmem>>, vector<16xf32>,
    tpu.vector_store %arg20[%swap3A_3007], %mul3A_3006 {strides = array<i32>} : memref<512xf32, #tpu.memory_space<vmem>>, vector<16xf32>,
    %get3A_3009 = arith.constant 16 : index
    %get3A_3010 = tpu.vector_load %arg21[%get3A_3009] {strides = array<i32>} : memref<512xf32, #tpu.memory_space<vmem>>, vector<16xf32>,
    %mul3A_3011 = arith.constant 0.166666672 : f32
    %mul3A_3012 = vector.broadcast %mul3A_3011 : f32 to vector<16xf32>
    %mul3A_3013 = arith.mulf %get3A_3010, %mul3A_3012 : vector<16xf32>
    %swap3A_3014 = arith.constant 16 : index
    %swap3A_3015 = tpu.vector_load %arg21[%swap3A_3014] {strides = array<i32>} : memref<512xf32, #tpu.memory_space<vmem>>, vector<16xf32>,
    tpu.vector_store %arg21[%swap3A_3014], %mul3A_3013 {strides = array<i32>} : memref<512xf32, #tpu.memory_space<vmem>>, vector<16xf32>,
    %get3A_3016 = arith.constant 32 : index
    %get3A_3017 = tpu.vector_load %arg20[%get3A_3016] {strides = array<i32>} : memref<512xf32, #tpu.memory_space<vmem>>, vector<16xf32>,
    %mul3A_3018 = arith.constant 0.166666672 : f32
    %mul3A_3019 = vector.broadcast %mul3A_3018 : f32 to vector<16xf32>
    %mul3A_3020 = arith.mulf %get3A_3017, %mul3A_3019 : vector<16xf32>
    %swap3A_3021 = arith.constant 32 : index
    %swap3A_3022 = tpu.vector_load %arg20[%swap3A_3021] {strides = array<i32>} : memref<512xf32, #tpu.memory_space<vmem>>, vector<16xf32>,
    tpu.vector_store %arg20[%swap3A_3021], %mul3A_3020 {strides = array<i32>} : memref<512xf32, #tpu.memory_space<vmem>>, vector<16xf32>,
    %get3A_3023 = arith.constant 32 : index
    %get3A_3024 = tpu.vector_load %arg21[%get3A_3023] {strides = array<i32>} : memref<512xf32, #tpu.memory_space<vmem>>, vector<16xf32>,
    %mul3A_3025 = arith.constant 0.166666672 : f32
    %mul3A_3026 = vector.broadcast %mul3A_3025 : f32 to vector<16xf32>
    %mul3A_3027 = arith.mulf %get3A_3024, %mul3A_3026 : vector<16xf32>
    %swap3A_3028 = arith.constant 32 : index
    %swap3A_3029 = tpu.vector_load %arg21[%swap3A_3028] {strides = array<i32>} : memref<512xf32, #tpu.memory_space<vmem>>, vector<16xf32>,
    tpu.vector_store %arg21[%swap3A_3028], %mul3A_3027 {strides = array<i32>} : memref<512xf32, #tpu.memory_space<vmem>>, vector<16xf32>,
    %get3A_3030 = arith.constant 48 : index
    %get3A_3031 = tpu.vector_load %arg20[%get3A_3030] {strides = array<i32>} : memref<512xf32, #tpu.memory_space<vmem>>, vector<16xf32>,
    %mul3A_3032 = arith.constant 0.166666672 : f32
    %mul3A_3033 = vector.broadcast %mul3A_3032 : f32 to vector<16xf32>
    %mul3A_3034 = arith.mulf %get3A_3031, %mul3A_3033 : vector<16xf32>
    %swap3A_3035 = arith.constant 48 : index
    %swap3A_3036 = tpu.vector_load %arg20[%swap3A_3035] {strides = array<i32>} : memref<512xf32, #tpu.memory_space<vmem>>, vector<16xf32>,
    tpu.vector_store %arg20[%swap3A_3035], %mul3A_3034 {strides = array<i32>} : memref<512xf32, #tpu.memory_space<vmem>>, vector<16xf32>,
    %get3A_3037 = arith.constant 48 : index
    %get3A_3038 = tpu.vector_load %arg21[%get3A_3037] {strides = array<i32>} : memref<512xf32, #tpu.memory_space<vmem>>, vector<16xf32>,
    %mul3A_3039 = arith.constant 0.166666672 : f32
    %mul3A_3040 = vector.broadcast %mul3A_3039 : f32 to vector<16xf32>
    %mul3A_3041 = arith.mulf %get3A_3038, %mul3A_3040 : vector<16xf32>
    %swap3A_3042 = arith.constant 48 : index
    %swap3A_3043 = tpu.vector_load %arg21[%swap3A_3042] {strides = array<i32>} : memref<512xf32, #tpu.memory_space<vmem>>, vector<16xf32>,
    tpu.vector_store %arg21[%swap3A_3042], %mul3A_3041 {strides = array<i32>} : memref<512xf32, #tpu.memory_space<vmem>>, vector<16xf32>,
    %get3A_3044 = arith.constant 64 : index
    %get3A_3045 = tpu.vector_load %arg20[%get3A_3044] {strides = array<i32>} : memref<512xf32, #tpu.memory_space<vmem>>, vector<16xf32>,
    %mul3A_3046 = arith.constant 0.166666672 : f32
    %mul3A_3047 = vector.broadcast %mul3A_3046 : f32 to vector<16xf32>
    %mul3A_3048 = arith.mulf %get3A_3045, %mul3A_3047 : vector<16xf32>
    %swap3A_3049 = arith.constant 64 : index
    %swap3A_3050 = tpu.vector_load %arg20[%swap3A_3049] {strides = array<i32>} : memref<512xf32, #tpu.memory_space<vmem>>, vector<16xf32>,
    tpu.vector_store %arg20[%swap3A_3049], %mul3A_3048 {strides = array<i32>} : memref<512xf32, #tpu.memory_space<vmem>>, vector<16xf32>,
    %get3A_3051 = arith.constant 64 : index
    %get3A_3052 = tpu.vector_load %arg21[%get3A_3051] {strides = array<i32>} : memref<512xf32, #tpu.memory_space<vmem>>, vector<16xf32>,
    %mul3A_3053 = arith.constant 0.166666672 : f32
    %mul3A_3054 = vector.broadcast %mul3A_3053 : f32 to vector<16xf32>
    %mul3A_3055 = arith.mulf %get3A_3052, %mul3A_3054 : vector<16xf32>
    %swap3A_3056 = arith.constant 64 : index
    %swap3A_3057 = tpu.vector_load %arg21[%swap3A_3056] {strides = array<i32>} : memref<512xf32, #tpu.memory_space<vmem>>, vector<16xf32>,
    tpu.vector_store %arg21[%swap3A_3056], %mul3A_3055 {strides = array<i32>} : memref<512xf32, #tpu.memory_space<vmem>>, vector<16xf32>,
    %get3A_3058 = arith.constant 80 : index
    %get3A_3059 = tpu.vector_load %arg20[%get3A_3058] {strides = array<i32>} : memref<512xf32, #tpu.memory_space<vmem>>, vector<16xf32>,
    %mul3A_3060 = arith.constant 0.166666672 : f32
    %mul3A_3061 = vector.broadcast %mul3A_3060 : f32 to vector<16xf32>
    %mul3A_3062 = arith.mulf %get3A_3059, %mul3A_3061 : vector<16xf32>
    %swap3A_3063 = arith.constant 80 : index
    %swap3A_3064 = tpu.vector_load %arg20[%swap3A_3063] {strides = array<i32>} : memref<512xf32, #tpu.memory_space<vmem>>, vector<16xf32>,
    tpu.vector_store %arg20[%swap3A_3063], %mul3A_3062 {strides = array<i32>} : memref<512xf32, #tpu.memory_space<vmem>>, vector<16xf32>,
    %get3A_3065 = arith.constant 80 : index
    %get3A_3066 = tpu.vector_load %arg21[%get3A_3065] {strides = array<i32>} : memref<512xf32, #tpu.memory_space<vmem>>, vector<16xf32>,
    %mul3A_3067 = arith.constant 0.166666672 : f32
    %mul3A_3068 = vector.broadcast %mul3A_3067 : f32 to vector<16xf32>
    %mul3A_3069 = arith.mulf %get3A_3066, %mul3A_3068 : vector<16xf32>
    %swap3A_3070 = arith.constant 80 : index
    %swap3A_3071 = tpu.vector_load %arg21[%swap3A_3070] {strides = array<i32>} : memref<512xf32, #tpu.memory_space<vmem>>, vector<16xf32>,
    tpu.vector_store %arg21[%swap3A_3070], %mul3A_3069 {strides = array<i32>} : memref<512xf32, #tpu.memory_space<vmem>>, vector<16xf32>,
    %get3A_3072 = arith.constant 96 : index
    %get3A_3073 = tpu.vector_load %arg20[%get3A_3072] {strides = array<i32>} : memref<512xf32, #tpu.memory_space<vmem>>, vector<16xf32>,
    %mul3A_3074 = arith.constant 0.166666672 : f32
    %mul3A_3075 = vector.broadcast %mul3A_3074 : f32 to vector<16xf32>
    %mul3A_3076 = arith.mulf %get3A_3073, %mul3A_3075 : vector<16xf32>
    %swap3A_3077 = arith.constant 96 : index
    %swap3A_3078 = tpu.vector_load %arg20[%swap3A_3077] {strides = array<i32>} : memref<512xf32, #tpu.memory_space<vmem>>, vector<16xf32>,
    tpu.vector_store %arg20[%swap3A_3077], %mul3A_3076 {strides = array<i32>} : memref<512xf32, #tpu.memory_space<vmem>>, vector<16xf32>,
    %get3A_3079 = arith.constant 96 : index
    %get3A_3080 = tpu.vector_load %arg21[%get3A_3079] {strides = array<i32>} : memref<512xf32, #tpu.memory_space<vmem>>, vector<16xf32>,
    %mul3A_3081 = arith.constant 0.166666672 : f32
    %mul3A_3082 = vector.broadcast %mul3A_3081 : f32 to vector<16xf32>
    %mul3A_3083 = arith.mulf %get3A_3080, %mul3A_3082 : vector<16xf32>
    %swap3A_3084 = arith.constant 96 : index
    %swap3A_3085 = tpu.vector_load %arg21[%swap3A_3084] {strides = array<i32>} : memref<512xf32, #tpu.memory_space<vmem>>, vector<16xf32>,
    tpu.vector_store %arg21[%swap3A_3084], %mul3A_3083 {strides = array<i32>} : memref<512xf32, #tpu.memory_space<vmem>>, vector<16xf32>,
    %get3A_3086 = arith.constant 112 : index
    %get3A_3087 = tpu.vector_load %arg20[%get3A_3086] {strides = array<i32>} : memref<512xf32, #tpu.memory_space<vmem>>, vector<16xf32>,
    %mul3A_3088 = arith.constant 0.166666672 : f32
    %mul3A_3089 = vector.broadcast %mul3A_3088 : f32 to vector<16xf32>
    %mul3A_3090 = arith.mulf %get3A_3087, %mul3A_3089 : vector<16xf32>
    %swap3A_3091 = arith.constant 112 : index
    %swap3A_3092 = tpu.vector_load %arg20[%swap3A_3091] {strides = array<i32>} : memref<512xf32, #tpu.memory_space<vmem>>, vector<16xf32>,
    tpu.vector_store %arg20[%swap3A_3091], %mul3A_3090 {strides = array<i32>} : memref<512xf32, #tpu.memory_space<vmem>>, vector<16xf32>,
    %get3A_3093 = arith.constant 112 : index
    %get3A_3094 = tpu.vector_load %arg21[%get3A_3093] {strides = array<i32>} : memref<512xf32, #tpu.memory_space<vmem>>, vector<16xf32>,
    %mul3A_3095 = arith.constant 0.166666672 : f32
    %mul3A_3096 = vector.broadcast %mul3A_3095 : f32 to vector<16xf32>
    %mul3A_3097 = arith.mulf %get3A_3094, %mul3A_3096 : vector<16xf32>
    %swap3A_3098 = arith.constant 112 : index
    %swap3A_3099 = tpu.vector_load %arg21[%swap3A_3098] {strides = array<i32>} : memref<512xf32, #tpu.memory_space<vmem>>, vector<16xf32>,
    tpu.vector_store %arg21[%swap3A_3098], %mul3A_3097 {strides = array<i32>} : memref<512xf32, #tpu.memory_space<vmem>>, vector<16xf32>,
    %get3A_3100 = arith.constant 128 : index
    %get3A_3101 = tpu.vector_load %arg20[%get3A_3100] {strides = array<i32>} : memref<512xf32, #tpu.memory_space<vmem>>, vector<16xf32>,
    %mul3A_3102 = arith.constant 0.166666672 : f32
    %mul3A_3103 = vector.broadcast %mul3A_3102 : f32 to vector<16xf32>
    %mul3A_3104 = arith.mulf %get3A_3101, %mul3A_3103 : vector<16xf32>
    %swap3A_3105 = arith.constant 128 : index
    %swap3A_3106 = tpu.vector_load %arg20[%swap3A_3105] {strides = array<i32>} : memref<512xf32, #tpu.memory_space<vmem>>, vector<16xf32>,
    tpu.vector_store %arg20[%swap3A_3105], %mul3A_3104 {strides = array<i32>} : memref<512xf32, #tpu.memory_space<vmem>>, vector<16xf32>,
    %get3A_3107 = arith.constant 128 : index
    %get3A_3108 = tpu.vector_load %arg21[%get3A_3107] {strides = array<i32>} : memref<512xf32, #tpu.memory_space<vmem>>, vector<16xf32>,
    %mul3A_3109 = arith.constant 0.166666672 : f32
    %mul3A_3110 = vector.broadcast %mul3A_3109 : f32 to vector<16xf32>
    %mul3A_3111 = arith.mulf %get3A_3108, %mul3A_3110 : vector<16xf32>
    %swap3A_3112 = arith.constant 128 : index
    %swap3A_3113 = tpu.vector_load %arg21[%swap3A_3112] {strides = array<i32>} : memref<512xf32, #tpu.memory_space<vmem>>, vector<16xf32>,
    tpu.vector_store %arg21[%swap3A_3112], %mul3A_3111 {strides = array<i32>} : memref<512xf32, #tpu.memory_space<vmem>>, vector<16xf32>,
    %get3A_3114 = arith.constant 144 : index
    %get3A_3115 = tpu.vector_load %arg20[%get3A_3114] {strides = array<i32>} : memref<512xf32, #tpu.memory_space<vmem>>, vector<16xf32>,
    %mul3A_3116 = arith.constant 0.166666672 : f32
    %mul3A_3117 = vector.broadcast %mul3A_3116 : f32 to vector<16xf32>
    %mul3A_3118 = arith.mulf %get3A_3115, %mul3A_3117 : vector<16xf32>
    %swap3A_3119 = arith.constant 144 : index
    %swap3A_3120 = tpu.vector_load %arg20[%swap3A_3119] {strides = array<i32>} : memref<512xf32, #tpu.memory_space<vmem>>, vector<16xf32>,
    tpu.vector_store %arg20[%swap3A_3119], %mul3A_3118 {strides = array<i32>} : memref<512xf32, #tpu.memory_space<vmem>>, vector<16xf32>,
    %get3A_3121 = arith.constant 144 : index
    %get3A_3122 = tpu.vector_load %arg21[%get3A_3121] {strides = array<i32>} : memref<512xf32, #tpu.memory_space<vmem>>, vector<16xf32>,
    %mul3A_3123 = arith.constant 0.166666672 : f32
    %mul3A_3124 = vector.broadcast %mul3A_3123 : f32 to vector<16xf32>
    %mul3A_3125 = arith.mulf %get3A_3122, %mul3A_3124 : vector<16xf32>
    %swap3A_3126 = arith.constant 144 : index
    %swap3A_3127 = tpu.vector_load %arg21[%swap3A_3126] {strides = array<i32>} : memref<512xf32, #tpu.memory_space<vmem>>, vector<16xf32>,
    tpu.vector_store %arg21[%swap3A_3126], %mul3A_3125 {strides = array<i32>} : memref<512xf32, #tpu.memory_space<vmem>>, vector<16xf32>,
    %get3A_3128 = arith.constant 160 : index
    %get3A_3129 = tpu.vector_load %arg20[%get3A_3128] {strides = array<i32>} : memref<512xf32, #tpu.memory_space<vmem>>, vector<16xf32>,
    %mul3A_3130 = arith.constant 0.166666672 : f32
    %mul3A_3131 = vector.broadcast %mul3A_3130 : f32 to vector<16xf32>
    %mul3A_3132 = arith.mulf %get3A_3129, %mul3A_3131 : vector<16xf32>
    %swap3A_3133 = arith.constant 160 : index
    %swap3A_3134 = tpu.vector_load %arg20[%swap3A_3133] {strides = array<i32>} : memref<512xf32, #tpu.memory_space<vmem>>, vector<16xf32>,
    tpu.vector_store %arg20[%swap3A_3133], %mul3A_3132 {strides = array<i32>} : memref<512xf32, #tpu.memory_space<vmem>>, vector<16xf32>,
    %get3A_3135 = arith.constant 160 : index
    %get3A_3136 = tpu.vector_load %arg21[%get3A_3135] {strides = array<i32>} : memref<512xf32, #tpu.memory_space<vmem>>, vector<16xf32>,
    %mul3A_3137 = arith.constant 0.166666672 : f32
    %mul3A_3138 = vector.broadcast %mul3A_3137 : f32 to vector<16xf32>
    %mul3A_3139 = arith.mulf %get3A_3136, %mul3A_3138 : vector<16xf32>
    %swap3A_3140 = arith.constant 160 : index
    %swap3A_3141 = tpu.vector_load %arg21[%swap3A_3140] {strides = array<i32>} : memref<512xf32, #tpu.memory_space<vmem>>, vector<16xf32>,
    tpu.vector_store %arg21[%swap3A_3140], %mul3A_3139 {strides = array<i32>} : memref<512xf32, #tpu.memory_space<vmem>>, vector<16xf32>,
    %get3A_3142 = arith.constant 176 : index
    %get3A_3143 = tpu.vector_load %arg20[%get3A_3142] {strides = array<i32>} : memref<512xf32, #tpu.memory_space<vmem>>, vector<16xf32>,
    %mul3A_3144 = arith.constant 0.166666672 : f32
    %mul3A_3145 = vector.broadcast %mul3A_3144 : f32 to vector<16xf32>
    %mul3A_3146 = arith.mulf %get3A_3143, %mul3A_3145 : vector<16xf32>
    %swap3A_3147 = arith.constant 176 : index
    %swap3A_3148 = tpu.vector_load %arg20[%swap3A_3147] {strides = array<i32>} : memref<512xf32, #tpu.memory_space<vmem>>, vector<16xf32>,
    tpu.vector_store %arg20[%swap3A_3147], %mul3A_3146 {strides = array<i32>} : memref<512xf32, #tpu.memory_space<vmem>>, vector<16xf32>,
    %get3A_3149 = arith.constant 176 : index
    %get3A_3150 = tpu.vector_load %arg21[%get3A_3149] {strides = array<i32>} : memref<512xf32, #tpu.memory_space<vmem>>, vector<16xf32>,
    %mul3A_3151 = arith.constant 0.166666672 : f32
    %mul3A_3152 = vector.broadcast %mul3A_3151 : f32 to vector<16xf32>
    %mul3A_3153 = arith.mulf %get3A_3150, %mul3A_3152 : vector<16xf32>
    %swap3A_3154 = arith.constant 176 : index
    %swap3A_3155 = tpu.vector_load %arg21[%swap3A_3154] {strides = array<i32>} : memref<512xf32, #tpu.memory_space<vmem>>, vector<16xf32>,
    tpu.vector_store %arg21[%swap3A_3154], %mul3A_3153 {strides = array<i32>} : memref<512xf32, #tpu.memory_space<vmem>>, vector<16xf32>,
    %get3A_3156 = arith.constant 192 : index
    %get3A_3157 = tpu.vector_load %arg20[%get3A_3156] {strides = array<i32>} : memref<512xf32, #tpu.memory_space<vmem>>, vector<16xf32>,
    %mul3A_3158 = arith.constant 0.166666672 : f32
    %mul3A_3159 = vector.broadcast %mul3A_3158 : f32 to vector<16xf32>
    %mul3A_3160 = arith.mulf %get3A_3157, %mul3A_3159 : vector<16xf32>
    %swap3A_3161 = arith.constant 192 : index
    %swap3A_3162 = tpu.vector_load %arg20[%swap3A_3161] {strides = array<i32>} : memref<512xf32, #tpu.memory_space<vmem>>, vector<16xf32>,
    tpu.vector_store %arg20[%swap3A_3161], %mul3A_3160 {strides = array<i32>} : memref<512xf32, #tpu.memory_space<vmem>>, vector<16xf32>,
    %get3A_3163 = arith.constant 192 : index
    %get3A_3164 = tpu.vector_load %arg21[%get3A_3163] {strides = array<i32>} : memref<512xf32, #tpu.memory_space<vmem>>, vector<16xf32>,
    %mul3A_3165 = arith.constant 0.166666672 : f32
    %mul3A_3166 = vector.broadcast %mul3A_3165 : f32 to vector<16xf32>
    %mul3A_3167 = arith.mulf %get3A_3164, %mul3A_3166 : vector<16xf32>
    %swap3A_3168 = arith.constant 192 : index
    %swap3A_3169 = tpu.vector_load %arg21[%swap3A_3168] {strides = array<i32>} : memref<512xf32, #tpu.memory_space<vmem>>, vector<16xf32>,
    tpu.vector_store %arg21[%swap3A_3168], %mul3A_3167 {strides = array<i32>} : memref<512xf32, #tpu.memory_space<vmem>>, vector<16xf32>,
    %get3A_3170 = arith.constant 208 : index
    %get3A_3171 = tpu.vector_load %arg20[%get3A_3170] {strides = array<i32>} : memref<512xf32, #tpu.memory_space<vmem>>, vector<16xf32>,
    %mul3A_3172 = arith.constant 0.166666672 : f32
    %mul3A_3173 = vector.broadcast %mul3A_3172 : f32 to vector<16xf32>
    %mul3A_3174 = arith.mulf %get3A_3171, %mul3A_3173 : vector<16xf32>
    %swap3A_3175 = arith.constant 208 : index
    %swap3A_3176 = tpu.vector_load %arg20[%swap3A_3175] {strides = array<i32>} : memref<512xf32, #tpu.memory_space<vmem>>, vector<16xf32>,
    tpu.vector_store %arg20[%swap3A_3175], %mul3A_3174 {strides = array<i32>} : memref<512xf32, #tpu.memory_space<vmem>>, vector<16xf32>,
    %get3A_3177 = arith.constant 208 : index
    %get3A_3178 = tpu.vector_load %arg21[%get3A_3177] {strides = array<i32>} : memref<512xf32, #tpu.memory_space<vmem>>, vector<16xf32>,
    %mul3A_3179 = arith.constant 0.166666672 : f32
    %mul3A_3180 = vector.broadcast %mul3A_3179 : f32 to vector<16xf32>
    %mul3A_3181 = arith.mulf %get3A_3178, %mul3A_3180 : vector<16xf32>
    %swap3A_3182 = arith.constant 208 : index
    %swap3A_3183 = tpu.vector_load %arg21[%swap3A_3182] {strides = array<i32>} : memref<512xf32, #tpu.memory_space<vmem>>, vector<16xf32>,
    tpu.vector_store %arg21[%swap3A_3182], %mul3A_3181 {strides = array<i32>} : memref<512xf32, #tpu.memory_space<vmem>>, vector<16xf32>,
    %get3A_3184 = arith.constant 224 : index
    %get3A_3185 = tpu.vector_load %arg20[%get3A_3184] {strides = array<i32>} : memref<512xf32, #tpu.memory_space<vmem>>, vector<16xf32>,
    %mul3A_3186 = arith.constant 0.166666672 : f32
    %mul3A_3187 = vector.broadcast %mul3A_3186 : f32 to vector<16xf32>
    %mul3A_3188 = arith.mulf %get3A_3185, %mul3A_3187 : vector<16xf32>
    %swap3A_3189 = arith.constant 224 : index
    %swap3A_3190 = tpu.vector_load %arg20[%swap3A_3189] {strides = array<i32>} : memref<512xf32, #tpu.memory_space<vmem>>, vector<16xf32>,
    tpu.vector_store %arg20[%swap3A_3189], %mul3A_3188 {strides = array<i32>} : memref<512xf32, #tpu.memory_space<vmem>>, vector<16xf32>,
    %get3A_3191 = arith.constant 224 : index
    %get3A_3192 = tpu.vector_load %arg21[%get3A_3191] {strides = array<i32>} : memref<512xf32, #tpu.memory_space<vmem>>, vector<16xf32>,
    %mul3A_3193 = arith.constant 0.166666672 : f32
    %mul3A_3194 = vector.broadcast %mul3A_3193 : f32 to vector<16xf32>
    %mul3A_3195 = arith.mulf %get3A_3192, %mul3A_3194 : vector<16xf32>
    %swap3A_3196 = arith.constant 224 : index
    %swap3A_3197 = tpu.vector_load %arg21[%swap3A_3196] {strides = array<i32>} : memref<512xf32, #tpu.memory_space<vmem>>, vector<16xf32>,
    tpu.vector_store %arg21[%swap3A_3196], %mul3A_3195 {strides = array<i32>} : memref<512xf32, #tpu.memory_space<vmem>>, vector<16xf32>,
    %get3A_3198 = arith.constant 240 : index
    %get3A_3199 = tpu.vector_load %arg20[%get3A_3198] {strides = array<i32>} : memref<512xf32, #tpu.memory_space<vmem>>, vector<16xf32>,
    %mul3A_3200 = arith.constant 0.166666672 : f32
    %mul3A_3201 = vector.broadcast %mul3A_3200 : f32 to vector<16xf32>
    %mul3A_3202 = arith.mulf %get3A_3199, %mul3A_3201 : vector<16xf32>
    %swap3A_3203 = arith.constant 240 : index
    %swap3A_3204 = tpu.vector_load %arg20[%swap3A_3203] {strides = array<i32>} : memref<512xf32, #tpu.memory_space<vmem>>, vector<16xf32>,
    tpu.vector_store %arg20[%swap3A_3203], %mul3A_3202 {strides = array<i32>} : memref<512xf32, #tpu.memory_space<vmem>>, vector<16xf32>,
    %get3A_3205 = arith.constant 240 : index
    %get3A_3206 = tpu.vector_load %arg21[%get3A_3205] {strides = array<i32>} : memref<512xf32, #tpu.memory_space<vmem>>, vector<16xf32>,
    %mul3A_3207 = arith.constant 0.166666672 : f32
    %mul3A_3208 = vector.broadcast %mul3A_3207 : f32 to vector<16xf32>
    %mul3A_3209 = arith.mulf %get3A_3206, %mul3A_3208 : vector<16xf32>
    %swap3A_3210 = arith.constant 240 : index
    %swap3A_3211 = tpu.vector_load %arg21[%swap3A_3210] {strides = array<i32>} : memref<512xf32, #tpu.memory_space<vmem>>, vector<16xf32>,
    tpu.vector_store %arg21[%swap3A_3210], %mul3A_3209 {strides = array<i32>} : memref<512xf32, #tpu.memory_space<vmem>>, vector<16xf32>,
    %get3A_3212 = arith.constant 256 : index
    %get3A_3213 = tpu.vector_load %arg20[%get3A_3212] {strides = array<i32>} : memref<512xf32, #tpu.memory_space<vmem>>, vector<16xf32>,
    %mul3A_3214 = arith.constant 0.166666672 : f32
    %mul3A_3215 = vector.broadcast %mul3A_3214 : f32 to vector<16xf32>
    %mul3A_3216 = arith.mulf %get3A_3213, %mul3A_3215 : vector<16xf32>
    %swap3A_3217 = arith.constant 256 : index
    %swap3A_3218 = tpu.vector_load %arg20[%swap3A_3217] {strides = array<i32>} : memref<512xf32, #tpu.memory_space<vmem>>, vector<16xf32>,
    tpu.vector_store %arg20[%swap3A_3217], %mul3A_3216 {strides = array<i32>} : memref<512xf32, #tpu.memory_space<vmem>>, vector<16xf32>,
    %get3A_3219 = arith.constant 256 : index
    %get3A_3220 = tpu.vector_load %arg21[%get3A_3219] {strides = array<i32>} : memref<512xf32, #tpu.memory_space<vmem>>, vector<16xf32>,
    %mul3A_3221 = arith.constant 0.166666672 : f32
    %mul3A_3222 = vector.broadcast %mul3A_3221 : f32 to vector<16xf32>
    %mul3A_3223 = arith.mulf %get3A_3220, %mul3A_3222 : vector<16xf32>
    %swap3A_3224 = arith.constant 256 : index
    %swap3A_3225 = tpu.vector_load %arg21[%swap3A_3224] {strides = array<i32>} : memref<512xf32, #tpu.memory_space<vmem>>, vector<16xf32>,
    tpu.vector_store %arg21[%swap3A_3224], %mul3A_3223 {strides = array<i32>} : memref<512xf32, #tpu.memory_space<vmem>>, vector<16xf32>,
    %get3A_3226 = arith.constant 272 : index
    %get3A_3227 = tpu.vector_load %arg20[%get3A_3226] {strides = array<i32>} : memref<512xf32, #tpu.memory_space<vmem>>, vector<16xf32>,
    %mul3A_3228 = arith.constant 0.166666672 : f32
    %mul3A_3229 = vector.broadcast %mul3A_3228 : f32 to vector<16xf32>
    %mul3A_3230 = arith.mulf %get3A_3227, %mul3A_3229 : vector<16xf32>
    %swap3A_3231 = arith.constant 272 : index
    %swap3A_3232 = tpu.vector_load %arg20[%swap3A_3231] {strides = array<i32>} : memref<512xf32, #tpu.memory_space<vmem>>, vector<16xf32>,
    tpu.vector_store %arg20[%swap3A_3231], %mul3A_3230 {strides = array<i32>} : memref<512xf32, #tpu.memory_space<vmem>>, vector<16xf32>,
    %get3A_3233 = arith.constant 272 : index
    %get3A_3234 = tpu.vector_load %arg21[%get3A_3233] {strides = array<i32>} : memref<512xf32, #tpu.memory_space<vmem>>, vector<16xf32>,
    %mul3A_3235 = arith.constant 0.166666672 : f32
    %mul3A_3236 = vector.broadcast %mul3A_3235 : f32 to vector<16xf32>
    %mul3A_3237 = arith.mulf %get3A_3234, %mul3A_3236 : vector<16xf32>
    %swap3A_3238 = arith.constant 272 : index
    %swap3A_3239 = tpu.vector_load %arg21[%swap3A_3238] {strides = array<i32>} : memref<512xf32, #tpu.memory_space<vmem>>, vector<16xf32>,
    tpu.vector_store %arg21[%swap3A_3238], %mul3A_3237 {strides = array<i32>} : memref<512xf32, #tpu.memory_space<vmem>>, vector<16xf32>,
    %get3A_3240 = arith.constant 288 : index
    %get3A_3241 = tpu.vector_load %arg20[%get3A_3240] {strides = array<i32>} : memref<512xf32, #tpu.memory_space<vmem>>, vector<16xf32>,
    %mul3A_3242 = arith.constant 0.166666672 : f32
    %mul3A_3243 = vector.broadcast %mul3A_3242 : f32 to vector<16xf32>
    %mul3A_3244 = arith.mulf %get3A_3241, %mul3A_3243 : vector<16xf32>
    %swap3A_3245 = arith.constant 288 : index
    %swap3A_3246 = tpu.vector_load %arg20[%swap3A_3245] {strides = array<i32>} : memref<512xf32, #tpu.memory_space<vmem>>, vector<16xf32>,
    tpu.vector_store %arg20[%swap3A_3245], %mul3A_3244 {strides = array<i32>} : memref<512xf32, #tpu.memory_space<vmem>>, vector<16xf32>,
    %get3A_3247 = arith.constant 288 : index
    %get3A_3248 = tpu.vector_load %arg21[%get3A_3247] {strides = array<i32>} : memref<512xf32, #tpu.memory_space<vmem>>, vector<16xf32>,
    %mul3A_3249 = arith.constant 0.166666672 : f32
    %mul3A_3250 = vector.broadcast %mul3A_3249 : f32 to vector<16xf32>
    %mul3A_3251 = arith.mulf %get3A_3248, %mul3A_3250 : vector<16xf32>
    %swap3A_3252 = arith.constant 288 : index
    %swap3A_3253 = tpu.vector_load %arg21[%swap3A_3252] {strides = array<i32>} : memref<512xf32, #tpu.memory_space<vmem>>, vector<16xf32>,
    tpu.vector_store %arg21[%swap3A_3252], %mul3A_3251 {strides = array<i32>} : memref<512xf32, #tpu.memory_space<vmem>>, vector<16xf32>,
    %get3A_3254 = arith.constant 304 : index
    %get3A_3255 = tpu.vector_load %arg20[%get3A_3254] {strides = array<i32>} : memref<512xf32, #tpu.memory_space<vmem>>, vector<16xf32>,
    %mul3A_3256 = arith.constant 0.166666672 : f32
    %mul3A_3257 = vector.broadcast %mul3A_3256 : f32 to vector<16xf32>
    %mul3A_3258 = arith.mulf %get3A_3255, %mul3A_3257 : vector<16xf32>
    %swap3A_3259 = arith.constant 304 : index
    %swap3A_3260 = tpu.vector_load %arg20[%swap3A_3259] {strides = array<i32>} : memref<512xf32, #tpu.memory_space<vmem>>, vector<16xf32>,
    tpu.vector_store %arg20[%swap3A_3259], %mul3A_3258 {strides = array<i32>} : memref<512xf32, #tpu.memory_space<vmem>>, vector<16xf32>,
    %get3A_3261 = arith.constant 304 : index
    %get3A_3262 = tpu.vector_load %arg21[%get3A_3261] {strides = array<i32>} : memref<512xf32, #tpu.memory_space<vmem>>, vector<16xf32>,
    %mul3A_3263 = arith.constant 0.166666672 : f32
    %mul3A_3264 = vector.broadcast %mul3A_3263 : f32 to vector<16xf32>
    %mul3A_3265 = arith.mulf %get3A_3262, %mul3A_3264 : vector<16xf32>
    %swap3A_3266 = arith.constant 304 : index
    %swap3A_3267 = tpu.vector_load %arg21[%swap3A_3266] {strides = array<i32>} : memref<512xf32, #tpu.memory_space<vmem>>, vector<16xf32>,
    tpu.vector_store %arg21[%swap3A_3266], %mul3A_3265 {strides = array<i32>} : memref<512xf32, #tpu.memory_space<vmem>>, vector<16xf32>,
    %get3A_3268 = arith.constant 320 : index
    %get3A_3269 = tpu.vector_load %arg20[%get3A_3268] {strides = array<i32>} : memref<512xf32, #tpu.memory_space<vmem>>, vector<16xf32>,
    %mul3A_3270 = arith.constant 0.166666672 : f32
    %mul3A_3271 = vector.broadcast %mul3A_3270 : f32 to vector<16xf32>
    %mul3A_3272 = arith.mulf %get3A_3269, %mul3A_3271 : vector<16xf32>
    %swap3A_3273 = arith.constant 320 : index
    %swap3A_3274 = tpu.vector_load %arg20[%swap3A_3273] {strides = array<i32>} : memref<512xf32, #tpu.memory_space<vmem>>, vector<16xf32>,
    tpu.vector_store %arg20[%swap3A_3273], %mul3A_3272 {strides = array<i32>} : memref<512xf32, #tpu.memory_space<vmem>>, vector<16xf32>,
    %get3A_3275 = arith.constant 320 : index
    %get3A_3276 = tpu.vector_load %arg21[%get3A_3275] {strides = array<i32>} : memref<512xf32, #tpu.memory_space<vmem>>, vector<16xf32>,
    %mul3A_3277 = arith.constant 0.166666672 : f32
    %mul3A_3278 = vector.broadcast %mul3A_3277 : f32 to vector<16xf32>
    %mul3A_3279 = arith.mulf %get3A_3276, %mul3A_3278 : vector<16xf32>
    %swap3A_3280 = arith.constant 320 : index
    %swap3A_3281 = tpu.vector_load %arg21[%swap3A_3280] {strides = array<i32>} : memref<512xf32, #tpu.memory_space<vmem>>, vector<16xf32>,
    tpu.vector_store %arg21[%swap3A_3280], %mul3A_3279 {strides = array<i32>} : memref<512xf32, #tpu.memory_space<vmem>>, vector<16xf32>,
    %get3A_3282 = arith.constant 336 : index
    %get3A_3283 = tpu.vector_load %arg20[%get3A_3282] {strides = array<i32>} : memref<512xf32, #tpu.memory_space<vmem>>, vector<16xf32>,
    %mul3A_3284 = arith.constant 0.166666672 : f32
    %mul3A_3285 = vector.broadcast %mul3A_3284 : f32 to vector<16xf32>
    %mul3A_3286 = arith.mulf %get3A_3283, %mul3A_3285 : vector<16xf32>
    %swap3A_3287 = arith.constant 336 : index
    %swap3A_3288 = tpu.vector_load %arg20[%swap3A_3287] {strides = array<i32>} : memref<512xf32, #tpu.memory_space<vmem>>, vector<16xf32>,
    tpu.vector_store %arg20[%swap3A_3287], %mul3A_3286 {strides = array<i32>} : memref<512xf32, #tpu.memory_space<vmem>>, vector<16xf32>,
    %get3A_3289 = arith.constant 336 : index
    %get3A_3290 = tpu.vector_load %arg21[%get3A_3289] {strides = array<i32>} : memref<512xf32, #tpu.memory_space<vmem>>, vector<16xf32>,
    %mul3A_3291 = arith.constant 0.166666672 : f32
    %mul3A_3292 = vector.broadcast %mul3A_3291 : f32 to vector<16xf32>
    %mul3A_3293 = arith.mulf %get3A_3290, %mul3A_3292 : vector<16xf32>
    %swap3A_3294 = arith.constant 336 : index
    %swap3A_3295 = tpu.vector_load %arg21[%swap3A_3294] {strides = array<i32>} : memref<512xf32, #tpu.memory_space<vmem>>, vector<16xf32>,
    tpu.vector_store %arg21[%swap3A_3294], %mul3A_3293 {strides = array<i32>} : memref<512xf32, #tpu.memory_space<vmem>>, vector<16xf32>,
    %get3A_3296 = arith.constant 352 : index
    %get3A_3297 = tpu.vector_load %arg20[%get3A_3296] {strides = array<i32>} : memref<512xf32, #tpu.memory_space<vmem>>, vector<16xf32>,
    %mul3A_3298 = arith.constant 0.166666672 : f32
    %mul3A_3299 = vector.broadcast %mul3A_3298 : f32 to vector<16xf32>
    %mul3A_3300 = arith.mulf %get3A_3297, %mul3A_3299 : vector<16xf32>
    %swap3A_3301 = arith.constant 352 : index
    %swap3A_3302 = tpu.vector_load %arg20[%swap3A_3301] {strides = array<i32>} : memref<512xf32, #tpu.memory_space<vmem>>, vector<16xf32>,
    tpu.vector_store %arg20[%swap3A_3301], %mul3A_3300 {strides = array<i32>} : memref<512xf32, #tpu.memory_space<vmem>>, vector<16xf32>,
    %get3A_3303 = arith.constant 352 : index
    %get3A_3304 = tpu.vector_load %arg21[%get3A_3303] {strides = array<i32>} : memref<512xf32, #tpu.memory_space<vmem>>, vector<16xf32>,
    %mul3A_3305 = arith.constant 0.166666672 : f32
    %mul3A_3306 = vector.broadcast %mul3A_3305 : f32 to vector<16xf32>
    %mul3A_3307 = arith.mulf %get3A_3304, %mul3A_3306 : vector<16xf32>
    %swap3A_3308 = arith.constant 352 : index
    %swap3A_3309 = tpu.vector_load %arg21[%swap3A_3308] {strides = array<i32>} : memref<512xf32, #tpu.memory_space<vmem>>, vector<16xf32>,
    tpu.vector_store %arg21[%swap3A_3308], %mul3A_3307 {strides = array<i32>} : memref<512xf32, #tpu.memory_space<vmem>>, vector<16xf32>,
    %get3A_3310 = arith.constant 368 : index
    %get3A_3311 = tpu.vector_load %arg20[%get3A_3310] {strides = array<i32>} : memref<512xf32, #tpu.memory_space<vmem>>, vector<16xf32>,
    %mul3A_3312 = arith.constant 0.166666672 : f32
    %mul3A_3313 = vector.broadcast %mul3A_3312 : f32 to vector<16xf32>
    %mul3A_3314 = arith.mulf %get3A_3311, %mul3A_3313 : vector<16xf32>
    %swap3A_3315 = arith.constant 368 : index
    %swap3A_3316 = tpu.vector_load %arg20[%swap3A_3315] {strides = array<i32>} : memref<512xf32, #tpu.memory_space<vmem>>, vector<16xf32>,
    tpu.vector_store %arg20[%swap3A_3315], %mul3A_3314 {strides = array<i32>} : memref<512xf32, #tpu.memory_space<vmem>>, vector<16xf32>,
    %get3A_3317 = arith.constant 368 : index
    %get3A_3318 = tpu.vector_load %arg21[%get3A_3317] {strides = array<i32>} : memref<512xf32, #tpu.memory_space<vmem>>, vector<16xf32>,
    %mul3A_3319 = arith.constant 0.166666672 : f32
    %mul3A_3320 = vector.broadcast %mul3A_3319 : f32 to vector<16xf32>
    %mul3A_3321 = arith.mulf %get3A_3318, %mul3A_3320 : vector<16xf32>
    %swap3A_3322 = arith.constant 368 : index
    %swap3A_3323 = tpu.vector_load %arg21[%swap3A_3322] {strides = array<i32>} : memref<512xf32, #tpu.memory_space<vmem>>, vector<16xf32>,
    tpu.vector_store %arg21[%swap3A_3322], %mul3A_3321 {strides = array<i32>} : memref<512xf32, #tpu.memory_space<vmem>>, vector<16xf32>,
    %get3A_3324 = arith.constant 384 : index
    %get3A_3325 = tpu.vector_load %arg20[%get3A_3324] {strides = array<i32>} : memref<512xf32, #tpu.memory_space<vmem>>, vector<16xf32>,
    %mul3A_3326 = arith.constant 0.166666672 : f32
    %mul3A_3327 = vector.broadcast %mul3A_3326 : f32 to vector<16xf32>
    %mul3A_3328 = arith.mulf %get3A_3325, %mul3A_3327 : vector<16xf32>
    %swap3A_3329 = arith.constant 384 : index
    %swap3A_3330 = tpu.vector_load %arg20[%swap3A_3329] {strides = array<i32>} : memref<512xf32, #tpu.memory_space<vmem>>, vector<16xf32>,
    tpu.vector_store %arg20[%swap3A_3329], %mul3A_3328 {strides = array<i32>} : memref<512xf32, #tpu.memory_space<vmem>>, vector<16xf32>,
    %get3A_3331 = arith.constant 384 : index
    %get3A_3332 = tpu.vector_load %arg21[%get3A_3331] {strides = array<i32>} : memref<512xf32, #tpu.memory_space<vmem>>, vector<16xf32>,
    %mul3A_3333 = arith.constant 0.166666672 : f32
    %mul3A_3334 = vector.broadcast %mul3A_3333 : f32 to vector<16xf32>
    %mul3A_3335 = arith.mulf %get3A_3332, %mul3A_3334 : vector<16xf32>
    %swap3A_3336 = arith.constant 384 : index
    %swap3A_3337 = tpu.vector_load %arg21[%swap3A_3336] {strides = array<i32>} : memref<512xf32, #tpu.memory_space<vmem>>, vector<16xf32>,
    tpu.vector_store %arg21[%swap3A_3336], %mul3A_3335 {strides = array<i32>} : memref<512xf32, #tpu.memory_space<vmem>>, vector<16xf32>,
    %get3A_3338 = arith.constant 400 : index
    %get3A_3339 = tpu.vector_load %arg20[%get3A_3338] {strides = array<i32>} : memref<512xf32, #tpu.memory_space<vmem>>, vector<16xf32>,
    %mul3A_3340 = arith.constant 0.166666672 : f32
    %mul3A_3341 = vector.broadcast %mul3A_3340 : f32 to vector<16xf32>
    %mul3A_3342 = arith.mulf %get3A_3339, %mul3A_3341 : vector<16xf32>
    %swap3A_3343 = arith.constant 400 : index
    %swap3A_3344 = tpu.vector_load %arg20[%swap3A_3343] {strides = array<i32>} : memref<512xf32, #tpu.memory_space<vmem>>, vector<16xf32>,
    tpu.vector_store %arg20[%swap3A_3343], %mul3A_3342 {strides = array<i32>} : memref<512xf32, #tpu.memory_space<vmem>>, vector<16xf32>,
    %get3A_3345 = arith.constant 400 : index
    %get3A_3346 = tpu.vector_load %arg21[%get3A_3345] {strides = array<i32>} : memref<512xf32, #tpu.memory_space<vmem>>, vector<16xf32>,
    %mul3A_3347 = arith.constant 0.166666672 : f32
    %mul3A_3348 = vector.broadcast %mul3A_3347 : f32 to vector<16xf32>
    %mul3A_3349 = arith.mulf %get3A_3346, %mul3A_3348 : vector<16xf32>
    %swap3A_3350 = arith.constant 400 : index
    %swap3A_3351 = tpu.vector_load %arg21[%swap3A_3350] {strides = array<i32>} : memref<512xf32, #tpu.memory_space<vmem>>, vector<16xf32>,
    tpu.vector_store %arg21[%swap3A_3350], %mul3A_3349 {strides = array<i32>} : memref<512xf32, #tpu.memory_space<vmem>>, vector<16xf32>,
    %get3A_3352 = arith.constant 416 : index
    %get3A_3353 = tpu.vector_load %arg20[%get3A_3352] {strides = array<i32>} : memref<512xf32, #tpu.memory_space<vmem>>, vector<16xf32>,
    %mul3A_3354 = arith.constant 0.166666672 : f32
    %mul3A_3355 = vector.broadcast %mul3A_3354 : f32 to vector<16xf32>
    %mul3A_3356 = arith.mulf %get3A_3353, %mul3A_3355 : vector<16xf32>
    %swap3A_3357 = arith.constant 416 : index
    %swap3A_3358 = tpu.vector_load %arg20[%swap3A_3357] {strides = array<i32>} : memref<512xf32, #tpu.memory_space<vmem>>, vector<16xf32>,
    tpu.vector_store %arg20[%swap3A_3357], %mul3A_3356 {strides = array<i32>} : memref<512xf32, #tpu.memory_space<vmem>>, vector<16xf32>,
    %get3A_3359 = arith.constant 416 : index
    %get3A_3360 = tpu.vector_load %arg21[%get3A_3359] {strides = array<i32>} : memref<512xf32, #tpu.memory_space<vmem>>, vector<16xf32>,
    %mul3A_3361 = arith.constant 0.166666672 : f32
    %mul3A_3362 = vector.broadcast %mul3A_3361 : f32 to vector<16xf32>
    %mul3A_3363 = arith.mulf %get3A_3360, %mul3A_3362 : vector<16xf32>
    %swap3A_3364 = arith.constant 416 : index
    %swap3A_3365 = tpu.vector_load %arg21[%swap3A_3364] {strides = array<i32>} : memref<512xf32, #tpu.memory_space<vmem>>, vector<16xf32>,
    tpu.vector_store %arg21[%swap3A_3364], %mul3A_3363 {strides = array<i32>} : memref<512xf32, #tpu.memory_space<vmem>>, vector<16xf32>,
    %get3A_3366 = arith.constant 432 : index
    %get3A_3367 = tpu.vector_load %arg20[%get3A_3366] {strides = array<i32>} : memref<512xf32, #tpu.memory_space<vmem>>, vector<16xf32>,
    %mul3A_3368 = arith.constant 0.166666672 : f32
    %mul3A_3369 = vector.broadcast %mul3A_3368 : f32 to vector<16xf32>
    %mul3A_3370 = arith.mulf %get3A_3367, %mul3A_3369 : vector<16xf32>
    %swap3A_3371 = arith.constant 432 : index
    %swap3A_3372 = tpu.vector_load %arg20[%swap3A_3371] {strides = array<i32>} : memref<512xf32, #tpu.memory_space<vmem>>, vector<16xf32>,
    tpu.vector_store %arg20[%swap3A_3371], %mul3A_3370 {strides = array<i32>} : memref<512xf32, #tpu.memory_space<vmem>>, vector<16xf32>,
    %get3A_3373 = arith.constant 432 : index
    %get3A_3374 = tpu.vector_load %arg21[%get3A_3373] {strides = array<i32>} : memref<512xf32, #tpu.memory_space<vmem>>, vector<16xf32>,
    %mul3A_3375 = arith.constant 0.166666672 : f32
    %mul3A_3376 = vector.broadcast %mul3A_3375 : f32 to vector<16xf32>
    %mul3A_3377 = arith.mulf %get3A_3374, %mul3A_3376 : vector<16xf32>
    %swap3A_3378 = arith.constant 432 : index
    %swap3A_3379 = tpu.vector_load %arg21[%swap3A_3378] {strides = array<i32>} : memref<512xf32, #tpu.memory_space<vmem>>, vector<16xf32>,
    tpu.vector_store %arg21[%swap3A_3378], %mul3A_3377 {strides = array<i32>} : memref<512xf32, #tpu.memory_space<vmem>>, vector<16xf32>,
    %get3A_3380 = arith.constant 448 : index
    %get3A_3381 = tpu.vector_load %arg20[%get3A_3380] {strides = array<i32>} : memref<512xf32, #tpu.memory_space<vmem>>, vector<16xf32>,
    %mul3A_3382 = arith.constant 0.166666672 : f32
    %mul3A_3383 = vector.broadcast %mul3A_3382 : f32 to vector<16xf32>
    %mul3A_3384 = arith.mulf %get3A_3381, %mul3A_3383 : vector<16xf32>
    %swap3A_3385 = arith.constant 448 : index
    %swap3A_3386 = tpu.vector_load %arg20[%swap3A_3385] {strides = array<i32>} : memref<512xf32, #tpu.memory_space<vmem>>, vector<16xf32>,
    tpu.vector_store %arg20[%swap3A_3385], %mul3A_3384 {strides = array<i32>} : memref<512xf32, #tpu.memory_space<vmem>>, vector<16xf32>,
    %get3A_3387 = arith.constant 448 : index
    %get3A_3388 = tpu.vector_load %arg21[%get3A_3387] {strides = array<i32>} : memref<512xf32, #tpu.memory_space<vmem>>, vector<16xf32>,
    %mul3A_3389 = arith.constant 0.166666672 : f32
    %mul3A_3390 = vector.broadcast %mul3A_3389 : f32 to vector<16xf32>
    %mul3A_3391 = arith.mulf %get3A_3388, %mul3A_3390 : vector<16xf32>
    %swap3A_3392 = arith.constant 448 : index
    %swap3A_3393 = tpu.vector_load %arg21[%swap3A_3392] {strides = array<i32>} : memref<512xf32, #tpu.memory_space<vmem>>, vector<16xf32>,
    tpu.vector_store %arg21[%swap3A_3392], %mul3A_3391 {strides = array<i32>} : memref<512xf32, #tpu.memory_space<vmem>>, vector<16xf32>,
    %get3A_3394 = arith.constant 464 : index
    %get3A_3395 = tpu.vector_load %arg20[%get3A_3394] {strides = array<i32>} : memref<512xf32, #tpu.memory_space<vmem>>, vector<16xf32>,
    %mul3A_3396 = arith.constant 0.166666672 : f32
    %mul3A_3397 = vector.broadcast %mul3A_3396 : f32 to vector<16xf32>
    %mul3A_3398 = arith.mulf %get3A_3395, %mul3A_3397 : vector<16xf32>
    %swap3A_3399 = arith.constant 464 : index
    %swap3A_3400 = tpu.vector_load %arg20[%swap3A_3399] {strides = array<i32>} : memref<512xf32, #tpu.memory_space<vmem>>, vector<16xf32>,
    tpu.vector_store %arg20[%swap3A_3399], %mul3A_3398 {strides = array<i32>} : memref<512xf32, #tpu.memory_space<vmem>>, vector<16xf32>,
    %get3A_3401 = arith.constant 464 : index
    %get3A_3402 = tpu.vector_load %arg21[%get3A_3401] {strides = array<i32>} : memref<512xf32, #tpu.memory_space<vmem>>, vector<16xf32>,
    %mul3A_3403 = arith.constant 0.166666672 : f32
    %mul3A_3404 = vector.broadcast %mul3A_3403 : f32 to vector<16xf32>
    %mul3A_3405 = arith.mulf %get3A_3402, %mul3A_3404 : vector<16xf32>
    %swap3A_3406 = arith.constant 464 : index
    %swap3A_3407 = tpu.vector_load %arg21[%swap3A_3406] {strides = array<i32>} : memref<512xf32, #tpu.memory_space<vmem>>, vector<16xf32>,
    tpu.vector_store %arg21[%swap3A_3406], %mul3A_3405 {strides = array<i32>} : memref<512xf32, #tpu.memory_space<vmem>>, vector<16xf32>,
    %get3A_3408 = arith.constant 480 : index
    %get3A_3409 = tpu.vector_load %arg20[%get3A_3408] {strides = array<i32>} : memref<512xf32, #tpu.memory_space<vmem>>, vector<16xf32>,
    %mul3A_3410 = arith.constant 0.166666672 : f32
    %mul3A_3411 = vector.broadcast %mul3A_3410 : f32 to vector<16xf32>
    %mul3A_3412 = arith.mulf %get3A_3409, %mul3A_3411 : vector<16xf32>
    %swap3A_3413 = arith.constant 480 : index
    %swap3A_3414 = tpu.vector_load %arg20[%swap3A_3413] {strides = array<i32>} : memref<512xf32, #tpu.memory_space<vmem>>, vector<16xf32>,
    tpu.vector_store %arg20[%swap3A_3413], %mul3A_3412 {strides = array<i32>} : memref<512xf32, #tpu.memory_space<vmem>>, vector<16xf32>,
    %get3A_3415 = arith.constant 480 : index
    %get3A_3416 = tpu.vector_load %arg21[%get3A_3415] {strides = array<i32>} : memref<512xf32, #tpu.memory_space<vmem>>, vector<16xf32>,
    %mul3A_3417 = arith.constant 0.166666672 : f32
    %mul3A_3418 = vector.broadcast %mul3A_3417 : f32 to vector<16xf32>
    %mul3A_3419 = arith.mulf %get3A_3416, %mul3A_3418 : vector<16xf32>
    %swap3A_3420 = arith.constant 480 : index
    %swap3A_3421 = tpu.vector_load %arg21[%swap3A_3420] {strides = array<i32>} : memref<512xf32, #tpu.memory_space<vmem>>, vector<16xf32>,
    tpu.vector_store %arg21[%swap3A_3420], %mul3A_3419 {strides = array<i32>} : memref<512xf32, #tpu.memory_space<vmem>>, vector<16xf32>,
    %get3A_3422 = arith.constant 496 : index
    %get3A_3423 = tpu.vector_load %arg20[%get3A_3422] {strides = array<i32>} : memref<512xf32, #tpu.memory_space<vmem>>, vector<16xf32>,
    %mul3A_3424 = arith.constant 0.166666672 : f32
    %mul3A_3425 = vector.broadcast %mul3A_3424 : f32 to vector<16xf32>
    %mul3A_3426 = arith.mulf %get3A_3423, %mul3A_3425 : vector<16xf32>
    %swap3A_3427 = arith.constant 496 : index
    %swap3A_3428 = tpu.vector_load %arg20[%swap3A_3427] {strides = array<i32>} : memref<512xf32, #tpu.memory_space<vmem>>, vector<16xf32>,
    tpu.vector_store %arg20[%swap3A_3427], %mul3A_3426 {strides = array<i32>} : memref<512xf32, #tpu.memory_space<vmem>>, vector<16xf32>,
    %get3A_3429 = arith.constant 496 : index
    %get3A_3430 = tpu.vector_load %arg21[%get3A_3429] {strides = array<i32>} : memref<512xf32, #tpu.memory_space<vmem>>, vector<16xf32>,
    %mul3A_3431 = arith.constant 0.166666672 : f32
    %mul3A_3432 = vector.broadcast %mul3A_3431 : f32 to vector<16xf32>
    %mul3A_3433 = arith.mulf %get3A_3430, %mul3A_3432 : vector<16xf32>
    %swap3A_3434 = arith.constant 496 : index
    %swap3A_3435 = tpu.vector_load %arg21[%swap3A_3434] {strides = array<i32>} : memref<512xf32, #tpu.memory_space<vmem>>, vector<16xf32>,
    tpu.vector_store %arg21[%swap3A_3434], %mul3A_3433 {strides = array<i32>} : memref<512xf32, #tpu.memory_space<vmem>>, vector<16xf32>,
    "tpu.region"() ({
      %run_scoped3A = tpu.sem_alloc : memref<!tpu.dma_semaphore, #tpu.memory_space<semaphore_mem>>
      %dma_start3A_3436 = tpu.memref_slice %arg8[%mul3A_2] : memref<16384xf32, #tpu.memory_space<hbm>> -> memref<512xf32, #tpu.memory_space<hbm>>
      %dma_start3A_3437 = tpu.memref_slice %arg8[%mul3A_2] : memref<16384xf32, #tpu.memory_space<hbm>> -> memref<512xf32, #tpu.memory_space<hbm>>
      tpu.enqueue_dma source(%arg20 : memref<512xf32, #tpu.memory_space<vmem>>) target(%dma_start3A_3437 : memref<512xf32, #tpu.memory_space<hbm>>) target_semaphore(%run_scoped3A : memref<!tpu.dma_semaphore, #tpu.memory_space<semaphore_mem>>)
      %dma_wait3A = tpu.memref_slice %arg8[%mul3A_2] : memref<16384xf32, #tpu.memory_space<hbm>> -> memref<512xf32, #tpu.memory_space<hbm>>
      %dma_wait3A_3438 = tpu.memref_slice %arg8[%mul3A_2] : memref<16384xf32, #tpu.memory_space<hbm>> -> memref<512xf32, #tpu.memory_space<hbm>>
      tpu.wait_dma2 semaphore(%run_scoped3A : memref<!tpu.dma_semaphore, #tpu.memory_space<semaphore_mem>>) src(%arg20 : memref<512xf32, #tpu.memory_space<vmem>>) dst(%dma_wait3A_3438 : memref<512xf32, #tpu.memory_space<hbm>>)
      tpu.yield
    }) : () -> ()
    "tpu.region"() ({
      %run_scoped3A = tpu.sem_alloc : memref<!tpu.dma_semaphore, #tpu.memory_space<semaphore_mem>>
      %dma_start3A_3436 = tpu.memref_slice %arg9[%mul3A_2] : memref<16384xf32, #tpu.memory_space<hbm>> -> memref<512xf32, #tpu.memory_space<hbm>>
      %dma_start3A_3437 = tpu.memref_slice %arg9[%mul3A_2] : memref<16384xf32, #tpu.memory_space<hbm>> -> memref<512xf32, #tpu.memory_space<hbm>>
      tpu.enqueue_dma source(%arg21 : memref<512xf32, #tpu.memory_space<vmem>>) target(%dma_start3A_3437 : memref<512xf32, #tpu.memory_space<hbm>>) target_semaphore(%run_scoped3A : memref<!tpu.dma_semaphore, #tpu.memory_space<semaphore_mem>>)
      %dma_wait3A = tpu.memref_slice %arg9[%mul3A_2] : memref<16384xf32, #tpu.memory_space<hbm>> -> memref<512xf32, #tpu.memory_space<hbm>>
      %dma_wait3A_3438 = tpu.memref_slice %arg9[%mul3A_2] : memref<16384xf32, #tpu.memory_space<hbm>> -> memref<512xf32, #tpu.memory_space<hbm>>
      tpu.wait_dma2 semaphore(%run_scoped3A : memref<!tpu.dma_semaphore, #tpu.memory_space<semaphore_mem>>) src(%arg21 : memref<512xf32, #tpu.memory_space<vmem>>) dst(%dma_wait3A_3438 : memref<512xf32, #tpu.memory_space<hbm>>)
      tpu.yield
    }) : () -> ()
    return
  }
}

</mosaic_0001>

<sc_bundles>
// kernel: _sc_call.3.cloned.1.call-start
scs
__scs_entry_jumppad:
0x0: {  	(pc) =	sbr.rel $0x88, $3  }
0x1: {  	(tag) =	ssettag $0x0;
	lr =	simm.s32 $0x1  }
0x2: {  	[smem:$0x3F9B] =	sst lr;
	_ =	strace $0xD0000000  }
0x3: {  	_ = 	snop  }
0x4: {  	_ = 	snop  }
0x5: {  	_ = 	snop  }
0x6: {  	_ = 	snop  }
0x7: {  	_ = 	snop  }
__scs_overlays_trampoline_lowered:
0x8: {  	[smem:$0x3FAA] =	sst s0  }
0x9: {  	[smem:$0x3FAB] =	sst s1  }
0xa: {  	[smem:$0x3FAC] =	sst s2  }
0xb: {  	[smem:$0x3FAD] =	sst s3  }
0xc: {  	[smem:$0x3FAE] =	sst s4  }
0xd: {  	[smem:$0x3FAF] =	sst s5  }
0xe: {  	[smem:$0x3FB0] =	sst s6  }
0xf: {  	[smem:$0x3FB1] =	sst s7  }
0x10: {  	[smem:$0x3FB2] =	sst s8  }
0x11: {  	[smem:$0x3FB3] =	sst s9;
	s0 =	simm.s32 @!p0 $0x0  }
0x12: {  	s1 =	sld [smem:$0x3F99];
	s0 =	simm.s32 @p0 $0x1  }
0x13: {  	[smem:$0x3FB4] =	sst s0;
	s0 =	simm.s32 @!p1 $0x0  }
0x14: {  	s2 =	sld [smem:$0x3F98];
	s0 =	simm.s32 @p1 $0x1  }
0x15: {  	[smem:$0x3FB5] =	sst s0;
	s0 =	simm.s32 @!p2 $0x0  }
0x16: {  	s3 =	sld [smem:$0x3FDB];
	s0 =	simm.s32 @p2 $0x1  }
0x17: {  	s4 =	simm.s32 $0x1BF5;
	[smem:$0x3FB7] =	sst s0  }
0x18: {  	s0 =	sld [smem:$0x3F9A];
	_ =	swait.ge [sflag:s4], $0x0  }
0x19: {  	s7 =	sld [smem:$0x3F9B]  }
0x1a: {  	s8 =	sadd.s32 $0xFFFFE003, lr  }
0x1b: {  	s9 =	sadd.s32 $0xFFFFFEF7, lr;
	s5 =	simm.s32 $0xFFFFFFFF;
	p2 =	slt.u32 s8, $0xFFFFF086  }
0x1c: {  	p1 =	slt.u32 s9, $0xF7A;
	s5 =	simm.s32 @!p2 $0x0  }
0x1d: {  	s5 =	simm.s32 @p1 $0x1;
	p0 =	seq.s32 s7, s2  }
0x1e: {  	s7 =	smul.u32 @!p0 $0xF7A, s2;
	p2 =	seq.s32 @!p0 s5, $0x0  }
0x1f: {  	s9 =	smul.u32 $0xF7A, s1;
	s8 =	simm.s32 @!p0 $0x1BF5;
	p2 =	por !p2, p0  }
0x20: {  	[sflag:s8] =	ssyncset.s32 @!p0 $0xFFFFF086;
	s6 =	sadd.s32 @!p0 s3, s7;
	s7 =	simm.s32 @!p0 $0x108  }
0x21: {  	s3 =	sadd.s32 s3, s9;
	s6 =	sadd.s32 @!p0 $0x88, s6;
	s7 =	simm.s32 @p2 $0x1082  }
0x22: {  	[simem:s7], [sflag:s8] =	dma.local @!p0 [hbm:s6], $0xF7A  }
0x23: {  	s9 =	sor.u32 $0xD0000000, s2;
	s6 =	simm.s32 $0x108;
	_ =	swait.ge @!p0 [sflag:s8], $0x0  }
0x24: {  	s3 =	sadd.s32 $0x88, s3;
	s6 =	simm.s32 @!p1 $0x1082;
	[sflag:s4] =	ssyncset.s32 $0xFFFFF086  }
0x25: {  	[simem:s6], [sflag:s4] =	dma.local [hbm:s3], $0xF7A  }
0x26: {  	[smem:$0x3F9B] =	sst s1;
	(tag) =	ssettag s2;
	_ =	strace s9  }
0x27: {  	s1 =	sld [smem:$0x3FAB]  }
0x28: {  	s2 =	sld [smem:$0x3FAC]  }
0x29: {  	s4 =	sld [smem:$0x3FAE]  }
0x2a: {  	p0 =	seq.s32 s5, $0x0;
	s5 =	sld [smem:$0x3FAF]  }
0x2b: {  	s6 =	sld [smem:$0x3FB0]  }
0x2c: {  	s7 =	sld [smem:$0x3FB1]  }
0x2d: {  	s3 =	simm.s32 $0x108;
	s8 =	sld [smem:$0x3FB2]  }
0x2e: {  	s3 =	simm.s32 @!p0 $0x1082;
	s9 =	sld [smem:$0x3FB3]  }
0x2f: {  	lr =	sadd.s32 s0, s3;
	s0 =	sld [smem:$0x3FAA]  }
0x30: {  	s3 =	sld [smem:$0x3FAD]  }
0x31: {  	[smem:$0x3FB6] =	sst s10  }
0x32: {  	s10 =	sld [smem:$0x3FB4];
	_ =	sdelay $0x3  }
0x33: {  	p0 =	seq.s32 s10, $0x1;
	s10 =	sld [smem:$0x3FB6];
	_ =	sdelay $0x3  }
0x34: {  	[smem:$0x3FB6] =	sst s10  }
0x35: {  	s10 =	sld [smem:$0x3FB5];
	_ =	sdelay $0x3  }
0x36: {  	p1 =	seq.s32 s10, $0x1;
	s10 =	sld [smem:$0x3FB6];
	_ =	sdelay $0x3  }
0x37: {  	[smem:$0x3FB6] =	sst s10  }
0x38: {  	s10 =	sld [smem:$0x3FB7]  }
0x39: {  	_ = 	snop;
	(pc) =	sbr.ind lr, $3  }
0x3a: {  	_ = 	snop  }
0x3b: {  	_ = 	snop  }
0x3c: {  	p2 =	seq.s32 s10, $0x1;
	s10 =	sld [smem:$0x3FB6]  }
0x3d: {  	_ =	shalt  }
0x3e: {  	_ =	shalt  }
0x3f: {  	_ =	shalt  }
0x40: {  	_ =	shalt  }
0x41: {  	_ =	shalt  }
0x42: {  	_ =	shalt  }
0x43: {  	_ =	shalt  }
0x44: {  	_ =	shalt  }
0x45: {  	_ =	shalt  }
0x46: {  	_ =	shalt  }
0x47: {  	_ =	shalt  }
0x48: {  	_ =	shalt  }
0x49: {  	_ =	shalt  }
0x4a: {  	_ =	shalt  }
0x4b: {  	_ =	shalt  }
0x4c: {  	_ =	shalt  }
0x4d: {  	_ =	shalt  }
0x4e: {  	_ =	shalt  }
0x4f: {  	_ =	shalt  }
0x50: {  	_ =	shalt  }
0x51: {  	_ =	shalt  }
0x52: {  	_ =	shalt  }
0x53: {  	_ =	shalt  }
0x54: {  	_ =	shalt  }
0x55: {  	_ =	shalt  }
0x56: {  	_ =	shalt  }
0x57: {  	_ =	shalt  }
0x58: {  	_ =	shalt  }
0x59: {  	_ =	shalt  }
0x5a: {  	_ =	shalt  }
0x5b: {  	_ =	shalt  }
0x5c: {  	_ =	shalt  }
0x5d: {  	_ =	shalt  }
0x5e: {  	_ =	shalt  }
0x5f: {  	_ =	shalt  }
0x60: {  	_ =	shalt  }
0x61: {  	_ =	shalt  }
0x62: {  	_ =	shalt  }
0x63: {  	_ =	shalt  }
0x64: {  	_ =	shalt  }
0x65: {  	_ =	shalt  }
0x66: {  	_ =	shalt  }
0x67: {  	_ =	shalt  }
0x68: {  	_ =	shalt  }
0x69: {  	_ =	shalt  }
0x6a: {  	_ =	shalt  }
0x6b: {  	_ =	shalt  }
0x6c: {  	_ =	shalt  }
0x6d: {  	_ =	shalt  }
0x6e: {  	_ =	shalt  }
0x6f: {  	_ =	shalt  }
0x70: {  	_ =	shalt  }
0x71: {  	_ =	shalt  }
0x72: {  	_ =	shalt  }
0x73: {  	_ =	shalt  }
0x74: {  	_ =	shalt  }
0x75: {  	_ =	shalt  }
0x76: {  	_ =	shalt  }
0x77: {  	_ =	shalt  }
0x78: {  	_ =	shalt  }
0x79: {  	_ =	shalt  }
0x7a: {  	_ =	shalt  }
0x7b: {  	_ =	shalt  }
0x7c: {  	_ =	shalt  }
0x7d: {  	_ =	shalt  }
0x7e: {  	_ =	shalt  }
0x7f: {  	_ =	shalt  }
0x80: {  	_ =	shalt  }
0x81: {  	_ =	shalt  }
0x82: {  	_ =	shalt  }
0x83: {  	_ =	shalt  }
0x84: {  	_ =	shalt  }
0x85: {  	_ =	shalt  }
0x86: {  	_ =	shalt  }
0x87: {  	_ =	shalt  }
.Lfunc_end0:
.L_simem_size_0:
called_computation_lowered:
.L_overlay_start_0:
0x88: {  	s2 =	sld [smem:$0x3FD9]  }
0x89: {  	s3 =	sld [smem:$0x3FFE];
	_ =	sdelay $0x1  }
0x8a: {  	s1 =	srdreg.scid  }
0x8b: {  	s0 =	sand.u32 $0x1, s1  }
0x8c: {  	s14 =	sshll.u32 s0, $0xA;
	s2 =	sadd.s32 s3, s2  }
0x8d: {  	s2 =	sadd.s32 s2, s14  }
0x8e: {  	[smem:$0x3FC2] =	sst s2  }
0x8f: {  	_ = 	snop  }
0x90: {  	s2 =	sld [smem:$0x3FC9]  }
0x91: {  	s15 =	sld [smem:$0x3FD0]  }
0x92: {  	s4 =	sld [smem:$0x3FC8]  }
0x93: {  	s5 =	sld [smem:$0x3FC5]  }
0x94: {  	s7 =	simm.s32 $0xA;
	s8 =	simm.s32 $0x10;
	s6 =	sld [smem:$0x3FC4]  }
0x95: {  	[smem:s8], [sflag:s7] =	dma.local [hbm:s15], $0x1  }
0x96: {  	_ =	swait.eq [sflag:s7], $0x1  }
0x97: {  	[sflag:s7] =	ssyncset.done $0x0  }
0x98: {  	s16 =	sld [smem:$0x10];
	[sflag:s7] =	ssyncadd.s32 $0xFFFFFFFF  }
0x99: {  	s17 =	sld [smem:$0x11];
	(tm) =	ssettm $0x1  }
0x9a: {  	s18 =	sld [smem:$0x3FFB];
	_ =	sdelay $0x3  }
0x9b: {  	_ =	strace s18  }
0x9c: {  	s8 =	sld [smem:$0x3FFC];
	_ =	sdelay $0x3  }
0x9d: {  	_ =	strace s8  }
0x9e: {  	s8 =	sld [smem:$0x3FFD];
	_ =	sdelay $0x3  }
0x9f: {  	_ =	strace s8  }
0xa0: {  	_ =	strace $0x8FFFFFFF  }
0xa1: {  	s19 =	sld [smem:$0x3FDB];
	_ =	sdelay $0x1  }
0xa2: {  	s9 =	simm.s32 $_scs_section_size  }
0xa3: {  	s10 =	simm.s32 $_size__tile_overlayer_lowered;
	s11 =	simm.s32 $_tile_overlayer_lowered  }
0xa4: {  	s22 =	simm.s32 $0x1BFF;
	s21 =	sshll.u32 s11, $0x1;
	s8 =	sadd.s32 s9, s19  }
0xa5: {  	s12 =	simm.s32 $0x0;
	s20 =	sshll.u32 s10, $0x1;
	s10 =	sadd.s32 s21, s8  }
0xa6: {  	[timem:s12], [sflag:s22] =	dma.local [hbm:s10], s20  }
0xa7: {  	_ =	swait.ge [sflag:s22], s20  }
0xa8: {  	s9 =	ssub.s32 $0x0, s20;
	[sflag:s22] =	ssyncset.done $0x0  }
0xa9: {  	[sflag:s22] =	ssyncadd.s32 s9;
	_ =	sdelay $0x1  }
0xaa: {  	s23 =	simm.s32 $0x1B8B  }
0xab: {  	_ =	swait.ge [sflag:s23], $0x1  }
0xac: {  	[sflag:s23] =	ssyncset.done $0x0  }
0xad: {  	s25 =	simm.s32 $0x1B8E;
	s24 =	sld [smem:$0x3FFE];
	[sflag:s23] =	ssyncadd.s32 $0xFFFFFFFF  }
0xae: {  	s26 =	simm.s32 $execute0_lowered;
	[smem:$0x3FD2] =	sst s25  }
0xaf: {  	s10 =	sshll.u32 s26, $0x1;
	_ =	strace $0x80000046;
	[dreg:$0x1] =	wrdreg $0xFFFFFFFF  }
0xb0: {  	s28 =	simm.s32 $_size_execute0_lowered;
	s8 =	sadd.s32 s8, s10;
	[dreg:$0x0] =	wrdreg $0x0  }
0xb1: {  	s10 =	sshll.u32 s28, $0x1;
	[dreg:$0x2] =	wrdreg s8  }
0xb2: {  	[dreg:$0x3] =	wrdreg s10  }
0xb3: {  	[dreg:$0x4] =	wrdreg $0xC0  }
0xb4: {  	_ =	task [dreg:s12], $0x5FFFF  }
0xb5: {  	[dreg:$0x1] =	wrdreg $0xFFFFFFFF  }
0xb6: {  	[dreg:$0x0] =	wrdreg $0x60  }
0xb7: {  	[dreg:$0x2] =	wrdreg s2  }
0xb8: {  	[dreg:$0x3] =	wrdreg s4  }
0xb9: {  	[dreg:$0x4] =	wrdreg s24  }
0xba: {  	[dreg:$0x5] =	wrdreg s5  }
0xbb: {  	[dreg:$0x6] =	wrdreg s6  }
0xbc: {  	[dreg:$0x7] =	wrdreg s16  }
0xbd: {  	[dreg:$0x8] =	wrdreg s17  }
0xbe: {  	[dreg:$0x9] =	wrdreg $0x9  }
0xbf: {  	_ =	task.clear_ibuf [dreg:s12], $0xAFFFF;
	_ =	strace $0x90000046  }
0xc0: {  	s29 =	simm.s32 $0x9;
	_ =	strace $0x80000048  }
0xc1: {  	_ =	swait.ge [sflag:s29], $0x1  }
0xc2: {  	[sflag:s29] =	ssyncadd.s32 $0xFFFFFFFF  }
0xc3: {  	_ =	strace $0x90000048  }
0xc4: {  	_ =	sfence  }
0xc5: {  	s30 =	sld [smem:$0x0];
	_ =	sdelay $0x2  }
0xc6: {  	s31 =	sshll.u32 s1, $0xD;
	s1 =	sshrl.u32 s1, $0x2  }
0xc7: {  	s3 =	sand.u32 $0x4000, s31;
	s1 =	sadd.s32 s1, s30  }
0xc8: {  	s0 =	sor.u32 s3, s0;
	s1 =	sshll.u32 s1, $0x11  }
0xc9: {  	s0 =	sor.u32 s1, s0  }
0xca: {  	s0 =	sadd.s32 $0x8F2B, s0  }
0xcb: {  	[sflag:s0] =	ssyncadd.remote.s32 $0x1  }
0xcc: {  	_ =	sfence.sel $0xFFFF  }
0xcd: {  	[dreg:$0x0] =	wrdreg $0xFFFFFFFF;
	(pc) =	sbr.abs _section_cstart, $3  }
0xce: {  	[dreg:$0x1] =	wrdreg $0xFFFFFFFF  }
0xcf: {  	_ =	task.clear_ibuf [dreg:s12], $0x2FFFF;
	_ =	strace $0x9FFFFFFF  }
0xd0: {  	(tm) =	ssettm $0x7FFFFFFF  }
0xd1: {  	_ =	shalt  }
tec
execute0_lowered:
.L_overlay_start_1:
0x0: {  	(tag) =	ssettag $0x1  }
0x1: {  	s0 =	rddreg [dreg:$0x0]  }
0x2: {  	s1 =	rddreg [dreg:$0x1]  }
0x3: {  	s2 =	rddreg [dreg:$0x2]  }
0x4: {  	s4 =	rddreg [dreg:$0x5]  }
0x5: {  	s7 =	rddreg [dreg:$0x6];
	s3 =	simm.s32 $0x0;
	s6 =	srdreg.scid  }
0x6: {  	s9 =	stileid.u32;
	s13 =	simm.s32 $0x5;
	s15 =	simm.s32 $0x9C00  }
0x7: {  	s16 =	simm.s32 $0x9D80;
	s17 =	simm.s32 $0x80;
	s18 =	simm.s32 $0x1C00  }
0x8: {  	s20 =	simm.s32 $0x3C00;
	s21 =	simm.s32 $0x5C00;
	s22 =	simm.s32 $0x7C00  }
0x9: {  	s23 =	simm.s32 $0x1;
	s24 =	simm.s32 $0x2;
	s25 =	simm.s32 $0x3  }
0xa: {  	s26 =	simm.s32 $0x4;
	s30 =	simm.s32 $0x0;
	s6 =	sand.u32 $0x1, s6  }
0xb: {  	[smem:$0x7FF] =	sst s3;
	s9 =	sshll.u32 s9, $0x7;
	s10 =	sshll.u32 s6, $0x6  }
0xc: {  	s5 =	sadd.s32 $0x928400, s2;
	_ =	strace $0x80000047;
	s10 =	sor.u32 s10, s9  }
0xd: {  	s8 =	ssub.s32 $0x2, s6;
	s6 =	sadd.s32 $0xDBC200, s2;
	s0 =	sadd.s32 s0, s10  }
0xe: {  	s28 =	sshrl.u32 s8, $0x1;
	s29 =	sadd.s32 s1, s10;
	[dreg:$0x8] =	wrdreg s0  }
0xf: {  	v1 =	vlaneseq.u32;
	s2 =	ssub.s32 s8, s28;
	s31 =	sadd.s32 s4, s10;
	[dreg:$0x9] =	wrdreg s29  }
0x10: {  	v0 =	vimm.f32 $0.0e+00;
	v1 =	vmul.u32 $0x40, v1;
	s10 =	sadd.s32 s7, s10;
	[dreg:$0xa] =	wrdreg s31;
	s11 =	smax.u32 s2, $0x1  }
.LBB2_1:
0x11: {  	s0 =	rddreg [dreg:$0x8];
	s1 =	simm.s32 $0x1800  }
0x12: {  	[tilespmem:s1], [sflag:$0x5] =	stream.linear.gather [hbm4b:s0+s3], $0x200, $0x38;
	[tilespmem:$0xA190] =	vst v63  }
0x13: {  	_ =	swait.ge [sflag:s13], $0x200  }
0x14: {  	[sflag:s13] =	ssyncset.done $0x0  }
0x15: {  	s14 =	simm.s32 $0x1A00;
	s12 =	rddreg [dreg:$0x9];
	[sflag:s13] =	ssyncadd.s32 $0xFFFFFE00  }
0x16: {  	[tilespmem:s14], [sflag:$0x5] =	stream.linear.gather [hbm4b:s12+s3], $0x200, $0x38;
	[tilespmem:$0xA190] =	vst v63  }
0x17: {  	_ =	swait.ge [sflag:s13], $0x200  }
0x18: {  	[sflag:s13] =	ssyncset.done $0x0  }
0x19: {  	[sflag:s13] =	ssyncadd.s32 $0xFFFFFE00  }
0x1a: {  	s19 =	rddreg [dreg:$0x3]  }
0x1b: {  	[tilespmem:s15], [sflag:$0x5] =	stream.linear.gather [hbm4b:s19+s3], $0x180, $0x38;
	[tilespmem:$0xA190] =	vst v63  }
0x1c: {  	_ =	swait.ge [sflag:s13], $0x180  }
0x1d: {  	[sflag:s13] =	ssyncset.done $0x0  }
0x1e: {  	[sflag:s13] =	ssyncadd.s32 $0xFFFFFE80  }
0x1f: {  	s28 =	rddreg [dreg:$0x4]  }
0x20: {  	[tilespmem:s16], [sflag:$0x5] =	stream.linear.gather [hbm4b:s28+s3], $0x10, $0x38;
	[tilespmem:$0xA190] =	vst v63  }
0x21: {  	_ =	swait.ge [sflag:s13], $0x10  }
0x22: {  	[sflag:s13] =	ssyncset.done $0x0  }
0x23: {  	[sflag:s13] =	ssyncadd.s32 $0xFFFFFFF0  }
0x24: {  	v2 =	vld [tilespmem:$0x1800]  }
0x25: {  	v3 =	vld [tilespmem:$0x1A00];
	_ =	sdelay $0x3  }
0x26: {  	[tilespmem:$0x0] =	vst v2  }
0x27: {  	[tilespmem:$0xC00] =	vst v3;
	v4 =	vadd.s32 $0x186A0, v2  }
0x28: {  	v60 =	vadd.s32 $0x186A0, v3;
	[tilespmem:$0x80] =	vst v4  }
0x29: {  	v61 =	vadd.s32 $0x30D40, v2;
	[tilespmem:$0xC80] =	vst v60  }
0x2a: {  	v62 =	vadd.s32 $0x30D40, v3;
	[tilespmem:$0x100] =	vst v61  }
0x2b: {  	v63 =	vadd.s32 $0x493E0, v2;
	[tilespmem:$0xD00] =	vst v62  }
0x2c: {  	v8 =	vadd.s32 $0x493E0, v3;
	[tilespmem:$0x180] =	vst v63  }
0x2d: {  	v9 =	vadd.s32 $0x61A80, v2;
	[tilespmem:$0xD80] =	vst v8  }
0x2e: {  	v10 =	vadd.s32 $0x61A80, v3;
	[tilespmem:$0x200] =	vst v9  }
0x2f: {  	v2 =	vadd.s32 $0x7A120, v2;
	[tilespmem:$0xE00] =	vst v10  }
0x30: {  	[tilespmem:$0x280] =	vst v2;
	v2 =	vadd.s32 $0x7A120, v3  }
0x31: {  	[tilespmem:$0xE80] =	vst v2  }
0x32: {  	[tilespmem:$0x9D90] =	vst v0  }
0x33: {  	[tilespmem:$0xA120] =	vst v0  }
0x34: {  	[tilespmem:$0xA170] =	vst v0  }
0x35: {  	[tilespmem:$0x9F70] =	vst v0  }
0x36: {  	[tilespmem:$0xA160] =	vst v0  }
0x37: {  	[tilespmem:$0x9F60] =	vst v0  }
0x38: {  	[tilespmem:$0xA150] =	vst v0  }
0x39: {  	[tilespmem:$0x9F50] =	vst v0  }
0x3a: {  	[tilespmem:$0xA140] =	vst v0  }
0x3b: {  	[tilespmem:$0x9F40] =	vst v0  }
0x3c: {  	[tilespmem:$0xA130] =	vst v0  }
0x3d: {  	[tilespmem:$0x9F30] =	vst v0  }
0x3e: {  	[tilespmem:$0x9F20] =	vst v0  }
0x3f: {  	[tilespmem:$0xA110] =	vst v0  }
0x40: {  	[tilespmem:$0x9F10] =	vst v0  }
0x41: {  	[tilespmem:$0xA100] =	vst v0  }
0x42: {  	[tilespmem:$0x9F00] =	vst v0  }
0x43: {  	[tilespmem:$0x9F90] =	vst v0  }
0x44: {  	[tilespmem:$0x9DA0] =	vst v0  }
0x45: {  	[tilespmem:$0x9FA0] =	vst v0  }
0x46: {  	[tilespmem:$0x9DB0] =	vst v0  }
0x47: {  	[tilespmem:$0x9FB0] =	vst v0  }
0x48: {  	[tilespmem:$0x9DC0] =	vst v0  }
0x49: {  	[tilespmem:$0x9FC0] =	vst v0  }
0x4a: {  	[tilespmem:$0x9DD0] =	vst v0  }
0x4b: {  	[tilespmem:$0x9FD0] =	vst v0  }
0x4c: {  	[tilespmem:$0x9DE0] =	vst v0  }
0x4d: {  	[tilespmem:$0xA0F0] =	vst v0  }
0x4e: {  	[tilespmem:$0x9EF0] =	vst v0  }
0x4f: {  	[tilespmem:$0x9FE0] =	vst v0  }
0x50: {  	[tilespmem:$0x9DF0] =	vst v0  }
0x51: {  	[tilespmem:$0x9FF0] =	vst v0  }
0x52: {  	[tilespmem:$0x9E00] =	vst v0  }
0x53: {  	[tilespmem:$0xA000] =	vst v0  }
0x54: {  	[tilespmem:$0x9E10] =	vst v0  }
0x55: {  	[tilespmem:$0xA010] =	vst v0  }
0x56: {  	[tilespmem:$0x9E20] =	vst v0  }
0x57: {  	[tilespmem:$0xA020] =	vst v0  }
0x58: {  	[tilespmem:$0x9E30] =	vst v0  }
0x59: {  	[tilespmem:$0xA030] =	vst v0  }
0x5a: {  	[tilespmem:$0x9E40] =	vst v0  }
0x5b: {  	[tilespmem:$0xA0E0] =	vst v0  }
0x5c: {  	[tilespmem:$0x9EE0] =	vst v0  }
0x5d: {  	[tilespmem:$0xA040] =	vst v0  }
0x5e: {  	[tilespmem:$0x9E50] =	vst v0  }
0x5f: {  	[tilespmem:$0xA050] =	vst v0  }
0x60: {  	[tilespmem:$0x9E60] =	vst v0  }
0x61: {  	[tilespmem:$0xA060] =	vst v0  }
0x62: {  	[tilespmem:$0x9E70] =	vst v0  }
0x63: {  	[tilespmem:$0xA070] =	vst v0  }
0x64: {  	[tilespmem:$0x9E80] =	vst v0  }
0x65: {  	[tilespmem:$0xA0D0] =	vst v0  }
0x66: {  	[tilespmem:$0x9ED0] =	vst v0  }
0x67: {  	[tilespmem:$0xA080] =	vst v0  }
0x68: {  	[tilespmem:$0x9E90] =	vst v0  }
0x69: {  	[tilespmem:$0xA090] =	vst v0  }
0x6a: {  	[tilespmem:$0x9EA0] =	vst v0  }
0x6b: {  	[tilespmem:$0xA0A0] =	vst v0  }
0x6c: {  	[tilespmem:$0xA0C0] =	vst v0  }
0x6d: {  	[tilespmem:$0x9EC0] =	vst v0;
	v2 =	vld [tilespmem:$0x1810]  }
0x6e: {  	[tilespmem:$0x9F80] =	vst v0;
	v3 =	vld [tilespmem:$0x1A10]  }
0x6f: {  	[tilespmem:$0x9EB0] =	vst v0;
	v5 =	vld [tilespmem:$0x1820]  }
0x70: {  	[tilespmem:$0xA0B0] =	vst v0;
	v6 =	vld [tilespmem:$0x1A20]  }
0x71: {  	[tilespmem:$0xA180] =	vst v0;
	v19 =	vld [tilespmem:$0x1A30]  }
0x72: {  	v20 =	vld [tilespmem:$0x1840];
	[tilespmem:$0x10] =	vst v2  }
0x73: {  	v21 =	vld [tilespmem:$0x1A40];
	[tilespmem:$0xC10] =	vst v3  }
0x74: {  	v22 =	vld [tilespmem:$0x1A50];
	[tilespmem:$0x20] =	vst v5  }
0x75: {  	v23 =	vld [tilespmem:$0x1860];
	[tilespmem:$0xC20] =	vst v6  }
0x76: {  	v24 =	vld [tilespmem:$0x1A60];
	[tilespmem:$0xC30] =	vst v19  }
0x77: {  	v25 =	vld [tilespmem:$0x1A70];
	[tilespmem:$0x40] =	vst v20  }
0x78: {  	v26 =	vld [tilespmem:$0x1880];
	[tilespmem:$0xC40] =	vst v21  }
0x79: {  	v27 =	vld [tilespmem:$0x1A80];
	[tilespmem:$0xC50] =	vst v22  }
0x7a: {  	v28 =	vld [tilespmem:$0x1A90];
	[tilespmem:$0x60] =	vst v23  }
0x7b: {  	v29 =	vld [tilespmem:$0x18A0];
	[tilespmem:$0xC60] =	vst v24  }
0x7c: {  	v30 =	vld [tilespmem:$0x1AA0];
	[tilespmem:$0xC70] =	vst v25  }
0x7d: {  	v31 =	vld [tilespmem:$0x1AB0];
	[tilespmem:$0x300] =	vst v26  }
0x7e: {  	v32 =	vld [tilespmem:$0x18C0];
	[tilespmem:$0xF00] =	vst v27  }
0x7f: {  	v33 =	vld [tilespmem:$0x1AC0];
	[tilespmem:$0xF10] =	vst v28  }
0x80: {  	v34 =	vld [tilespmem:$0x1AD0];
	[tilespmem:$0x320] =	vst v29  }
0x81: {  	v35 =	vld [tilespmem:$0x18E0];
	[tilespmem:$0xF20] =	vst v30  }
0x82: {  	v36 =	vld [tilespmem:$0x1AE0];
	[tilespmem:$0xF30] =	vst v31  }
0x83: {  	v37 =	vld [tilespmem:$0x1AF0];
	[tilespmem:$0x340] =	vst v32  }
0x84: {  	v38 =	vld [tilespmem:$0x1900];
	[tilespmem:$0xF40] =	vst v33  }
0x85: {  	v39 =	vld [tilespmem:$0x1B00];
	[tilespmem:$0xF50] =	vst v34  }
0x86: {  	v40 =	vld [tilespmem:$0x1B10];
	[tilespmem:$0x360] =	vst v35  }
0x87: {  	v41 =	vld [tilespmem:$0x1920];
	[tilespmem:$0xF60] =	vst v36  }
0x88: {  	v42 =	vld [tilespmem:$0x1B20];
	[tilespmem:$0xF70] =	vst v37  }
0x89: {  	v49 =	vld [tilespmem:$0x1B50];
	[tilespmem:$0x600] =	vst v38  }
0x8a: {  	v7 =	vld [tilespmem:$0x1960];
	[tilespmem:$0x1200] =	vst v39  }
0x8b: {  	v8 =	vld [tilespmem:$0x1B60];
	[tilespmem:$0x1210] =	vst v40  }
0x8c: {  	v4 =	vld [tilespmem:$0x1950];
	[tilespmem:$0x620] =	vst v41  }
0x8d: {  	[tilespmem:$0x1220] =	vst v42  }
0x8e: {  	[tilespmem:$0x1250] =	vst v49  }
0x8f: {  	[tilespmem:$0x660] =	vst v7  }
0x90: {  	[tilespmem:$0x1260] =	vst v8  }
0x91: {  	v11 =	vadd.s32 $0x186A0, v2;
	[tilespmem:$0x650] =	vst v4  }
0x92: {  	v12 =	vadd.s32 $0x186A0, v3;
	[tilespmem:$0x90] =	vst v11  }
0x93: {  	v13 =	vadd.s32 $0x30D40, v2;
	[tilespmem:$0xC90] =	vst v12  }
0x94: {  	v14 =	vadd.s32 $0x30D40, v3;
	[tilespmem:$0x110] =	vst v13  }
0x95: {  	v15 =	vadd.s32 $0x493E0, v2;
	[tilespmem:$0xD10] =	vst v14  }
0x96: {  	v16 =	vadd.s32 $0x493E0, v3;
	[tilespmem:$0x190] =	vst v15  }
0x97: {  	v17 =	vadd.s32 $0x61A80, v2;
	[tilespmem:$0xD90] =	vst v16  }
0x98: {  	v18 =	vadd.s32 $0x61A80, v3;
	[tilespmem:$0x210] =	vst v17  }
0x99: {  	v2 =	vadd.s32 $0x7A120, v2;
	[tilespmem:$0xE10] =	vst v18  }
0x9a: {  	v43 =	vadd.s32 $0x7A120, v42;
	[tilespmem:$0x290] =	vst v2  }
0x9b: {  	v53 =	vadd.s32 $0x186A0, v49;
	[tilespmem:$0x14A0] =	vst v43  }
0x9c: {  	v54 =	vadd.s32 $0x30D40, v4;
	[tilespmem:$0x12D0] =	vst v53  }
0x9d: {  	v55 =	vadd.s32 $0x30D40, v49;
	[tilespmem:$0x750] =	vst v54  }
0x9e: {  	v56 =	vadd.s32 $0x493E0, v4;
	[tilespmem:$0x1350] =	vst v55  }
0x9f: {  	v57 =	vadd.s32 $0x493E0, v49;
	[tilespmem:$0x7D0] =	vst v56  }
0xa0: {  	v58 =	vadd.s32 $0x61A80, v4;
	[tilespmem:$0x13D0] =	vst v57  }
0xa1: {  	v59 =	vadd.s32 $0x61A80, v49;
	[tilespmem:$0x850] =	vst v58  }
0xa2: {  	v60 =	vadd.s32 $0x7A120, v4;
	[tilespmem:$0x1450] =	vst v59  }
0xa3: {  	v61 =	vadd.s32 $0x186A0, v7;
	[tilespmem:$0x8D0] =	vst v60  }
0xa4: {  	v62 =	vadd.s32 $0x186A0, v8;
	[tilespmem:$0x6E0] =	vst v61  }
0xa5: {  	v63 =	vadd.s32 $0x30D40, v7;
	[tilespmem:$0x12E0] =	vst v62  }
0xa6: {  	v9 =	vadd.s32 $0x30D40, v8;
	[tilespmem:$0x760] =	vst v63  }
0xa7: {  	v10 =	vadd.s32 $0x493E0, v7;
	[tilespmem:$0x1360] =	vst v9  }
0xa8: {  	v4 =	vadd.s32 $0x186A0, v4;
	[tilespmem:$0x7E0] =	vst v10  }
0xa9: {  	v2 =	vadd.s32 $0x7A120, v3;
	[tilespmem:$0x6D0] =	vst v4  }
0xaa: {  	v11 =	vadd.s32 $0x493E0, v8;
	[tilespmem:$0xE90] =	vst v2  }
0xab: {  	v9 =	vadd.s32 $0x61A80, v7;
	[tilespmem:$0x13E0] =	vst v11  }
0xac: {  	v12 =	vadd.s32 $0x61A80, v8;
	[tilespmem:$0x860] =	vst v9  }
0xad: {  	v7 =	vadd.s32 $0x7A120, v7;
	[tilespmem:$0x1460] =	vst v12  }
0xae: {  	v13 =	vadd.s32 $0x7A120, v8;
	[tilespmem:$0x8E0] =	vst v7  }
0xaf: {  	v3 =	vld [tilespmem:$0x1830];
	v2 =	vadd.s32 $0x186A0, v5;
	[tilespmem:$0x14E0] =	vst v13  }
0xb0: {  	v8 =	vld [tilespmem:$0x1BF0];
	[tilespmem:$0xA0] =	vst v2;
	v2 =	vadd.s32 $0x186A0, v6  }
0xb1: {  	v10 =	vld [tilespmem:$0x19D0];
	[tilespmem:$0xCA0] =	vst v2;
	v2 =	vadd.s32 $0x30D40, v5  }
0xb2: {  	v53 =	vld [tilespmem:$0x19C0];
	[tilespmem:$0x120] =	vst v2;
	v2 =	vadd.s32 $0x30D40, v6  }
0xb3: {  	[tilespmem:$0xD20] =	vst v2  }
0xb4: {  	[tilespmem:$0x30] =	vst v3  }
0xb5: {  	v9 =	vld [tilespmem:$0x19F0];
	[tilespmem:$0x1570] =	vst v8  }
0xb6: {  	[tilespmem:$0x950] =	vst v10  }
0xb7: {  	v2 =	vadd.s32 $0x493E0, v5;
	[tilespmem:$0x940] =	vst v53  }
0xb8: {  	v12 =	vadd.s32 $0x61A80, v8;
	[tilespmem:$0x1A0] =	vst v2  }
0xb9: {  	[tilespmem:$0x1770] =	vst v12  }
0xba: {  	v43 =	vadd.s32 $0x7A120, v10;
	[tilespmem:$0x970] =	vst v9  }
0xbb: {  	v56 =	vadd.s32 $0x7A120, v53;
	[tilespmem:$0xBD0] =	vst v43  }
0xbc: {  	v7 =	vld [tilespmem:$0x1980];
	v58 =	vadd.s32 $0x61A80, v53;
	[tilespmem:$0xBC0] =	vst v56  }
0xbd: {  	v60 =	vadd.s32 $0x493E0, v53;
	[tilespmem:$0xB40] =	vst v58  }
0xbe: {  	v62 =	vadd.s32 $0x30D40, v53;
	[tilespmem:$0xAC0] =	vst v60  }
0xbf: {  	v63 =	vadd.s32 $0x186A0, v53;
	[tilespmem:$0xA40] =	vst v62  }
0xc0: {  	[tilespmem:$0x9C0] =	vst v63  }
0xc1: {  	v2 =	vadd.s32 $0x493E0, v6;
	[tilespmem:$0x900] =	vst v7  }
0xc2: {  	v13 =	vadd.s32 $0x30D40, v9;
	[tilespmem:$0xDA0] =	vst v2  }
0xc3: {  	v53 =	vadd.s32 $0x7A120, v7;
	[tilespmem:$0xA70] =	vst v13  }
0xc4: {  	v2 =	vadd.s32 $0x61A80, v5;
	[tilespmem:$0xB80] =	vst v53  }
0xc5: {  	[tilespmem:$0x220] =	vst v2;
	v2 =	vadd.s32 $0x61A80, v6  }
0xc6: {  	[tilespmem:$0xE20] =	vst v2;
	v2 =	vadd.s32 $0x7A120, v5  }
0xc7: {  	v5 =	vadd.s32 $0x7A120, v49;
	[tilespmem:$0x2A0] =	vst v2  }
0xc8: {  	v49 =	vadd.s32 $0x30D40, v10;
	[tilespmem:$0x14D0] =	vst v5  }
0xc9: {  	v2 =	vadd.s32 $0x7A120, v6;
	[tilespmem:$0xA50] =	vst v49  }
0xca: {  	v5 =	vld [tilespmem:$0x1970];
	[tilespmem:$0xEA0] =	vst v2;
	v2 =	vadd.s32 $0x186A0, v3  }
0xcb: {  	v6 =	vld [tilespmem:$0x1B70];
	[tilespmem:$0xB0] =	vst v2;
	v2 =	vadd.s32 $0x186A0, v19  }
0xcc: {  	[tilespmem:$0xCB0] =	vst v2;
	v2 =	vadd.s32 $0x30D40, v3  }
0xcd: {  	[tilespmem:$0x130] =	vst v2;
	v2 =	vadd.s32 $0x30D40, v19  }
0xce: {  	[tilespmem:$0xD30] =	vst v2  }
0xcf: {  	[tilespmem:$0x670] =	vst v5  }
0xd0: {  	v2 =	vadd.s32 $0x493E0, v3;
	[tilespmem:$0x1270] =	vst v6  }
0xd1: {  	v14 =	vadd.s32 $0x186A0, v5;
	[tilespmem:$0x1B0] =	vst v2  }
0xd2: {  	v15 =	vadd.s32 $0x186A0, v6;
	[tilespmem:$0x6F0] =	vst v14  }
0xd3: {  	v16 =	vadd.s32 $0x30D40, v5;
	[tilespmem:$0x12F0] =	vst v15  }
0xd4: {  	v17 =	vadd.s32 $0x30D40, v6;
	[tilespmem:$0x770] =	vst v16  }
0xd5: {  	v18 =	vadd.s32 $0x493E0, v5;
	[tilespmem:$0x1370] =	vst v17  }
0xd6: {  	v11 =	vadd.s32 $0x61A80, v6;
	[tilespmem:$0x7F0] =	vst v18  }
0xd7: {  	v2 =	vadd.s32 $0x493E0, v19;
	[tilespmem:$0x1470] =	vst v11  }
0xd8: {  	[tilespmem:$0xDB0] =	vst v2;
	v2 =	vadd.s32 $0x61A80, v3  }
0xd9: {  	v16 =	vld [tilespmem:$0x1BB0];
	[tilespmem:$0x230] =	vst v2;
	v2 =	vadd.s32 $0x61A80, v19  }
0xda: {  	[tilespmem:$0xE30] =	vst v2;
	v2 =	vadd.s32 $0x7A120, v3  }
0xdb: {  	[tilespmem:$0x2B0] =	vst v2;
	v2 =	vadd.s32 $0x7A120, v19  }
0xdc: {  	v19 =	vadd.s32 $0x493E0, v6;
	[tilespmem:$0xEB0] =	vst v2  }
0xdd: {  	[tilespmem:$0x13F0] =	vst v19  }
0xde: {  	v6 =	vadd.s32 $0x7A120, v6;
	[tilespmem:$0x1530] =	vst v16  }
0xdf: {  	v2 =	vadd.s32 $0x186A0, v20;
	[tilespmem:$0x14F0] =	vst v6  }
0xe0: {  	v3 =	vld [tilespmem:$0x1850];
	v17 =	vadd.s32 $0x7A120, v16;
	[tilespmem:$0xC0] =	vst v2  }
0xe1: {  	v19 =	vadd.s32 $0x61A80, v16;
	[tilespmem:$0x17B0] =	vst v17  }
0xe2: {  	v2 =	vadd.s32 $0x186A0, v21;
	[tilespmem:$0x1730] =	vst v19  }
0xe3: {  	[tilespmem:$0xCC0] =	vst v2;
	v2 =	vadd.s32 $0x30D40, v20  }
0xe4: {  	[tilespmem:$0x140] =	vst v2  }
0xe5: {  	v2 =	vadd.s32 $0x30D40, v21;
	[tilespmem:$0x50] =	vst v3  }
0xe6: {  	[tilespmem:$0xD40] =	vst v2;
	v2 =	vadd.s32 $0x493E0, v20  }
0xe7: {  	[tilespmem:$0x1C0] =	vst v2;
	v2 =	vadd.s32 $0x493E0, v21  }
0xe8: {  	[tilespmem:$0xDC0] =	vst v2;
	v2 =	vadd.s32 $0x61A80, v20  }
0xe9: {  	[tilespmem:$0x240] =	vst v2;
	v2 =	vadd.s32 $0x61A80, v21  }
0xea: {  	[tilespmem:$0xE40] =	vst v2;
	v2 =	vadd.s32 $0x7A120, v20  }
0xeb: {  	v20 =	vadd.s32 $0x61A80, v5;
	[tilespmem:$0x2C0] =	vst v2  }
0xec: {  	v5 =	vadd.s32 $0x7A120, v5;
	[tilespmem:$0x870] =	vst v20  }
0xed: {  	v2 =	vadd.s32 $0x7A120, v21;
	[tilespmem:$0x8F0] =	vst v5  }
0xee: {  	v21 =	vadd.s32 $0x30D40, v7;
	[tilespmem:$0xEC0] =	vst v2  }
0xef: {  	v2 =	vadd.s32 $0x186A0, v3;
	[tilespmem:$0xA00] =	vst v21  }
0xf0: {  	v21 =	vadd.s32 $0x493E0, v16;
	[tilespmem:$0xD0] =	vst v2  }
0xf1: {  	v2 =	vadd.s32 $0x186A0, v22;
	[tilespmem:$0x16B0] =	vst v21  }
0xf2: {  	[tilespmem:$0xCD0] =	vst v2;
	v2 =	vadd.s32 $0x30D40, v3  }
0xf3: {  	[tilespmem:$0x150] =	vst v2;
	v2 =	vadd.s32 $0x30D40, v22  }
0xf4: {  	[tilespmem:$0xD50] =	vst v2;
	v2 =	vadd.s32 $0x493E0, v3  }
0xf5: {  	[tilespmem:$0x1D0] =	vst v2;
	v2 =	vadd.s32 $0x493E0, v22  }
0xf6: {  	[tilespmem:$0xDD0] =	vst v2;
	v2 =	vadd.s32 $0x61A80, v3  }
0xf7: {  	[tilespmem:$0x250] =	vst v2;
	v2 =	vadd.s32 $0x61A80, v22  }
0xf8: {  	[tilespmem:$0xE50] =	vst v2;
	v2 =	vadd.s32 $0x7A120, v3  }
0xf9: {  	[tilespmem:$0x2D0] =	vst v2;
	v2 =	vadd.s32 $0x7A120, v22  }
0xfa: {  	v3 =	vld [tilespmem:$0x1870];
	v22 =	vadd.s32 $0x186A0, v10;
	[tilespmem:$0xED0] =	vst v2  }
0xfb: {  	v2 =	vadd.s32 $0x186A0, v23;
	[tilespmem:$0x9D0] =	vst v22  }
0xfc: {  	[tilespmem:$0xE0] =	vst v2;
	v2 =	vadd.s32 $0x186A0, v24  }
0xfd: {  	[tilespmem:$0xCE0] =	vst v2;
	v2 =	vadd.s32 $0x30D40, v23  }
0xfe: {  	[tilespmem:$0x160] =	vst v2  }
0xff: {  	v2 =	vadd.s32 $0x30D40, v24;
	[tilespmem:$0x70] =	vst v3  }
0x100: {  	[tilespmem:$0xD60] =	vst v2;
	v2 =	vadd.s32 $0x493E0, v23  }
0x101: {  	[tilespmem:$0x1E0] =	vst v2;
	v2 =	vadd.s32 $0x493E0, v24  }
0x102: {  	[tilespmem:$0xDE0] =	vst v2;
	v2 =	vadd.s32 $0x61A80, v23  }
0x103: {  	[tilespmem:$0x260] =	vst v2;
	v2 =	vadd.s32 $0x61A80, v24  }
0x104: {  	[tilespmem:$0xE60] =	vst v2;
	v2 =	vadd.s32 $0x7A120, v23  }
0x105: {  	v23 =	vadd.s32 $0x61A80, v9;
	[tilespmem:$0x2E0] =	vst v2  }
0x106: {  	v2 =	vadd.s32 $0x7A120, v24;
	[tilespmem:$0xB70] =	vst v23  }
0x107: {  	v24 =	vadd.s32 $0x493E0, v8;
	[tilespmem:$0xEE0] =	vst v2  }
0x108: {  	v23 =	vadd.s32 $0x30D40, v16;
	[tilespmem:$0x16F0] =	vst v24  }
0x109: {  	v2 =	vadd.s32 $0x186A0, v3;
	[tilespmem:$0x1630] =	vst v23  }
0x10a: {  	v24 =	vld [tilespmem:$0x1BA0];
	[tilespmem:$0xF0] =	vst v2;
	v2 =	vadd.s32 $0x186A0, v25  }
0x10b: {  	[tilespmem:$0xCF0] =	vst v2;
	v2 =	vadd.s32 $0x30D40, v3  }
0x10c: {  	[tilespmem:$0x170] =	vst v2;
	v2 =	vadd.s32 $0x30D40, v25  }
0x10d: {  	[tilespmem:$0xD70] =	vst v2;
	v2 =	vadd.s32 $0x493E0, v3  }
0x10e: {  	[tilespmem:$0x1F0] =	vst v2  }
0x10f: {  	v2 =	vadd.s32 $0x493E0, v25;
	[tilespmem:$0x1520] =	vst v24  }
0x110: {  	[tilespmem:$0xDF0] =	vst v2;
	v2 =	vadd.s32 $0x61A80, v3  }
0x111: {  	[tilespmem:$0x270] =	vst v2;
	v2 =	vadd.s32 $0x61A80, v25  }
0x112: {  	[tilespmem:$0xE70] =	vst v2;
	v2 =	vadd.s32 $0x7A120, v3  }
0x113: {  	[tilespmem:$0x2F0] =	vst v2;
	v2 =	vadd.s32 $0x7A120, v25  }
0x114: {  	v3 =	vld [tilespmem:$0x1890];
	v25 =	vadd.s32 $0x493E0, v9;
	[tilespmem:$0xEF0] =	vst v2  }
0x115: {  	v2 =	vadd.s32 $0x186A0, v26;
	[tilespmem:$0xAF0] =	vst v25  }
0x116: {  	[tilespmem:$0x380] =	vst v2;
	v2 =	vadd.s32 $0x186A0, v27  }
0x117: {  	[tilespmem:$0xF80] =	vst v2;
	v2 =	vadd.s32 $0x30D40, v26  }
0x118: {  	[tilespmem:$0x400] =	vst v2  }
0x119: {  	v2 =	vadd.s32 $0x30D40, v27;
	[tilespmem:$0x310] =	vst v3  }
0x11a: {  	[tilespmem:$0x1000] =	vst v2;
	v2 =	vadd.s32 $0x493E0, v26  }
0x11b: {  	[tilespmem:$0x480] =	vst v2;
	v2 =	vadd.s32 $0x493E0, v27  }
0x11c: {  	[tilespmem:$0x1080] =	vst v2;
	v2 =	vadd.s32 $0x61A80, v26  }
0x11d: {  	[tilespmem:$0x500] =	vst v2;
	v2 =	vadd.s32 $0x61A80, v27  }
0x11e: {  	[tilespmem:$0x1100] =	vst v2;
	v2 =	vadd.s32 $0x7A120, v26  }
0x11f: {  	v26 =	vadd.s32 $0x30D40, v8;
	[tilespmem:$0x580] =	vst v2  }
0x120: {  	v2 =	vadd.s32 $0x7A120, v27;
	[tilespmem:$0x1670] =	vst v26  }
0x121: {  	v26 =	vadd.s32 $0x186A0, v16;
	[tilespmem:$0x1180] =	vst v2  }
0x122: {  	v27 =	vld [tilespmem:$0x19E0];
	v2 =	vadd.s32 $0x186A0, v3;
	[tilespmem:$0x15B0] =	vst v26  }
0x123: {  	[tilespmem:$0x390] =	vst v2;
	v2 =	vadd.s32 $0x186A0, v28  }
0x124: {  	[tilespmem:$0xF90] =	vst v2;
	v2 =	vadd.s32 $0x30D40, v3  }
0x125: {  	[tilespmem:$0x410] =	vst v2;
	v2 =	vadd.s32 $0x30D40, v28  }
0x126: {  	[tilespmem:$0x1010] =	vst v2  }
0x127: {  	v2 =	vadd.s32 $0x493E0, v3;
	[tilespmem:$0x960] =	vst v27  }
0x128: {  	[tilespmem:$0x490] =	vst v2;
	v2 =	vadd.s32 $0x493E0, v28  }
0x129: {  	[tilespmem:$0x1090] =	vst v2;
	v2 =	vadd.s32 $0x61A80, v3  }
0x12a: {  	[tilespmem:$0x510] =	vst v2;
	v2 =	vadd.s32 $0x61A80, v28  }
0x12b: {  	[tilespmem:$0x1110] =	vst v2;
	v2 =	vadd.s32 $0x7A120, v3  }
0x12c: {  	[tilespmem:$0x590] =	vst v2;
	v2 =	vadd.s32 $0x7A120, v28  }
0x12d: {  	v28 =	vadd.s32 $0x186A0, v8;
	[tilespmem:$0x1190] =	vst v2  }
0x12e: {  	v8 =	vadd.s32 $0x7A120, v8;
	[tilespmem:$0x15F0] =	vst v28  }
0x12f: {  	v3 =	vld [tilespmem:$0x18B0];
	v2 =	vadd.s32 $0x186A0, v29;
	[tilespmem:$0x17F0] =	vst v8  }
0x130: {  	v28 =	vadd.s32 $0x186A0, v24;
	[tilespmem:$0x3A0] =	vst v2  }
0x131: {  	v2 =	vadd.s32 $0x186A0, v30;
	[tilespmem:$0x15A0] =	vst v28  }
0x132: {  	[tilespmem:$0xFA0] =	vst v2;
	v2 =	vadd.s32 $0x30D40, v29  }
0x133: {  	[tilespmem:$0x420] =	vst v2  }
0x134: {  	v2 =	vadd.s32 $0x30D40, v30;
	[tilespmem:$0x330] =	vst v3  }
0x135: {  	[tilespmem:$0x1020] =	vst v2;
	v2 =	vadd.s32 $0x493E0, v29  }
0x136: {  	[tilespmem:$0x4A0] =	vst v2;
	v2 =	vadd.s32 $0x493E0, v30  }
0x137: {  	[tilespmem:$0x10A0] =	vst v2;
	v2 =	vadd.s32 $0x61A80, v29  }
0x138: {  	[tilespmem:$0x520] =	vst v2;
	v2 =	vadd.s32 $0x61A80, v30  }
0x139: {  	[tilespmem:$0x1120] =	vst v2;
	v2 =	vadd.s32 $0x7A120, v29  }
0x13a: {  	v29 =	vadd.s32 $0x186A0, v9;
	[tilespmem:$0x5A0] =	vst v2  }
0x13b: {  	v9 =	vadd.s32 $0x7A120, v9;
	[tilespmem:$0x9F0] =	vst v29  }
0x13c: {  	v2 =	vadd.s32 $0x7A120, v30;
	[tilespmem:$0xBF0] =	vst v9  }
0x13d: {  	v29 =	vadd.s32 $0x7A120, v24;
	[tilespmem:$0x11A0] =	vst v2  }
0x13e: {  	v30 =	vld [tilespmem:$0x1BE0];
	v2 =	vadd.s32 $0x186A0, v3;
	[tilespmem:$0x17A0] =	vst v29  }
0x13f: {  	[tilespmem:$0x3B0] =	vst v2;
	v2 =	vadd.s32 $0x186A0, v31  }
0x140: {  	[tilespmem:$0xFB0] =	vst v2;
	v2 =	vadd.s32 $0x30D40, v3  }
0x141: {  	[tilespmem:$0x430] =	vst v2;
	v2 =	vadd.s32 $0x30D40, v31  }
0x142: {  	[tilespmem:$0x1030] =	vst v2  }
0x143: {  	v2 =	vadd.s32 $0x493E0, v3;
	[tilespmem:$0x1560] =	vst v30  }
0x144: {  	v14 =	vadd.s32 $0x61A80, v30;
	[tilespmem:$0x4B0] =	vst v2  }
0x145: {  	v2 =	vadd.s32 $0x493E0, v31;
	[tilespmem:$0x1760] =	vst v14  }
0x146: {  	[tilespmem:$0x10B0] =	vst v2;
	v2 =	vadd.s32 $0x61A80, v3  }
0x147: {  	[tilespmem:$0x530] =	vst v2;
	v2 =	vadd.s32 $0x61A80, v31  }
0x148: {  	[tilespmem:$0x1130] =	vst v2;
	v2 =	vadd.s32 $0x7A120, v3  }
0x149: {  	[tilespmem:$0x5B0] =	vst v2;
	v2 =	vadd.s32 $0x7A120, v31  }
0x14a: {  	v31 =	vadd.s32 $0x186A0, v27;
	[tilespmem:$0x11B0] =	vst v2  }
0x14b: {  	v3 =	vld [tilespmem:$0x18D0];
	v2 =	vadd.s32 $0x186A0, v32;
	[tilespmem:$0x9E0] =	vst v31  }
0x14c: {  	v31 =	vadd.s32 $0x61A80, v24;
	[tilespmem:$0x3C0] =	vst v2  }
0x14d: {  	v2 =	vadd.s32 $0x186A0, v33;
	[tilespmem:$0x1720] =	vst v31  }
0x14e: {  	[tilespmem:$0xFC0] =	vst v2;
	v2 =	vadd.s32 $0x30D40, v32  }
0x14f: {  	[tilespmem:$0x440] =	vst v2  }
0x150: {  	v2 =	vadd.s32 $0x30D40, v33;
	[tilespmem:$0x350] =	vst v3  }
0x151: {  	[tilespmem:$0x1040] =	vst v2;
	v2 =	vadd.s32 $0x493E0, v32  }
0x152: {  	[tilespmem:$0x4C0] =	vst v2;
	v2 =	vadd.s32 $0x493E0, v33  }
0x153: {  	[tilespmem:$0x10C0] =	vst v2;
	v2 =	vadd.s32 $0x61A80, v32  }
0x154: {  	[tilespmem:$0x540] =	vst v2;
	v2 =	vadd.s32 $0x61A80, v33  }
0x155: {  	[tilespmem:$0x1140] =	vst v2;
	v2 =	vadd.s32 $0x7A120, v32  }
0x156: {  	v32 =	vadd.s32 $0x7A120, v30;
	[tilespmem:$0x5C0] =	vst v2  }
0x157: {  	v2 =	vadd.s32 $0x7A120, v33;
	[tilespmem:$0x17E0] =	vst v32  }
0x158: {  	v33 =	vadd.s32 $0x7A120, v27;
	[tilespmem:$0x11C0] =	vst v2  }
0x159: {  	v2 =	vadd.s32 $0x186A0, v3;
	[tilespmem:$0xBE0] =	vst v33  }
0x15a: {  	v33 =	vadd.s32 $0x493E0, v24;
	[tilespmem:$0x3D0] =	vst v2  }
0x15b: {  	v2 =	vadd.s32 $0x186A0, v34;
	[tilespmem:$0x16A0] =	vst v33  }
0x15c: {  	[tilespmem:$0xFD0] =	vst v2;
	v2 =	vadd.s32 $0x30D40, v3  }
0x15d: {  	[tilespmem:$0x450] =	vst v2;
	v2 =	vadd.s32 $0x30D40, v34  }
0x15e: {  	[tilespmem:$0x1050] =	vst v2;
	v2 =	vadd.s32 $0x493E0, v3  }
0x15f: {  	[tilespmem:$0x4D0] =	vst v2;
	v2 =	vadd.s32 $0x493E0, v34  }
0x160: {  	[tilespmem:$0x10D0] =	vst v2;
	v2 =	vadd.s32 $0x61A80, v3  }
0x161: {  	[tilespmem:$0x550] =	vst v2;
	v2 =	vadd.s32 $0x61A80, v34  }
0x162: {  	[tilespmem:$0x1150] =	vst v2;
	v2 =	vadd.s32 $0x7A120, v3  }
0x163: {  	[tilespmem:$0x5D0] =	vst v2;
	v2 =	vadd.s32 $0x7A120, v34  }
0x164: {  	v3 =	vld [tilespmem:$0x18F0];
	v34 =	vadd.s32 $0x61A80, v27;
	[tilespmem:$0x11D0] =	vst v2  }
0x165: {  	v2 =	vadd.s32 $0x186A0, v35;
	[tilespmem:$0xB60] =	vst v34  }
0x166: {  	[tilespmem:$0x3E0] =	vst v2;
	v2 =	vadd.s32 $0x186A0, v36  }
0x167: {  	[tilespmem:$0xFE0] =	vst v2;
	v2 =	vadd.s32 $0x30D40, v35  }
0x168: {  	[tilespmem:$0x460] =	vst v2  }
0x169: {  	v2 =	vadd.s32 $0x30D40, v36;
	[tilespmem:$0x370] =	vst v3  }
0x16a: {  	[tilespmem:$0x1060] =	vst v2;
	v2 =	vadd.s32 $0x493E0, v35  }
0x16b: {  	[tilespmem:$0x4E0] =	vst v2;
	v2 =	vadd.s32 $0x493E0, v36  }
0x16c: {  	[tilespmem:$0x10E0] =	vst v2;
	v2 =	vadd.s32 $0x61A80, v35  }
0x16d: {  	[tilespmem:$0x560] =	vst v2;
	v2 =	vadd.s32 $0x61A80, v36  }
0x16e: {  	[tilespmem:$0x1160] =	vst v2;
	v2 =	vadd.s32 $0x7A120, v35  }
0x16f: {  	v35 =	vadd.s32 $0x493E0, v30;
	[tilespmem:$0x5E0] =	vst v2  }
0x170: {  	v2 =	vadd.s32 $0x7A120, v36;
	[tilespmem:$0x16E0] =	vst v35  }
0x171: {  	v36 =	vadd.s32 $0x493E0, v27;
	[tilespmem:$0x11E0] =	vst v2  }
0x172: {  	v35 =	vadd.s32 $0x30D40, v24;
	[tilespmem:$0xAE0] =	vst v36  }
0x173: {  	v2 =	vadd.s32 $0x186A0, v3;
	[tilespmem:$0x1620] =	vst v35  }
0x174: {  	[tilespmem:$0x3F0] =	vst v2;
	v2 =	vadd.s32 $0x186A0, v37  }
0x175: {  	[tilespmem:$0xFF0] =	vst v2;
	v2 =	vadd.s32 $0x30D40, v3  }
0x176: {  	[tilespmem:$0x470] =	vst v2;
	v2 =	vadd.s32 $0x30D40, v37  }
0x177: {  	[tilespmem:$0x1070] =	vst v2;
	v2 =	vadd.s32 $0x493E0, v3  }
0x178: {  	[tilespmem:$0x4F0] =	vst v2;
	v2 =	vadd.s32 $0x493E0, v37  }
0x179: {  	[tilespmem:$0x10F0] =	vst v2;
	v2 =	vadd.s32 $0x61A80, v3  }
0x17a: {  	[tilespmem:$0x570] =	vst v2;
	v2 =	vadd.s32 $0x61A80, v37  }
0x17b: {  	[tilespmem:$0x1170] =	vst v2;
	v2 =	vadd.s32 $0x7A120, v3  }
0x17c: {  	[tilespmem:$0x5F0] =	vst v2;
	v2 =	vadd.s32 $0x7A120, v37  }
0x17d: {  	v3 =	vld [tilespmem:$0x1910];
	v37 =	vadd.s32 $0x30D40, v30;
	[tilespmem:$0x11F0] =	vst v2  }
0x17e: {  	v2 =	vadd.s32 $0x186A0, v38;
	[tilespmem:$0x1660] =	vst v37  }
0x17f: {  	[tilespmem:$0x680] =	vst v2;
	v2 =	vadd.s32 $0x186A0, v39  }
0x180: {  	[tilespmem:$0x1280] =	vst v2;
	v2 =	vadd.s32 $0x30D40, v38  }
0x181: {  	[tilespmem:$0x700] =	vst v2  }
0x182: {  	v2 =	vadd.s32 $0x30D40, v39;
	[tilespmem:$0x610] =	vst v3  }
0x183: {  	[tilespmem:$0x1300] =	vst v2;
	v2 =	vadd.s32 $0x493E0, v38  }
0x184: {  	[tilespmem:$0x780] =	vst v2;
	v2 =	vadd.s32 $0x493E0, v39  }
0x185: {  	[tilespmem:$0x1380] =	vst v2;
	v2 =	vadd.s32 $0x61A80, v38  }
0x186: {  	[tilespmem:$0x800] =	vst v2;
	v2 =	vadd.s32 $0x61A80, v39  }
0x187: {  	[tilespmem:$0x1400] =	vst v2;
	v2 =	vadd.s32 $0x7A120, v38  }
0x188: {  	v38 =	vadd.s32 $0x30D40, v27;
	[tilespmem:$0x880] =	vst v2  }
0x189: {  	v2 =	vadd.s32 $0x7A120, v39;
	[tilespmem:$0xA60] =	vst v38  }
0x18a: {  	v27 =	vld [tilespmem:$0x19A0];
	v39 =	vadd.s32 $0x186A0, v30;
	[tilespmem:$0x1480] =	vst v2  }
0x18b: {  	v2 =	vadd.s32 $0x186A0, v3;
	[tilespmem:$0x15E0] =	vst v39  }
0x18c: {  	[tilespmem:$0x690] =	vst v2;
	v2 =	vadd.s32 $0x186A0, v40  }
0x18d: {  	[tilespmem:$0x1290] =	vst v2;
	v2 =	vadd.s32 $0x30D40, v3  }
0x18e: {  	[tilespmem:$0x710] =	vst v2  }
0x18f: {  	v2 =	vadd.s32 $0x30D40, v40;
	[tilespmem:$0x920] =	vst v27  }
0x190: {  	v30 =	vadd.s32 $0x7A120, v27;
	[tilespmem:$0x1310] =	vst v2  }
0x191: {  	v38 =	vld [tilespmem:$0x1B80];
	v32 =	vadd.s32 $0x61A80, v27;
	[tilespmem:$0xBA0] =	vst v30  }
0x192: {  	v34 =	vadd.s32 $0x493E0, v27;
	[tilespmem:$0xB20] =	vst v32  }
0x193: {  	v39 =	vld [tilespmem:$0x1B90];
	v36 =	vadd.s32 $0x30D40, v27;
	[tilespmem:$0xAA0] =	vst v34  }
0x194: {  	v37 =	vadd.s32 $0x186A0, v27;
	[tilespmem:$0xA20] =	vst v36  }
0x195: {  	[tilespmem:$0x9A0] =	vst v37  }
0x196: {  	v2 =	vadd.s32 $0x493E0, v3;
	[tilespmem:$0x1500] =	vst v38  }
0x197: {  	[tilespmem:$0x790] =	vst v2  }
0x198: {  	v56 =	vadd.s32 $0x493E0, v38;
	[tilespmem:$0x1510] =	vst v39  }
0x199: {  	v58 =	vadd.s32 $0x186A0, v38;
	[tilespmem:$0x1680] =	vst v56  }
0x19a: {  	v2 =	vadd.s32 $0x493E0, v40;
	[tilespmem:$0x1580] =	vst v58  }
0x19b: {  	[tilespmem:$0x1390] =	vst v2;
	v2 =	vadd.s32 $0x61A80, v3  }
0x19c: {  	[tilespmem:$0x810] =	vst v2;
	v2 =	vadd.s32 $0x61A80, v40  }
0x19d: {  	[tilespmem:$0x1410] =	vst v2;
	v2 =	vadd.s32 $0x7A120, v3  }
0x19e: {  	v3 =	vadd.s32 $0x493E0, v42;
	[tilespmem:$0x890] =	vst v2  }
0x19f: {  	v2 =	vadd.s32 $0x7A120, v40;
	[tilespmem:$0x13A0] =	vst v3  }
0x1a0: {  	v3 =	vadd.s32 $0x61A80, v41;
	[tilespmem:$0x1490] =	vst v2  }
0x1a1: {  	v2 =	vadd.s32 $0x186A0, v41;
	[tilespmem:$0x820] =	vst v3  }
0x1a2: {  	v3 =	vadd.s32 $0x61A80, v42;
	[tilespmem:$0x6A0] =	vst v2  }
0x1a3: {  	v40 =	vld [tilespmem:$0x1BD0];
	v2 =	vadd.s32 $0x186A0, v42;
	[tilespmem:$0x1420] =	vst v3  }
0x1a4: {  	v3 =	vadd.s32 $0x7A120, v41;
	[tilespmem:$0x12A0] =	vst v2  }
0x1a5: {  	v2 =	vadd.s32 $0x30D40, v41;
	[tilespmem:$0x8A0] =	vst v3  }
0x1a6: {  	[tilespmem:$0x720] =	vst v2;
	v2 =	vadd.s32 $0x30D40, v42  }
0x1a7: {  	[tilespmem:$0x1320] =	vst v2  }
0x1a8: {  	v2 =	vadd.s32 $0x493E0, v41;
	[tilespmem:$0x1550] =	vst v40  }
0x1a9: {  	v3 =	vld [tilespmem:$0x1B40];
	v41 =	vadd.s32 $0x493E0, v10;
	[tilespmem:$0x7A0] =	vst v2  }
0x1aa: {  	v42 =	vadd.s32 $0x7A120, v40;
	[tilespmem:$0xAD0] =	vst v41  }
0x1ab: {  	[tilespmem:$0x17D0] =	vst v42;
	v41 =	vadd.s32 $0x30D40, v38  }
0x1ac: {  	v42 =	vadd.s32 $0x7A120, v39;
	[tilespmem:$0x1600] =	vst v41  }
0x1ad: {  	[tilespmem:$0x1790] =	vst v42  }
0x1ae: {  	v48 =	vadd.s32 $0x186A0, v3;
	[tilespmem:$0x1240] =	vst v3  }
0x1af: {  	v50 =	vadd.s32 $0x30D40, v3;
	[tilespmem:$0x12C0] =	vst v48  }
0x1b0: {  	v51 =	vadd.s32 $0x493E0, v3;
	[tilespmem:$0x1340] =	vst v50  }
0x1b1: {  	v2 =	vld [tilespmem:$0x1B30];
	v52 =	vadd.s32 $0x61A80, v3;
	[tilespmem:$0x13C0] =	vst v51  }
0x1b2: {  	v3 =	vadd.s32 $0x7A120, v3;
	[tilespmem:$0x1440] =	vst v52  }
0x1b3: {  	v50 =	vadd.s32 $0x186A0, v40;
	[tilespmem:$0x14C0] =	vst v3  }
0x1b4: {  	[tilespmem:$0x15D0] =	vst v50;
	v50 =	vadd.s32 $0x186A0, v39  }
0x1b5: {  	[tilespmem:$0x1590] =	vst v50  }
0x1b6: {  	v44 =	vadd.s32 $0x30D40, v2;
	[tilespmem:$0x1230] =	vst v2  }
0x1b7: {  	v45 =	vadd.s32 $0x493E0, v2;
	[tilespmem:$0x1330] =	vst v44  }
0x1b8: {  	v46 =	vadd.s32 $0x61A80, v2;
	[tilespmem:$0x13B0] =	vst v45  }
0x1b9: {  	v47 =	vadd.s32 $0x7A120, v2;
	[tilespmem:$0x1430] =	vst v46  }
0x1ba: {  	v2 =	vadd.s32 $0x186A0, v2;
	[tilespmem:$0x14B0] =	vst v47  }
0x1bb: {  	v51 =	vld [tilespmem:$0x1BC0];
	v44 =	vadd.s32 $0x61A80, v40;
	[tilespmem:$0x12B0] =	vst v2  }
0x1bc: {  	v48 =	vld [tilespmem:$0x19B0];
	v45 =	vadd.s32 $0x61A80, v10;
	[tilespmem:$0x1750] =	vst v44  }
0x1bd: {  	v46 =	vadd.s32 $0x493E0, v40;
	[tilespmem:$0xB50] =	vst v45  }
0x1be: {  	v47 =	vadd.s32 $0x30D40, v40;
	[tilespmem:$0x16D0] =	vst v46  }
0x1bf: {  	[tilespmem:$0x1650] =	vst v47  }
0x1c0: {  	[tilespmem:$0x1540] =	vst v51  }
0x1c1: {  	v44 =	vadd.s32 $0x61A80, v39;
	[tilespmem:$0x930] =	vst v48  }
0x1c2: {  	v46 =	vadd.s32 $0x493E0, v39;
	[tilespmem:$0x1710] =	vst v44  }
0x1c3: {  	v52 =	vadd.s32 $0x186A0, v48;
	[tilespmem:$0x1690] =	vst v46  }
0x1c4: {  	v54 =	vadd.s32 $0x186A0, v51;
	[tilespmem:$0x9B0] =	vst v52  }
0x1c5: {  	v55 =	vadd.s32 $0x7A120, v51;
	[tilespmem:$0x15C0] =	vst v54  }
0x1c6: {  	v57 =	vadd.s32 $0x61A80, v51;
	[tilespmem:$0x17C0] =	vst v55  }
0x1c7: {  	v59 =	vadd.s32 $0x493E0, v51;
	[tilespmem:$0x1740] =	vst v57  }
0x1c8: {  	v61 =	vadd.s32 $0x30D40, v51;
	[tilespmem:$0x16C0] =	vst v59  }
0x1c9: {  	v18 =	vadd.s32 $0x7A120, v48;
	[tilespmem:$0x1640] =	vst v61  }
0x1ca: {  	v20 =	vadd.s32 $0x61A80, v48;
	[tilespmem:$0xBB0] =	vst v18  }
0x1cb: {  	v22 =	vadd.s32 $0x493E0, v48;
	[tilespmem:$0xB30] =	vst v20  }
0x1cc: {  	v25 =	vadd.s32 $0x30D40, v48;
	[tilespmem:$0xAB0] =	vst v22  }
0x1cd: {  	v48 =	vadd.s32 $0x30D40, v39;
	[tilespmem:$0xA30] =	vst v25  }
0x1ce: {  	[tilespmem:$0x1610] =	vst v48;
	v52 =	vadd.s32 $0x7A120, v38  }
0x1cf: {  	v40 =	vld [tilespmem:$0x1990];
	v54 =	vadd.s32 $0x61A80, v38;
	[tilespmem:$0x1780] =	vst v52  }
0x1d0: {  	v55 =	vadd.s32 $0x61A80, v7;
	[tilespmem:$0x1700] =	vst v54  }
0x1d1: {  	v57 =	vadd.s32 $0x493E0, v7;
	v59 =	vld [tilespmem:$0x1940];
	[tilespmem:$0xB00] =	vst v55  }
0x1d2: {  	v7 =	vadd.s32 $0x186A0, v7;
	[tilespmem:$0xA80] =	vst v57  }
0x1d3: {  	[tilespmem:$0x980] =	vst v7  }
0x1d4: {  	v43 =	vadd.s32 $0x7A120, v40;
	[tilespmem:$0x910] =	vst v40  }
0x1d5: {  	v45 =	vadd.s32 $0x61A80, v40;
	[tilespmem:$0xB90] =	vst v43  }
0x1d6: {  	[tilespmem:$0xB10] =	vst v45;
	v3 =	vadd.s32 $0x7A120, v59  }
0x1d7: {  	[tilespmem:$0x8C0] =	vst v3;
	v3 =	vadd.s32 $0x61A80, v59  }
0x1d8: {  	[tilespmem:$0x840] =	vst v3;
	v3 =	vadd.s32 $0x493E0, v59  }
0x1d9: {  	[tilespmem:$0x7C0] =	vst v3;
	v3 =	vadd.s32 $0x30D40, v59  }
0x1da: {  	[tilespmem:$0x740] =	vst v3;
	v3 =	vadd.s32 $0x186A0, v59  }
0x1db: {  	v47 =	vadd.s32 $0x493E0, v40;
	[tilespmem:$0x6C0] =	vst v3;
	v3 =	vld [tilespmem:$0x1930]  }
0x1dc: {  	v49 =	vadd.s32 $0x30D40, v40;
	[tilespmem:$0xA90] =	vst v47  }
0x1dd: {  	v51 =	vadd.s32 $0x186A0, v40;
	[tilespmem:$0xA10] =	vst v49  }
0x1de: {  	[tilespmem:$0x990] =	vst v51  }
0x1df: {  	[tilespmem:$0x640] =	vst v59  }
0x1e0: {  	v60 =	vadd.s32 $0x7A120, v3;
	[tilespmem:$0x630] =	vst v3  }
0x1e1: {  	v61 =	vadd.s32 $0x61A80, v3;
	[tilespmem:$0x8B0] =	vst v60  }
0x1e2: {  	v62 =	vadd.s32 $0x493E0, v3;
	[tilespmem:$0x830] =	vst v61  }
0x1e3: {  	v63 =	vadd.s32 $0x30D40, v3;
	[tilespmem:$0x7B0] =	vst v62  }
0x1e4: {  	v3 =	vadd.s32 $0x186A0, v3;
	[tilespmem:$0x730] =	vst v63  }
0x1e5: {  	[tilespmem:$0x6B0] =	vst v3  }
0x1e6: {  	[tilespmem:s18], [sflag:$0x1] =	stream.indirect.gather [hbm4b:s5+s17], $0x40, s3, s17, $0xb8;
	[tilespmem:$0xA190] =	vst v63  }
0x1e7: {  	s29 =	simm.s32 $0xC00;
	s31 =	simm.s32 $0x0  }
0x1e8: {  	[tilespmem:s20], [sflag:$0x2] =	stream.indirect.gather [hbm4b:s6+s17], $0x40, s29, s17, $0xb8;
	[tilespmem:$0xA190] =	vst v63  }
.LBB2_2:
0x1e9: {  	s0 =	sshllo.u32 s31, $0x1  }
0x1ea: {  	s2 =	smul.u32 $0x156, s31;
	s1 =	sshll.u32 s0, $0x7  }
0x1eb: {  	[tilespmem:s21], [sflag:$0x3] =	stream.indirect.gather [hbm4b:s5+s17], $0x40, s1, s17, $0xb8;
	[tilespmem:$0xA190] =	vst v63  }
0x1ec: {  	s28 =	simm.s32 $0x0;
	s2 =	sshrl.u32 s2, $0xA  }
0x1ed: {  	v2 =	vmov s28;
	s2 =	sand.u32 $0x3F, s2  }
0x1ee: {  	s4 =	sshll.u32 s31, $0x1;
	s1 =	sadd.s32 $0xC00, s1;
	v2 =	vand.u32 $0x3F, v2;
	s2 =	smul.u32 $0x6, s2  }
0x1ef: {  	v10 =	vbroadcast v2, $0x0;
	[tilespmem:s22], [sflag:$0x4] =	stream.indirect.gather [hbm4b:s6+s17], $0x40, s1, s17, $0xb8;
	[tilespmem:$0xA190] =	vst v63  }
0x1f0: {  	v3 =	vor.u32 $0x1C00, v1;
	_ =	swait.ge [sflag:s23], $0x2000;
	s19 =	ssub.s32 s4, s2  }
0x1f1: {  	v19 =	vor.u32 v3, v10;
	[sflag:s23] =	ssyncset.done $0x0;
	s4 =	sand.u32 $0xFE, s19  }
0x1f2: {  	v4 =	vor.u32 v1, v10;
	[sflag:s23] =	ssyncadd.s32 $0xFFFFE000;
	s1 =	sshll.u32 s4, $0x6  }
0x1f3: {  	_ =	swait.ge [sflag:s24], $0x2000;
	s29 =	sadd.s32 $0x0, s1  }
0x1f4: {  	v8 =	vor.u32 $0x400, v1;
	[sflag:s24] =	ssyncset.done $0x0;
	v2 =	vmov s29  }
0x1f5: {  	v14 =	vor.u32 v8, v10;
	[sflag:s24] =	ssyncadd.s32 $0xFFFFE000  }
0x1f6: {  	v7 =	vor.u32 $0x800, v1;
	v9 =	vld.idx.msk [tilespmem:v19+s20+$0x0], $0xffff  }
0x1f7: {  	v13 =	vimm.f32 $0.0e+00;
	v17 =	vor.u32 v7, v10;
	v5 =	vmov s4;
	v12 =	vld.idx.msk [tilespmem:v4+s18+$0x0], $0xffff  }
0x1f8: {  	v6 =	vor.u32 $0xC00, v1;
	v38 =	vimm.f32 $0.0e+00;
	v11 =	vbroadcast v5, $0x0;
	v39 =	vld.idx.msk [tilespmem:v4+s20+$0x0], $0xffff  }
0x1f9: {  	v16 =	vimm.f32 $0.0e+00;
	v37 =	vimm.f32 $0.0e+00;
	v15 =	vimm.f32 $0.0e+00;
	v23 =	vld.idx.msk [tilespmem:v2+s15+$0x0], $0xffff  }
0x1fa: {  	v36 =	vimm.f32 $0.0e+00;
	v35 =	vimm.f32 $0.0e+00;
	v30 =	vor.u32 v6, v10;
	v27 =	vld.idx.msk [tilespmem:v14+s18+$0x0], $0xffff  }
0x1fb: {  	v34 =	vimm.f32 $0.0e+00;
	v32 =	vimm.f32 $0.0e+00;
	s2 =	simm.s32 $0x1;
	v5 =	vor.u32 $0x1000, v1;
	v28 =	vld.idx.msk [tilespmem:v14+s20+$0x0], $0xffff  }
0x1fc: {  	v31 =	vimm.f32 $0.0e+00;
	v40 =	vmov s2;
	v24 =	vor.u32 v5, v10;
	v25 =	vld.idx.msk [tilespmem:v17+s18+$0x0], $0xffff  }
0x1fd: {  	v4 =	vor.u32 $0x1400, v1;
	v26 =	vld.idx.msk [tilespmem:v17+s20+$0x0], $0xffff;
	v17 =	vimm.f32 $0.0e+00;
	v14 =	vimm.f32 $0.0e+00  }
0x1fe: {  	v22 =	vor.u32 v4, v10;
	v2 =	vor.u32 $0x1800, v1;
	v18 =	vld.idx.msk [tilespmem:v11+s16+$0x0], $0xffff;
	v11 =	vmul.f32 v9, v23  }
0x1ff: {  	v29 =	vld.idx.msk [tilespmem:v30+s18+$0x0], $0xffff;
	v20 =	vor.u32 v2, v10;
	v33 =	vmul.f32 v39, v12;
	v12 =	vimm.f32 $0.0e+00  }
0x200: {  	s4 =	simm.s32 $0x2;
	v30 =	vld.idx.msk [tilespmem:v30+s20+$0x0], $0xffff;
	v10 =	vimm.f32 $0.0e+00;
	v21 =	vadd.f32 v11, v13;
	v11 =	vimm.f32 $0.0e+00  }
.LBB2_3:
0x201: {  	p0 =	sne.s32 s4, $0x3F;
	v40 =	vand.u32 $0x3F, v40;
	v39 =	vmul.f32 v39, v23;
	v41 =	vld.idx.msk [tilespmem:v24+s18+$0x0], $0xffff  }
0x202: {  	s7 =	sadd.s32 s1, s2;
	v27 =	vmul.f32 v28, v27;
	s2 =	smov.u32 s4;
	v40 =	vbroadcast v40, $0x0;
	v13 =	vadd.f32 v33, v13;
	v33 =	vld.idx.msk [tilespmem:v24+s20+$0x0], $0xffff  }
0x203: {  	v28 =	vmul.f32 v28, v23;
	v42 =	vmov s7;
	v43 =	vld.idx.msk [tilespmem:v22+s18+$0x0], $0xffff  }
0x204: {  	v44 =	vor.u32 v1, v40;
	v45 =	vor.u32 v8, v40;
	v46 =	vor.u32 v3, v40;
	v47 =	vld.idx.msk [tilespmem:v22+s20+$0x0], $0xffff  }
0x205: {  	v48 =	vor.u32 v7, v40;
	v49 =	vor.u32 v6, v40;
	v24 =	vor.u32 v5, v40;
	v50 =	vld.idx.msk [tilespmem:v20+s18+$0x0], $0xffff  }
0x206: {  	v25 =	vmul.f32 v26, v25;
	v22 =	vor.u32 v4, v40;
	v51 =	vld.idx.msk [tilespmem:v20+s20+$0x0], $0xffff;
	v20 =	vor.u32 v2, v40  }
0x207: {  	v38 =	vadd.f32 v39, v38;
	v26 =	vmul.f32 v26, v23;
	v29 =	vmul.f32 v30, v29;
	v40 =	vld.idx.msk [tilespmem:v19+s18+$0x0], $0xffff  }
0x208: {  	v16 =	vadd.f32 v27, v16;
	v27 =	vmul.f32 v30, v23;
	v30 =	vmul.f32 v33, v41;
	v42 =	vld.idx.msk [tilespmem:v42+s15+$0x0], $0xffff  }
0x209: {  	v37 =	vadd.f32 v28, v37;
	v15 =	vadd.f32 v25, v15;
	v25 =	vmul.f32 v33, v23;
	v41 =	vld.idx.msk [tilespmem:v46+s20+$0x0], $0xffff  }
0x20a: {  	v36 =	vadd.f32 v26, v36;
	v26 =	vmul.f32 v47, v43;
	v43 =	vmul.f32 v47, v23;
	v33 =	vld.idx.msk [tilespmem:v44+s18+$0x0], $0xffff  }
0x20b: {  	v17 =	vadd.f32 v29, v17;
	v35 =	vadd.f32 v27, v35;
	v19 =	vmov v46;
	v39 =	vld.idx.msk [tilespmem:v44+s20+$0x0], $0xffff  }
0x20c: {  	v14 =	vadd.f32 v30, v14;
	v29 =	vmul.f32 v51, v50;
	v30 =	vmul.f32 v51, v23;
	v27 =	vld.idx.msk [tilespmem:v45+s18+$0x0], $0xffff  }
.Ltmp0:
0x20d: {  	v34 =	vadd.f32 v25, v34;
	v12 =	vadd.f32 v26, v12;
	v40 =	vmul.f32 v9, v40;
	v28 =	vld.idx.msk [tilespmem:v45+s20+$0x0], $0xffff;
	(pc) =	sbr.rel @p0 .LBB2_3-.Ltmp0, $4  }
0x20e: {  	v32 =	vadd.f32 v43, v32;
	v11 =	vadd.f32 v29, v11;
	v23 =	vmov v42;
	v25 =	vld.idx.msk [tilespmem:v48+s18+$0x0], $0xffff  }
0x20f: {  	v31 =	vadd.f32 v30, v31;
	v42 =	vmul.f32 v41, v23;
	v10 =	vadd.f32 v40, v10;
	v26 =	vld.idx.msk [tilespmem:v48+s20+$0x0], $0xffff  }
0x210: {  	v9 =	vmov v41;
	v29 =	vld.idx.msk [tilespmem:v49+s18+$0x0], $0xffff  }
0x211: {  	s4 =	sadd.s32 $0x1, s4;
	v40 =	vmov s2;
	v33 =	vmul.f32 v39, v33;
	v21 =	vadd.f32 v42, v21;
	v30 =	vld.idx.msk [tilespmem:v49+s20+$0x0], $0xffff  }
0x212: {  	v40 =	vand.u32 $0x3F, v40  }
0x213: {  	s1 =	sadd.s32 s1, s2;
	v40 =	vbroadcast v40, $0x0  }
0x214: {  	v41 =	vmov s1  }
0x215: {  	v42 =	vor.u32 v1, v40;
	_ =	sdelay $0x3  }
0x216: {  	v41 =	vld.idx.msk [tilespmem:v41+s15+$0x0], $0xffff  }
0x217: {  	v43 =	vld.idx.msk [tilespmem:v42+s20+$0x0], $0xffff;
	_ =	sdelay $0x2  }
0x218: {  	v39 =	vmul.f32 v39, v23;
	_ =	sdelay $0x1  }
0x219: {  	v38 =	vadd.f32 v39, v38;
	v60 =	vmul.f32 v43, v41;
	_ =	sdelay $0x1  }
0x21a: {  	v38 =	vadd.f32 v60, v38  }
0x21b: {  	v39 =	vor.u32 v8, v40  }
0x21c: {  	v38 =	vadd.f32 v38, v18;
	_ =	sdelay $0x1  }
0x21d: {  	v38 =	vsub.f32 $0.0e+00, v38;
	_ =	sdelay $0x1  }
0x21e: {  	v44 =	vld.idx.msk [tilespmem:v39+s20+$0x0], $0xffff;
	v38 =	vmul.f32 $1.442695020e+00, v38;
	_ =	sdelay $0x1  }
0x21f: {  	(erf) = vpow2.f32 v38  }
0x220: {  	v61 =	vmul.f32 v28, v23;
	_ =	sdelay $0x1  }
0x221: {  	v37 =	vadd.f32 v61, v37;
	v62 =	vmul.f32 v44, v41;
	_ =	sdelay $0x1  }
0x222: {  	v37 =	vadd.f32 v62, v37  }
0x223: {  	v63 =	vor.u32 v7, v40  }
0x224: {  	v37 =	vadd.f32 v37, v18;
	_ =	sdelay $0x1  }
0x225: {  	v37 =	vsub.f32 $0.0e+00, v37;
	v45 =	vpop (erf)  }
0x226: {  	v45 =	vadd.f32 $1.000000000e+00, v45  }
0x227: {  	v46 =	vld.idx.msk [tilespmem:v63+s20+$0x0], $0xffff;
	v37 =	vmul.f32 $1.442695020e+00, v37  }
0x228: {  	(erf) = vrcp.f32 v45  }
0x229: {  	(erf) = vpow2.f32 v37  }
0x22a: {  	v52 =	vmul.f32 v26, v23;
	_ =	sdelay $0x1  }
0x22b: {  	v36 =	vadd.f32 v52, v36;
	v53 =	vmul.f32 v46, v41;
	_ =	sdelay $0x1  }
0x22c: {  	v36 =	vadd.f32 v53, v36  }
0x22d: {  	v37 =	vor.u32 v6, v40  }
0x22e: {  	v36 =	vadd.f32 v36, v18  }
0x22f: {  	v45 =	vpop (erf)  }
0x230: {  	v36 =	vsub.f32 $0.0e+00, v36;
	v47 =	vpop (erf)  }
0x231: {  	v47 =	vadd.f32 $1.000000000e+00, v47  }
0x232: {  	v36 =	vmul.f32 $1.442695020e+00, v36;
	v48 =	vld.idx.msk [tilespmem:v37+s20+$0x0], $0xffff  }
0x233: {  	(erf) = vrcp.f32 v47  }
0x234: {  	(erf) = vpow2.f32 v36  }
0x235: {  	v54 =	vmul.f32 v30, v23;
	_ =	sdelay $0x1  }
0x236: {  	v35 =	vadd.f32 v54, v35;
	v55 =	vmul.f32 v48, v41;
	_ =	sdelay $0x1  }
0x237: {  	v35 =	vadd.f32 v55, v35  }
0x238: {  	v36 =	vor.u32 v5, v40  }
0x239: {  	v35 =	vadd.f32 v35, v18  }
0x23a: {  	v47 =	vpop (erf)  }
0x23b: {  	v49 =	vld.idx.msk [tilespmem:v24+s20+$0x0], $0xffff;
	v35 =	vsub.f32 $0.0e+00, v35;
	v50 =	vpop (erf)  }
0x23c: {  	v50 =	vadd.f32 $1.000000000e+00, v50  }
0x23d: {  	v51 =	vld.idx.msk [tilespmem:v36+s20+$0x0], $0xffff;
	v35 =	vmul.f32 $1.442695020e+00, v35  }
0x23e: {  	(erf) = vrcp.f32 v50  }
0x23f: {  	(erf) = vpow2.f32 v35  }
0x240: {  	v56 =	vmul.f32 v49, v23;
	_ =	sdelay $0x1  }
0x241: {  	v34 =	vadd.f32 v56, v34;
	v57 =	vmul.f32 v51, v41;
	_ =	sdelay $0x1  }
0x242: {  	v34 =	vadd.f32 v57, v34  }
0x243: {  	v35 =	vor.u32 v4, v40  }
0x244: {  	v34 =	vadd.f32 v34, v18  }
0x245: {  	v50 =	vpop (erf)  }
0x246: {  	v52 =	vld.idx.msk [tilespmem:v22+s20+$0x0], $0xffff;
	v34 =	vsub.f32 $0.0e+00, v34;
	v53 =	vpop (erf)  }
0x247: {  	v53 =	vadd.f32 $1.000000000e+00, v53  }
0x248: {  	v54 =	vld.idx.msk [tilespmem:v35+s20+$0x0], $0xffff;
	v34 =	vmul.f32 $1.442695020e+00, v34  }
0x249: {  	(erf) = vrcp.f32 v53  }
0x24a: {  	(erf) = vpow2.f32 v34  }
0x24b: {  	v58 =	vmul.f32 v52, v23;
	_ =	sdelay $0x1  }
0x24c: {  	v32 =	vadd.f32 v58, v32;
	v59 =	vmul.f32 v54, v41;
	_ =	sdelay $0x1  }
0x24d: {  	v32 =	vadd.f32 v59, v32  }
0x24e: {  	v34 =	vor.u32 v2, v40  }
0x24f: {  	v32 =	vadd.f32 v32, v18  }
0x250: {  	v53 =	vpop (erf)  }
0x251: {  	v55 =	vld.idx.msk [tilespmem:v20+s20+$0x0], $0xffff;
	v32 =	vsub.f32 $0.0e+00, v32;
	v56 =	vpop (erf)  }
0x252: {  	v56 =	vadd.f32 $1.000000000e+00, v56  }
0x253: {  	v57 =	vld.idx.msk [tilespmem:v34+s20+$0x0], $0xffff;
	v32 =	vmul.f32 $1.442695020e+00, v32  }
0x254: {  	(erf) = vrcp.f32 v56  }
0x255: {  	(erf) = vpow2.f32 v32  }
0x256: {  	v23 =	vmul.f32 v55, v23;
	_ =	sdelay $0x1  }
0x257: {  	v23 =	vadd.f32 v23, v31;
	v31 =	vmul.f32 v57, v41;
	_ =	sdelay $0x1  }
0x258: {  	v23 =	vadd.f32 v31, v23  }
0x259: {  	v31 =	vor.u32 v3, v40  }
0x25a: {  	v23 =	vadd.f32 v23, v18  }
0x25b: {  	v32 =	vpop (erf)  }
0x25c: {  	v23 =	vsub.f32 $0.0e+00, v23;
	v60 =	vpop (erf)  }
0x25d: {  	v40 =	vadd.f32 $1.000000000e+00, v60  }
0x25e: {  	v61 =	vld.idx.msk [tilespmem:v31+s20+$0x0], $0xffff;
	v23 =	vmul.f32 $1.442695020e+00, v23  }
0x25f: {  	(erf) = vrcp.f32 v40  }
0x260: {  	(erf) = vpow2.f32 v23;
	_ =	sdelay $0x1  }
0x261: {  	s14 =	smul.u32 $0xAB, s31  }
0x262: {  	v23 =	vld.idx.msk [tilespmem:v24+s18+$0x0], $0xffff;
	v24 =	vmul.f32 v61, v41  }
0x263: {  	v19 =	vld.idx.msk [tilespmem:v19+s18+$0x0], $0xffff;
	s1 =	sshrl.u32 s14, $0x2  }
0x264: {  	s4 =	sand.u32 $0x3F80, s1;
	v22 =	vld.idx.msk [tilespmem:v22+s18+$0x0], $0xffff;
	v21 =	vadd.f32 v24, v21  }
0x265: {  	v27 =	vmul.f32 v28, v27;
	v25 =	vmul.f32 v26, v25;
	v28 =	vld [tilespmem:s4+$0x9F90]  }
0x266: {  	v26 =	vmul.f32 v30, v29;
	v29 =	vld [tilespmem:s4+$0x9DA0];
	v18 =	vadd.f32 v21, v18  }
0x267: {  	v15 =	vadd.f32 v25, v15;
	v25 =	vld [tilespmem:s4+$0x9DB0];
	v62 =	vpop (erf)  }
0x268: {  	v38 =	vld.idx.msk [tilespmem:v63+s18+$0x0], $0xffff;
	v18 =	vsub.f32 $0.0e+00, v18;
	v63 =	vpop (erf)  }
0x269: {  	v20 =	vld.idx.msk [tilespmem:v20+s18+$0x0], $0xffff;
	v40 =	vadd.f32 $1.000000000e+00, v63  }
0x26a: {  	v24 =	vld.idx.msk [tilespmem:v42+s18+$0x0], $0xffff;
	v18 =	vmul.f32 $1.442695020e+00, v18  }
0x26b: {  	v34 =	vld.idx.msk [tilespmem:v34+s18+$0x0], $0xffff;
	(erf) = vrcp.f32 v40  }
0x26c: {  	v21 =	vld.idx.msk [tilespmem:v39+s18+$0x0], $0xffff;
	(erf) = vpow2.f32 v18  }
0x26d: {  	v18 =	vld.idx.msk [tilespmem:v31+s18+$0x0], $0xffff  }
0x26e: {  	v13 =	vadd.f32 v33, v13;
	v20 =	vmul.f32 v55, v20;
	v31 =	vld [tilespmem:s4+$0x9D90]  }
0x26f: {  	v9 =	vmul.f32 v9, v19;
	v19 =	vld [tilespmem:s4+$0x9DF0];
	v17 =	vadd.f32 v26, v17;
	v24 =	vmul.f32 v43, v24  }
0x270: {  	v26 =	vmul.f32 v46, v38;
	v37 =	vld.idx.msk [tilespmem:v37+s18+$0x0], $0xffff;
	v11 =	vadd.f32 v20, v11;
	v20 =	vmul.f32 v57, v34  }
0x271: {  	v16 =	vadd.f32 v27, v16;
	v13 =	vadd.f32 v24, v13;
	v21 =	vmul.f32 v44, v21;
	v24 =	vld [tilespmem:s4+$0x9FA0]  }
0x272: {  	v15 =	vadd.f32 v26, v15;
	v36 =	vld.idx.msk [tilespmem:v36+s18+$0x0], $0xffff;
	v11 =	vadd.f32 v20, v11;
	v23 =	vmul.f32 v49, v23  }
0x273: {  	v35 =	vld.idx.msk [tilespmem:v35+s18+$0x0], $0xffff;
	v16 =	vadd.f32 v21, v16;
	v13 =	vadd.f32 v31, v13  }
0x274: {  	v14 =	vadd.f32 v23, v14;
	v23 =	vadd.f32 v28, v45;
	v28 =	vld [tilespmem:s4+$0x9DC0];
	v27 =	vpop (erf)  }
0x275: {  	v30 =	vmul.f32 v48, v37;
	v11 =	vadd.f32 v19, v11;
	[tilespmem:s4+$0x9D90] =	vst v13;
	v13 =	vadd.f32 v29, v16;
	v16 =	vld [tilespmem:s4+$0x9FC0];
	v26 =	vpop (erf)  }
0x276: {  	[tilespmem:s4+$0x9F90] =	vst v23;
	v23 =	vadd.f32 v24, v47;
	v24 =	vld [tilespmem:s4+$0x9DD0];
	v26 =	vadd.f32 $1.000000000e+00, v26  }
0x277: {  	v17 =	vadd.f32 v30, v17;
	v29 =	vmul.f32 v51, v36;
	[tilespmem:s4+$0x9DA0] =	vst v13;
	v13 =	vadd.f32 v25, v15;
	v15 =	vld [tilespmem:s4+$0x9FD0]  }
0x278: {  	v22 =	vmul.f32 v52, v22;
	v21 =	vld [tilespmem:s4+$0x9FB0];
	[tilespmem:s4+$0x9DF0] =	vst v11;
	(erf) = vrcp.f32 v26  }
0x279: {  	v14 =	vadd.f32 v29, v14;
	[tilespmem:s4+$0x9DB0] =	vst v13;
	v13 =	vadd.f32 v28, v17;
	v17 =	vld [tilespmem:s4+$0x9FE0]  }
0x27a: {  	v12 =	vadd.f32 v22, v12;
	v22 =	vld [tilespmem:s4+$0x9DE0];
	[tilespmem:s4+$0x9FA0] =	vst v23;
	v16 =	vadd.f32 v16, v53  }
0x27b: {  	v23 =	vmul.f32 v54, v35;
	[tilespmem:s4+$0x9DC0] =	vst v13;
	v13 =	vadd.f32 v24, v14;
	v14 =	vld [tilespmem:s4+$0x9FF0]  }
0x27c: {  	v9 =	vadd.f32 v9, v10;
	[tilespmem:s4+$0x9FC0] =	vst v16;
	v10 =	vadd.f32 v15, v32;
	v15 =	vld [tilespmem:s4+$0x9E00]  }
0x27d: {  	v21 =	vadd.f32 v21, v50;
	v12 =	vadd.f32 v23, v12;
	v16 =	vmul.f32 v61, v18;
	[tilespmem:s4+$0x9DD0] =	vst v13;
	v13 =	vld [tilespmem:s4+$0xA000]  }
0x27e: {  	[tilespmem:s4+$0x9FD0] =	vst v10;
	v10 =	vadd.f32 v17, v62  }
0x27f: {  	[tilespmem:s4+$0x9FB0] =	vst v21;
	v12 =	vadd.f32 v22, v12;
	v9 =	vadd.f32 v16, v9  }
0x280: {  	s19 =	smulhi.u32 $0x2AAAAAAB, s0;
	[tilespmem:s4+$0x9FE0] =	vst v10;
	v10 =	vadd.f32 v14, v27  }
0x281: {  	[tilespmem:s4+$0x9DE0] =	vst v12;
	v9 =	vadd.f32 v15, v9;
	v11 =	vpop (erf)  }
0x282: {  	p0 =	seq.s32 s31, $0xB;
	s9 =	smul.u32 $0x6, s19;
	[tilespmem:s4+$0x9FF0] =	vst v10;
	v10 =	vadd.f32 v13, v11  }
0x283: {  	s12 =	simm.s32 $0x0;
	s7 =	simm.s32 @!p0 $0x80;
	s1 =	sshll.u32 @!p0 s31, $0x8;
	[tilespmem:s4+$0x9E00] =	vst v9  }
0x284: {  	s8 =	simm.s32 @!p0 $0x1C00;
	s2 =	sadd.s32 @!p0 $0x100, s1;
	s14 =	ssub.s32 s0, s9;
	[tilespmem:s4+$0xA000] =	vst v10  }
0x285: {  	[tilespmem:s8], [sflag:$0x1] =	stream.indirect.gather @!p0 [hbm4b:s5+s7], $0x40, s2, s7, $0xb8;
	[tilespmem:$0xA190] =	vst v63  }
0x286: {  	s1 =	sadd.s32 @!p0 $0xD00, s1;
	s29 =	sshll.u32 s14, $0x6;
	v9 =	vmov s12;
	s2 =	simm.s32 @!p0 $0x3C00  }
0x287: {  	v9 =	vand.u32 $0x3F, v9;
	[tilespmem:s2], [sflag:$0x2] =	stream.indirect.gather @!p0 [hbm4b:s6+s7], $0x40, s1, s7, $0xb8;
	[tilespmem:$0xA190] =	vst v63  }
0x288: {  	s19 =	sadd.s32 $0x0, s29;
	v10 =	vbroadcast v9, $0x0;
	_ =	swait.ge [sflag:s25], $0x2000  }
0x289: {  	v9 =	vmov s19;
	[sflag:s25] =	ssyncset.done $0x0  }
0x28a: {  	v27 =	vor.u32 v3, v10;
	[sflag:s25] =	ssyncadd.s32 $0xFFFFE000  }
0x28b: {  	v11 =	vor.u32 v1, v10;
	_ =	swait.ge [sflag:s26], $0x2000  }
0x28c: {  	[sflag:s26] =	ssyncset.done $0x0  }
0x28d: {  	v12 =	vmov s14;
	[sflag:s26] =	ssyncadd.s32 $0xFFFFE000  }
0x28e: {  	v14 =	vor.u32 v8, v10;
	v16 =	vld.idx.msk [tilespmem:v9+s15+$0x0], $0xffff  }
0x28f: {  	v9 =	vld.idx.msk [tilespmem:v27+s22+$0x0], $0xffff  }
0x290: {  	v15 =	vor.u32 v7, v10;
	v13 =	vld.idx.msk [tilespmem:v11+s21+$0x0], $0xffff  }
0x291: {  	v40 =	vld.idx.msk [tilespmem:v11+s22+$0x0], $0xffff  }
0x292: {  	v37 =	vimm.f32 $0.0e+00;
	v19 =	vor.u32 v6, v10;
	v11 =	vld.idx.msk [tilespmem:v12+s16+$0x0], $0xffff  }
0x293: {  	v20 =	vimm.f32 $0.0e+00;
	v39 =	vimm.f32 $0.0e+00;
	v35 =	vimm.f32 $0.0e+00;
	v30 =	vld.idx.msk [tilespmem:v14+s21+$0x0], $0xffff  }
0x294: {  	v21 =	vimm.f32 $0.0e+00;
	v36 =	vimm.f32 $0.0e+00;
	v22 =	vimm.f32 $0.0e+00;
	v32 =	vld.idx.msk [tilespmem:v14+s22+$0x0], $0xffff  }
0x295: {  	v29 =	vimm.f32 $0.0e+00;
	v18 =	vimm.f32 $0.0e+00;
	v33 =	vor.u32 v5, v10;
	v24 =	vld.idx.msk [tilespmem:v15+s21+$0x0], $0xffff  }
0x296: {  	v17 =	vimm.f32 $0.0e+00;
	v31 =	vor.u32 v4, v10;
	v28 =	vor.u32 v2, v10;
	s7 =	simm.s32 $0x1;
	v26 =	vld.idx.msk [tilespmem:v15+s22+$0x0], $0xffff  }
0x297: {  	s28 =	sor.u32 $0x10, s4;
	s0 =	sor.u32 $0x70, s4;
	v10 =	vimm.f32 $0.0e+00;
	v34 =	vmov s7;
	v23 =	vld.idx.msk [tilespmem:v19+s21+$0x0], $0xffff;
	v12 =	vmul.f32 v9, v16  }
0x298: {  	s14 =	sor.u32 $0x30, s4;
	s12 =	sor.u32 $0x40, s4;
	s19 =	sor.u32 $0x20, s4;
	v15 =	vimm.f32 $0.0e+00;
	v14 =	vimm.f32 $0.0e+00;
	v25 =	vld.idx.msk [tilespmem:v19+s22+$0x0], $0xffff;
	v19 =	vimm.f32 $0.0e+00  }
0x299: {  	s8 =	simm.s32 $0x2;
	s2 =	sor.u32 $0x50, s4;
	s1 =	sor.u32 $0x60, s4;
	v38 =	vmul.f32 v40, v13;
	v13 =	vadd.f32 v12, v21;
	v12 =	vimm.f32 $0.0e+00  }
.LBB2_5:
0x29a: {  	p0 =	sne.s32 s8, $0x3F;
	v34 =	vand.u32 $0x3F, v34;
	v40 =	vmul.f32 v40, v16;
	v41 =	vld.idx.msk [tilespmem:v33+s21+$0x0], $0xffff  }
0x29b: {  	s9 =	sadd.s32 s29, s7;
	v30 =	vmul.f32 v32, v30;
	s7 =	smov.u32 s8;
	v34 =	vbroadcast v34, $0x0;
	v21 =	vadd.f32 v38, v21;
	v38 =	vld.idx.msk [tilespmem:v33+s22+$0x0], $0xffff  }
0x29c: {  	v32 =	vmul.f32 v32, v16;
	v42 =	vmov s9;
	v39 =	vadd.f32 v40, v39;
	v40 =	vld.idx.msk [tilespmem:v31+s21+$0x0], $0xffff  }
0x29d: {  	v43 =	vor.u32 v1, v34;
	v44 =	vor.u32 v8, v34;
	v45 =	vor.u32 v3, v34;
	v46 =	vld.idx.msk [tilespmem:v31+s22+$0x0], $0xffff  }
0x29e: {  	v47 =	vor.u32 v7, v34;
	v48 =	vor.u32 v6, v34;
	v33 =	vor.u32 v5, v34;
	v49 =	vld.idx.msk [tilespmem:v28+s21+$0x0], $0xffff  }
0x29f: {  	v24 =	vmul.f32 v26, v24;
	v31 =	vor.u32 v4, v34;
	v50 =	vld.idx.msk [tilespmem:v28+s22+$0x0], $0xffff;
	v28 =	vor.u32 v2, v34  }
0x2a0: {  	v20 =	vadd.f32 v30, v20;
	v26 =	vmul.f32 v26, v16;
	v23 =	vmul.f32 v25, v23;
	v34 =	vld.idx.msk [tilespmem:v27+s21+$0x0], $0xffff  }
0x2a1: {  	v37 =	vadd.f32 v32, v37;
	v25 =	vmul.f32 v25, v16;
	v30 =	vmul.f32 v38, v41;
	v42 =	vld.idx.msk [tilespmem:v42+s15+$0x0], $0xffff  }
0x2a2: {  	v18 =	vadd.f32 v24, v18;
	v36 =	vadd.f32 v26, v36;
	v24 =	vmul.f32 v38, v16;
	v41 =	vld.idx.msk [tilespmem:v45+s22+$0x0], $0xffff  }
0x2a3: {  	v17 =	vadd.f32 v23, v17;
	v23 =	vmul.f32 v46, v40;
	v26 =	vmul.f32 v46, v16;
	v38 =	vld.idx.msk [tilespmem:v43+s21+$0x0], $0xffff  }
0x2a4: {  	v35 =	vadd.f32 v25, v35;
	v27 =	vmov v45;
	v15 =	vadd.f32 v30, v15;
	v40 =	vld.idx.msk [tilespmem:v43+s22+$0x0], $0xffff  }
0x2a5: {  	v29 =	vadd.f32 v24, v29;
	v25 =	vmul.f32 v50, v49;
	v43 =	vmul.f32 v50, v16;
	v30 =	vld.idx.msk [tilespmem:v44+s21+$0x0], $0xffff  }
.Ltmp1:
0x2a6: {  	v14 =	vadd.f32 v23, v14;
	v22 =	vadd.f32 v26, v22;
	v23 =	vmul.f32 v9, v34;
	v32 =	vld.idx.msk [tilespmem:v44+s22+$0x0], $0xffff;
	(pc) =	sbr.rel @p0 .LBB2_5-.Ltmp1, $4  }
0x2a7: {  	v12 =	vadd.f32 v25, v12;
	v19 =	vadd.f32 v43, v19;
	v16 =	vmov v42;
	v24 =	vld.idx.msk [tilespmem:v47+s21+$0x0], $0xffff  }
0x2a8: {  	v42 =	vmul.f32 v41, v16;
	v10 =	vadd.f32 v23, v10;
	v9 =	vmov v41;
	v26 =	vld.idx.msk [tilespmem:v47+s22+$0x0], $0xffff  }
0x2a9: {  	v23 =	vld.idx.msk [tilespmem:v48+s21+$0x0], $0xffff  }
0x2aa: {  	s8 =	sadd.s32 $0x1, s8;
	v34 =	vmov s7;
	v38 =	vmul.f32 v40, v38;
	v13 =	vadd.f32 v42, v13;
	v25 =	vld.idx.msk [tilespmem:v48+s22+$0x0], $0xffff  }
0x2ab: {  	v34 =	vand.u32 $0x3F, v34  }
0x2ac: {  	s7 =	sadd.s32 s29, s7;
	v41 =	vbroadcast v34, $0x0  }
0x2ad: {  	v46 =	vmov s7  }
0x2ae: {  	v42 =	vor.u32 v1, v41;
	_ =	sdelay $0x3  }
0x2af: {  	v34 =	vld.idx.msk [tilespmem:v46+s15+$0x0], $0xffff  }
0x2b0: {  	v43 =	vld.idx.msk [tilespmem:v42+s22+$0x0], $0xffff;
	_ =	sdelay $0x2  }
0x2b1: {  	v40 =	vmul.f32 v40, v16;
	_ =	sdelay $0x1  }
0x2b2: {  	v39 =	vadd.f32 v40, v39;
	v47 =	vmul.f32 v43, v34;
	_ =	sdelay $0x1  }
0x2b3: {  	v39 =	vadd.f32 v47, v39  }
0x2b4: {  	v8 =	vor.u32 v8, v41  }
0x2b5: {  	v39 =	vadd.f32 v39, v11;
	_ =	sdelay $0x1  }
0x2b6: {  	v39 =	vsub.f32 $0.0e+00, v39;
	_ =	sdelay $0x1  }
0x2b7: {  	v40 =	vld.idx.msk [tilespmem:v8+s22+$0x0], $0xffff;
	v39 =	vmul.f32 $1.442695020e+00, v39;
	_ =	sdelay $0x1  }
0x2b8: {  	(erf) = vpow2.f32 v39  }
0x2b9: {  	v48 =	vmul.f32 v32, v16;
	_ =	sdelay $0x1  }
0x2ba: {  	v37 =	vadd.f32 v48, v37;
	v49 =	vmul.f32 v40, v34;
	_ =	sdelay $0x1  }
0x2bb: {  	v37 =	vadd.f32 v49, v37  }
0x2bc: {  	v7 =	vor.u32 v7, v41  }
0x2bd: {  	v37 =	vadd.f32 v37, v11;
	_ =	sdelay $0x1  }
0x2be: {  	v37 =	vsub.f32 $0.0e+00, v37;
	v50 =	vpop (erf)  }
0x2bf: {  	v39 =	vadd.f32 $1.000000000e+00, v50  }
0x2c0: {  	v44 =	vld.idx.msk [tilespmem:v7+s22+$0x0], $0xffff;
	v37 =	vmul.f32 $1.442695020e+00, v37  }
0x2c1: {  	(erf) = vrcp.f32 v39  }
0x2c2: {  	(erf) = vpow2.f32 v37  }
0x2c3: {  	v51 =	vmul.f32 v26, v16;
	_ =	sdelay $0x1  }
0x2c4: {  	v36 =	vadd.f32 v51, v36;
	v52 =	vmul.f32 v44, v34;
	_ =	sdelay $0x1  }
0x2c5: {  	v36 =	vadd.f32 v52, v36  }
0x2c6: {  	v6 =	vor.u32 v6, v41  }
0x2c7: {  	v36 =	vadd.f32 v36, v11  }
0x2c8: {  	v53 =	vpop (erf)  }
0x2c9: {  	v36 =	vsub.f32 $0.0e+00, v36;
	v54 =	vpop (erf)  }
0x2ca: {  	v39 =	vadd.f32 $1.000000000e+00, v54  }
0x2cb: {  	v45 =	vld.idx.msk [tilespmem:v6+s22+$0x0], $0xffff;
	v36 =	vmul.f32 $1.442695020e+00, v36  }
0x2cc: {  	(erf) = vrcp.f32 v39  }
0x2cd: {  	(erf) = vpow2.f32 v36  }
0x2ce: {  	v55 =	vmul.f32 v25, v16;
	_ =	sdelay $0x1  }
0x2cf: {  	v35 =	vadd.f32 v55, v35;
	v56 =	vmul.f32 v45, v34;
	_ =	sdelay $0x1  }
0x2d0: {  	v62 =	vld [tilespmem:s4+$0x9D90];
	v35 =	vadd.f32 v56, v35  }
0x2d1: {  	v63 =	vld [tilespmem:s4+$0x9F90];
	v46 =	vor.u32 v5, v41  }
0x2d2: {  	v59 =	vld.idx.msk [tilespmem:v42+s21+$0x0], $0xffff;
	v47 =	vor.u32 v3, v41;
	v3 =	vadd.f32 v35, v11  }
0x2d3: {  	v39 =	vld.idx.msk [tilespmem:v33+s21+$0x0], $0xffff;
	v48 =	vpop (erf)  }
0x2d4: {  	v49 =	vsub.f32 $0.0e+00, v3;
	v33 =	vld.idx.msk [tilespmem:v33+s22+$0x0], $0xffff;
	v57 =	vpop (erf)  }
0x2d5: {  	v8 =	vld.idx.msk [tilespmem:v8+s21+$0x0], $0xffff;
	v58 =	vadd.f32 $1.000000000e+00, v57  }
0x2d6: {  	v49 =	vmul.f32 $1.442695020e+00, v49;
	v50 =	vld.idx.msk [tilespmem:v46+s22+$0x0], $0xffff  }
0x2d7: {  	v7 =	vld.idx.msk [tilespmem:v7+s21+$0x0], $0xffff;
	(erf) = vrcp.f32 v58  }
0x2d8: {  	v4 =	vor.u32 v4, v41;
	v6 =	vld.idx.msk [tilespmem:v6+s21+$0x0], $0xffff;
	(erf) = vpow2.f32 v49  }
0x2d9: {  	v2 =	vor.u32 v2, v41;
	v41 =	vld.idx.msk [tilespmem:v46+s21+$0x0], $0xffff;
	v60 =	vmul.f32 v33, v16  }
0x2da: {  	v35 =	vld.idx.msk [tilespmem:v28+s21+$0x0], $0xffff  }
0x2db: {  	v28 =	vld.idx.msk [tilespmem:v28+s22+$0x0], $0xffff;
	v61 =	vmul.f32 v50, v34;
	v29 =	vadd.f32 v60, v29  }
0x2dc: {  	v3 =	vld.idx.msk [tilespmem:v27+s21+$0x0], $0xffff;
	v27 =	vmul.f32 v43, v59  }
0x2dd: {  	v43 =	vld.idx.msk [tilespmem:v4+s21+$0x0], $0xffff;
	v29 =	vadd.f32 v61, v29  }
0x2de: {  	v21 =	vadd.f32 v38, v21;
	v4 =	vld.idx.msk [tilespmem:v4+s22+$0x0], $0xffff  }
0x2df: {  	v5 =	vld.idx.msk [tilespmem:v47+s22+$0x0], $0xffff;
	v29 =	vadd.f32 v29, v11  }
0x2e0: {  	v21 =	vadd.f32 v27, v21;
	v36 =	vld.idx.msk [tilespmem:v31+s21+$0x0], $0xffff;
	v27 =	vpop (erf)  }
0x2e1: {  	v31 =	vld.idx.msk [tilespmem:v31+s22+$0x0], $0xffff;
	v29 =	vsub.f32 $0.0e+00, v29;
	v49 =	vpop (erf)  }
0x2e2: {  	v38 =	vld.idx.msk [tilespmem:v47+s21+$0x0], $0xffff;
	v21 =	vadd.f32 v62, v21;
	v52 =	vadd.f32 $1.000000000e+00, v49  }
0x2e3: {  	v46 =	vld.idx.msk [tilespmem:v2+s21+$0x0], $0xffff;
	v37 =	vadd.f32 v63, v53;
	v29 =	vmul.f32 $1.442695020e+00, v29  }
0x2e4: {  	v2 =	vld.idx.msk [tilespmem:v2+s22+$0x0], $0xffff;
	[tilespmem:s4+$0x9D90] =	vst v21;
	(erf) = vrcp.f32 v52  }
0x2e5: {  	v53 =	vmul.f32 v32, v30;
	[tilespmem:s4+$0x9F90] =	vst v37;
	(erf) = vpow2.f32 v29  }
0x2e6: {  	v55 =	vld [tilespmem:s28+$0x9D90];
	v54 =	vmul.f32 v31, v16  }
0x2e7: {  	v8 =	vmul.f32 v40, v8;
	v20 =	vadd.f32 v53, v20;
	v56 =	vld [tilespmem:s28+$0x9F90]  }
0x2e8: {  	v22 =	vadd.f32 v54, v22;
	v57 =	vmul.f32 v4, v34  }
0x2e9: {  	v8 =	vadd.f32 v8, v20  }
0x2ea: {  	v58 =	vadd.f32 v57, v22  }
0x2eb: {  	v8 =	vadd.f32 v55, v8  }
0x2ec: {  	v21 =	vadd.f32 v56, v48;
	v20 =	vadd.f32 v58, v11  }
0x2ed: {  	[tilespmem:s28+$0x9D90] =	vst v8;
	v59 =	vpop (erf)  }
0x2ee: {  	v60 =	vmul.f32 v26, v24;
	[tilespmem:s28+$0x9F90] =	vst v21;
	v20 =	vsub.f32 $0.0e+00, v20;
	v61 =	vpop (erf)  }
0x2ef: {  	v62 =	vld [tilespmem:s19+$0x9D90];
	v21 =	vadd.f32 $1.000000000e+00, v61  }
0x2f0: {  	v7 =	vmul.f32 v44, v7;
	v18 =	vadd.f32 v60, v18;
	v63 =	vld [tilespmem:s19+$0x9F90];
	v20 =	vmul.f32 $1.442695020e+00, v20  }
0x2f1: {  	(erf) = vrcp.f32 v21  }
0x2f2: {  	v7 =	vadd.f32 v7, v18;
	(erf) = vpow2.f32 v20  }
0x2f3: {  	v21 =	vmul.f32 v28, v16  }
0x2f4: {  	v7 =	vadd.f32 v62, v7  }
0x2f5: {  	v26 =	vmul.f32 v2, v34;
	v27 =	vadd.f32 v63, v27;
	v16 =	vadd.f32 v21, v19  }
0x2f6: {  	[tilespmem:s19+$0x9D90] =	vst v7  }
0x2f7: {  	[tilespmem:s19+$0x9F90] =	vst v27;
	v29 =	vmul.f32 v25, v23;
	v16 =	vadd.f32 v26, v16  }
0x2f8: {  	v30 =	vld [tilespmem:s14+$0x9D90]  }
0x2f9: {  	v6 =	vmul.f32 v45, v6;
	v32 =	vld [tilespmem:s14+$0x9F90];
	v7 =	vadd.f32 v29, v17;
	v16 =	vadd.f32 v16, v11  }
0x2fa: {  	v37 =	vpop (erf)  }
0x2fb: {  	v6 =	vadd.f32 v6, v7;
	v16 =	vsub.f32 $0.0e+00, v16;
	v40 =	vpop (erf)  }
0x2fc: {  	v7 =	vadd.f32 $1.000000000e+00, v40  }
0x2fd: {  	v6 =	vadd.f32 v30, v6;
	v16 =	vmul.f32 $1.442695020e+00, v16  }
0x2fe: {  	v8 =	vadd.f32 v32, v59;
	(erf) = vrcp.f32 v7  }
0x2ff: {  	[tilespmem:s14+$0x9D90] =	vst v6;
	(erf) = vpow2.f32 v16  }
0x300: {  	v42 =	vmul.f32 v33, v39;
	[tilespmem:s14+$0x9F90] =	vst v8  }
0x301: {  	v44 =	vld [tilespmem:s12+$0x9D90]  }
0x302: {  	v45 =	vmul.f32 v5, v34;
	v47 =	vmul.f32 v50, v41;
	v6 =	vadd.f32 v42, v15;
	v48 =	vld [tilespmem:s12+$0x9F90];
	_ =	sdelay $0x1  }
0x303: {  	v6 =	vadd.f32 v47, v6;
	v8 =	vadd.f32 v45, v13;
	_ =	sdelay $0x1  }
0x304: {  	v49 =	vadd.f32 v8, v11;
	v6 =	vadd.f32 v44, v6  }
0x305: {  	v50 =	vadd.f32 v48, v37;
	v51 =	vpop (erf)  }
0x306: {  	[tilespmem:s12+$0x9D90] =	vst v6;
	v7 =	vsub.f32 $0.0e+00, v49;
	v52 =	vpop (erf)  }
0x307: {  	v53 =	vmul.f32 v31, v36;
	[tilespmem:s12+$0x9F90] =	vst v50;
	v6 =	vadd.f32 $1.000000000e+00, v52  }
0x308: {  	v8 =	vld [tilespmem:s2+$0x9D90];
	v7 =	vmul.f32 $1.442695020e+00, v7  }
0x309: {  	v4 =	vmul.f32 v4, v43;
	v13 =	vadd.f32 v53, v14;
	v54 =	vld [tilespmem:s2+$0x9F90];
	(erf) = vrcp.f32 v6  }
0x30a: {  	(erf) = vpow2.f32 v7  }
0x30b: {  	v4 =	vadd.f32 v4, v13;
	_ =	sdelay $0x1  }
0x30c: {  	v4 =	vadd.f32 v8, v4  }
0x30d: {  	v55 =	vadd.f32 v54, v51  }
0x30e: {  	[tilespmem:s2+$0x9D90] =	vst v4  }
0x30f: {  	v56 =	vmul.f32 v28, v35;
	[tilespmem:s2+$0x9F90] =	vst v55  }
0x310: {  	v6 =	vld [tilespmem:s1+$0x9D90]  }
0x311: {  	v2 =	vmul.f32 v2, v46;
	v4 =	vadd.f32 v56, v12;
	v58 =	vld [tilespmem:s1+$0x9F90];
	v57 =	vpop (erf)  }
0x312: {  	v59 =	vpop (erf)  }
0x313: {  	v2 =	vadd.f32 v2, v4;
	v60 =	vadd.f32 $1.000000000e+00, v59;
	_ =	sdelay $0x1  }
0x314: {  	v2 =	vadd.f32 v6, v2;
	(erf) = vrcp.f32 v60  }
0x315: {  	v61 =	vadd.f32 v58, v57  }
0x316: {  	[tilespmem:s1+$0x9D90] =	vst v2  }
0x317: {  	v2 =	vmul.f32 v9, v3;
	[tilespmem:s1+$0x9F90] =	vst v61  }
0x318: {  	v3 =	vld [tilespmem:s0+$0x9D90]  }
0x319: {  	v62 =	vmul.f32 v5, v38;
	v2 =	vadd.f32 v2, v10;
	v63 =	vld [tilespmem:s0+$0x9F90]  }
0x31a: {  	s31 =	sadd.s32 $0x1, s31  }
0x31b: {  	p0 =	sne.s32 s31, $0xC;
	v2 =	vadd.f32 v62, v2  }
.Ltmp2:
0x31c: {  	_ = 	snop;
	(pc) =	sbr.rel @p0 .LBB2_2-.Ltmp2, $4  }
0x31d: {  	v2 =	vadd.f32 v3, v2;
	v3 =	vpop (erf)  }
0x31e: {  	v3 =	vadd.f32 v63, v3  }
0x31f: {  	[tilespmem:s0+$0x9D90] =	vst v2  }
0x320: {  	[tilespmem:s0+$0x9F90] =	vst v3  }
0x321: {  	v2 =	vld [tilespmem:$0x9D90]  }
0x322: {  	v3 =	vld [tilespmem:$0x9F90]  }
0x323: {  	v4 =	vld [tilespmem:$0x9DA0]  }
0x324: {  	v5 =	vld [tilespmem:$0x9FA0]  }
0x325: {  	v6 =	vld [tilespmem:$0x9DB0]  }
0x326: {  	v7 =	vld [tilespmem:$0x9FB0];
	v2 =	vmul.f32 $1.666666720e-01, v2  }
0x327: {  	v8 =	vld [tilespmem:$0x9DC0];
	v3 =	vmul.f32 $1.666666720e-01, v3  }
0x328: {  	v59 =	vld [tilespmem:$0x9FC0];
	[tilespmem:$0x9D90] =	vst v2;
	v2 =	vmul.f32 $1.666666720e-01, v4  }
0x329: {  	v60 =	vld [tilespmem:$0x9DD0];
	[tilespmem:$0x9F90] =	vst v3;
	v3 =	vmul.f32 $1.666666720e-01, v5  }
0x32a: {  	v61 =	vld [tilespmem:$0x9FD0];
	[tilespmem:$0x9DA0] =	vst v2;
	v2 =	vmul.f32 $1.666666720e-01, v6  }
0x32b: {  	v62 =	vld [tilespmem:$0x9DE0];
	[tilespmem:$0x9FA0] =	vst v3;
	v3 =	vmul.f32 $1.666666720e-01, v7  }
0x32c: {  	v63 =	vld [tilespmem:$0x9FE0];
	[tilespmem:$0x9DB0] =	vst v2;
	v2 =	vmul.f32 $1.666666720e-01, v8  }
0x32d: {  	v12 =	vld [tilespmem:$0x9DF0];
	[tilespmem:$0x9FB0] =	vst v3;
	v3 =	vmul.f32 $1.666666720e-01, v59  }
0x32e: {  	v13 =	vld [tilespmem:$0x9FF0];
	[tilespmem:$0x9DC0] =	vst v2;
	v2 =	vmul.f32 $1.666666720e-01, v60  }
0x32f: {  	v14 =	vld [tilespmem:$0x9E00];
	[tilespmem:$0x9FC0] =	vst v3;
	v3 =	vmul.f32 $1.666666720e-01, v61  }
0x330: {  	v15 =	vld [tilespmem:$0xA000];
	[tilespmem:$0x9DD0] =	vst v2;
	v2 =	vmul.f32 $1.666666720e-01, v62  }
0x331: {  	v16 =	vld [tilespmem:$0x9E10];
	[tilespmem:$0x9FD0] =	vst v3;
	v3 =	vmul.f32 $1.666666720e-01, v63  }
0x332: {  	v17 =	vld [tilespmem:$0xA010];
	[tilespmem:$0x9DE0] =	vst v2;
	v2 =	vmul.f32 $1.666666720e-01, v12  }
0x333: {  	v18 =	vld [tilespmem:$0x9E20];
	[tilespmem:$0x9FE0] =	vst v3;
	v3 =	vmul.f32 $1.666666720e-01, v13  }
0x334: {  	v19 =	vld [tilespmem:$0xA020];
	[tilespmem:$0x9DF0] =	vst v2;
	v2 =	vmul.f32 $1.666666720e-01, v14  }
0x335: {  	v20 =	vld [tilespmem:$0x9E30];
	[tilespmem:$0x9FF0] =	vst v3;
	v3 =	vmul.f32 $1.666666720e-01, v15  }
0x336: {  	v21 =	vld [tilespmem:$0xA030];
	[tilespmem:$0x9E00] =	vst v2;
	v2 =	vmul.f32 $1.666666720e-01, v16  }
0x337: {  	v22 =	vld [tilespmem:$0x9E40];
	[tilespmem:$0xA000] =	vst v3;
	v3 =	vmul.f32 $1.666666720e-01, v17  }
0x338: {  	v23 =	vld [tilespmem:$0xA040];
	[tilespmem:$0x9E10] =	vst v2;
	v2 =	vmul.f32 $1.666666720e-01, v18  }
0x339: {  	v24 =	vld [tilespmem:$0x9E50];
	[tilespmem:$0xA010] =	vst v3;
	v3 =	vmul.f32 $1.666666720e-01, v19  }
0x33a: {  	v25 =	vld [tilespmem:$0xA050];
	[tilespmem:$0x9E20] =	vst v2;
	v2 =	vmul.f32 $1.666666720e-01, v20  }
0x33b: {  	v26 =	vld [tilespmem:$0x9E60];
	[tilespmem:$0xA020] =	vst v3;
	v3 =	vmul.f32 $1.666666720e-01, v21  }
0x33c: {  	v27 =	vld [tilespmem:$0xA060];
	[tilespmem:$0x9E30] =	vst v2;
	v2 =	vmul.f32 $1.666666720e-01, v22  }
0x33d: {  	v28 =	vld [tilespmem:$0x9E70];
	[tilespmem:$0xA030] =	vst v3;
	v3 =	vmul.f32 $1.666666720e-01, v23  }
0x33e: {  	v29 =	vld [tilespmem:$0xA070];
	[tilespmem:$0x9E40] =	vst v2;
	v2 =	vmul.f32 $1.666666720e-01, v24  }
0x33f: {  	v30 =	vld [tilespmem:$0x9E80];
	[tilespmem:$0xA040] =	vst v3;
	v3 =	vmul.f32 $1.666666720e-01, v25  }
0x340: {  	v31 =	vld [tilespmem:$0xA080];
	[tilespmem:$0x9E50] =	vst v2;
	v2 =	vmul.f32 $1.666666720e-01, v26  }
0x341: {  	v32 =	vld [tilespmem:$0x9E90];
	[tilespmem:$0xA050] =	vst v3;
	v3 =	vmul.f32 $1.666666720e-01, v27  }
0x342: {  	v33 =	vld [tilespmem:$0xA090];
	[tilespmem:$0x9E60] =	vst v2;
	v2 =	vmul.f32 $1.666666720e-01, v28  }
0x343: {  	v34 =	vld [tilespmem:$0x9EA0];
	[tilespmem:$0xA060] =	vst v3;
	v3 =	vmul.f32 $1.666666720e-01, v29  }
0x344: {  	v35 =	vld [tilespmem:$0xA0A0];
	[tilespmem:$0x9E70] =	vst v2;
	v2 =	vmul.f32 $1.666666720e-01, v30  }
0x345: {  	v36 =	vld [tilespmem:$0x9EB0];
	[tilespmem:$0xA070] =	vst v3;
	v3 =	vmul.f32 $1.666666720e-01, v31  }
0x346: {  	v37 =	vld [tilespmem:$0xA0B0];
	[tilespmem:$0x9E80] =	vst v2;
	v2 =	vmul.f32 $1.666666720e-01, v32  }
0x347: {  	v38 =	vld [tilespmem:$0x9EC0];
	[tilespmem:$0xA080] =	vst v3;
	v3 =	vmul.f32 $1.666666720e-01, v33  }
0x348: {  	v39 =	vld [tilespmem:$0xA0C0];
	[tilespmem:$0x9E90] =	vst v2;
	v2 =	vmul.f32 $1.666666720e-01, v34  }
0x349: {  	v40 =	vld [tilespmem:$0x9ED0];
	[tilespmem:$0xA090] =	vst v3;
	v3 =	vmul.f32 $1.666666720e-01, v35  }
0x34a: {  	v41 =	vld [tilespmem:$0xA0D0];
	[tilespmem:$0x9EA0] =	vst v2;
	v2 =	vmul.f32 $1.666666720e-01, v36  }
0x34b: {  	v42 =	vld [tilespmem:$0x9EE0];
	[tilespmem:$0xA0A0] =	vst v3;
	v3 =	vmul.f32 $1.666666720e-01, v37  }
0x34c: {  	v43 =	vld [tilespmem:$0xA0E0];
	[tilespmem:$0x9EB0] =	vst v2;
	v2 =	vmul.f32 $1.666666720e-01, v38  }
0x34d: {  	v44 =	vld [tilespmem:$0x9EF0];
	[tilespmem:$0xA0B0] =	vst v3;
	v3 =	vmul.f32 $1.666666720e-01, v39  }
0x34e: {  	v45 =	vld [tilespmem:$0xA0F0];
	[tilespmem:$0x9EC0] =	vst v2;
	v2 =	vmul.f32 $1.666666720e-01, v40  }
0x34f: {  	v46 =	vld [tilespmem:$0x9F00];
	[tilespmem:$0xA0C0] =	vst v3;
	v3 =	vmul.f32 $1.666666720e-01, v41  }
0x350: {  	v47 =	vld [tilespmem:$0xA100];
	[tilespmem:$0x9ED0] =	vst v2;
	v2 =	vmul.f32 $1.666666720e-01, v42  }
0x351: {  	v48 =	vld [tilespmem:$0x9F10];
	[tilespmem:$0xA0D0] =	vst v3;
	v3 =	vmul.f32 $1.666666720e-01, v43  }
0x352: {  	v49 =	vld [tilespmem:$0xA110];
	[tilespmem:$0x9EE0] =	vst v2;
	v2 =	vmul.f32 $1.666666720e-01, v44  }
0x353: {  	v50 =	vld [tilespmem:$0x9F20];
	[tilespmem:$0xA0E0] =	vst v3;
	v3 =	vmul.f32 $1.666666720e-01, v45  }
0x354: {  	v51 =	vld [tilespmem:$0xA120];
	[tilespmem:$0x9EF0] =	vst v2;
	v2 =	vmul.f32 $1.666666720e-01, v46  }
0x355: {  	v52 =	vld [tilespmem:$0x9F30];
	[tilespmem:$0xA0F0] =	vst v3;
	v3 =	vmul.f32 $1.666666720e-01, v47  }
0x356: {  	v53 =	vld [tilespmem:$0xA130];
	[tilespmem:$0x9F00] =	vst v2;
	v2 =	vmul.f32 $1.666666720e-01, v48  }
0x357: {  	v54 =	vld [tilespmem:$0x9F40];
	[tilespmem:$0xA100] =	vst v3;
	v3 =	vmul.f32 $1.666666720e-01, v49  }
0x358: {  	v55 =	vld [tilespmem:$0xA140];
	[tilespmem:$0x9F10] =	vst v2;
	v2 =	vmul.f32 $1.666666720e-01, v50  }
0x359: {  	v56 =	vld [tilespmem:$0x9F50];
	[tilespmem:$0xA110] =	vst v3;
	v3 =	vmul.f32 $1.666666720e-01, v51  }
0x35a: {  	v57 =	vld [tilespmem:$0xA150];
	[tilespmem:$0x9F20] =	vst v2;
	v2 =	vmul.f32 $1.666666720e-01, v52  }
0x35b: {  	v58 =	vld [tilespmem:$0x9F60];
	[tilespmem:$0xA120] =	vst v3;
	v3 =	vmul.f32 $1.666666720e-01, v53  }
0x35c: {  	v59 =	vld [tilespmem:$0xA160];
	[tilespmem:$0x9F30] =	vst v2;
	v2 =	vmul.f32 $1.666666720e-01, v54  }
0x35d: {  	v60 =	vld [tilespmem:$0x9F70];
	[tilespmem:$0xA130] =	vst v3;
	v3 =	vmul.f32 $1.666666720e-01, v55  }
0x35e: {  	v61 =	vld [tilespmem:$0xA170];
	[tilespmem:$0x9F40] =	vst v2;
	v2 =	vmul.f32 $1.666666720e-01, v56  }
0x35f: {  	v62 =	vld [tilespmem:$0x9F80];
	[tilespmem:$0xA140] =	vst v3;
	v3 =	vmul.f32 $1.666666720e-01, v57  }
0x360: {  	v63 =	vld [tilespmem:$0xA180];
	[tilespmem:$0x9F50] =	vst v2;
	v2 =	vmul.f32 $1.666666720e-01, v58  }
0x361: {  	[tilespmem:$0xA150] =	vst v3;
	v3 =	vmul.f32 $1.666666720e-01, v59  }
0x362: {  	[tilespmem:$0x9F60] =	vst v2;
	v2 =	vmul.f32 $1.666666720e-01, v60  }
0x363: {  	[tilespmem:$0xA160] =	vst v3;
	v3 =	vmul.f32 $1.666666720e-01, v61  }
0x364: {  	[tilespmem:$0x9F70] =	vst v2;
	v2 =	vmul.f32 $1.666666720e-01, v62  }
0x365: {  	[tilespmem:$0xA170] =	vst v3;
	v3 =	vmul.f32 $1.666666720e-01, v63  }
0x366: {  	[tilespmem:$0x9F80] =	vst v2  }
0x367: {  	s0 =	rddreg [dreg:$0xa];
	s1 =	simm.s32 $0x9D90;
	[tilespmem:$0xA180] =	vst v3  }
0x368: {  	[hbm4b:s0+s3] =	stream.linear.scatter [tilespmem:s1], [sflag:$0x5], $0x200, $0x38;
	[tilespmem:$0xA190] =	vst v63  }
0x369: {  	s30 =	sadd.s32 $0x1, s30;
	_ =	swait.ge [sflag:s13], $0x200  }
0x36a: {  	p0 =	sne.s32 s30, s11;
	[sflag:s13] =	ssyncset.done $0x0  }
.Ltmp3:
0x36b: {  	s31 =	simm.s32 $0x9F90;
	[sflag:s13] =	ssyncadd.s32 $0xFFFFFE00;
	(pc) =	sbr.rel @p0 .LBB2_1-.Ltmp3, $4  }
0x36c: {  	[hbm4b:s10+s3] =	stream.linear.scatter [tilespmem:s31], [sflag:$0x5], $0x200, $0x38;
	[tilespmem:$0xA190] =	vst v63  }
0x36d: {  	_ =	swait.ge [sflag:s13], $0x200  }
0x36e: {  	[sflag:s13] =	ssyncset.done $0x0  }
0x36f: {  	[sflag:s13] =	ssyncadd.s32 $0xFFFFFE00  }
0x370: {  	_ =	sfence.sel $0x180000  }
0x371: {  	[bflag:$0x0] =	sbarrier.arrive $0xFFFF  }
0x372: {  	_ =	strace $0x90000047  }
0x373: {  	s0 =	stileid.u32;
	[bflag:$0x2] =	sbarrier.arrive $0xFFFF  }
0x374: {  	p0 =	sne.s32 s0, $0x0;
	s0 =	rddreg [dreg:$0x7]  }
0x375: {  	s0 =	sadd.s32 @!p0 $0x100000, s0  }
0x376: {  	[sflag:s0] =	ssyncadd.tile.s32 @!p0 $0x1;
	_ =	shalt  }
.Lfunc_end2:
_tile_overlayer_lowered:
.L_overlay_start_2:
0x377: {  	(tag) =	ssettag $0x2  }
0x378: {  	s0 =	rddreg [dreg:$0x0];
	s2 =	stileid.u32  }
0x379: {  	s1 =	rddreg [dreg:$0x1];
	p0 =	sne.s32 s2, $0x0  }
0x37a: {  	s3 =	rddreg [dreg:$0x2];
	[bflag:$0x3] =	sbarrier.arrive $0xFFFF;
	s2 =	simm.s32 @!p0 $0x1C05  }
0x37b: {  	[timem:s3], [sflag:s2] =	dma.local @!p0 [hbm:s0], s1  }
0x37c: {  	s0 =	simm.s32 @!p0 $0x5  }
0x37d: {  	_ =	swait.ge @!p0 [sflag:s0], s1  }
0x37e: {  	s1 =	ssub.s32 @!p0 $0x0, s1;
	[sflag:s0] =	ssyncset.done @!p0 $0x0  }
0x37f: {  	[sflag:s0] =	ssyncadd.s32 @!p0 s1  }
0x380: {  	[bflag:$0x3] =	sbarrier.arrive $0xFFFF  }
0x381: {  	_ =	shalt  }

</sc_bundles>
